<compile_context>
chip_gen: v7x
topology: tpu7x:2x2x1
jax: 0.10.2.dev20260603
libtpu: 0.0.44.dev20260713+nightly
codegen_flags: <defaults>
</compile_context>

<pallas_src>
import functools

import jax
import jax.numpy as jnp
from jax import lax
from jax.experimental import pallas as pl
from jax.experimental.pallas import tpu as pltpu
from jax.experimental.pallas import tpu_sc as plsc

_VOCAB = 1000000
_EMBED = 32
_NCLASS = 5
_DOCLEN = 200

_CHUNK = 8
_NTILES = 16
_NCHUNKS = _DOCLEN // _CHUNK


def _lane_shuffle(x, perm):
    return x.at[perm].get(mode="promise_in_bounds")


def _lane_sum(x):
    lanes = lax.iota(jnp.int32, 16)
    for sh in (8, 4, 2, 1):
        x = x + _lane_shuffle(x, lanes ^ sh)
    return x


def _lane_max(x):
    lanes = lax.iota(jnp.int32, 16)
    for sh in (8, 4, 2, 1):
        x = jnp.maximum(x, _lane_shuffle(x, lanes ^ sh))
    return x


def _sc_body(data_hbm, w3_hbm, b_hbm, table_hbm, out_hbm,
             idx_v, rows_v, w_v, part_v, all_v, bvec_v, out_v, shared, sem):
    cid = lax.axis_index("c")
    sid = lax.axis_index("s")

    @pl.when(cid == 0)
    def _core0():
        zero16f = jnp.zeros((16,), jnp.float32)
        has_b = sid < (_NCHUNKS - _NTILES)

        @pl.when(jnp.logical_not(has_b))
        def _():
            idx_v[...] = jnp.zeros((16,), jnp.int32)

        pltpu.sync_copy(data_hbm.at[pl.ds(sid * _CHUNK, _CHUNK)],
                        idx_v.at[pl.ds(0, _CHUNK)])

        @pl.when(has_b)
        def _():
            pltpu.sync_copy(
                data_hbm.at[pl.ds(_NTILES * _CHUNK + sid * _CHUNK, _CHUNK)],
                idx_v.at[pl.ds(_CHUNK, _CHUNK)])

        gather = pltpu.async_copy(table_hbm.at[idx_v], rows_v, sem)

        for c in range(_NCLASS):
            pltpu.sync_copy(w3_hbm.at[c, pl.ds(sid * _CHUNK, _CHUNK)],
                            w_v.at[c, pl.ds(0, _CHUNK)])

        @pl.when(has_b)
        def _():
            for c in range(_NCLASS):
                pltpu.sync_copy(
                    w3_hbm.at[c, pl.ds(_NTILES * _CHUNK + sid * _CHUNK, _CHUNK)],
                    w_v.at[c, pl.ds(_CHUNK, _CHUNK)])

        @pl.when(jnp.logical_not(has_b))
        def _():
            for c in range(_NCLASS):
                for j in range(_CHUNK, 2 * _CHUNK):
                    w_v[c, j, pl.ds(0, 16)] = zero16f
                    w_v[c, j, pl.ds(16, 16)] = zero16f

        gather.wait()

        acc = [zero16f for _ in range(_NCLASS)]
        for j in range(2 * _CHUNK):
            e0 = rows_v[j, pl.ds(0, 16)]
            e1 = rows_v[j, pl.ds(16, 16)]
            for c in range(_NCLASS):
                acc[c] = acc[c] + e0 * w_v[c, j, pl.ds(0, 16)]
                acc[c] = acc[c] + e1 * w_v[c, j, pl.ds(16, 16)]
        for c in range(_NCLASS):
            part_v[c, pl.ds(0, 16)] = acc[c]

        pltpu.sync_copy(part_v, shared.at[sid])
        plsc.subcore_barrier()

        @pl.when(sid == 0)
        def _():
            pltpu.sync_copy(shared, all_v)
            pltpu.sync_copy(b_hbm, bvec_v)
            lanes = lax.iota(jnp.int32, 16)
            logits = bvec_v[...]
            for c in range(_NCLASS):
                tot = all_v[0, c, pl.ds(0, 16)]
                for t in range(1, _NTILES):
                    tot = tot + all_v[t, c, pl.ds(0, 16)]
                logits = logits + jnp.where(lanes == c, _lane_sum(tot), 0.0)
            logits = jnp.where(lanes < _NCLASS, logits, jnp.float32(-1e30))
            e = jnp.exp(logits - _lane_max(logits))
            e = jnp.where(lanes < _NCLASS, e, jnp.float32(0.0))
            out_v[...] = e / _lane_sum(e)
            pltpu.sync_copy(out_v, out_hbm)


_sc_kernel = functools.partial(
    pl.kernel,
    mesh=plsc.VectorSubcoreMesh(core_axis_name="c", subcore_axis_name="s"),
    out_type=jax.ShapeDtypeStruct((16,), jnp.float32),
    compiler_params=pltpu.CompilerParams(use_tc_tiling_on_sc=False),
    scratch_types=[
        pltpu.VMEM((16,), jnp.int32),
        pltpu.VMEM((2 * _CHUNK, _EMBED), jnp.float32),
        pltpu.VMEM((_NCLASS, 2 * _CHUNK, _EMBED), jnp.float32),
        pltpu.VMEM((_NCLASS, 16), jnp.float32),
        pltpu.VMEM((_NTILES, _NCLASS, 16), jnp.float32),
        pltpu.VMEM((16,), jnp.float32),
        pltpu.VMEM((16,), jnp.float32),
        pltpu.VMEM_SHARED((_NTILES, _NCLASS, 16), jnp.float32),
        pltpu.SemaphoreType.DMA,
    ],
)(_sc_body)


@jax.jit
def kernel(data, embed_table, W, b):
    data_i = data.astype(jnp.int32)
    w3 = W.reshape(_NCLASS, _DOCLEN, _EMBED)
    b16 = jnp.pad(b.astype(jnp.float32), (0, 16 - _NCLASS))
    out16 = _sc_kernel(data_i, w3, b16, embed_table)
    return out16[:_NCLASS][None, :]

# --- scband reference (transcript-rebuilt; emitter-appended) ---
"""Pipeline reference for scband-analisis-sentimen-4733053960363 (READ-ONLY COPY).

The authoritative reference and input builder live on the scoring server;
editing this copy changes nothing except your own understanding.
"""

import jax, jax.numpy as jnp
import numpy as np

VOCAB = 1000000
EMBED = 32
NUM_CLASS = 5
DOC_LEN = 200

def setup_inputs(seed: int = 0) -> dict:
    key = jax.random.key(seed)
    k1, k2, k3 = jax.random.split(key, 3)
    data = jax.random.randint(k1, (DOC_LEN,), 0, VOCAB, dtype=jnp.int64 if jax.config.jax_enable_x64 else jnp.int32)
    initrange = 0.5
    embed_table = jax.random.uniform(k2, (VOCAB, EMBED), dtype=jnp.float32, minval=-initrange, maxval=initrange)
    W = jax.random.uniform(k3, (NUM_CLASS, EMBED * DOC_LEN), dtype=jnp.float32, minval=-initrange, maxval=initrange)
    b = jnp.zeros((NUM_CLASS,), dtype=jnp.float32)
    return {"data": data, "embed_table": embed_table, "W": W, "b": b}

def reference(data, embed_table, W, b):
    # data.unsqueeze(0) -> [1, L]; embedding -> [1, L, D]
    emb = jnp.take(embed_table, data, axis=0)[None, :, :]
    # torch.flatten(out, start_dim=0) -> [L*D]
    flat = emb.reshape(-1)
    # linear: [L*D] @ W.T + b -> [num_class]
    logits = flat @ W.T + b
    # softmax over dim=0
    out = jax.nn.softmax(logits, axis=0)
    # unsqueeze(0) -> [1, num_class]
    return out[None, :]

if __name__ == "__main__":
    import jax
    _d = setup_inputs()
    print(jax.jit(kernel)(*tuple(_d.values())))

</pallas_src>

<mosaic_0001>
#map = affine_map<(d0, d1) -> (0)>
#map1 = affine_map<(d0, d1) -> (0, 0, 0)>
#map2 = affine_map<(d0, d1) -> (0, 0)>
module attributes {stable_mosaic.version = 14 : i64} {
  func.func @_sc_body(%arg0: i32, %arg1: i32, %arg2: memref<200xi32, #tpu.memory_space<hbm>>, %arg3: memref<5x200x32xf32, #tpu.memory_space<hbm>>, %arg4: memref<16xf32, #tpu.memory_space<hbm>>, %arg5: memref<1000000x32xf32, #tpu.memory_space<hbm>>, %arg6: memref<16xf32, #tpu.memory_space<hbm>>, %arg7: memref<16xi32, #tpu.memory_space<vmem>>, %arg8: memref<16x32xf32, #tpu.memory_space<vmem>>, %arg9: memref<5x16x32xf32, #tpu.memory_space<vmem>>, %arg10: memref<5x16xf32, #tpu.memory_space<vmem>>, %arg11: memref<16x5x16xf32, #tpu.memory_space<vmem>>, %arg12: memref<16xf32, #tpu.memory_space<vmem>>, %arg13: memref<16xf32, #tpu.memory_space<vmem>>, %arg14: memref<16x5x16xf32, #tpu.memory_space<vmem_shared>>, %arg15: memref<!tpu.dma_semaphore, #tpu.memory_space<semaphore_mem>>) attributes {dimension_semantics = [#tpu.dimension_semantics<core_parallel>, #tpu.dimension_semantics<subcore_parallel>], iteration_bounds = array<i64: 2, 16>, scalar_prefetch = 0 : i64, scratch_operands = 9 : i64, tpu.core_type = #tpu.core_type<sc_vector_subcore>, window_params = [{transform_indices = #map}, {transform_indices = #map1}, {transform_indices = #map}, {transform_indices = #map2}, {transform_indices = #map}]} {
    %eq3A = arith.constant 0 : i32
    %eq3A_0 = arith.cmpi eq, %arg0, %eq3A : i32
    %convert_element_type3A = arith.extui %eq3A_0 : i1 to i32
    %cond3A = arith.constant 0 : i32
    %cond3A_1 = arith.cmpi ne, %convert_element_type3A, %cond3A : i32
    scf.if %cond3A_1 {
      %broadcast_in_dim3A = arith.constant 0.000000e+00 : f32
      %broadcast_in_dim3A_2 = vector.broadcast %broadcast_in_dim3A : f32 to vector<16xf32>
      %lt3A = arith.constant 9 : i32
      %lt3A_3 = arith.cmpi slt, %arg1, %lt3A : i32
      %not3A = arith.constant true
      %not3A_4 = arith.xori %lt3A_3, %not3A : i1
      %convert_element_type3A_5 = arith.extui %not3A_4 : i1 to i32
      %cond3A_6 = arith.constant 0 : i32
      %cond3A_7 = arith.cmpi ne, %convert_element_type3A_5, %cond3A_6 : i32
      scf.if %cond3A_7 {
        %broadcast_in_dim3A_1675 = arith.constant 0 : i32
        %broadcast_in_dim3A_1676 = vector.broadcast %broadcast_in_dim3A_1675 : i32 to vector<16xi32>
        %swap3A_1677 = arith.constant 0 : index
        %swap3A_1678 = tpu.vector_load %arg7[%swap3A_1677] {strides = array<i32>} : memref<16xi32, #tpu.memory_space<vmem>>, vector<16xi32>,
        %swap3A_1679 = vector.shape_cast %swap3A_1678 : vector<16xi32> to vector<16xi32>
        %swap3A_1680 = vector.shape_cast %broadcast_in_dim3A_1676 : vector<16xi32> to vector<16xi32>
        tpu.vector_store %arg7[%swap3A_1677], %swap3A_1680 {strides = array<i32>} : memref<16xi32, #tpu.memory_space<vmem>>, vector<16xi32>,
      } else {
      }
      %mul3A = arith.constant 8 : i32
      %mul3A_8 = arith.muli %arg1, %mul3A : i32
      "tpu.region"() ({
        %run_scoped3A_1675 = tpu.sem_alloc : memref<!tpu.dma_semaphore, #tpu.memory_space<semaphore_mem>>
        %dma_start3A_1676 = arith.constant 0 : i32
        %dma_start3A_1677 = tpu.memref_slice %arg7[%dma_start3A_1676] : memref<16xi32, #tpu.memory_space<vmem>> -> memref<8xi32, #tpu.memory_space<vmem>>
        %dma_start3A_1678 = tpu.memref_slice %arg2[%mul3A_8] : memref<200xi32, #tpu.memory_space<hbm>> -> memref<8xi32, #tpu.memory_space<hbm>>
        %dma_start3A_1679 = arith.constant 0 : i32
        %dma_start3A_1680 = tpu.memref_slice %arg7[%dma_start3A_1679] : memref<16xi32, #tpu.memory_space<vmem>> -> memref<8xi32, #tpu.memory_space<vmem>>
        %dma_start3A_1681 = tpu.memref_slice %arg2[%mul3A_8] : memref<200xi32, #tpu.memory_space<hbm>> -> memref<8xi32, #tpu.memory_space<hbm>>
        tpu.enqueue_dma source(%dma_start3A_1681 : memref<8xi32, #tpu.memory_space<hbm>>) target(%dma_start3A_1680 : memref<8xi32, #tpu.memory_space<vmem>>) target_semaphore(%run_scoped3A_1675 : memref<!tpu.dma_semaphore, #tpu.memory_space<semaphore_mem>>)
        %dma_wait3A_1682 = arith.constant 0 : i32
        %dma_wait3A_1683 = tpu.memref_slice %arg7[%dma_wait3A_1682] : memref<16xi32, #tpu.memory_space<vmem>> -> memref<8xi32, #tpu.memory_space<vmem>>
        %dma_wait3A_1684 = tpu.memref_slice %arg2[%mul3A_8] : memref<200xi32, #tpu.memory_space<hbm>> -> memref<8xi32, #tpu.memory_space<hbm>>
        %dma_wait3A_1685 = arith.constant 0 : i32
        %dma_wait3A_1686 = tpu.memref_slice %arg7[%dma_wait3A_1685] : memref<16xi32, #tpu.memory_space<vmem>> -> memref<8xi32, #tpu.memory_space<vmem>>
        %dma_wait3A_1687 = tpu.memref_slice %arg2[%mul3A_8] : memref<200xi32, #tpu.memory_space<hbm>> -> memref<8xi32, #tpu.memory_space<hbm>>
        tpu.wait_dma2 semaphore(%run_scoped3A_1675 : memref<!tpu.dma_semaphore, #tpu.memory_space<semaphore_mem>>) src(%dma_wait3A_1687 : memref<8xi32, #tpu.memory_space<hbm>>) dst(%dma_wait3A_1686 : memref<8xi32, #tpu.memory_space<vmem>>)
        tpu.yield
      }) : () -> ()
      %convert_element_type3A_9 = arith.extui %lt3A_3 : i1 to i32
      %cond3A_10 = arith.constant 0 : i32
      %cond3A_11 = arith.cmpi ne, %convert_element_type3A_9, %cond3A_10 : i32
      scf.if %cond3A_11 {
        %mul3A_1675 = arith.constant 8 : i32
        %mul3A_1676 = arith.muli %arg1, %mul3A_1675 : i32
        %add3A_1677 = arith.constant 128 : i32
        %add3A_1678 = arith.addi %add3A_1677, %mul3A_1676 : i32
        "tpu.region"() ({
          %run_scoped3A_1679 = tpu.sem_alloc : memref<!tpu.dma_semaphore, #tpu.memory_space<semaphore_mem>>
          %dma_start3A_1680 = arith.constant 8 : i32
          %dma_start3A_1681 = tpu.memref_slice %arg7[%dma_start3A_1680] : memref<16xi32, #tpu.memory_space<vmem>> -> memref<8xi32, #tpu.memory_space<vmem>>
          %dma_start3A_1682 = tpu.memref_slice %arg2[%add3A_1678] : memref<200xi32, #tpu.memory_space<hbm>> -> memref<8xi32, #tpu.memory_space<hbm>>
          %dma_start3A_1683 = arith.constant 8 : i32
          %dma_start3A_1684 = tpu.memref_slice %arg7[%dma_start3A_1683] : memref<16xi32, #tpu.memory_space<vmem>> -> memref<8xi32, #tpu.memory_space<vmem>>
          %dma_start3A_1685 = tpu.memref_slice %arg2[%add3A_1678] : memref<200xi32, #tpu.memory_space<hbm>> -> memref<8xi32, #tpu.memory_space<hbm>>
          tpu.enqueue_dma source(%dma_start3A_1685 : memref<8xi32, #tpu.memory_space<hbm>>) target(%dma_start3A_1684 : memref<8xi32, #tpu.memory_space<vmem>>) target_semaphore(%run_scoped3A_1679 : memref<!tpu.dma_semaphore, #tpu.memory_space<semaphore_mem>>)
          %dma_wait3A_1686 = arith.constant 8 : i32
          %dma_wait3A_1687 = tpu.memref_slice %arg7[%dma_wait3A_1686] : memref<16xi32, #tpu.memory_space<vmem>> -> memref<8xi32, #tpu.memory_space<vmem>>
          %dma_wait3A_1688 = tpu.memref_slice %arg2[%add3A_1678] : memref<200xi32, #tpu.memory_space<hbm>> -> memref<8xi32, #tpu.memory_space<hbm>>
          %dma_wait3A_1689 = arith.constant 8 : i32
          %dma_wait3A_1690 = tpu.memref_slice %arg7[%dma_wait3A_1689] : memref<16xi32, #tpu.memory_space<vmem>> -> memref<8xi32, #tpu.memory_space<vmem>>
          %dma_wait3A_1691 = tpu.memref_slice %arg2[%add3A_1678] : memref<200xi32, #tpu.memory_space<hbm>> -> memref<8xi32, #tpu.memory_space<hbm>>
          tpu.wait_dma2 semaphore(%run_scoped3A_1679 : memref<!tpu.dma_semaphore, #tpu.memory_space<semaphore_mem>>) src(%dma_wait3A_1691 : memref<8xi32, #tpu.memory_space<hbm>>) dst(%dma_wait3A_1690 : memref<8xi32, #tpu.memory_space<vmem>>)
          tpu.yield
        }) : () -> ()
      } else {
      }
      %dma_start3A = arith.constant 0 : i32
      %dma_start3A_12 = arith.constant 0 : i32
      %dma_start3A_13 = tpu.memref_slice %arg5[%dma_start3A, %dma_start3A_12] : memref<1000000x32xf32, #tpu.memory_space<hbm>> -> memref<1000000x32xf32, #tpu.memory_space<hbm>>
      tpu.enqueue_indirect_dma source(%dma_start3A_13 : memref<1000000x32xf32, #tpu.memory_space<hbm>>) target(%arg8 : memref<16x32xf32, #tpu.memory_space<vmem>>) offsets(%arg7 : memref<16xi32, #tpu.memory_space<vmem>>) semaphore(%arg15 : memref<!tpu.dma_semaphore, #tpu.memory_space<semaphore_mem>>)
      %mul3A_14 = arith.constant 8 : i32
      %mul3A_15 = arith.muli %arg1, %mul3A_14 : i32
      %run_scoped3A = arith.constant 0 : i32
      %run_scoped3A_16 = arith.constant 0 : i32
      "tpu.region"() ({
        %run_scoped3A_1675 = tpu.sem_alloc : memref<!tpu.dma_semaphore, #tpu.memory_space<semaphore_mem>>
        %dma_start3A_1676 = arith.constant 0 : i32
        %dma_start3A_1677 = arith.constant 0 : i32
        %dma_start3A_1678 = tpu.memref_slice %arg9[%run_scoped3A_16, %dma_start3A_1676, %dma_start3A_1677] : memref<5x16x32xf32, #tpu.memory_space<vmem>> -> memref<1x8x32xf32, #tpu.memory_space<vmem>>
        %dma_start3A_1679 = tpu.memref_squeeze %dma_start3A_1678 : memref<1x8x32xf32, #tpu.memory_space<vmem>> -> memref<8x32xf32, #tpu.memory_space<vmem>>
        %dma_start3A_1680 = arith.constant 0 : i32
        %dma_start3A_1681 = tpu.memref_slice %arg3[%run_scoped3A, %mul3A_15, %dma_start3A_1680] : memref<5x200x32xf32, #tpu.memory_space<hbm>> -> memref<1x8x32xf32, #tpu.memory_space<hbm>>
        %dma_start3A_1682 = tpu.memref_squeeze %dma_start3A_1681 : memref<1x8x32xf32, #tpu.memory_space<hbm>> -> memref<8x32xf32, #tpu.memory_space<hbm>>
        %dma_start3A_1683 = arith.constant 0 : i32
        %dma_start3A_1684 = arith.constant 0 : i32
        %dma_start3A_1685 = tpu.memref_slice %arg9[%run_scoped3A_16, %dma_start3A_1683, %dma_start3A_1684] : memref<5x16x32xf32, #tpu.memory_space<vmem>> -> memref<1x8x32xf32, #tpu.memory_space<vmem>>
        %dma_start3A_1686 = tpu.memref_squeeze %dma_start3A_1685 : memref<1x8x32xf32, #tpu.memory_space<vmem>> -> memref<8x32xf32, #tpu.memory_space<vmem>>
        %dma_start3A_1687 = arith.constant 0 : i32
        %dma_start3A_1688 = tpu.memref_slice %arg3[%run_scoped3A, %mul3A_15, %dma_start3A_1687] : memref<5x200x32xf32, #tpu.memory_space<hbm>> -> memref<1x8x32xf32, #tpu.memory_space<hbm>>
        %dma_start3A_1689 = tpu.memref_squeeze %dma_start3A_1688 : memref<1x8x32xf32, #tpu.memory_space<hbm>> -> memref<8x32xf32, #tpu.memory_space<hbm>>
        tpu.enqueue_dma source(%dma_start3A_1689 : memref<8x32xf32, #tpu.memory_space<hbm>>) target(%dma_start3A_1686 : memref<8x32xf32, #tpu.memory_space<vmem>>) target_semaphore(%run_scoped3A_1675 : memref<!tpu.dma_semaphore, #tpu.memory_space<semaphore_mem>>)
        %dma_wait3A_1690 = arith.constant 0 : i32
        %dma_wait3A_1691 = arith.constant 0 : i32
        %dma_wait3A_1692 = tpu.memref_slice %arg9[%run_scoped3A_16, %dma_wait3A_1690, %dma_wait3A_1691] : memref<5x16x32xf32, #tpu.memory_space<vmem>> -> memref<1x8x32xf32, #tpu.memory_space<vmem>>
        %dma_wait3A_1693 = tpu.memref_squeeze %dma_wait3A_1692 : memref<1x8x32xf32, #tpu.memory_space<vmem>> -> memref<8x32xf32, #tpu.memory_space<vmem>>
        %dma_wait3A_1694 = arith.constant 0 : i32
        %dma_wait3A_1695 = tpu.memref_slice %arg3[%run_scoped3A, %mul3A_15, %dma_wait3A_1694] : memref<5x200x32xf32, #tpu.memory_space<hbm>> -> memref<1x8x32xf32, #tpu.memory_space<hbm>>
        %dma_wait3A_1696 = tpu.memref_squeeze %dma_wait3A_1695 : memref<1x8x32xf32, #tpu.memory_space<hbm>> -> memref<8x32xf32, #tpu.memory_space<hbm>>
        %dma_wait3A_1697 = arith.constant 0 : i32
        %dma_wait3A_1698 = arith.constant 0 : i32
        %dma_wait3A_1699 = tpu.memref_slice %arg9[%run_scoped3A_16, %dma_wait3A_1697, %dma_wait3A_1698] : memref<5x16x32xf32, #tpu.memory_space<vmem>> -> memref<1x8x32xf32, #tpu.memory_space<vmem>>
        %dma_wait3A_1700 = tpu.memref_squeeze %dma_wait3A_1699 : memref<1x8x32xf32, #tpu.memory_space<vmem>> -> memref<8x32xf32, #tpu.memory_space<vmem>>
        %dma_wait3A_1701 = arith.constant 0 : i32
        %dma_wait3A_1702 = tpu.memref_slice %arg3[%run_scoped3A, %mul3A_15, %dma_wait3A_1701] : memref<5x200x32xf32, #tpu.memory_space<hbm>> -> memref<1x8x32xf32, #tpu.memory_space<hbm>>
        %dma_wait3A_1703 = tpu.memref_squeeze %dma_wait3A_1702 : memref<1x8x32xf32, #tpu.memory_space<hbm>> -> memref<8x32xf32, #tpu.memory_space<hbm>>
        tpu.wait_dma2 semaphore(%run_scoped3A_1675 : memref<!tpu.dma_semaphore, #tpu.memory_space<semaphore_mem>>) src(%dma_wait3A_1703 : memref<8x32xf32, #tpu.memory_space<hbm>>) dst(%dma_wait3A_1700 : memref<8x32xf32, #tpu.memory_space<vmem>>)
        tpu.yield
      }) : () -> ()
      %mul3A_17 = arith.constant 8 : i32
      %mul3A_18 = arith.muli %arg1, %mul3A_17 : i32
      %run_scoped3A_19 = arith.constant 1 : i32
      %run_scoped3A_20 = arith.constant 1 : i32
      "tpu.region"() ({
        %run_scoped3A_1675 = tpu.sem_alloc : memref<!tpu.dma_semaphore, #tpu.memory_space<semaphore_mem>>
        %dma_start3A_1676 = arith.constant 0 : i32
        %dma_start3A_1677 = arith.constant 0 : i32
        %dma_start3A_1678 = tpu.memref_slice %arg9[%run_scoped3A_20, %dma_start3A_1676, %dma_start3A_1677] : memref<5x16x32xf32, #tpu.memory_space<vmem>> -> memref<1x8x32xf32, #tpu.memory_space<vmem>>
        %dma_start3A_1679 = tpu.memref_squeeze %dma_start3A_1678 : memref<1x8x32xf32, #tpu.memory_space<vmem>> -> memref<8x32xf32, #tpu.memory_space<vmem>>
        %dma_start3A_1680 = arith.constant 0 : i32
        %dma_start3A_1681 = tpu.memref_slice %arg3[%run_scoped3A_19, %mul3A_18, %dma_start3A_1680] : memref<5x200x32xf32, #tpu.memory_space<hbm>> -> memref<1x8x32xf32, #tpu.memory_space<hbm>>
        %dma_start3A_1682 = tpu.memref_squeeze %dma_start3A_1681 : memref<1x8x32xf32, #tpu.memory_space<hbm>> -> memref<8x32xf32, #tpu.memory_space<hbm>>
        %dma_start3A_1683 = arith.constant 0 : i32
        %dma_start3A_1684 = arith.constant 0 : i32
        %dma_start3A_1685 = tpu.memref_slice %arg9[%run_scoped3A_20, %dma_start3A_1683, %dma_start3A_1684] : memref<5x16x32xf32, #tpu.memory_space<vmem>> -> memref<1x8x32xf32, #tpu.memory_space<vmem>>
        %dma_start3A_1686 = tpu.memref_squeeze %dma_start3A_1685 : memref<1x8x32xf32, #tpu.memory_space<vmem>> -> memref<8x32xf32, #tpu.memory_space<vmem>>
        %dma_start3A_1687 = arith.constant 0 : i32
        %dma_start3A_1688 = tpu.memref_slice %arg3[%run_scoped3A_19, %mul3A_18, %dma_start3A_1687] : memref<5x200x32xf32, #tpu.memory_space<hbm>> -> memref<1x8x32xf32, #tpu.memory_space<hbm>>
        %dma_start3A_1689 = tpu.memref_squeeze %dma_start3A_1688 : memref<1x8x32xf32, #tpu.memory_space<hbm>> -> memref<8x32xf32, #tpu.memory_space<hbm>>
        tpu.enqueue_dma source(%dma_start3A_1689 : memref<8x32xf32, #tpu.memory_space<hbm>>) target(%dma_start3A_1686 : memref<8x32xf32, #tpu.memory_space<vmem>>) target_semaphore(%run_scoped3A_1675 : memref<!tpu.dma_semaphore, #tpu.memory_space<semaphore_mem>>)
        %dma_wait3A_1690 = arith.constant 0 : i32
        %dma_wait3A_1691 = arith.constant 0 : i32
        %dma_wait3A_1692 = tpu.memref_slice %arg9[%run_scoped3A_20, %dma_wait3A_1690, %dma_wait3A_1691] : memref<5x16x32xf32, #tpu.memory_space<vmem>> -> memref<1x8x32xf32, #tpu.memory_space<vmem>>
        %dma_wait3A_1693 = tpu.memref_squeeze %dma_wait3A_1692 : memref<1x8x32xf32, #tpu.memory_space<vmem>> -> memref<8x32xf32, #tpu.memory_space<vmem>>
        %dma_wait3A_1694 = arith.constant 0 : i32
        %dma_wait3A_1695 = tpu.memref_slice %arg3[%run_scoped3A_19, %mul3A_18, %dma_wait3A_1694] : memref<5x200x32xf32, #tpu.memory_space<hbm>> -> memref<1x8x32xf32, #tpu.memory_space<hbm>>
        %dma_wait3A_1696 = tpu.memref_squeeze %dma_wait3A_1695 : memref<1x8x32xf32, #tpu.memory_space<hbm>> -> memref<8x32xf32, #tpu.memory_space<hbm>>
        %dma_wait3A_1697 = arith.constant 0 : i32
        %dma_wait3A_1698 = arith.constant 0 : i32
        %dma_wait3A_1699 = tpu.memref_slice %arg9[%run_scoped3A_20, %dma_wait3A_1697, %dma_wait3A_1698] : memref<5x16x32xf32, #tpu.memory_space<vmem>> -> memref<1x8x32xf32, #tpu.memory_space<vmem>>
        %dma_wait3A_1700 = tpu.memref_squeeze %dma_wait3A_1699 : memref<1x8x32xf32, #tpu.memory_space<vmem>> -> memref<8x32xf32, #tpu.memory_space<vmem>>
        %dma_wait3A_1701 = arith.constant 0 : i32
        %dma_wait3A_1702 = tpu.memref_slice %arg3[%run_scoped3A_19, %mul3A_18, %dma_wait3A_1701] : memref<5x200x32xf32, #tpu.memory_space<hbm>> -> memref<1x8x32xf32, #tpu.memory_space<hbm>>
        %dma_wait3A_1703 = tpu.memref_squeeze %dma_wait3A_1702 : memref<1x8x32xf32, #tpu.memory_space<hbm>> -> memref<8x32xf32, #tpu.memory_space<hbm>>
        tpu.wait_dma2 semaphore(%run_scoped3A_1675 : memref<!tpu.dma_semaphore, #tpu.memory_space<semaphore_mem>>) src(%dma_wait3A_1703 : memref<8x32xf32, #tpu.memory_space<hbm>>) dst(%dma_wait3A_1700 : memref<8x32xf32, #tpu.memory_space<vmem>>)
        tpu.yield
      }) : () -> ()
      %mul3A_21 = arith.constant 8 : i32
      %mul3A_22 = arith.muli %arg1, %mul3A_21 : i32
      %run_scoped3A_23 = arith.constant 2 : i32
      %run_scoped3A_24 = arith.constant 2 : i32
      "tpu.region"() ({
        %run_scoped3A_1675 = tpu.sem_alloc : memref<!tpu.dma_semaphore, #tpu.memory_space<semaphore_mem>>
        %dma_start3A_1676 = arith.constant 0 : i32
        %dma_start3A_1677 = arith.constant 0 : i32
        %dma_start3A_1678 = tpu.memref_slice %arg9[%run_scoped3A_24, %dma_start3A_1676, %dma_start3A_1677] : memref<5x16x32xf32, #tpu.memory_space<vmem>> -> memref<1x8x32xf32, #tpu.memory_space<vmem>>
        %dma_start3A_1679 = tpu.memref_squeeze %dma_start3A_1678 : memref<1x8x32xf32, #tpu.memory_space<vmem>> -> memref<8x32xf32, #tpu.memory_space<vmem>>
        %dma_start3A_1680 = arith.constant 0 : i32
        %dma_start3A_1681 = tpu.memref_slice %arg3[%run_scoped3A_23, %mul3A_22, %dma_start3A_1680] : memref<5x200x32xf32, #tpu.memory_space<hbm>> -> memref<1x8x32xf32, #tpu.memory_space<hbm>>
        %dma_start3A_1682 = tpu.memref_squeeze %dma_start3A_1681 : memref<1x8x32xf32, #tpu.memory_space<hbm>> -> memref<8x32xf32, #tpu.memory_space<hbm>>
        %dma_start3A_1683 = arith.constant 0 : i32
        %dma_start3A_1684 = arith.constant 0 : i32
        %dma_start3A_1685 = tpu.memref_slice %arg9[%run_scoped3A_24, %dma_start3A_1683, %dma_start3A_1684] : memref<5x16x32xf32, #tpu.memory_space<vmem>> -> memref<1x8x32xf32, #tpu.memory_space<vmem>>
        %dma_start3A_1686 = tpu.memref_squeeze %dma_start3A_1685 : memref<1x8x32xf32, #tpu.memory_space<vmem>> -> memref<8x32xf32, #tpu.memory_space<vmem>>
        %dma_start3A_1687 = arith.constant 0 : i32
        %dma_start3A_1688 = tpu.memref_slice %arg3[%run_scoped3A_23, %mul3A_22, %dma_start3A_1687] : memref<5x200x32xf32, #tpu.memory_space<hbm>> -> memref<1x8x32xf32, #tpu.memory_space<hbm>>
        %dma_start3A_1689 = tpu.memref_squeeze %dma_start3A_1688 : memref<1x8x32xf32, #tpu.memory_space<hbm>> -> memref<8x32xf32, #tpu.memory_space<hbm>>
        tpu.enqueue_dma source(%dma_start3A_1689 : memref<8x32xf32, #tpu.memory_space<hbm>>) target(%dma_start3A_1686 : memref<8x32xf32, #tpu.memory_space<vmem>>) target_semaphore(%run_scoped3A_1675 : memref<!tpu.dma_semaphore, #tpu.memory_space<semaphore_mem>>)
        %dma_wait3A_1690 = arith.constant 0 : i32
        %dma_wait3A_1691 = arith.constant 0 : i32
        %dma_wait3A_1692 = tpu.memref_slice %arg9[%run_scoped3A_24, %dma_wait3A_1690, %dma_wait3A_1691] : memref<5x16x32xf32, #tpu.memory_space<vmem>> -> memref<1x8x32xf32, #tpu.memory_space<vmem>>
        %dma_wait3A_1693 = tpu.memref_squeeze %dma_wait3A_1692 : memref<1x8x32xf32, #tpu.memory_space<vmem>> -> memref<8x32xf32, #tpu.memory_space<vmem>>
        %dma_wait3A_1694 = arith.constant 0 : i32
        %dma_wait3A_1695 = tpu.memref_slice %arg3[%run_scoped3A_23, %mul3A_22, %dma_wait3A_1694] : memref<5x200x32xf32, #tpu.memory_space<hbm>> -> memref<1x8x32xf32, #tpu.memory_space<hbm>>
        %dma_wait3A_1696 = tpu.memref_squeeze %dma_wait3A_1695 : memref<1x8x32xf32, #tpu.memory_space<hbm>> -> memref<8x32xf32, #tpu.memory_space<hbm>>
        %dma_wait3A_1697 = arith.constant 0 : i32
        %dma_wait3A_1698 = arith.constant 0 : i32
        %dma_wait3A_1699 = tpu.memref_slice %arg9[%run_scoped3A_24, %dma_wait3A_1697, %dma_wait3A_1698] : memref<5x16x32xf32, #tpu.memory_space<vmem>> -> memref<1x8x32xf32, #tpu.memory_space<vmem>>
        %dma_wait3A_1700 = tpu.memref_squeeze %dma_wait3A_1699 : memref<1x8x32xf32, #tpu.memory_space<vmem>> -> memref<8x32xf32, #tpu.memory_space<vmem>>
        %dma_wait3A_1701 = arith.constant 0 : i32
        %dma_wait3A_1702 = tpu.memref_slice %arg3[%run_scoped3A_23, %mul3A_22, %dma_wait3A_1701] : memref<5x200x32xf32, #tpu.memory_space<hbm>> -> memref<1x8x32xf32, #tpu.memory_space<hbm>>
        %dma_wait3A_1703 = tpu.memref_squeeze %dma_wait3A_1702 : memref<1x8x32xf32, #tpu.memory_space<hbm>> -> memref<8x32xf32, #tpu.memory_space<hbm>>
        tpu.wait_dma2 semaphore(%run_scoped3A_1675 : memref<!tpu.dma_semaphore, #tpu.memory_space<semaphore_mem>>) src(%dma_wait3A_1703 : memref<8x32xf32, #tpu.memory_space<hbm>>) dst(%dma_wait3A_1700 : memref<8x32xf32, #tpu.memory_space<vmem>>)
        tpu.yield
      }) : () -> ()
      %mul3A_25 = arith.constant 8 : i32
      %mul3A_26 = arith.muli %arg1, %mul3A_25 : i32
      %run_scoped3A_27 = arith.constant 3 : i32
      %run_scoped3A_28 = arith.constant 3 : i32
      "tpu.region"() ({
        %run_scoped3A_1675 = tpu.sem_alloc : memref<!tpu.dma_semaphore, #tpu.memory_space<semaphore_mem>>
        %dma_start3A_1676 = arith.constant 0 : i32
        %dma_start3A_1677 = arith.constant 0 : i32
        %dma_start3A_1678 = tpu.memref_slice %arg9[%run_scoped3A_28, %dma_start3A_1676, %dma_start3A_1677] : memref<5x16x32xf32, #tpu.memory_space<vmem>> -> memref<1x8x32xf32, #tpu.memory_space<vmem>>
        %dma_start3A_1679 = tpu.memref_squeeze %dma_start3A_1678 : memref<1x8x32xf32, #tpu.memory_space<vmem>> -> memref<8x32xf32, #tpu.memory_space<vmem>>
        %dma_start3A_1680 = arith.constant 0 : i32
        %dma_start3A_1681 = tpu.memref_slice %arg3[%run_scoped3A_27, %mul3A_26, %dma_start3A_1680] : memref<5x200x32xf32, #tpu.memory_space<hbm>> -> memref<1x8x32xf32, #tpu.memory_space<hbm>>
        %dma_start3A_1682 = tpu.memref_squeeze %dma_start3A_1681 : memref<1x8x32xf32, #tpu.memory_space<hbm>> -> memref<8x32xf32, #tpu.memory_space<hbm>>
        %dma_start3A_1683 = arith.constant 0 : i32
        %dma_start3A_1684 = arith.constant 0 : i32
        %dma_start3A_1685 = tpu.memref_slice %arg9[%run_scoped3A_28, %dma_start3A_1683, %dma_start3A_1684] : memref<5x16x32xf32, #tpu.memory_space<vmem>> -> memref<1x8x32xf32, #tpu.memory_space<vmem>>
        %dma_start3A_1686 = tpu.memref_squeeze %dma_start3A_1685 : memref<1x8x32xf32, #tpu.memory_space<vmem>> -> memref<8x32xf32, #tpu.memory_space<vmem>>
        %dma_start3A_1687 = arith.constant 0 : i32
        %dma_start3A_1688 = tpu.memref_slice %arg3[%run_scoped3A_27, %mul3A_26, %dma_start3A_1687] : memref<5x200x32xf32, #tpu.memory_space<hbm>> -> memref<1x8x32xf32, #tpu.memory_space<hbm>>
        %dma_start3A_1689 = tpu.memref_squeeze %dma_start3A_1688 : memref<1x8x32xf32, #tpu.memory_space<hbm>> -> memref<8x32xf32, #tpu.memory_space<hbm>>
        tpu.enqueue_dma source(%dma_start3A_1689 : memref<8x32xf32, #tpu.memory_space<hbm>>) target(%dma_start3A_1686 : memref<8x32xf32, #tpu.memory_space<vmem>>) target_semaphore(%run_scoped3A_1675 : memref<!tpu.dma_semaphore, #tpu.memory_space<semaphore_mem>>)
        %dma_wait3A_1690 = arith.constant 0 : i32
        %dma_wait3A_1691 = arith.constant 0 : i32
        %dma_wait3A_1692 = tpu.memref_slice %arg9[%run_scoped3A_28, %dma_wait3A_1690, %dma_wait3A_1691] : memref<5x16x32xf32, #tpu.memory_space<vmem>> -> memref<1x8x32xf32, #tpu.memory_space<vmem>>
        %dma_wait3A_1693 = tpu.memref_squeeze %dma_wait3A_1692 : memref<1x8x32xf32, #tpu.memory_space<vmem>> -> memref<8x32xf32, #tpu.memory_space<vmem>>
        %dma_wait3A_1694 = arith.constant 0 : i32
        %dma_wait3A_1695 = tpu.memref_slice %arg3[%run_scoped3A_27, %mul3A_26, %dma_wait3A_1694] : memref<5x200x32xf32, #tpu.memory_space<hbm>> -> memref<1x8x32xf32, #tpu.memory_space<hbm>>
        %dma_wait3A_1696 = tpu.memref_squeeze %dma_wait3A_1695 : memref<1x8x32xf32, #tpu.memory_space<hbm>> -> memref<8x32xf32, #tpu.memory_space<hbm>>
        %dma_wait3A_1697 = arith.constant 0 : i32
        %dma_wait3A_1698 = arith.constant 0 : i32
        %dma_wait3A_1699 = tpu.memref_slice %arg9[%run_scoped3A_28, %dma_wait3A_1697, %dma_wait3A_1698] : memref<5x16x32xf32, #tpu.memory_space<vmem>> -> memref<1x8x32xf32, #tpu.memory_space<vmem>>
        %dma_wait3A_1700 = tpu.memref_squeeze %dma_wait3A_1699 : memref<1x8x32xf32, #tpu.memory_space<vmem>> -> memref<8x32xf32, #tpu.memory_space<vmem>>
        %dma_wait3A_1701 = arith.constant 0 : i32
        %dma_wait3A_1702 = tpu.memref_slice %arg3[%run_scoped3A_27, %mul3A_26, %dma_wait3A_1701] : memref<5x200x32xf32, #tpu.memory_space<hbm>> -> memref<1x8x32xf32, #tpu.memory_space<hbm>>
        %dma_wait3A_1703 = tpu.memref_squeeze %dma_wait3A_1702 : memref<1x8x32xf32, #tpu.memory_space<hbm>> -> memref<8x32xf32, #tpu.memory_space<hbm>>
        tpu.wait_dma2 semaphore(%run_scoped3A_1675 : memref<!tpu.dma_semaphore, #tpu.memory_space<semaphore_mem>>) src(%dma_wait3A_1703 : memref<8x32xf32, #tpu.memory_space<hbm>>) dst(%dma_wait3A_1700 : memref<8x32xf32, #tpu.memory_space<vmem>>)
        tpu.yield
      }) : () -> ()
      %mul3A_29 = arith.constant 8 : i32
      %mul3A_30 = arith.muli %arg1, %mul3A_29 : i32
      %run_scoped3A_31 = arith.constant 4 : i32
      %run_scoped3A_32 = arith.constant 4 : i32
      "tpu.region"() ({
        %run_scoped3A_1675 = tpu.sem_alloc : memref<!tpu.dma_semaphore, #tpu.memory_space<semaphore_mem>>
        %dma_start3A_1676 = arith.constant 0 : i32
        %dma_start3A_1677 = arith.constant 0 : i32
        %dma_start3A_1678 = tpu.memref_slice %arg9[%run_scoped3A_32, %dma_start3A_1676, %dma_start3A_1677] : memref<5x16x32xf32, #tpu.memory_space<vmem>> -> memref<1x8x32xf32, #tpu.memory_space<vmem>>
        %dma_start3A_1679 = tpu.memref_squeeze %dma_start3A_1678 : memref<1x8x32xf32, #tpu.memory_space<vmem>> -> memref<8x32xf32, #tpu.memory_space<vmem>>
        %dma_start3A_1680 = arith.constant 0 : i32
        %dma_start3A_1681 = tpu.memref_slice %arg3[%run_scoped3A_31, %mul3A_30, %dma_start3A_1680] : memref<5x200x32xf32, #tpu.memory_space<hbm>> -> memref<1x8x32xf32, #tpu.memory_space<hbm>>
        %dma_start3A_1682 = tpu.memref_squeeze %dma_start3A_1681 : memref<1x8x32xf32, #tpu.memory_space<hbm>> -> memref<8x32xf32, #tpu.memory_space<hbm>>
        %dma_start3A_1683 = arith.constant 0 : i32
        %dma_start3A_1684 = arith.constant 0 : i32
        %dma_start3A_1685 = tpu.memref_slice %arg9[%run_scoped3A_32, %dma_start3A_1683, %dma_start3A_1684] : memref<5x16x32xf32, #tpu.memory_space<vmem>> -> memref<1x8x32xf32, #tpu.memory_space<vmem>>
        %dma_start3A_1686 = tpu.memref_squeeze %dma_start3A_1685 : memref<1x8x32xf32, #tpu.memory_space<vmem>> -> memref<8x32xf32, #tpu.memory_space<vmem>>
        %dma_start3A_1687 = arith.constant 0 : i32
        %dma_start3A_1688 = tpu.memref_slice %arg3[%run_scoped3A_31, %mul3A_30, %dma_start3A_1687] : memref<5x200x32xf32, #tpu.memory_space<hbm>> -> memref<1x8x32xf32, #tpu.memory_space<hbm>>
        %dma_start3A_1689 = tpu.memref_squeeze %dma_start3A_1688 : memref<1x8x32xf32, #tpu.memory_space<hbm>> -> memref<8x32xf32, #tpu.memory_space<hbm>>
        tpu.enqueue_dma source(%dma_start3A_1689 : memref<8x32xf32, #tpu.memory_space<hbm>>) target(%dma_start3A_1686 : memref<8x32xf32, #tpu.memory_space<vmem>>) target_semaphore(%run_scoped3A_1675 : memref<!tpu.dma_semaphore, #tpu.memory_space<semaphore_mem>>)
        %dma_wait3A_1690 = arith.constant 0 : i32
        %dma_wait3A_1691 = arith.constant 0 : i32
        %dma_wait3A_1692 = tpu.memref_slice %arg9[%run_scoped3A_32, %dma_wait3A_1690, %dma_wait3A_1691] : memref<5x16x32xf32, #tpu.memory_space<vmem>> -> memref<1x8x32xf32, #tpu.memory_space<vmem>>
        %dma_wait3A_1693 = tpu.memref_squeeze %dma_wait3A_1692 : memref<1x8x32xf32, #tpu.memory_space<vmem>> -> memref<8x32xf32, #tpu.memory_space<vmem>>
        %dma_wait3A_1694 = arith.constant 0 : i32
        %dma_wait3A_1695 = tpu.memref_slice %arg3[%run_scoped3A_31, %mul3A_30, %dma_wait3A_1694] : memref<5x200x32xf32, #tpu.memory_space<hbm>> -> memref<1x8x32xf32, #tpu.memory_space<hbm>>
        %dma_wait3A_1696 = tpu.memref_squeeze %dma_wait3A_1695 : memref<1x8x32xf32, #tpu.memory_space<hbm>> -> memref<8x32xf32, #tpu.memory_space<hbm>>
        %dma_wait3A_1697 = arith.constant 0 : i32
        %dma_wait3A_1698 = arith.constant 0 : i32
        %dma_wait3A_1699 = tpu.memref_slice %arg9[%run_scoped3A_32, %dma_wait3A_1697, %dma_wait3A_1698] : memref<5x16x32xf32, #tpu.memory_space<vmem>> -> memref<1x8x32xf32, #tpu.memory_space<vmem>>
        %dma_wait3A_1700 = tpu.memref_squeeze %dma_wait3A_1699 : memref<1x8x32xf32, #tpu.memory_space<vmem>> -> memref<8x32xf32, #tpu.memory_space<vmem>>
        %dma_wait3A_1701 = arith.constant 0 : i32
        %dma_wait3A_1702 = tpu.memref_slice %arg3[%run_scoped3A_31, %mul3A_30, %dma_wait3A_1701] : memref<5x200x32xf32, #tpu.memory_space<hbm>> -> memref<1x8x32xf32, #tpu.memory_space<hbm>>
        %dma_wait3A_1703 = tpu.memref_squeeze %dma_wait3A_1702 : memref<1x8x32xf32, #tpu.memory_space<hbm>> -> memref<8x32xf32, #tpu.memory_space<hbm>>
        tpu.wait_dma2 semaphore(%run_scoped3A_1675 : memref<!tpu.dma_semaphore, #tpu.memory_space<semaphore_mem>>) src(%dma_wait3A_1703 : memref<8x32xf32, #tpu.memory_space<hbm>>) dst(%dma_wait3A_1700 : memref<8x32xf32, #tpu.memory_space<vmem>>)
        tpu.yield
      }) : () -> ()
      %convert_element_type3A_33 = arith.extui %lt3A_3 : i1 to i32
      %cond3A_34 = arith.constant 0 : i32
      %cond3A_35 = arith.cmpi ne, %convert_element_type3A_33, %cond3A_34 : i32
      scf.if %cond3A_35 {
        %mul3A_1675 = arith.constant 8 : i32
        %mul3A_1676 = arith.muli %arg1, %mul3A_1675 : i32
        %add3A_1677 = arith.constant 128 : i32
        %add3A_1678 = arith.addi %add3A_1677, %mul3A_1676 : i32
        %run_scoped3A_1679 = arith.constant 0 : i32
        %run_scoped3A_1680 = arith.constant 0 : i32
        "tpu.region"() ({
          %run_scoped3A_1705 = tpu.sem_alloc : memref<!tpu.dma_semaphore, #tpu.memory_space<semaphore_mem>>
          %dma_start3A_1706 = arith.constant 8 : i32
          %dma_start3A_1707 = arith.constant 0 : i32
          %dma_start3A_1708 = tpu.memref_slice %arg9[%run_scoped3A_1680, %dma_start3A_1706, %dma_start3A_1707] : memref<5x16x32xf32, #tpu.memory_space<vmem>> -> memref<1x8x32xf32, #tpu.memory_space<vmem>>
          %dma_start3A_1709 = tpu.memref_squeeze %dma_start3A_1708 : memref<1x8x32xf32, #tpu.memory_space<vmem>> -> memref<8x32xf32, #tpu.memory_space<vmem>>
          %dma_start3A_1710 = arith.constant 0 : i32
          %dma_start3A_1711 = tpu.memref_slice %arg3[%run_scoped3A_1679, %add3A_1678, %dma_start3A_1710] : memref<5x200x32xf32, #tpu.memory_space<hbm>> -> memref<1x8x32xf32, #tpu.memory_space<hbm>>
          %dma_start3A_1712 = tpu.memref_squeeze %dma_start3A_1711 : memref<1x8x32xf32, #tpu.memory_space<hbm>> -> memref<8x32xf32, #tpu.memory_space<hbm>>
          %dma_start3A_1713 = arith.constant 8 : i32
          %dma_start3A_1714 = arith.constant 0 : i32
          %dma_start3A_1715 = tpu.memref_slice %arg9[%run_scoped3A_1680, %dma_start3A_1713, %dma_start3A_1714] : memref<5x16x32xf32, #tpu.memory_space<vmem>> -> memref<1x8x32xf32, #tpu.memory_space<vmem>>
          %dma_start3A_1716 = tpu.memref_squeeze %dma_start3A_1715 : memref<1x8x32xf32, #tpu.memory_space<vmem>> -> memref<8x32xf32, #tpu.memory_space<vmem>>
          %dma_start3A_1717 = arith.constant 0 : i32
          %dma_start3A_1718 = tpu.memref_slice %arg3[%run_scoped3A_1679, %add3A_1678, %dma_start3A_1717] : memref<5x200x32xf32, #tpu.memory_space<hbm>> -> memref<1x8x32xf32, #tpu.memory_space<hbm>>
          %dma_start3A_1719 = tpu.memref_squeeze %dma_start3A_1718 : memref<1x8x32xf32, #tpu.memory_space<hbm>> -> memref<8x32xf32, #tpu.memory_space<hbm>>
          tpu.enqueue_dma source(%dma_start3A_1719 : memref<8x32xf32, #tpu.memory_space<hbm>>) target(%dma_start3A_1716 : memref<8x32xf32, #tpu.memory_space<vmem>>) target_semaphore(%run_scoped3A_1705 : memref<!tpu.dma_semaphore, #tpu.memory_space<semaphore_mem>>)
          %dma_wait3A_1720 = arith.constant 8 : i32
          %dma_wait3A_1721 = arith.constant 0 : i32
          %dma_wait3A_1722 = tpu.memref_slice %arg9[%run_scoped3A_1680, %dma_wait3A_1720, %dma_wait3A_1721] : memref<5x16x32xf32, #tpu.memory_space<vmem>> -> memref<1x8x32xf32, #tpu.memory_space<vmem>>
          %dma_wait3A_1723 = tpu.memref_squeeze %dma_wait3A_1722 : memref<1x8x32xf32, #tpu.memory_space<vmem>> -> memref<8x32xf32, #tpu.memory_space<vmem>>
          %dma_wait3A_1724 = arith.constant 0 : i32
          %dma_wait3A_1725 = tpu.memref_slice %arg3[%run_scoped3A_1679, %add3A_1678, %dma_wait3A_1724] : memref<5x200x32xf32, #tpu.memory_space<hbm>> -> memref<1x8x32xf32, #tpu.memory_space<hbm>>
          %dma_wait3A_1726 = tpu.memref_squeeze %dma_wait3A_1725 : memref<1x8x32xf32, #tpu.memory_space<hbm>> -> memref<8x32xf32, #tpu.memory_space<hbm>>
          %dma_wait3A_1727 = arith.constant 8 : i32
          %dma_wait3A_1728 = arith.constant 0 : i32
          %dma_wait3A_1729 = tpu.memref_slice %arg9[%run_scoped3A_1680, %dma_wait3A_1727, %dma_wait3A_1728] : memref<5x16x32xf32, #tpu.memory_space<vmem>> -> memref<1x8x32xf32, #tpu.memory_space<vmem>>
          %dma_wait3A_1730 = tpu.memref_squeeze %dma_wait3A_1729 : memref<1x8x32xf32, #tpu.memory_space<vmem>> -> memref<8x32xf32, #tpu.memory_space<vmem>>
          %dma_wait3A_1731 = arith.constant 0 : i32
          %dma_wait3A_1732 = tpu.memref_slice %arg3[%run_scoped3A_1679, %add3A_1678, %dma_wait3A_1731] : memref<5x200x32xf32, #tpu.memory_space<hbm>> -> memref<1x8x32xf32, #tpu.memory_space<hbm>>
          %dma_wait3A_1733 = tpu.memref_squeeze %dma_wait3A_1732 : memref<1x8x32xf32, #tpu.memory_space<hbm>> -> memref<8x32xf32, #tpu.memory_space<hbm>>
          tpu.wait_dma2 semaphore(%run_scoped3A_1705 : memref<!tpu.dma_semaphore, #tpu.memory_space<semaphore_mem>>) src(%dma_wait3A_1733 : memref<8x32xf32, #tpu.memory_space<hbm>>) dst(%dma_wait3A_1730 : memref<8x32xf32, #tpu.memory_space<vmem>>)
          tpu.yield
        }) : () -> ()
        %mul3A_1681 = arith.constant 8 : i32
        %mul3A_1682 = arith.muli %arg1, %mul3A_1681 : i32
        %add3A_1683 = arith.constant 128 : i32
        %add3A_1684 = arith.addi %add3A_1683, %mul3A_1682 : i32
        %run_scoped3A_1685 = arith.constant 1 : i32
        %run_scoped3A_1686 = arith.constant 1 : i32
        "tpu.region"() ({
          %run_scoped3A_1705 = tpu.sem_alloc : memref<!tpu.dma_semaphore, #tpu.memory_space<semaphore_mem>>
          %dma_start3A_1706 = arith.constant 8 : i32
          %dma_start3A_1707 = arith.constant 0 : i32
          %dma_start3A_1708 = tpu.memref_slice %arg9[%run_scoped3A_1686, %dma_start3A_1706, %dma_start3A_1707] : memref<5x16x32xf32, #tpu.memory_space<vmem>> -> memref<1x8x32xf32, #tpu.memory_space<vmem>>
          %dma_start3A_1709 = tpu.memref_squeeze %dma_start3A_1708 : memref<1x8x32xf32, #tpu.memory_space<vmem>> -> memref<8x32xf32, #tpu.memory_space<vmem>>
          %dma_start3A_1710 = arith.constant 0 : i32
          %dma_start3A_1711 = tpu.memref_slice %arg3[%run_scoped3A_1685, %add3A_1684, %dma_start3A_1710] : memref<5x200x32xf32, #tpu.memory_space<hbm>> -> memref<1x8x32xf32, #tpu.memory_space<hbm>>
          %dma_start3A_1712 = tpu.memref_squeeze %dma_start3A_1711 : memref<1x8x32xf32, #tpu.memory_space<hbm>> -> memref<8x32xf32, #tpu.memory_space<hbm>>
          %dma_start3A_1713 = arith.constant 8 : i32
          %dma_start3A_1714 = arith.constant 0 : i32
          %dma_start3A_1715 = tpu.memref_slice %arg9[%run_scoped3A_1686, %dma_start3A_1713, %dma_start3A_1714] : memref<5x16x32xf32, #tpu.memory_space<vmem>> -> memref<1x8x32xf32, #tpu.memory_space<vmem>>
          %dma_start3A_1716 = tpu.memref_squeeze %dma_start3A_1715 : memref<1x8x32xf32, #tpu.memory_space<vmem>> -> memref<8x32xf32, #tpu.memory_space<vmem>>
          %dma_start3A_1717 = arith.constant 0 : i32
          %dma_start3A_1718 = tpu.memref_slice %arg3[%run_scoped3A_1685, %add3A_1684, %dma_start3A_1717] : memref<5x200x32xf32, #tpu.memory_space<hbm>> -> memref<1x8x32xf32, #tpu.memory_space<hbm>>
          %dma_start3A_1719 = tpu.memref_squeeze %dma_start3A_1718 : memref<1x8x32xf32, #tpu.memory_space<hbm>> -> memref<8x32xf32, #tpu.memory_space<hbm>>
          tpu.enqueue_dma source(%dma_start3A_1719 : memref<8x32xf32, #tpu.memory_space<hbm>>) target(%dma_start3A_1716 : memref<8x32xf32, #tpu.memory_space<vmem>>) target_semaphore(%run_scoped3A_1705 : memref<!tpu.dma_semaphore, #tpu.memory_space<semaphore_mem>>)
          %dma_wait3A_1720 = arith.constant 8 : i32
          %dma_wait3A_1721 = arith.constant 0 : i32
          %dma_wait3A_1722 = tpu.memref_slice %arg9[%run_scoped3A_1686, %dma_wait3A_1720, %dma_wait3A_1721] : memref<5x16x32xf32, #tpu.memory_space<vmem>> -> memref<1x8x32xf32, #tpu.memory_space<vmem>>
          %dma_wait3A_1723 = tpu.memref_squeeze %dma_wait3A_1722 : memref<1x8x32xf32, #tpu.memory_space<vmem>> -> memref<8x32xf32, #tpu.memory_space<vmem>>
          %dma_wait3A_1724 = arith.constant 0 : i32
          %dma_wait3A_1725 = tpu.memref_slice %arg3[%run_scoped3A_1685, %add3A_1684, %dma_wait3A_1724] : memref<5x200x32xf32, #tpu.memory_space<hbm>> -> memref<1x8x32xf32, #tpu.memory_space<hbm>>
          %dma_wait3A_1726 = tpu.memref_squeeze %dma_wait3A_1725 : memref<1x8x32xf32, #tpu.memory_space<hbm>> -> memref<8x32xf32, #tpu.memory_space<hbm>>
          %dma_wait3A_1727 = arith.constant 8 : i32
          %dma_wait3A_1728 = arith.constant 0 : i32
          %dma_wait3A_1729 = tpu.memref_slice %arg9[%run_scoped3A_1686, %dma_wait3A_1727, %dma_wait3A_1728] : memref<5x16x32xf32, #tpu.memory_space<vmem>> -> memref<1x8x32xf32, #tpu.memory_space<vmem>>
          %dma_wait3A_1730 = tpu.memref_squeeze %dma_wait3A_1729 : memref<1x8x32xf32, #tpu.memory_space<vmem>> -> memref<8x32xf32, #tpu.memory_space<vmem>>
          %dma_wait3A_1731 = arith.constant 0 : i32
          %dma_wait3A_1732 = tpu.memref_slice %arg3[%run_scoped3A_1685, %add3A_1684, %dma_wait3A_1731] : memref<5x200x32xf32, #tpu.memory_space<hbm>> -> memref<1x8x32xf32, #tpu.memory_space<hbm>>
          %dma_wait3A_1733 = tpu.memref_squeeze %dma_wait3A_1732 : memref<1x8x32xf32, #tpu.memory_space<hbm>> -> memref<8x32xf32, #tpu.memory_space<hbm>>
          tpu.wait_dma2 semaphore(%run_scoped3A_1705 : memref<!tpu.dma_semaphore, #tpu.memory_space<semaphore_mem>>) src(%dma_wait3A_1733 : memref<8x32xf32, #tpu.memory_space<hbm>>) dst(%dma_wait3A_1730 : memref<8x32xf32, #tpu.memory_space<vmem>>)
          tpu.yield
        }) : () -> ()
        %mul3A_1687 = arith.constant 8 : i32
        %mul3A_1688 = arith.muli %arg1, %mul3A_1687 : i32
        %add3A_1689 = arith.constant 128 : i32
        %add3A_1690 = arith.addi %add3A_1689, %mul3A_1688 : i32
        %run_scoped3A_1691 = arith.constant 2 : i32
        %run_scoped3A_1692 = arith.constant 2 : i32
        "tpu.region"() ({
          %run_scoped3A_1705 = tpu.sem_alloc : memref<!tpu.dma_semaphore, #tpu.memory_space<semaphore_mem>>
          %dma_start3A_1706 = arith.constant 8 : i32
          %dma_start3A_1707 = arith.constant 0 : i32
          %dma_start3A_1708 = tpu.memref_slice %arg9[%run_scoped3A_1692, %dma_start3A_1706, %dma_start3A_1707] : memref<5x16x32xf32, #tpu.memory_space<vmem>> -> memref<1x8x32xf32, #tpu.memory_space<vmem>>
          %dma_start3A_1709 = tpu.memref_squeeze %dma_start3A_1708 : memref<1x8x32xf32, #tpu.memory_space<vmem>> -> memref<8x32xf32, #tpu.memory_space<vmem>>
          %dma_start3A_1710 = arith.constant 0 : i32
          %dma_start3A_1711 = tpu.memref_slice %arg3[%run_scoped3A_1691, %add3A_1690, %dma_start3A_1710] : memref<5x200x32xf32, #tpu.memory_space<hbm>> -> memref<1x8x32xf32, #tpu.memory_space<hbm>>
          %dma_start3A_1712 = tpu.memref_squeeze %dma_start3A_1711 : memref<1x8x32xf32, #tpu.memory_space<hbm>> -> memref<8x32xf32, #tpu.memory_space<hbm>>
          %dma_start3A_1713 = arith.constant 8 : i32
          %dma_start3A_1714 = arith.constant 0 : i32
          %dma_start3A_1715 = tpu.memref_slice %arg9[%run_scoped3A_1692, %dma_start3A_1713, %dma_start3A_1714] : memref<5x16x32xf32, #tpu.memory_space<vmem>> -> memref<1x8x32xf32, #tpu.memory_space<vmem>>
          %dma_start3A_1716 = tpu.memref_squeeze %dma_start3A_1715 : memref<1x8x32xf32, #tpu.memory_space<vmem>> -> memref<8x32xf32, #tpu.memory_space<vmem>>
          %dma_start3A_1717 = arith.constant 0 : i32
          %dma_start3A_1718 = tpu.memref_slice %arg3[%run_scoped3A_1691, %add3A_1690, %dma_start3A_1717] : memref<5x200x32xf32, #tpu.memory_space<hbm>> -> memref<1x8x32xf32, #tpu.memory_space<hbm>>
          %dma_start3A_1719 = tpu.memref_squeeze %dma_start3A_1718 : memref<1x8x32xf32, #tpu.memory_space<hbm>> -> memref<8x32xf32, #tpu.memory_space<hbm>>
          tpu.enqueue_dma source(%dma_start3A_1719 : memref<8x32xf32, #tpu.memory_space<hbm>>) target(%dma_start3A_1716 : memref<8x32xf32, #tpu.memory_space<vmem>>) target_semaphore(%run_scoped3A_1705 : memref<!tpu.dma_semaphore, #tpu.memory_space<semaphore_mem>>)
          %dma_wait3A_1720 = arith.constant 8 : i32
          %dma_wait3A_1721 = arith.constant 0 : i32
          %dma_wait3A_1722 = tpu.memref_slice %arg9[%run_scoped3A_1692, %dma_wait3A_1720, %dma_wait3A_1721] : memref<5x16x32xf32, #tpu.memory_space<vmem>> -> memref<1x8x32xf32, #tpu.memory_space<vmem>>
          %dma_wait3A_1723 = tpu.memref_squeeze %dma_wait3A_1722 : memref<1x8x32xf32, #tpu.memory_space<vmem>> -> memref<8x32xf32, #tpu.memory_space<vmem>>
          %dma_wait3A_1724 = arith.constant 0 : i32
          %dma_wait3A_1725 = tpu.memref_slice %arg3[%run_scoped3A_1691, %add3A_1690, %dma_wait3A_1724] : memref<5x200x32xf32, #tpu.memory_space<hbm>> -> memref<1x8x32xf32, #tpu.memory_space<hbm>>
          %dma_wait3A_1726 = tpu.memref_squeeze %dma_wait3A_1725 : memref<1x8x32xf32, #tpu.memory_space<hbm>> -> memref<8x32xf32, #tpu.memory_space<hbm>>
          %dma_wait3A_1727 = arith.constant 8 : i32
          %dma_wait3A_1728 = arith.constant 0 : i32
          %dma_wait3A_1729 = tpu.memref_slice %arg9[%run_scoped3A_1692, %dma_wait3A_1727, %dma_wait3A_1728] : memref<5x16x32xf32, #tpu.memory_space<vmem>> -> memref<1x8x32xf32, #tpu.memory_space<vmem>>
          %dma_wait3A_1730 = tpu.memref_squeeze %dma_wait3A_1729 : memref<1x8x32xf32, #tpu.memory_space<vmem>> -> memref<8x32xf32, #tpu.memory_space<vmem>>
          %dma_wait3A_1731 = arith.constant 0 : i32
          %dma_wait3A_1732 = tpu.memref_slice %arg3[%run_scoped3A_1691, %add3A_1690, %dma_wait3A_1731] : memref<5x200x32xf32, #tpu.memory_space<hbm>> -> memref<1x8x32xf32, #tpu.memory_space<hbm>>
          %dma_wait3A_1733 = tpu.memref_squeeze %dma_wait3A_1732 : memref<1x8x32xf32, #tpu.memory_space<hbm>> -> memref<8x32xf32, #tpu.memory_space<hbm>>
          tpu.wait_dma2 semaphore(%run_scoped3A_1705 : memref<!tpu.dma_semaphore, #tpu.memory_space<semaphore_mem>>) src(%dma_wait3A_1733 : memref<8x32xf32, #tpu.memory_space<hbm>>) dst(%dma_wait3A_1730 : memref<8x32xf32, #tpu.memory_space<vmem>>)
          tpu.yield
        }) : () -> ()
        %mul3A_1693 = arith.constant 8 : i32
        %mul3A_1694 = arith.muli %arg1, %mul3A_1693 : i32
        %add3A_1695 = arith.constant 128 : i32
        %add3A_1696 = arith.addi %add3A_1695, %mul3A_1694 : i32
        %run_scoped3A_1697 = arith.constant 3 : i32
        %run_scoped3A_1698 = arith.constant 3 : i32
        "tpu.region"() ({
          %run_scoped3A_1705 = tpu.sem_alloc : memref<!tpu.dma_semaphore, #tpu.memory_space<semaphore_mem>>
          %dma_start3A_1706 = arith.constant 8 : i32
          %dma_start3A_1707 = arith.constant 0 : i32
          %dma_start3A_1708 = tpu.memref_slice %arg9[%run_scoped3A_1698, %dma_start3A_1706, %dma_start3A_1707] : memref<5x16x32xf32, #tpu.memory_space<vmem>> -> memref<1x8x32xf32, #tpu.memory_space<vmem>>
          %dma_start3A_1709 = tpu.memref_squeeze %dma_start3A_1708 : memref<1x8x32xf32, #tpu.memory_space<vmem>> -> memref<8x32xf32, #tpu.memory_space<vmem>>
          %dma_start3A_1710 = arith.constant 0 : i32
          %dma_start3A_1711 = tpu.memref_slice %arg3[%run_scoped3A_1697, %add3A_1696, %dma_start3A_1710] : memref<5x200x32xf32, #tpu.memory_space<hbm>> -> memref<1x8x32xf32, #tpu.memory_space<hbm>>
          %dma_start3A_1712 = tpu.memref_squeeze %dma_start3A_1711 : memref<1x8x32xf32, #tpu.memory_space<hbm>> -> memref<8x32xf32, #tpu.memory_space<hbm>>
          %dma_start3A_1713 = arith.constant 8 : i32
          %dma_start3A_1714 = arith.constant 0 : i32
          %dma_start3A_1715 = tpu.memref_slice %arg9[%run_scoped3A_1698, %dma_start3A_1713, %dma_start3A_1714] : memref<5x16x32xf32, #tpu.memory_space<vmem>> -> memref<1x8x32xf32, #tpu.memory_space<vmem>>
          %dma_start3A_1716 = tpu.memref_squeeze %dma_start3A_1715 : memref<1x8x32xf32, #tpu.memory_space<vmem>> -> memref<8x32xf32, #tpu.memory_space<vmem>>
          %dma_start3A_1717 = arith.constant 0 : i32
          %dma_start3A_1718 = tpu.memref_slice %arg3[%run_scoped3A_1697, %add3A_1696, %dma_start3A_1717] : memref<5x200x32xf32, #tpu.memory_space<hbm>> -> memref<1x8x32xf32, #tpu.memory_space<hbm>>
          %dma_start3A_1719 = tpu.memref_squeeze %dma_start3A_1718 : memref<1x8x32xf32, #tpu.memory_space<hbm>> -> memref<8x32xf32, #tpu.memory_space<hbm>>
          tpu.enqueue_dma source(%dma_start3A_1719 : memref<8x32xf32, #tpu.memory_space<hbm>>) target(%dma_start3A_1716 : memref<8x32xf32, #tpu.memory_space<vmem>>) target_semaphore(%run_scoped3A_1705 : memref<!tpu.dma_semaphore, #tpu.memory_space<semaphore_mem>>)
          %dma_wait3A_1720 = arith.constant 8 : i32
          %dma_wait3A_1721 = arith.constant 0 : i32
          %dma_wait3A_1722 = tpu.memref_slice %arg9[%run_scoped3A_1698, %dma_wait3A_1720, %dma_wait3A_1721] : memref<5x16x32xf32, #tpu.memory_space<vmem>> -> memref<1x8x32xf32, #tpu.memory_space<vmem>>
          %dma_wait3A_1723 = tpu.memref_squeeze %dma_wait3A_1722 : memref<1x8x32xf32, #tpu.memory_space<vmem>> -> memref<8x32xf32, #tpu.memory_space<vmem>>
          %dma_wait3A_1724 = arith.constant 0 : i32
          %dma_wait3A_1725 = tpu.memref_slice %arg3[%run_scoped3A_1697, %add3A_1696, %dma_wait3A_1724] : memref<5x200x32xf32, #tpu.memory_space<hbm>> -> memref<1x8x32xf32, #tpu.memory_space<hbm>>
          %dma_wait3A_1726 = tpu.memref_squeeze %dma_wait3A_1725 : memref<1x8x32xf32, #tpu.memory_space<hbm>> -> memref<8x32xf32, #tpu.memory_space<hbm>>
          %dma_wait3A_1727 = arith.constant 8 : i32
          %dma_wait3A_1728 = arith.constant 0 : i32
          %dma_wait3A_1729 = tpu.memref_slice %arg9[%run_scoped3A_1698, %dma_wait3A_1727, %dma_wait3A_1728] : memref<5x16x32xf32, #tpu.memory_space<vmem>> -> memref<1x8x32xf32, #tpu.memory_space<vmem>>
          %dma_wait3A_1730 = tpu.memref_squeeze %dma_wait3A_1729 : memref<1x8x32xf32, #tpu.memory_space<vmem>> -> memref<8x32xf32, #tpu.memory_space<vmem>>
          %dma_wait3A_1731 = arith.constant 0 : i32
          %dma_wait3A_1732 = tpu.memref_slice %arg3[%run_scoped3A_1697, %add3A_1696, %dma_wait3A_1731] : memref<5x200x32xf32, #tpu.memory_space<hbm>> -> memref<1x8x32xf32, #tpu.memory_space<hbm>>
          %dma_wait3A_1733 = tpu.memref_squeeze %dma_wait3A_1732 : memref<1x8x32xf32, #tpu.memory_space<hbm>> -> memref<8x32xf32, #tpu.memory_space<hbm>>
          tpu.wait_dma2 semaphore(%run_scoped3A_1705 : memref<!tpu.dma_semaphore, #tpu.memory_space<semaphore_mem>>) src(%dma_wait3A_1733 : memref<8x32xf32, #tpu.memory_space<hbm>>) dst(%dma_wait3A_1730 : memref<8x32xf32, #tpu.memory_space<vmem>>)
          tpu.yield
        }) : () -> ()
        %mul3A_1699 = arith.constant 8 : i32
        %mul3A_1700 = arith.muli %arg1, %mul3A_1699 : i32
        %add3A_1701 = arith.constant 128 : i32
        %add3A_1702 = arith.addi %add3A_1701, %mul3A_1700 : i32
        %run_scoped3A_1703 = arith.constant 4 : i32
        %run_scoped3A_1704 = arith.constant 4 : i32
        "tpu.region"() ({
          %run_scoped3A_1705 = tpu.sem_alloc : memref<!tpu.dma_semaphore, #tpu.memory_space<semaphore_mem>>
          %dma_start3A_1706 = arith.constant 8 : i32
          %dma_start3A_1707 = arith.constant 0 : i32
          %dma_start3A_1708 = tpu.memref_slice %arg9[%run_scoped3A_1704, %dma_start3A_1706, %dma_start3A_1707] : memref<5x16x32xf32, #tpu.memory_space<vmem>> -> memref<1x8x32xf32, #tpu.memory_space<vmem>>
          %dma_start3A_1709 = tpu.memref_squeeze %dma_start3A_1708 : memref<1x8x32xf32, #tpu.memory_space<vmem>> -> memref<8x32xf32, #tpu.memory_space<vmem>>
          %dma_start3A_1710 = arith.constant 0 : i32
          %dma_start3A_1711 = tpu.memref_slice %arg3[%run_scoped3A_1703, %add3A_1702, %dma_start3A_1710] : memref<5x200x32xf32, #tpu.memory_space<hbm>> -> memref<1x8x32xf32, #tpu.memory_space<hbm>>
          %dma_start3A_1712 = tpu.memref_squeeze %dma_start3A_1711 : memref<1x8x32xf32, #tpu.memory_space<hbm>> -> memref<8x32xf32, #tpu.memory_space<hbm>>
          %dma_start3A_1713 = arith.constant 8 : i32
          %dma_start3A_1714 = arith.constant 0 : i32
          %dma_start3A_1715 = tpu.memref_slice %arg9[%run_scoped3A_1704, %dma_start3A_1713, %dma_start3A_1714] : memref<5x16x32xf32, #tpu.memory_space<vmem>> -> memref<1x8x32xf32, #tpu.memory_space<vmem>>
          %dma_start3A_1716 = tpu.memref_squeeze %dma_start3A_1715 : memref<1x8x32xf32, #tpu.memory_space<vmem>> -> memref<8x32xf32, #tpu.memory_space<vmem>>
          %dma_start3A_1717 = arith.constant 0 : i32
          %dma_start3A_1718 = tpu.memref_slice %arg3[%run_scoped3A_1703, %add3A_1702, %dma_start3A_1717] : memref<5x200x32xf32, #tpu.memory_space<hbm>> -> memref<1x8x32xf32, #tpu.memory_space<hbm>>
          %dma_start3A_1719 = tpu.memref_squeeze %dma_start3A_1718 : memref<1x8x32xf32, #tpu.memory_space<hbm>> -> memref<8x32xf32, #tpu.memory_space<hbm>>
          tpu.enqueue_dma source(%dma_start3A_1719 : memref<8x32xf32, #tpu.memory_space<hbm>>) target(%dma_start3A_1716 : memref<8x32xf32, #tpu.memory_space<vmem>>) target_semaphore(%run_scoped3A_1705 : memref<!tpu.dma_semaphore, #tpu.memory_space<semaphore_mem>>)
          %dma_wait3A_1720 = arith.constant 8 : i32
          %dma_wait3A_1721 = arith.constant 0 : i32
          %dma_wait3A_1722 = tpu.memref_slice %arg9[%run_scoped3A_1704, %dma_wait3A_1720, %dma_wait3A_1721] : memref<5x16x32xf32, #tpu.memory_space<vmem>> -> memref<1x8x32xf32, #tpu.memory_space<vmem>>
          %dma_wait3A_1723 = tpu.memref_squeeze %dma_wait3A_1722 : memref<1x8x32xf32, #tpu.memory_space<vmem>> -> memref<8x32xf32, #tpu.memory_space<vmem>>
          %dma_wait3A_1724 = arith.constant 0 : i32
          %dma_wait3A_1725 = tpu.memref_slice %arg3[%run_scoped3A_1703, %add3A_1702, %dma_wait3A_1724] : memref<5x200x32xf32, #tpu.memory_space<hbm>> -> memref<1x8x32xf32, #tpu.memory_space<hbm>>
          %dma_wait3A_1726 = tpu.memref_squeeze %dma_wait3A_1725 : memref<1x8x32xf32, #tpu.memory_space<hbm>> -> memref<8x32xf32, #tpu.memory_space<hbm>>
          %dma_wait3A_1727 = arith.constant 8 : i32
          %dma_wait3A_1728 = arith.constant 0 : i32
          %dma_wait3A_1729 = tpu.memref_slice %arg9[%run_scoped3A_1704, %dma_wait3A_1727, %dma_wait3A_1728] : memref<5x16x32xf32, #tpu.memory_space<vmem>> -> memref<1x8x32xf32, #tpu.memory_space<vmem>>
          %dma_wait3A_1730 = tpu.memref_squeeze %dma_wait3A_1729 : memref<1x8x32xf32, #tpu.memory_space<vmem>> -> memref<8x32xf32, #tpu.memory_space<vmem>>
          %dma_wait3A_1731 = arith.constant 0 : i32
          %dma_wait3A_1732 = tpu.memref_slice %arg3[%run_scoped3A_1703, %add3A_1702, %dma_wait3A_1731] : memref<5x200x32xf32, #tpu.memory_space<hbm>> -> memref<1x8x32xf32, #tpu.memory_space<hbm>>
          %dma_wait3A_1733 = tpu.memref_squeeze %dma_wait3A_1732 : memref<1x8x32xf32, #tpu.memory_space<hbm>> -> memref<8x32xf32, #tpu.memory_space<hbm>>
          tpu.wait_dma2 semaphore(%run_scoped3A_1705 : memref<!tpu.dma_semaphore, #tpu.memory_space<semaphore_mem>>) src(%dma_wait3A_1733 : memref<8x32xf32, #tpu.memory_space<hbm>>) dst(%dma_wait3A_1730 : memref<8x32xf32, #tpu.memory_space<vmem>>)
          tpu.yield
        }) : () -> ()
      } else {
      }
      %not3A_36 = arith.constant true
      %not3A_37 = arith.xori %lt3A_3, %not3A_36 : i1
      %convert_element_type3A_38 = arith.extui %not3A_37 : i1 to i32
      %cond3A_39 = arith.constant 0 : i32
      %cond3A_40 = arith.cmpi ne, %convert_element_type3A_38, %cond3A_39 : i32
      scf.if %cond3A_40 {
        %swap3A_1675 = arith.constant 0 : i32
        %swap3A_1676 = arith.constant 8 : i32
        %swap3A_1677 = arith.index_cast %swap3A_1675 : i32 to index
        %swap3A_1678 = arith.index_cast %swap3A_1676 : i32 to index
        %swap3A_1679 = arith.constant 0 : index
        %swap3A_1680 = tpu.vector_load %arg9[%swap3A_1677, %swap3A_1678, %swap3A_1679] {strides = array<i32>} : memref<5x16x32xf32, #tpu.memory_space<vmem>>, vector<1x1x16xf32>,
        %swap3A_1681 = vector.shape_cast %swap3A_1680 : vector<1x1x16xf32> to vector<16xf32>
        %swap3A_1682 = vector.shape_cast %broadcast_in_dim3A_2 : vector<16xf32> to vector<1x1x16xf32>
        tpu.vector_store %arg9[%swap3A_1677, %swap3A_1678, %swap3A_1679], %swap3A_1682 {strides = array<i32>} : memref<5x16x32xf32, #tpu.memory_space<vmem>>, vector<1x1x16xf32>,
        %swap3A_1683 = arith.constant 0 : i32
        %swap3A_1684 = arith.constant 8 : i32
        %swap3A_1685 = arith.index_cast %swap3A_1683 : i32 to index
        %swap3A_1686 = arith.index_cast %swap3A_1684 : i32 to index
        %swap3A_1687 = arith.constant 16 : index
        %swap3A_1688 = tpu.vector_load %arg9[%swap3A_1685, %swap3A_1686, %swap3A_1687] {strides = array<i32>} : memref<5x16x32xf32, #tpu.memory_space<vmem>>, vector<1x1x16xf32>,
        %swap3A_1689 = vector.shape_cast %swap3A_1688 : vector<1x1x16xf32> to vector<16xf32>
        %swap3A_1690 = vector.shape_cast %broadcast_in_dim3A_2 : vector<16xf32> to vector<1x1x16xf32>
        tpu.vector_store %arg9[%swap3A_1685, %swap3A_1686, %swap3A_1687], %swap3A_1690 {strides = array<i32>} : memref<5x16x32xf32, #tpu.memory_space<vmem>>, vector<1x1x16xf32>,
        %swap3A_1691 = arith.constant 0 : i32
        %swap3A_1692 = arith.constant 9 : i32
        %swap3A_1693 = arith.index_cast %swap3A_1691 : i32 to index
        %swap3A_1694 = arith.index_cast %swap3A_1692 : i32 to index
        %swap3A_1695 = arith.constant 0 : index
        %swap3A_1696 = tpu.vector_load %arg9[%swap3A_1693, %swap3A_1694, %swap3A_1695] {strides = array<i32>} : memref<5x16x32xf32, #tpu.memory_space<vmem>>, vector<1x1x16xf32>,
        %swap3A_1697 = vector.shape_cast %swap3A_1696 : vector<1x1x16xf32> to vector<16xf32>
        %swap3A_1698 = vector.shape_cast %broadcast_in_dim3A_2 : vector<16xf32> to vector<1x1x16xf32>
        tpu.vector_store %arg9[%swap3A_1693, %swap3A_1694, %swap3A_1695], %swap3A_1698 {strides = array<i32>} : memref<5x16x32xf32, #tpu.memory_space<vmem>>, vector<1x1x16xf32>,
        %swap3A_1699 = arith.constant 0 : i32
        %swap3A_1700 = arith.constant 9 : i32
        %swap3A_1701 = arith.index_cast %swap3A_1699 : i32 to index
        %swap3A_1702 = arith.index_cast %swap3A_1700 : i32 to index
        %swap3A_1703 = arith.constant 16 : index
        %swap3A_1704 = tpu.vector_load %arg9[%swap3A_1701, %swap3A_1702, %swap3A_1703] {strides = array<i32>} : memref<5x16x32xf32, #tpu.memory_space<vmem>>, vector<1x1x16xf32>,
        %swap3A_1705 = vector.shape_cast %swap3A_1704 : vector<1x1x16xf32> to vector<16xf32>
        %swap3A_1706 = vector.shape_cast %broadcast_in_dim3A_2 : vector<16xf32> to vector<1x1x16xf32>
        tpu.vector_store %arg9[%swap3A_1701, %swap3A_1702, %swap3A_1703], %swap3A_1706 {strides = array<i32>} : memref<5x16x32xf32, #tpu.memory_space<vmem>>, vector<1x1x16xf32>,
        %swap3A_1707 = arith.constant 0 : i32
        %swap3A_1708 = arith.constant 10 : i32
        %swap3A_1709 = arith.index_cast %swap3A_1707 : i32 to index
        %swap3A_1710 = arith.index_cast %swap3A_1708 : i32 to index
        %swap3A_1711 = arith.constant 0 : index
        %swap3A_1712 = tpu.vector_load %arg9[%swap3A_1709, %swap3A_1710, %swap3A_1711] {strides = array<i32>} : memref<5x16x32xf32, #tpu.memory_space<vmem>>, vector<1x1x16xf32>,
        %swap3A_1713 = vector.shape_cast %swap3A_1712 : vector<1x1x16xf32> to vector<16xf32>
        %swap3A_1714 = vector.shape_cast %broadcast_in_dim3A_2 : vector<16xf32> to vector<1x1x16xf32>
        tpu.vector_store %arg9[%swap3A_1709, %swap3A_1710, %swap3A_1711], %swap3A_1714 {strides = array<i32>} : memref<5x16x32xf32, #tpu.memory_space<vmem>>, vector<1x1x16xf32>,
        %swap3A_1715 = arith.constant 0 : i32
        %swap3A_1716 = arith.constant 10 : i32
        %swap3A_1717 = arith.index_cast %swap3A_1715 : i32 to index
        %swap3A_1718 = arith.index_cast %swap3A_1716 : i32 to index
        %swap3A_1719 = arith.constant 16 : index
        %swap3A_1720 = tpu.vector_load %arg9[%swap3A_1717, %swap3A_1718, %swap3A_1719] {strides = array<i32>} : memref<5x16x32xf32, #tpu.memory_space<vmem>>, vector<1x1x16xf32>,
        %swap3A_1721 = vector.shape_cast %swap3A_1720 : vector<1x1x16xf32> to vector<16xf32>
        %swap3A_1722 = vector.shape_cast %broadcast_in_dim3A_2 : vector<16xf32> to vector<1x1x16xf32>
        tpu.vector_store %arg9[%swap3A_1717, %swap3A_1718, %swap3A_1719], %swap3A_1722 {strides = array<i32>} : memref<5x16x32xf32, #tpu.memory_space<vmem>>, vector<1x1x16xf32>,
        %swap3A_1723 = arith.constant 0 : i32
        %swap3A_1724 = arith.constant 11 : i32
        %swap3A_1725 = arith.index_cast %swap3A_1723 : i32 to index
        %swap3A_1726 = arith.index_cast %swap3A_1724 : i32 to index
        %swap3A_1727 = arith.constant 0 : index
        %swap3A_1728 = tpu.vector_load %arg9[%swap3A_1725, %swap3A_1726, %swap3A_1727] {strides = array<i32>} : memref<5x16x32xf32, #tpu.memory_space<vmem>>, vector<1x1x16xf32>,
        %swap3A_1729 = vector.shape_cast %swap3A_1728 : vector<1x1x16xf32> to vector<16xf32>
        %swap3A_1730 = vector.shape_cast %broadcast_in_dim3A_2 : vector<16xf32> to vector<1x1x16xf32>
        tpu.vector_store %arg9[%swap3A_1725, %swap3A_1726, %swap3A_1727], %swap3A_1730 {strides = array<i32>} : memref<5x16x32xf32, #tpu.memory_space<vmem>>, vector<1x1x16xf32>,
        %swap3A_1731 = arith.constant 0 : i32
        %swap3A_1732 = arith.constant 11 : i32
        %swap3A_1733 = arith.index_cast %swap3A_1731 : i32 to index
        %swap3A_1734 = arith.index_cast %swap3A_1732 : i32 to index
        %swap3A_1735 = arith.constant 16 : index
        %swap3A_1736 = tpu.vector_load %arg9[%swap3A_1733, %swap3A_1734, %swap3A_1735] {strides = array<i32>} : memref<5x16x32xf32, #tpu.memory_space<vmem>>, vector<1x1x16xf32>,
        %swap3A_1737 = vector.shape_cast %swap3A_1736 : vector<1x1x16xf32> to vector<16xf32>
        %swap3A_1738 = vector.shape_cast %broadcast_in_dim3A_2 : vector<16xf32> to vector<1x1x16xf32>
        tpu.vector_store %arg9[%swap3A_1733, %swap3A_1734, %swap3A_1735], %swap3A_1738 {strides = array<i32>} : memref<5x16x32xf32, #tpu.memory_space<vmem>>, vector<1x1x16xf32>,
        %swap3A_1739 = arith.constant 0 : i32
        %swap3A_1740 = arith.constant 12 : i32
        %swap3A_1741 = arith.index_cast %swap3A_1739 : i32 to index
        %swap3A_1742 = arith.index_cast %swap3A_1740 : i32 to index
        %swap3A_1743 = arith.constant 0 : index
        %swap3A_1744 = tpu.vector_load %arg9[%swap3A_1741, %swap3A_1742, %swap3A_1743] {strides = array<i32>} : memref<5x16x32xf32, #tpu.memory_space<vmem>>, vector<1x1x16xf32>,
        %swap3A_1745 = vector.shape_cast %swap3A_1744 : vector<1x1x16xf32> to vector<16xf32>
        %swap3A_1746 = vector.shape_cast %broadcast_in_dim3A_2 : vector<16xf32> to vector<1x1x16xf32>
        tpu.vector_store %arg9[%swap3A_1741, %swap3A_1742, %swap3A_1743], %swap3A_1746 {strides = array<i32>} : memref<5x16x32xf32, #tpu.memory_space<vmem>>, vector<1x1x16xf32>,
        %swap3A_1747 = arith.constant 0 : i32
        %swap3A_1748 = arith.constant 12 : i32
        %swap3A_1749 = arith.index_cast %swap3A_1747 : i32 to index
        %swap3A_1750 = arith.index_cast %swap3A_1748 : i32 to index
        %swap3A_1751 = arith.constant 16 : index
        %swap3A_1752 = tpu.vector_load %arg9[%swap3A_1749, %swap3A_1750, %swap3A_1751] {strides = array<i32>} : memref<5x16x32xf32, #tpu.memory_space<vmem>>, vector<1x1x16xf32>,
        %swap3A_1753 = vector.shape_cast %swap3A_1752 : vector<1x1x16xf32> to vector<16xf32>
        %swap3A_1754 = vector.shape_cast %broadcast_in_dim3A_2 : vector<16xf32> to vector<1x1x16xf32>
        tpu.vector_store %arg9[%swap3A_1749, %swap3A_1750, %swap3A_1751], %swap3A_1754 {strides = array<i32>} : memref<5x16x32xf32, #tpu.memory_space<vmem>>, vector<1x1x16xf32>,
        %swap3A_1755 = arith.constant 0 : i32
        %swap3A_1756 = arith.constant 13 : i32
        %swap3A_1757 = arith.index_cast %swap3A_1755 : i32 to index
        %swap3A_1758 = arith.index_cast %swap3A_1756 : i32 to index
        %swap3A_1759 = arith.constant 0 : index
        %swap3A_1760 = tpu.vector_load %arg9[%swap3A_1757, %swap3A_1758, %swap3A_1759] {strides = array<i32>} : memref<5x16x32xf32, #tpu.memory_space<vmem>>, vector<1x1x16xf32>,
        %swap3A_1761 = vector.shape_cast %swap3A_1760 : vector<1x1x16xf32> to vector<16xf32>
        %swap3A_1762 = vector.shape_cast %broadcast_in_dim3A_2 : vector<16xf32> to vector<1x1x16xf32>
        tpu.vector_store %arg9[%swap3A_1757, %swap3A_1758, %swap3A_1759], %swap3A_1762 {strides = array<i32>} : memref<5x16x32xf32, #tpu.memory_space<vmem>>, vector<1x1x16xf32>,
        %swap3A_1763 = arith.constant 0 : i32
        %swap3A_1764 = arith.constant 13 : i32
        %swap3A_1765 = arith.index_cast %swap3A_1763 : i32 to index
        %swap3A_1766 = arith.index_cast %swap3A_1764 : i32 to index
        %swap3A_1767 = arith.constant 16 : index
        %swap3A_1768 = tpu.vector_load %arg9[%swap3A_1765, %swap3A_1766, %swap3A_1767] {strides = array<i32>} : memref<5x16x32xf32, #tpu.memory_space<vmem>>, vector<1x1x16xf32>,
        %swap3A_1769 = vector.shape_cast %swap3A_1768 : vector<1x1x16xf32> to vector<16xf32>
        %swap3A_1770 = vector.shape_cast %broadcast_in_dim3A_2 : vector<16xf32> to vector<1x1x16xf32>
        tpu.vector_store %arg9[%swap3A_1765, %swap3A_1766, %swap3A_1767], %swap3A_1770 {strides = array<i32>} : memref<5x16x32xf32, #tpu.memory_space<vmem>>, vector<1x1x16xf32>,
        %swap3A_1771 = arith.constant 0 : i32
        %swap3A_1772 = arith.constant 14 : i32
        %swap3A_1773 = arith.index_cast %swap3A_1771 : i32 to index
        %swap3A_1774 = arith.index_cast %swap3A_1772 : i32 to index
        %swap3A_1775 = arith.constant 0 : index
        %swap3A_1776 = tpu.vector_load %arg9[%swap3A_1773, %swap3A_1774, %swap3A_1775] {strides = array<i32>} : memref<5x16x32xf32, #tpu.memory_space<vmem>>, vector<1x1x16xf32>,
        %swap3A_1777 = vector.shape_cast %swap3A_1776 : vector<1x1x16xf32> to vector<16xf32>
        %swap3A_1778 = vector.shape_cast %broadcast_in_dim3A_2 : vector<16xf32> to vector<1x1x16xf32>
        tpu.vector_store %arg9[%swap3A_1773, %swap3A_1774, %swap3A_1775], %swap3A_1778 {strides = array<i32>} : memref<5x16x32xf32, #tpu.memory_space<vmem>>, vector<1x1x16xf32>,
        %swap3A_1779 = arith.constant 0 : i32
        %swap3A_1780 = arith.constant 14 : i32
        %swap3A_1781 = arith.index_cast %swap3A_1779 : i32 to index
        %swap3A_1782 = arith.index_cast %swap3A_1780 : i32 to index
        %swap3A_1783 = arith.constant 16 : index
        %swap3A_1784 = tpu.vector_load %arg9[%swap3A_1781, %swap3A_1782, %swap3A_1783] {strides = array<i32>} : memref<5x16x32xf32, #tpu.memory_space<vmem>>, vector<1x1x16xf32>,
        %swap3A_1785 = vector.shape_cast %swap3A_1784 : vector<1x1x16xf32> to vector<16xf32>
        %swap3A_1786 = vector.shape_cast %broadcast_in_dim3A_2 : vector<16xf32> to vector<1x1x16xf32>
        tpu.vector_store %arg9[%swap3A_1781, %swap3A_1782, %swap3A_1783], %swap3A_1786 {strides = array<i32>} : memref<5x16x32xf32, #tpu.memory_space<vmem>>, vector<1x1x16xf32>,
        %swap3A_1787 = arith.constant 0 : i32
        %swap3A_1788 = arith.constant 15 : i32
        %swap3A_1789 = arith.index_cast %swap3A_1787 : i32 to index
        %swap3A_1790 = arith.index_cast %swap3A_1788 : i32 to index
        %swap3A_1791 = arith.constant 0 : index
        %swap3A_1792 = tpu.vector_load %arg9[%swap3A_1789, %swap3A_1790, %swap3A_1791] {strides = array<i32>} : memref<5x16x32xf32, #tpu.memory_space<vmem>>, vector<1x1x16xf32>,
        %swap3A_1793 = vector.shape_cast %swap3A_1792 : vector<1x1x16xf32> to vector<16xf32>
        %swap3A_1794 = vector.shape_cast %broadcast_in_dim3A_2 : vector<16xf32> to vector<1x1x16xf32>
        tpu.vector_store %arg9[%swap3A_1789, %swap3A_1790, %swap3A_1791], %swap3A_1794 {strides = array<i32>} : memref<5x16x32xf32, #tpu.memory_space<vmem>>, vector<1x1x16xf32>,
        %swap3A_1795 = arith.constant 0 : i32
        %swap3A_1796 = arith.constant 15 : i32
        %swap3A_1797 = arith.index_cast %swap3A_1795 : i32 to index
        %swap3A_1798 = arith.index_cast %swap3A_1796 : i32 to index
        %swap3A_1799 = arith.constant 16 : index
        %swap3A_1800 = tpu.vector_load %arg9[%swap3A_1797, %swap3A_1798, %swap3A_1799] {strides = array<i32>} : memref<5x16x32xf32, #tpu.memory_space<vmem>>, vector<1x1x16xf32>,
        %swap3A_1801 = vector.shape_cast %swap3A_1800 : vector<1x1x16xf32> to vector<16xf32>
        %swap3A_1802 = vector.shape_cast %broadcast_in_dim3A_2 : vector<16xf32> to vector<1x1x16xf32>
        tpu.vector_store %arg9[%swap3A_1797, %swap3A_1798, %swap3A_1799], %swap3A_1802 {strides = array<i32>} : memref<5x16x32xf32, #tpu.memory_space<vmem>>, vector<1x1x16xf32>,
        %swap3A_1803 = arith.constant 1 : i32
        %swap3A_1804 = arith.constant 8 : i32
        %swap3A_1805 = arith.index_cast %swap3A_1803 : i32 to index
        %swap3A_1806 = arith.index_cast %swap3A_1804 : i32 to index
        %swap3A_1807 = arith.constant 0 : index
        %swap3A_1808 = tpu.vector_load %arg9[%swap3A_1805, %swap3A_1806, %swap3A_1807] {strides = array<i32>} : memref<5x16x32xf32, #tpu.memory_space<vmem>>, vector<1x1x16xf32>,
        %swap3A_1809 = vector.shape_cast %swap3A_1808 : vector<1x1x16xf32> to vector<16xf32>
        %swap3A_1810 = vector.shape_cast %broadcast_in_dim3A_2 : vector<16xf32> to vector<1x1x16xf32>
        tpu.vector_store %arg9[%swap3A_1805, %swap3A_1806, %swap3A_1807], %swap3A_1810 {strides = array<i32>} : memref<5x16x32xf32, #tpu.memory_space<vmem>>, vector<1x1x16xf32>,
        %swap3A_1811 = arith.constant 1 : i32
        %swap3A_1812 = arith.constant 8 : i32
        %swap3A_1813 = arith.index_cast %swap3A_1811 : i32 to index
        %swap3A_1814 = arith.index_cast %swap3A_1812 : i32 to index
        %swap3A_1815 = arith.constant 16 : index
        %swap3A_1816 = tpu.vector_load %arg9[%swap3A_1813, %swap3A_1814, %swap3A_1815] {strides = array<i32>} : memref<5x16x32xf32, #tpu.memory_space<vmem>>, vector<1x1x16xf32>,
        %swap3A_1817 = vector.shape_cast %swap3A_1816 : vector<1x1x16xf32> to vector<16xf32>
        %swap3A_1818 = vector.shape_cast %broadcast_in_dim3A_2 : vector<16xf32> to vector<1x1x16xf32>
        tpu.vector_store %arg9[%swap3A_1813, %swap3A_1814, %swap3A_1815], %swap3A_1818 {strides = array<i32>} : memref<5x16x32xf32, #tpu.memory_space<vmem>>, vector<1x1x16xf32>,
        %swap3A_1819 = arith.constant 1 : i32
        %swap3A_1820 = arith.constant 9 : i32
        %swap3A_1821 = arith.index_cast %swap3A_1819 : i32 to index
        %swap3A_1822 = arith.index_cast %swap3A_1820 : i32 to index
        %swap3A_1823 = arith.constant 0 : index
        %swap3A_1824 = tpu.vector_load %arg9[%swap3A_1821, %swap3A_1822, %swap3A_1823] {strides = array<i32>} : memref<5x16x32xf32, #tpu.memory_space<vmem>>, vector<1x1x16xf32>,
        %swap3A_1825 = vector.shape_cast %swap3A_1824 : vector<1x1x16xf32> to vector<16xf32>
        %swap3A_1826 = vector.shape_cast %broadcast_in_dim3A_2 : vector<16xf32> to vector<1x1x16xf32>
        tpu.vector_store %arg9[%swap3A_1821, %swap3A_1822, %swap3A_1823], %swap3A_1826 {strides = array<i32>} : memref<5x16x32xf32, #tpu.memory_space<vmem>>, vector<1x1x16xf32>,
        %swap3A_1827 = arith.constant 1 : i32
        %swap3A_1828 = arith.constant 9 : i32
        %swap3A_1829 = arith.index_cast %swap3A_1827 : i32 to index
        %swap3A_1830 = arith.index_cast %swap3A_1828 : i32 to index
        %swap3A_1831 = arith.constant 16 : index
        %swap3A_1832 = tpu.vector_load %arg9[%swap3A_1829, %swap3A_1830, %swap3A_1831] {strides = array<i32>} : memref<5x16x32xf32, #tpu.memory_space<vmem>>, vector<1x1x16xf32>,
        %swap3A_1833 = vector.shape_cast %swap3A_1832 : vector<1x1x16xf32> to vector<16xf32>
        %swap3A_1834 = vector.shape_cast %broadcast_in_dim3A_2 : vector<16xf32> to vector<1x1x16xf32>
        tpu.vector_store %arg9[%swap3A_1829, %swap3A_1830, %swap3A_1831], %swap3A_1834 {strides = array<i32>} : memref<5x16x32xf32, #tpu.memory_space<vmem>>, vector<1x1x16xf32>,
        %swap3A_1835 = arith.constant 1 : i32
        %swap3A_1836 = arith.constant 10 : i32
        %swap3A_1837 = arith.index_cast %swap3A_1835 : i32 to index
        %swap3A_1838 = arith.index_cast %swap3A_1836 : i32 to index
        %swap3A_1839 = arith.constant 0 : index
        %swap3A_1840 = tpu.vector_load %arg9[%swap3A_1837, %swap3A_1838, %swap3A_1839] {strides = array<i32>} : memref<5x16x32xf32, #tpu.memory_space<vmem>>, vector<1x1x16xf32>,
        %swap3A_1841 = vector.shape_cast %swap3A_1840 : vector<1x1x16xf32> to vector<16xf32>
        %swap3A_1842 = vector.shape_cast %broadcast_in_dim3A_2 : vector<16xf32> to vector<1x1x16xf32>
        tpu.vector_store %arg9[%swap3A_1837, %swap3A_1838, %swap3A_1839], %swap3A_1842 {strides = array<i32>} : memref<5x16x32xf32, #tpu.memory_space<vmem>>, vector<1x1x16xf32>,
        %swap3A_1843 = arith.constant 1 : i32
        %swap3A_1844 = arith.constant 10 : i32
        %swap3A_1845 = arith.index_cast %swap3A_1843 : i32 to index
        %swap3A_1846 = arith.index_cast %swap3A_1844 : i32 to index
        %swap3A_1847 = arith.constant 16 : index
        %swap3A_1848 = tpu.vector_load %arg9[%swap3A_1845, %swap3A_1846, %swap3A_1847] {strides = array<i32>} : memref<5x16x32xf32, #tpu.memory_space<vmem>>, vector<1x1x16xf32>,
        %swap3A_1849 = vector.shape_cast %swap3A_1848 : vector<1x1x16xf32> to vector<16xf32>
        %swap3A_1850 = vector.shape_cast %broadcast_in_dim3A_2 : vector<16xf32> to vector<1x1x16xf32>
        tpu.vector_store %arg9[%swap3A_1845, %swap3A_1846, %swap3A_1847], %swap3A_1850 {strides = array<i32>} : memref<5x16x32xf32, #tpu.memory_space<vmem>>, vector<1x1x16xf32>,
        %swap3A_1851 = arith.constant 1 : i32
        %swap3A_1852 = arith.constant 11 : i32
        %swap3A_1853 = arith.index_cast %swap3A_1851 : i32 to index
        %swap3A_1854 = arith.index_cast %swap3A_1852 : i32 to index
        %swap3A_1855 = arith.constant 0 : index
        %swap3A_1856 = tpu.vector_load %arg9[%swap3A_1853, %swap3A_1854, %swap3A_1855] {strides = array<i32>} : memref<5x16x32xf32, #tpu.memory_space<vmem>>, vector<1x1x16xf32>,
        %swap3A_1857 = vector.shape_cast %swap3A_1856 : vector<1x1x16xf32> to vector<16xf32>
        %swap3A_1858 = vector.shape_cast %broadcast_in_dim3A_2 : vector<16xf32> to vector<1x1x16xf32>
        tpu.vector_store %arg9[%swap3A_1853, %swap3A_1854, %swap3A_1855], %swap3A_1858 {strides = array<i32>} : memref<5x16x32xf32, #tpu.memory_space<vmem>>, vector<1x1x16xf32>,
        %swap3A_1859 = arith.constant 1 : i32
        %swap3A_1860 = arith.constant 11 : i32
        %swap3A_1861 = arith.index_cast %swap3A_1859 : i32 to index
        %swap3A_1862 = arith.index_cast %swap3A_1860 : i32 to index
        %swap3A_1863 = arith.constant 16 : index
        %swap3A_1864 = tpu.vector_load %arg9[%swap3A_1861, %swap3A_1862, %swap3A_1863] {strides = array<i32>} : memref<5x16x32xf32, #tpu.memory_space<vmem>>, vector<1x1x16xf32>,
        %swap3A_1865 = vector.shape_cast %swap3A_1864 : vector<1x1x16xf32> to vector<16xf32>
        %swap3A_1866 = vector.shape_cast %broadcast_in_dim3A_2 : vector<16xf32> to vector<1x1x16xf32>
        tpu.vector_store %arg9[%swap3A_1861, %swap3A_1862, %swap3A_1863], %swap3A_1866 {strides = array<i32>} : memref<5x16x32xf32, #tpu.memory_space<vmem>>, vector<1x1x16xf32>,
        %swap3A_1867 = arith.constant 1 : i32
        %swap3A_1868 = arith.constant 12 : i32
        %swap3A_1869 = arith.index_cast %swap3A_1867 : i32 to index
        %swap3A_1870 = arith.index_cast %swap3A_1868 : i32 to index
        %swap3A_1871 = arith.constant 0 : index
        %swap3A_1872 = tpu.vector_load %arg9[%swap3A_1869, %swap3A_1870, %swap3A_1871] {strides = array<i32>} : memref<5x16x32xf32, #tpu.memory_space<vmem>>, vector<1x1x16xf32>,
        %swap3A_1873 = vector.shape_cast %swap3A_1872 : vector<1x1x16xf32> to vector<16xf32>
        %swap3A_1874 = vector.shape_cast %broadcast_in_dim3A_2 : vector<16xf32> to vector<1x1x16xf32>
        tpu.vector_store %arg9[%swap3A_1869, %swap3A_1870, %swap3A_1871], %swap3A_1874 {strides = array<i32>} : memref<5x16x32xf32, #tpu.memory_space<vmem>>, vector<1x1x16xf32>,
        %swap3A_1875 = arith.constant 1 : i32
        %swap3A_1876 = arith.constant 12 : i32
        %swap3A_1877 = arith.index_cast %swap3A_1875 : i32 to index
        %swap3A_1878 = arith.index_cast %swap3A_1876 : i32 to index
        %swap3A_1879 = arith.constant 16 : index
        %swap3A_1880 = tpu.vector_load %arg9[%swap3A_1877, %swap3A_1878, %swap3A_1879] {strides = array<i32>} : memref<5x16x32xf32, #tpu.memory_space<vmem>>, vector<1x1x16xf32>,
        %swap3A_1881 = vector.shape_cast %swap3A_1880 : vector<1x1x16xf32> to vector<16xf32>
        %swap3A_1882 = vector.shape_cast %broadcast_in_dim3A_2 : vector<16xf32> to vector<1x1x16xf32>
        tpu.vector_store %arg9[%swap3A_1877, %swap3A_1878, %swap3A_1879], %swap3A_1882 {strides = array<i32>} : memref<5x16x32xf32, #tpu.memory_space<vmem>>, vector<1x1x16xf32>,
        %swap3A_1883 = arith.constant 1 : i32
        %swap3A_1884 = arith.constant 13 : i32
        %swap3A_1885 = arith.index_cast %swap3A_1883 : i32 to index
        %swap3A_1886 = arith.index_cast %swap3A_1884 : i32 to index
        %swap3A_1887 = arith.constant 0 : index
        %swap3A_1888 = tpu.vector_load %arg9[%swap3A_1885, %swap3A_1886, %swap3A_1887] {strides = array<i32>} : memref<5x16x32xf32, #tpu.memory_space<vmem>>, vector<1x1x16xf32>,
        %swap3A_1889 = vector.shape_cast %swap3A_1888 : vector<1x1x16xf32> to vector<16xf32>
        %swap3A_1890 = vector.shape_cast %broadcast_in_dim3A_2 : vector<16xf32> to vector<1x1x16xf32>
        tpu.vector_store %arg9[%swap3A_1885, %swap3A_1886, %swap3A_1887], %swap3A_1890 {strides = array<i32>} : memref<5x16x32xf32, #tpu.memory_space<vmem>>, vector<1x1x16xf32>,
        %swap3A_1891 = arith.constant 1 : i32
        %swap3A_1892 = arith.constant 13 : i32
        %swap3A_1893 = arith.index_cast %swap3A_1891 : i32 to index
        %swap3A_1894 = arith.index_cast %swap3A_1892 : i32 to index
        %swap3A_1895 = arith.constant 16 : index
        %swap3A_1896 = tpu.vector_load %arg9[%swap3A_1893, %swap3A_1894, %swap3A_1895] {strides = array<i32>} : memref<5x16x32xf32, #tpu.memory_space<vmem>>, vector<1x1x16xf32>,
        %swap3A_1897 = vector.shape_cast %swap3A_1896 : vector<1x1x16xf32> to vector<16xf32>
        %swap3A_1898 = vector.shape_cast %broadcast_in_dim3A_2 : vector<16xf32> to vector<1x1x16xf32>
        tpu.vector_store %arg9[%swap3A_1893, %swap3A_1894, %swap3A_1895], %swap3A_1898 {strides = array<i32>} : memref<5x16x32xf32, #tpu.memory_space<vmem>>, vector<1x1x16xf32>,
        %swap3A_1899 = arith.constant 1 : i32
        %swap3A_1900 = arith.constant 14 : i32
        %swap3A_1901 = arith.index_cast %swap3A_1899 : i32 to index
        %swap3A_1902 = arith.index_cast %swap3A_1900 : i32 to index
        %swap3A_1903 = arith.constant 0 : index
        %swap3A_1904 = tpu.vector_load %arg9[%swap3A_1901, %swap3A_1902, %swap3A_1903] {strides = array<i32>} : memref<5x16x32xf32, #tpu.memory_space<vmem>>, vector<1x1x16xf32>,
        %swap3A_1905 = vector.shape_cast %swap3A_1904 : vector<1x1x16xf32> to vector<16xf32>
        %swap3A_1906 = vector.shape_cast %broadcast_in_dim3A_2 : vector<16xf32> to vector<1x1x16xf32>
        tpu.vector_store %arg9[%swap3A_1901, %swap3A_1902, %swap3A_1903], %swap3A_1906 {strides = array<i32>} : memref<5x16x32xf32, #tpu.memory_space<vmem>>, vector<1x1x16xf32>,
        %swap3A_1907 = arith.constant 1 : i32
        %swap3A_1908 = arith.constant 14 : i32
        %swap3A_1909 = arith.index_cast %swap3A_1907 : i32 to index
        %swap3A_1910 = arith.index_cast %swap3A_1908 : i32 to index
        %swap3A_1911 = arith.constant 16 : index
        %swap3A_1912 = tpu.vector_load %arg9[%swap3A_1909, %swap3A_1910, %swap3A_1911] {strides = array<i32>} : memref<5x16x32xf32, #tpu.memory_space<vmem>>, vector<1x1x16xf32>,
        %swap3A_1913 = vector.shape_cast %swap3A_1912 : vector<1x1x16xf32> to vector<16xf32>
        %swap3A_1914 = vector.shape_cast %broadcast_in_dim3A_2 : vector<16xf32> to vector<1x1x16xf32>
        tpu.vector_store %arg9[%swap3A_1909, %swap3A_1910, %swap3A_1911], %swap3A_1914 {strides = array<i32>} : memref<5x16x32xf32, #tpu.memory_space<vmem>>, vector<1x1x16xf32>,
        %swap3A_1915 = arith.constant 1 : i32
        %swap3A_1916 = arith.constant 15 : i32
        %swap3A_1917 = arith.index_cast %swap3A_1915 : i32 to index
        %swap3A_1918 = arith.index_cast %swap3A_1916 : i32 to index
        %swap3A_1919 = arith.constant 0 : index
        %swap3A_1920 = tpu.vector_load %arg9[%swap3A_1917, %swap3A_1918, %swap3A_1919] {strides = array<i32>} : memref<5x16x32xf32, #tpu.memory_space<vmem>>, vector<1x1x16xf32>,
        %swap3A_1921 = vector.shape_cast %swap3A_1920 : vector<1x1x16xf32> to vector<16xf32>
        %swap3A_1922 = vector.shape_cast %broadcast_in_dim3A_2 : vector<16xf32> to vector<1x1x16xf32>
        tpu.vector_store %arg9[%swap3A_1917, %swap3A_1918, %swap3A_1919], %swap3A_1922 {strides = array<i32>} : memref<5x16x32xf32, #tpu.memory_space<vmem>>, vector<1x1x16xf32>,
        %swap3A_1923 = arith.constant 1 : i32
        %swap3A_1924 = arith.constant 15 : i32
        %swap3A_1925 = arith.index_cast %swap3A_1923 : i32 to index
        %swap3A_1926 = arith.index_cast %swap3A_1924 : i32 to index
        %swap3A_1927 = arith.constant 16 : index
        %swap3A_1928 = tpu.vector_load %arg9[%swap3A_1925, %swap3A_1926, %swap3A_1927] {strides = array<i32>} : memref<5x16x32xf32, #tpu.memory_space<vmem>>, vector<1x1x16xf32>,
        %swap3A_1929 = vector.shape_cast %swap3A_1928 : vector<1x1x16xf32> to vector<16xf32>
        %swap3A_1930 = vector.shape_cast %broadcast_in_dim3A_2 : vector<16xf32> to vector<1x1x16xf32>
        tpu.vector_store %arg9[%swap3A_1925, %swap3A_1926, %swap3A_1927], %swap3A_1930 {strides = array<i32>} : memref<5x16x32xf32, #tpu.memory_space<vmem>>, vector<1x1x16xf32>,
        %swap3A_1931 = arith.constant 2 : i32
        %swap3A_1932 = arith.constant 8 : i32
        %swap3A_1933 = arith.index_cast %swap3A_1931 : i32 to index
        %swap3A_1934 = arith.index_cast %swap3A_1932 : i32 to index
        %swap3A_1935 = arith.constant 0 : index
        %swap3A_1936 = tpu.vector_load %arg9[%swap3A_1933, %swap3A_1934, %swap3A_1935] {strides = array<i32>} : memref<5x16x32xf32, #tpu.memory_space<vmem>>, vector<1x1x16xf32>,
        %swap3A_1937 = vector.shape_cast %swap3A_1936 : vector<1x1x16xf32> to vector<16xf32>
        %swap3A_1938 = vector.shape_cast %broadcast_in_dim3A_2 : vector<16xf32> to vector<1x1x16xf32>
        tpu.vector_store %arg9[%swap3A_1933, %swap3A_1934, %swap3A_1935], %swap3A_1938 {strides = array<i32>} : memref<5x16x32xf32, #tpu.memory_space<vmem>>, vector<1x1x16xf32>,
        %swap3A_1939 = arith.constant 2 : i32
        %swap3A_1940 = arith.constant 8 : i32
        %swap3A_1941 = arith.index_cast %swap3A_1939 : i32 to index
        %swap3A_1942 = arith.index_cast %swap3A_1940 : i32 to index
        %swap3A_1943 = arith.constant 16 : index
        %swap3A_1944 = tpu.vector_load %arg9[%swap3A_1941, %swap3A_1942, %swap3A_1943] {strides = array<i32>} : memref<5x16x32xf32, #tpu.memory_space<vmem>>, vector<1x1x16xf32>,
        %swap3A_1945 = vector.shape_cast %swap3A_1944 : vector<1x1x16xf32> to vector<16xf32>
        %swap3A_1946 = vector.shape_cast %broadcast_in_dim3A_2 : vector<16xf32> to vector<1x1x16xf32>
        tpu.vector_store %arg9[%swap3A_1941, %swap3A_1942, %swap3A_1943], %swap3A_1946 {strides = array<i32>} : memref<5x16x32xf32, #tpu.memory_space<vmem>>, vector<1x1x16xf32>,
        %swap3A_1947 = arith.constant 2 : i32
        %swap3A_1948 = arith.constant 9 : i32
        %swap3A_1949 = arith.index_cast %swap3A_1947 : i32 to index
        %swap3A_1950 = arith.index_cast %swap3A_1948 : i32 to index
        %swap3A_1951 = arith.constant 0 : index
        %swap3A_1952 = tpu.vector_load %arg9[%swap3A_1949, %swap3A_1950, %swap3A_1951] {strides = array<i32>} : memref<5x16x32xf32, #tpu.memory_space<vmem>>, vector<1x1x16xf32>,
        %swap3A_1953 = vector.shape_cast %swap3A_1952 : vector<1x1x16xf32> to vector<16xf32>
        %swap3A_1954 = vector.shape_cast %broadcast_in_dim3A_2 : vector<16xf32> to vector<1x1x16xf32>
        tpu.vector_store %arg9[%swap3A_1949, %swap3A_1950, %swap3A_1951], %swap3A_1954 {strides = array<i32>} : memref<5x16x32xf32, #tpu.memory_space<vmem>>, vector<1x1x16xf32>,
        %swap3A_1955 = arith.constant 2 : i32
        %swap3A_1956 = arith.constant 9 : i32
        %swap3A_1957 = arith.index_cast %swap3A_1955 : i32 to index
        %swap3A_1958 = arith.index_cast %swap3A_1956 : i32 to index
        %swap3A_1959 = arith.constant 16 : index
        %swap3A_1960 = tpu.vector_load %arg9[%swap3A_1957, %swap3A_1958, %swap3A_1959] {strides = array<i32>} : memref<5x16x32xf32, #tpu.memory_space<vmem>>, vector<1x1x16xf32>,
        %swap3A_1961 = vector.shape_cast %swap3A_1960 : vector<1x1x16xf32> to vector<16xf32>
        %swap3A_1962 = vector.shape_cast %broadcast_in_dim3A_2 : vector<16xf32> to vector<1x1x16xf32>
        tpu.vector_store %arg9[%swap3A_1957, %swap3A_1958, %swap3A_1959], %swap3A_1962 {strides = array<i32>} : memref<5x16x32xf32, #tpu.memory_space<vmem>>, vector<1x1x16xf32>,
        %swap3A_1963 = arith.constant 2 : i32
        %swap3A_1964 = arith.constant 10 : i32
        %swap3A_1965 = arith.index_cast %swap3A_1963 : i32 to index
        %swap3A_1966 = arith.index_cast %swap3A_1964 : i32 to index
        %swap3A_1967 = arith.constant 0 : index
        %swap3A_1968 = tpu.vector_load %arg9[%swap3A_1965, %swap3A_1966, %swap3A_1967] {strides = array<i32>} : memref<5x16x32xf32, #tpu.memory_space<vmem>>, vector<1x1x16xf32>,
        %swap3A_1969 = vector.shape_cast %swap3A_1968 : vector<1x1x16xf32> to vector<16xf32>
        %swap3A_1970 = vector.shape_cast %broadcast_in_dim3A_2 : vector<16xf32> to vector<1x1x16xf32>
        tpu.vector_store %arg9[%swap3A_1965, %swap3A_1966, %swap3A_1967], %swap3A_1970 {strides = array<i32>} : memref<5x16x32xf32, #tpu.memory_space<vmem>>, vector<1x1x16xf32>,
        %swap3A_1971 = arith.constant 2 : i32
        %swap3A_1972 = arith.constant 10 : i32
        %swap3A_1973 = arith.index_cast %swap3A_1971 : i32 to index
        %swap3A_1974 = arith.index_cast %swap3A_1972 : i32 to index
        %swap3A_1975 = arith.constant 16 : index
        %swap3A_1976 = tpu.vector_load %arg9[%swap3A_1973, %swap3A_1974, %swap3A_1975] {strides = array<i32>} : memref<5x16x32xf32, #tpu.memory_space<vmem>>, vector<1x1x16xf32>,
        %swap3A_1977 = vector.shape_cast %swap3A_1976 : vector<1x1x16xf32> to vector<16xf32>
        %swap3A_1978 = vector.shape_cast %broadcast_in_dim3A_2 : vector<16xf32> to vector<1x1x16xf32>
        tpu.vector_store %arg9[%swap3A_1973, %swap3A_1974, %swap3A_1975], %swap3A_1978 {strides = array<i32>} : memref<5x16x32xf32, #tpu.memory_space<vmem>>, vector<1x1x16xf32>,
        %swap3A_1979 = arith.constant 2 : i32
        %swap3A_1980 = arith.constant 11 : i32
        %swap3A_1981 = arith.index_cast %swap3A_1979 : i32 to index
        %swap3A_1982 = arith.index_cast %swap3A_1980 : i32 to index
        %swap3A_1983 = arith.constant 0 : index
        %swap3A_1984 = tpu.vector_load %arg9[%swap3A_1981, %swap3A_1982, %swap3A_1983] {strides = array<i32>} : memref<5x16x32xf32, #tpu.memory_space<vmem>>, vector<1x1x16xf32>,
        %swap3A_1985 = vector.shape_cast %swap3A_1984 : vector<1x1x16xf32> to vector<16xf32>
        %swap3A_1986 = vector.shape_cast %broadcast_in_dim3A_2 : vector<16xf32> to vector<1x1x16xf32>
        tpu.vector_store %arg9[%swap3A_1981, %swap3A_1982, %swap3A_1983], %swap3A_1986 {strides = array<i32>} : memref<5x16x32xf32, #tpu.memory_space<vmem>>, vector<1x1x16xf32>,
        %swap3A_1987 = arith.constant 2 : i32
        %swap3A_1988 = arith.constant 11 : i32
        %swap3A_1989 = arith.index_cast %swap3A_1987 : i32 to index
        %swap3A_1990 = arith.index_cast %swap3A_1988 : i32 to index
        %swap3A_1991 = arith.constant 16 : index
        %swap3A_1992 = tpu.vector_load %arg9[%swap3A_1989, %swap3A_1990, %swap3A_1991] {strides = array<i32>} : memref<5x16x32xf32, #tpu.memory_space<vmem>>, vector<1x1x16xf32>,
        %swap3A_1993 = vector.shape_cast %swap3A_1992 : vector<1x1x16xf32> to vector<16xf32>
        %swap3A_1994 = vector.shape_cast %broadcast_in_dim3A_2 : vector<16xf32> to vector<1x1x16xf32>
        tpu.vector_store %arg9[%swap3A_1989, %swap3A_1990, %swap3A_1991], %swap3A_1994 {strides = array<i32>} : memref<5x16x32xf32, #tpu.memory_space<vmem>>, vector<1x1x16xf32>,
        %swap3A_1995 = arith.constant 2 : i32
        %swap3A_1996 = arith.constant 12 : i32
        %swap3A_1997 = arith.index_cast %swap3A_1995 : i32 to index
        %swap3A_1998 = arith.index_cast %swap3A_1996 : i32 to index
        %swap3A_1999 = arith.constant 0 : index
        %swap3A_2000 = tpu.vector_load %arg9[%swap3A_1997, %swap3A_1998, %swap3A_1999] {strides = array<i32>} : memref<5x16x32xf32, #tpu.memory_space<vmem>>, vector<1x1x16xf32>,
        %swap3A_2001 = vector.shape_cast %swap3A_2000 : vector<1x1x16xf32> to vector<16xf32>
        %swap3A_2002 = vector.shape_cast %broadcast_in_dim3A_2 : vector<16xf32> to vector<1x1x16xf32>
        tpu.vector_store %arg9[%swap3A_1997, %swap3A_1998, %swap3A_1999], %swap3A_2002 {strides = array<i32>} : memref<5x16x32xf32, #tpu.memory_space<vmem>>, vector<1x1x16xf32>,
        %swap3A_2003 = arith.constant 2 : i32
        %swap3A_2004 = arith.constant 12 : i32
        %swap3A_2005 = arith.index_cast %swap3A_2003 : i32 to index
        %swap3A_2006 = arith.index_cast %swap3A_2004 : i32 to index
        %swap3A_2007 = arith.constant 16 : index
        %swap3A_2008 = tpu.vector_load %arg9[%swap3A_2005, %swap3A_2006, %swap3A_2007] {strides = array<i32>} : memref<5x16x32xf32, #tpu.memory_space<vmem>>, vector<1x1x16xf32>,
        %swap3A_2009 = vector.shape_cast %swap3A_2008 : vector<1x1x16xf32> to vector<16xf32>
        %swap3A_2010 = vector.shape_cast %broadcast_in_dim3A_2 : vector<16xf32> to vector<1x1x16xf32>
        tpu.vector_store %arg9[%swap3A_2005, %swap3A_2006, %swap3A_2007], %swap3A_2010 {strides = array<i32>} : memref<5x16x32xf32, #tpu.memory_space<vmem>>, vector<1x1x16xf32>,
        %swap3A_2011 = arith.constant 2 : i32
        %swap3A_2012 = arith.constant 13 : i32
        %swap3A_2013 = arith.index_cast %swap3A_2011 : i32 to index
        %swap3A_2014 = arith.index_cast %swap3A_2012 : i32 to index
        %swap3A_2015 = arith.constant 0 : index
        %swap3A_2016 = tpu.vector_load %arg9[%swap3A_2013, %swap3A_2014, %swap3A_2015] {strides = array<i32>} : memref<5x16x32xf32, #tpu.memory_space<vmem>>, vector<1x1x16xf32>,
        %swap3A_2017 = vector.shape_cast %swap3A_2016 : vector<1x1x16xf32> to vector<16xf32>
        %swap3A_2018 = vector.shape_cast %broadcast_in_dim3A_2 : vector<16xf32> to vector<1x1x16xf32>
        tpu.vector_store %arg9[%swap3A_2013, %swap3A_2014, %swap3A_2015], %swap3A_2018 {strides = array<i32>} : memref<5x16x32xf32, #tpu.memory_space<vmem>>, vector<1x1x16xf32>,
        %swap3A_2019 = arith.constant 2 : i32
        %swap3A_2020 = arith.constant 13 : i32
        %swap3A_2021 = arith.index_cast %swap3A_2019 : i32 to index
        %swap3A_2022 = arith.index_cast %swap3A_2020 : i32 to index
        %swap3A_2023 = arith.constant 16 : index
        %swap3A_2024 = tpu.vector_load %arg9[%swap3A_2021, %swap3A_2022, %swap3A_2023] {strides = array<i32>} : memref<5x16x32xf32, #tpu.memory_space<vmem>>, vector<1x1x16xf32>,
        %swap3A_2025 = vector.shape_cast %swap3A_2024 : vector<1x1x16xf32> to vector<16xf32>
        %swap3A_2026 = vector.shape_cast %broadcast_in_dim3A_2 : vector<16xf32> to vector<1x1x16xf32>
        tpu.vector_store %arg9[%swap3A_2021, %swap3A_2022, %swap3A_2023], %swap3A_2026 {strides = array<i32>} : memref<5x16x32xf32, #tpu.memory_space<vmem>>, vector<1x1x16xf32>,
        %swap3A_2027 = arith.constant 2 : i32
        %swap3A_2028 = arith.constant 14 : i32
        %swap3A_2029 = arith.index_cast %swap3A_2027 : i32 to index
        %swap3A_2030 = arith.index_cast %swap3A_2028 : i32 to index
        %swap3A_2031 = arith.constant 0 : index
        %swap3A_2032 = tpu.vector_load %arg9[%swap3A_2029, %swap3A_2030, %swap3A_2031] {strides = array<i32>} : memref<5x16x32xf32, #tpu.memory_space<vmem>>, vector<1x1x16xf32>,
        %swap3A_2033 = vector.shape_cast %swap3A_2032 : vector<1x1x16xf32> to vector<16xf32>
        %swap3A_2034 = vector.shape_cast %broadcast_in_dim3A_2 : vector<16xf32> to vector<1x1x16xf32>
        tpu.vector_store %arg9[%swap3A_2029, %swap3A_2030, %swap3A_2031], %swap3A_2034 {strides = array<i32>} : memref<5x16x32xf32, #tpu.memory_space<vmem>>, vector<1x1x16xf32>,
        %swap3A_2035 = arith.constant 2 : i32
        %swap3A_2036 = arith.constant 14 : i32
        %swap3A_2037 = arith.index_cast %swap3A_2035 : i32 to index
        %swap3A_2038 = arith.index_cast %swap3A_2036 : i32 to index
        %swap3A_2039 = arith.constant 16 : index
        %swap3A_2040 = tpu.vector_load %arg9[%swap3A_2037, %swap3A_2038, %swap3A_2039] {strides = array<i32>} : memref<5x16x32xf32, #tpu.memory_space<vmem>>, vector<1x1x16xf32>,
        %swap3A_2041 = vector.shape_cast %swap3A_2040 : vector<1x1x16xf32> to vector<16xf32>
        %swap3A_2042 = vector.shape_cast %broadcast_in_dim3A_2 : vector<16xf32> to vector<1x1x16xf32>
        tpu.vector_store %arg9[%swap3A_2037, %swap3A_2038, %swap3A_2039], %swap3A_2042 {strides = array<i32>} : memref<5x16x32xf32, #tpu.memory_space<vmem>>, vector<1x1x16xf32>,
        %swap3A_2043 = arith.constant 2 : i32
        %swap3A_2044 = arith.constant 15 : i32
        %swap3A_2045 = arith.index_cast %swap3A_2043 : i32 to index
        %swap3A_2046 = arith.index_cast %swap3A_2044 : i32 to index
        %swap3A_2047 = arith.constant 0 : index
        %swap3A_2048 = tpu.vector_load %arg9[%swap3A_2045, %swap3A_2046, %swap3A_2047] {strides = array<i32>} : memref<5x16x32xf32, #tpu.memory_space<vmem>>, vector<1x1x16xf32>,
        %swap3A_2049 = vector.shape_cast %swap3A_2048 : vector<1x1x16xf32> to vector<16xf32>
        %swap3A_2050 = vector.shape_cast %broadcast_in_dim3A_2 : vector<16xf32> to vector<1x1x16xf32>
        tpu.vector_store %arg9[%swap3A_2045, %swap3A_2046, %swap3A_2047], %swap3A_2050 {strides = array<i32>} : memref<5x16x32xf32, #tpu.memory_space<vmem>>, vector<1x1x16xf32>,
        %swap3A_2051 = arith.constant 2 : i32
        %swap3A_2052 = arith.constant 15 : i32
        %swap3A_2053 = arith.index_cast %swap3A_2051 : i32 to index
        %swap3A_2054 = arith.index_cast %swap3A_2052 : i32 to index
        %swap3A_2055 = arith.constant 16 : index
        %swap3A_2056 = tpu.vector_load %arg9[%swap3A_2053, %swap3A_2054, %swap3A_2055] {strides = array<i32>} : memref<5x16x32xf32, #tpu.memory_space<vmem>>, vector<1x1x16xf32>,
        %swap3A_2057 = vector.shape_cast %swap3A_2056 : vector<1x1x16xf32> to vector<16xf32>
        %swap3A_2058 = vector.shape_cast %broadcast_in_dim3A_2 : vector<16xf32> to vector<1x1x16xf32>
        tpu.vector_store %arg9[%swap3A_2053, %swap3A_2054, %swap3A_2055], %swap3A_2058 {strides = array<i32>} : memref<5x16x32xf32, #tpu.memory_space<vmem>>, vector<1x1x16xf32>,
        %swap3A_2059 = arith.constant 3 : i32
        %swap3A_2060 = arith.constant 8 : i32
        %swap3A_2061 = arith.index_cast %swap3A_2059 : i32 to index
        %swap3A_2062 = arith.index_cast %swap3A_2060 : i32 to index
        %swap3A_2063 = arith.constant 0 : index
        %swap3A_2064 = tpu.vector_load %arg9[%swap3A_2061, %swap3A_2062, %swap3A_2063] {strides = array<i32>} : memref<5x16x32xf32, #tpu.memory_space<vmem>>, vector<1x1x16xf32>,
        %swap3A_2065 = vector.shape_cast %swap3A_2064 : vector<1x1x16xf32> to vector<16xf32>
        %swap3A_2066 = vector.shape_cast %broadcast_in_dim3A_2 : vector<16xf32> to vector<1x1x16xf32>
        tpu.vector_store %arg9[%swap3A_2061, %swap3A_2062, %swap3A_2063], %swap3A_2066 {strides = array<i32>} : memref<5x16x32xf32, #tpu.memory_space<vmem>>, vector<1x1x16xf32>,
        %swap3A_2067 = arith.constant 3 : i32
        %swap3A_2068 = arith.constant 8 : i32
        %swap3A_2069 = arith.index_cast %swap3A_2067 : i32 to index
        %swap3A_2070 = arith.index_cast %swap3A_2068 : i32 to index
        %swap3A_2071 = arith.constant 16 : index
        %swap3A_2072 = tpu.vector_load %arg9[%swap3A_2069, %swap3A_2070, %swap3A_2071] {strides = array<i32>} : memref<5x16x32xf32, #tpu.memory_space<vmem>>, vector<1x1x16xf32>,
        %swap3A_2073 = vector.shape_cast %swap3A_2072 : vector<1x1x16xf32> to vector<16xf32>
        %swap3A_2074 = vector.shape_cast %broadcast_in_dim3A_2 : vector<16xf32> to vector<1x1x16xf32>
        tpu.vector_store %arg9[%swap3A_2069, %swap3A_2070, %swap3A_2071], %swap3A_2074 {strides = array<i32>} : memref<5x16x32xf32, #tpu.memory_space<vmem>>, vector<1x1x16xf32>,
        %swap3A_2075 = arith.constant 3 : i32
        %swap3A_2076 = arith.constant 9 : i32
        %swap3A_2077 = arith.index_cast %swap3A_2075 : i32 to index
        %swap3A_2078 = arith.index_cast %swap3A_2076 : i32 to index
        %swap3A_2079 = arith.constant 0 : index
        %swap3A_2080 = tpu.vector_load %arg9[%swap3A_2077, %swap3A_2078, %swap3A_2079] {strides = array<i32>} : memref<5x16x32xf32, #tpu.memory_space<vmem>>, vector<1x1x16xf32>,
        %swap3A_2081 = vector.shape_cast %swap3A_2080 : vector<1x1x16xf32> to vector<16xf32>
        %swap3A_2082 = vector.shape_cast %broadcast_in_dim3A_2 : vector<16xf32> to vector<1x1x16xf32>
        tpu.vector_store %arg9[%swap3A_2077, %swap3A_2078, %swap3A_2079], %swap3A_2082 {strides = array<i32>} : memref<5x16x32xf32, #tpu.memory_space<vmem>>, vector<1x1x16xf32>,
        %swap3A_2083 = arith.constant 3 : i32
        %swap3A_2084 = arith.constant 9 : i32
        %swap3A_2085 = arith.index_cast %swap3A_2083 : i32 to index
        %swap3A_2086 = arith.index_cast %swap3A_2084 : i32 to index
        %swap3A_2087 = arith.constant 16 : index
        %swap3A_2088 = tpu.vector_load %arg9[%swap3A_2085, %swap3A_2086, %swap3A_2087] {strides = array<i32>} : memref<5x16x32xf32, #tpu.memory_space<vmem>>, vector<1x1x16xf32>,
        %swap3A_2089 = vector.shape_cast %swap3A_2088 : vector<1x1x16xf32> to vector<16xf32>
        %swap3A_2090 = vector.shape_cast %broadcast_in_dim3A_2 : vector<16xf32> to vector<1x1x16xf32>
        tpu.vector_store %arg9[%swap3A_2085, %swap3A_2086, %swap3A_2087], %swap3A_2090 {strides = array<i32>} : memref<5x16x32xf32, #tpu.memory_space<vmem>>, vector<1x1x16xf32>,
        %swap3A_2091 = arith.constant 3 : i32
        %swap3A_2092 = arith.constant 10 : i32
        %swap3A_2093 = arith.index_cast %swap3A_2091 : i32 to index
        %swap3A_2094 = arith.index_cast %swap3A_2092 : i32 to index
        %swap3A_2095 = arith.constant 0 : index
        %swap3A_2096 = tpu.vector_load %arg9[%swap3A_2093, %swap3A_2094, %swap3A_2095] {strides = array<i32>} : memref<5x16x32xf32, #tpu.memory_space<vmem>>, vector<1x1x16xf32>,
        %swap3A_2097 = vector.shape_cast %swap3A_2096 : vector<1x1x16xf32> to vector<16xf32>
        %swap3A_2098 = vector.shape_cast %broadcast_in_dim3A_2 : vector<16xf32> to vector<1x1x16xf32>
        tpu.vector_store %arg9[%swap3A_2093, %swap3A_2094, %swap3A_2095], %swap3A_2098 {strides = array<i32>} : memref<5x16x32xf32, #tpu.memory_space<vmem>>, vector<1x1x16xf32>,
        %swap3A_2099 = arith.constant 3 : i32
        %swap3A_2100 = arith.constant 10 : i32
        %swap3A_2101 = arith.index_cast %swap3A_2099 : i32 to index
        %swap3A_2102 = arith.index_cast %swap3A_2100 : i32 to index
        %swap3A_2103 = arith.constant 16 : index
        %swap3A_2104 = tpu.vector_load %arg9[%swap3A_2101, %swap3A_2102, %swap3A_2103] {strides = array<i32>} : memref<5x16x32xf32, #tpu.memory_space<vmem>>, vector<1x1x16xf32>,
        %swap3A_2105 = vector.shape_cast %swap3A_2104 : vector<1x1x16xf32> to vector<16xf32>
        %swap3A_2106 = vector.shape_cast %broadcast_in_dim3A_2 : vector<16xf32> to vector<1x1x16xf32>
        tpu.vector_store %arg9[%swap3A_2101, %swap3A_2102, %swap3A_2103], %swap3A_2106 {strides = array<i32>} : memref<5x16x32xf32, #tpu.memory_space<vmem>>, vector<1x1x16xf32>,
        %swap3A_2107 = arith.constant 3 : i32
        %swap3A_2108 = arith.constant 11 : i32
        %swap3A_2109 = arith.index_cast %swap3A_2107 : i32 to index
        %swap3A_2110 = arith.index_cast %swap3A_2108 : i32 to index
        %swap3A_2111 = arith.constant 0 : index
        %swap3A_2112 = tpu.vector_load %arg9[%swap3A_2109, %swap3A_2110, %swap3A_2111] {strides = array<i32>} : memref<5x16x32xf32, #tpu.memory_space<vmem>>, vector<1x1x16xf32>,
        %swap3A_2113 = vector.shape_cast %swap3A_2112 : vector<1x1x16xf32> to vector<16xf32>
        %swap3A_2114 = vector.shape_cast %broadcast_in_dim3A_2 : vector<16xf32> to vector<1x1x16xf32>
        tpu.vector_store %arg9[%swap3A_2109, %swap3A_2110, %swap3A_2111], %swap3A_2114 {strides = array<i32>} : memref<5x16x32xf32, #tpu.memory_space<vmem>>, vector<1x1x16xf32>,
        %swap3A_2115 = arith.constant 3 : i32
        %swap3A_2116 = arith.constant 11 : i32
        %swap3A_2117 = arith.index_cast %swap3A_2115 : i32 to index
        %swap3A_2118 = arith.index_cast %swap3A_2116 : i32 to index
        %swap3A_2119 = arith.constant 16 : index
        %swap3A_2120 = tpu.vector_load %arg9[%swap3A_2117, %swap3A_2118, %swap3A_2119] {strides = array<i32>} : memref<5x16x32xf32, #tpu.memory_space<vmem>>, vector<1x1x16xf32>,
        %swap3A_2121 = vector.shape_cast %swap3A_2120 : vector<1x1x16xf32> to vector<16xf32>
        %swap3A_2122 = vector.shape_cast %broadcast_in_dim3A_2 : vector<16xf32> to vector<1x1x16xf32>
        tpu.vector_store %arg9[%swap3A_2117, %swap3A_2118, %swap3A_2119], %swap3A_2122 {strides = array<i32>} : memref<5x16x32xf32, #tpu.memory_space<vmem>>, vector<1x1x16xf32>,
        %swap3A_2123 = arith.constant 3 : i32
        %swap3A_2124 = arith.constant 12 : i32
        %swap3A_2125 = arith.index_cast %swap3A_2123 : i32 to index
        %swap3A_2126 = arith.index_cast %swap3A_2124 : i32 to index
        %swap3A_2127 = arith.constant 0 : index
        %swap3A_2128 = tpu.vector_load %arg9[%swap3A_2125, %swap3A_2126, %swap3A_2127] {strides = array<i32>} : memref<5x16x32xf32, #tpu.memory_space<vmem>>, vector<1x1x16xf32>,
        %swap3A_2129 = vector.shape_cast %swap3A_2128 : vector<1x1x16xf32> to vector<16xf32>
        %swap3A_2130 = vector.shape_cast %broadcast_in_dim3A_2 : vector<16xf32> to vector<1x1x16xf32>
        tpu.vector_store %arg9[%swap3A_2125, %swap3A_2126, %swap3A_2127], %swap3A_2130 {strides = array<i32>} : memref<5x16x32xf32, #tpu.memory_space<vmem>>, vector<1x1x16xf32>,
        %swap3A_2131 = arith.constant 3 : i32
        %swap3A_2132 = arith.constant 12 : i32
        %swap3A_2133 = arith.index_cast %swap3A_2131 : i32 to index
        %swap3A_2134 = arith.index_cast %swap3A_2132 : i32 to index
        %swap3A_2135 = arith.constant 16 : index
        %swap3A_2136 = tpu.vector_load %arg9[%swap3A_2133, %swap3A_2134, %swap3A_2135] {strides = array<i32>} : memref<5x16x32xf32, #tpu.memory_space<vmem>>, vector<1x1x16xf32>,
        %swap3A_2137 = vector.shape_cast %swap3A_2136 : vector<1x1x16xf32> to vector<16xf32>
        %swap3A_2138 = vector.shape_cast %broadcast_in_dim3A_2 : vector<16xf32> to vector<1x1x16xf32>
        tpu.vector_store %arg9[%swap3A_2133, %swap3A_2134, %swap3A_2135], %swap3A_2138 {strides = array<i32>} : memref<5x16x32xf32, #tpu.memory_space<vmem>>, vector<1x1x16xf32>,
        %swap3A_2139 = arith.constant 3 : i32
        %swap3A_2140 = arith.constant 13 : i32
        %swap3A_2141 = arith.index_cast %swap3A_2139 : i32 to index
        %swap3A_2142 = arith.index_cast %swap3A_2140 : i32 to index
        %swap3A_2143 = arith.constant 0 : index
        %swap3A_2144 = tpu.vector_load %arg9[%swap3A_2141, %swap3A_2142, %swap3A_2143] {strides = array<i32>} : memref<5x16x32xf32, #tpu.memory_space<vmem>>, vector<1x1x16xf32>,
        %swap3A_2145 = vector.shape_cast %swap3A_2144 : vector<1x1x16xf32> to vector<16xf32>
        %swap3A_2146 = vector.shape_cast %broadcast_in_dim3A_2 : vector<16xf32> to vector<1x1x16xf32>
        tpu.vector_store %arg9[%swap3A_2141, %swap3A_2142, %swap3A_2143], %swap3A_2146 {strides = array<i32>} : memref<5x16x32xf32, #tpu.memory_space<vmem>>, vector<1x1x16xf32>,
        %swap3A_2147 = arith.constant 3 : i32
        %swap3A_2148 = arith.constant 13 : i32
        %swap3A_2149 = arith.index_cast %swap3A_2147 : i32 to index
        %swap3A_2150 = arith.index_cast %swap3A_2148 : i32 to index
        %swap3A_2151 = arith.constant 16 : index
        %swap3A_2152 = tpu.vector_load %arg9[%swap3A_2149, %swap3A_2150, %swap3A_2151] {strides = array<i32>} : memref<5x16x32xf32, #tpu.memory_space<vmem>>, vector<1x1x16xf32>,
        %swap3A_2153 = vector.shape_cast %swap3A_2152 : vector<1x1x16xf32> to vector<16xf32>
        %swap3A_2154 = vector.shape_cast %broadcast_in_dim3A_2 : vector<16xf32> to vector<1x1x16xf32>
        tpu.vector_store %arg9[%swap3A_2149, %swap3A_2150, %swap3A_2151], %swap3A_2154 {strides = array<i32>} : memref<5x16x32xf32, #tpu.memory_space<vmem>>, vector<1x1x16xf32>,
        %swap3A_2155 = arith.constant 3 : i32
        %swap3A_2156 = arith.constant 14 : i32
        %swap3A_2157 = arith.index_cast %swap3A_2155 : i32 to index
        %swap3A_2158 = arith.index_cast %swap3A_2156 : i32 to index
        %swap3A_2159 = arith.constant 0 : index
        %swap3A_2160 = tpu.vector_load %arg9[%swap3A_2157, %swap3A_2158, %swap3A_2159] {strides = array<i32>} : memref<5x16x32xf32, #tpu.memory_space<vmem>>, vector<1x1x16xf32>,
        %swap3A_2161 = vector.shape_cast %swap3A_2160 : vector<1x1x16xf32> to vector<16xf32>
        %swap3A_2162 = vector.shape_cast %broadcast_in_dim3A_2 : vector<16xf32> to vector<1x1x16xf32>
        tpu.vector_store %arg9[%swap3A_2157, %swap3A_2158, %swap3A_2159], %swap3A_2162 {strides = array<i32>} : memref<5x16x32xf32, #tpu.memory_space<vmem>>, vector<1x1x16xf32>,
        %swap3A_2163 = arith.constant 3 : i32
        %swap3A_2164 = arith.constant 14 : i32
        %swap3A_2165 = arith.index_cast %swap3A_2163 : i32 to index
        %swap3A_2166 = arith.index_cast %swap3A_2164 : i32 to index
        %swap3A_2167 = arith.constant 16 : index
        %swap3A_2168 = tpu.vector_load %arg9[%swap3A_2165, %swap3A_2166, %swap3A_2167] {strides = array<i32>} : memref<5x16x32xf32, #tpu.memory_space<vmem>>, vector<1x1x16xf32>,
        %swap3A_2169 = vector.shape_cast %swap3A_2168 : vector<1x1x16xf32> to vector<16xf32>
        %swap3A_2170 = vector.shape_cast %broadcast_in_dim3A_2 : vector<16xf32> to vector<1x1x16xf32>
        tpu.vector_store %arg9[%swap3A_2165, %swap3A_2166, %swap3A_2167], %swap3A_2170 {strides = array<i32>} : memref<5x16x32xf32, #tpu.memory_space<vmem>>, vector<1x1x16xf32>,
        %swap3A_2171 = arith.constant 3 : i32
        %swap3A_2172 = arith.constant 15 : i32
        %swap3A_2173 = arith.index_cast %swap3A_2171 : i32 to index
        %swap3A_2174 = arith.index_cast %swap3A_2172 : i32 to index
        %swap3A_2175 = arith.constant 0 : index
        %swap3A_2176 = tpu.vector_load %arg9[%swap3A_2173, %swap3A_2174, %swap3A_2175] {strides = array<i32>} : memref<5x16x32xf32, #tpu.memory_space<vmem>>, vector<1x1x16xf32>,
        %swap3A_2177 = vector.shape_cast %swap3A_2176 : vector<1x1x16xf32> to vector<16xf32>
        %swap3A_2178 = vector.shape_cast %broadcast_in_dim3A_2 : vector<16xf32> to vector<1x1x16xf32>
        tpu.vector_store %arg9[%swap3A_2173, %swap3A_2174, %swap3A_2175], %swap3A_2178 {strides = array<i32>} : memref<5x16x32xf32, #tpu.memory_space<vmem>>, vector<1x1x16xf32>,
        %swap3A_2179 = arith.constant 3 : i32
        %swap3A_2180 = arith.constant 15 : i32
        %swap3A_2181 = arith.index_cast %swap3A_2179 : i32 to index
        %swap3A_2182 = arith.index_cast %swap3A_2180 : i32 to index
        %swap3A_2183 = arith.constant 16 : index
        %swap3A_2184 = tpu.vector_load %arg9[%swap3A_2181, %swap3A_2182, %swap3A_2183] {strides = array<i32>} : memref<5x16x32xf32, #tpu.memory_space<vmem>>, vector<1x1x16xf32>,
        %swap3A_2185 = vector.shape_cast %swap3A_2184 : vector<1x1x16xf32> to vector<16xf32>
        %swap3A_2186 = vector.shape_cast %broadcast_in_dim3A_2 : vector<16xf32> to vector<1x1x16xf32>
        tpu.vector_store %arg9[%swap3A_2181, %swap3A_2182, %swap3A_2183], %swap3A_2186 {strides = array<i32>} : memref<5x16x32xf32, #tpu.memory_space<vmem>>, vector<1x1x16xf32>,
        %swap3A_2187 = arith.constant 4 : i32
        %swap3A_2188 = arith.constant 8 : i32
        %swap3A_2189 = arith.index_cast %swap3A_2187 : i32 to index
        %swap3A_2190 = arith.index_cast %swap3A_2188 : i32 to index
        %swap3A_2191 = arith.constant 0 : index
        %swap3A_2192 = tpu.vector_load %arg9[%swap3A_2189, %swap3A_2190, %swap3A_2191] {strides = array<i32>} : memref<5x16x32xf32, #tpu.memory_space<vmem>>, vector<1x1x16xf32>,
        %swap3A_2193 = vector.shape_cast %swap3A_2192 : vector<1x1x16xf32> to vector<16xf32>
        %swap3A_2194 = vector.shape_cast %broadcast_in_dim3A_2 : vector<16xf32> to vector<1x1x16xf32>
        tpu.vector_store %arg9[%swap3A_2189, %swap3A_2190, %swap3A_2191], %swap3A_2194 {strides = array<i32>} : memref<5x16x32xf32, #tpu.memory_space<vmem>>, vector<1x1x16xf32>,
        %swap3A_2195 = arith.constant 4 : i32
        %swap3A_2196 = arith.constant 8 : i32
        %swap3A_2197 = arith.index_cast %swap3A_2195 : i32 to index
        %swap3A_2198 = arith.index_cast %swap3A_2196 : i32 to index
        %swap3A_2199 = arith.constant 16 : index
        %swap3A_2200 = tpu.vector_load %arg9[%swap3A_2197, %swap3A_2198, %swap3A_2199] {strides = array<i32>} : memref<5x16x32xf32, #tpu.memory_space<vmem>>, vector<1x1x16xf32>,
        %swap3A_2201 = vector.shape_cast %swap3A_2200 : vector<1x1x16xf32> to vector<16xf32>
        %swap3A_2202 = vector.shape_cast %broadcast_in_dim3A_2 : vector<16xf32> to vector<1x1x16xf32>
        tpu.vector_store %arg9[%swap3A_2197, %swap3A_2198, %swap3A_2199], %swap3A_2202 {strides = array<i32>} : memref<5x16x32xf32, #tpu.memory_space<vmem>>, vector<1x1x16xf32>,
        %swap3A_2203 = arith.constant 4 : i32
        %swap3A_2204 = arith.constant 9 : i32
        %swap3A_2205 = arith.index_cast %swap3A_2203 : i32 to index
        %swap3A_2206 = arith.index_cast %swap3A_2204 : i32 to index
        %swap3A_2207 = arith.constant 0 : index
        %swap3A_2208 = tpu.vector_load %arg9[%swap3A_2205, %swap3A_2206, %swap3A_2207] {strides = array<i32>} : memref<5x16x32xf32, #tpu.memory_space<vmem>>, vector<1x1x16xf32>,
        %swap3A_2209 = vector.shape_cast %swap3A_2208 : vector<1x1x16xf32> to vector<16xf32>
        %swap3A_2210 = vector.shape_cast %broadcast_in_dim3A_2 : vector<16xf32> to vector<1x1x16xf32>
        tpu.vector_store %arg9[%swap3A_2205, %swap3A_2206, %swap3A_2207], %swap3A_2210 {strides = array<i32>} : memref<5x16x32xf32, #tpu.memory_space<vmem>>, vector<1x1x16xf32>,
        %swap3A_2211 = arith.constant 4 : i32
        %swap3A_2212 = arith.constant 9 : i32
        %swap3A_2213 = arith.index_cast %swap3A_2211 : i32 to index
        %swap3A_2214 = arith.index_cast %swap3A_2212 : i32 to index
        %swap3A_2215 = arith.constant 16 : index
        %swap3A_2216 = tpu.vector_load %arg9[%swap3A_2213, %swap3A_2214, %swap3A_2215] {strides = array<i32>} : memref<5x16x32xf32, #tpu.memory_space<vmem>>, vector<1x1x16xf32>,
        %swap3A_2217 = vector.shape_cast %swap3A_2216 : vector<1x1x16xf32> to vector<16xf32>
        %swap3A_2218 = vector.shape_cast %broadcast_in_dim3A_2 : vector<16xf32> to vector<1x1x16xf32>
        tpu.vector_store %arg9[%swap3A_2213, %swap3A_2214, %swap3A_2215], %swap3A_2218 {strides = array<i32>} : memref<5x16x32xf32, #tpu.memory_space<vmem>>, vector<1x1x16xf32>,
        %swap3A_2219 = arith.constant 4 : i32
        %swap3A_2220 = arith.constant 10 : i32
        %swap3A_2221 = arith.index_cast %swap3A_2219 : i32 to index
        %swap3A_2222 = arith.index_cast %swap3A_2220 : i32 to index
        %swap3A_2223 = arith.constant 0 : index
        %swap3A_2224 = tpu.vector_load %arg9[%swap3A_2221, %swap3A_2222, %swap3A_2223] {strides = array<i32>} : memref<5x16x32xf32, #tpu.memory_space<vmem>>, vector<1x1x16xf32>,
        %swap3A_2225 = vector.shape_cast %swap3A_2224 : vector<1x1x16xf32> to vector<16xf32>
        %swap3A_2226 = vector.shape_cast %broadcast_in_dim3A_2 : vector<16xf32> to vector<1x1x16xf32>
        tpu.vector_store %arg9[%swap3A_2221, %swap3A_2222, %swap3A_2223], %swap3A_2226 {strides = array<i32>} : memref<5x16x32xf32, #tpu.memory_space<vmem>>, vector<1x1x16xf32>,
        %swap3A_2227 = arith.constant 4 : i32
        %swap3A_2228 = arith.constant 10 : i32
        %swap3A_2229 = arith.index_cast %swap3A_2227 : i32 to index
        %swap3A_2230 = arith.index_cast %swap3A_2228 : i32 to index
        %swap3A_2231 = arith.constant 16 : index
        %swap3A_2232 = tpu.vector_load %arg9[%swap3A_2229, %swap3A_2230, %swap3A_2231] {strides = array<i32>} : memref<5x16x32xf32, #tpu.memory_space<vmem>>, vector<1x1x16xf32>,
        %swap3A_2233 = vector.shape_cast %swap3A_2232 : vector<1x1x16xf32> to vector<16xf32>
        %swap3A_2234 = vector.shape_cast %broadcast_in_dim3A_2 : vector<16xf32> to vector<1x1x16xf32>
        tpu.vector_store %arg9[%swap3A_2229, %swap3A_2230, %swap3A_2231], %swap3A_2234 {strides = array<i32>} : memref<5x16x32xf32, #tpu.memory_space<vmem>>, vector<1x1x16xf32>,
        %swap3A_2235 = arith.constant 4 : i32
        %swap3A_2236 = arith.constant 11 : i32
        %swap3A_2237 = arith.index_cast %swap3A_2235 : i32 to index
        %swap3A_2238 = arith.index_cast %swap3A_2236 : i32 to index
        %swap3A_2239 = arith.constant 0 : index
        %swap3A_2240 = tpu.vector_load %arg9[%swap3A_2237, %swap3A_2238, %swap3A_2239] {strides = array<i32>} : memref<5x16x32xf32, #tpu.memory_space<vmem>>, vector<1x1x16xf32>,
        %swap3A_2241 = vector.shape_cast %swap3A_2240 : vector<1x1x16xf32> to vector<16xf32>
        %swap3A_2242 = vector.shape_cast %broadcast_in_dim3A_2 : vector<16xf32> to vector<1x1x16xf32>
        tpu.vector_store %arg9[%swap3A_2237, %swap3A_2238, %swap3A_2239], %swap3A_2242 {strides = array<i32>} : memref<5x16x32xf32, #tpu.memory_space<vmem>>, vector<1x1x16xf32>,
        %swap3A_2243 = arith.constant 4 : i32
        %swap3A_2244 = arith.constant 11 : i32
        %swap3A_2245 = arith.index_cast %swap3A_2243 : i32 to index
        %swap3A_2246 = arith.index_cast %swap3A_2244 : i32 to index
        %swap3A_2247 = arith.constant 16 : index
        %swap3A_2248 = tpu.vector_load %arg9[%swap3A_2245, %swap3A_2246, %swap3A_2247] {strides = array<i32>} : memref<5x16x32xf32, #tpu.memory_space<vmem>>, vector<1x1x16xf32>,
        %swap3A_2249 = vector.shape_cast %swap3A_2248 : vector<1x1x16xf32> to vector<16xf32>
        %swap3A_2250 = vector.shape_cast %broadcast_in_dim3A_2 : vector<16xf32> to vector<1x1x16xf32>
        tpu.vector_store %arg9[%swap3A_2245, %swap3A_2246, %swap3A_2247], %swap3A_2250 {strides = array<i32>} : memref<5x16x32xf32, #tpu.memory_space<vmem>>, vector<1x1x16xf32>,
        %swap3A_2251 = arith.constant 4 : i32
        %swap3A_2252 = arith.constant 12 : i32
        %swap3A_2253 = arith.index_cast %swap3A_2251 : i32 to index
        %swap3A_2254 = arith.index_cast %swap3A_2252 : i32 to index
        %swap3A_2255 = arith.constant 0 : index
        %swap3A_2256 = tpu.vector_load %arg9[%swap3A_2253, %swap3A_2254, %swap3A_2255] {strides = array<i32>} : memref<5x16x32xf32, #tpu.memory_space<vmem>>, vector<1x1x16xf32>,
        %swap3A_2257 = vector.shape_cast %swap3A_2256 : vector<1x1x16xf32> to vector<16xf32>
        %swap3A_2258 = vector.shape_cast %broadcast_in_dim3A_2 : vector<16xf32> to vector<1x1x16xf32>
        tpu.vector_store %arg9[%swap3A_2253, %swap3A_2254, %swap3A_2255], %swap3A_2258 {strides = array<i32>} : memref<5x16x32xf32, #tpu.memory_space<vmem>>, vector<1x1x16xf32>,
        %swap3A_2259 = arith.constant 4 : i32
        %swap3A_2260 = arith.constant 12 : i32
        %swap3A_2261 = arith.index_cast %swap3A_2259 : i32 to index
        %swap3A_2262 = arith.index_cast %swap3A_2260 : i32 to index
        %swap3A_2263 = arith.constant 16 : index
        %swap3A_2264 = tpu.vector_load %arg9[%swap3A_2261, %swap3A_2262, %swap3A_2263] {strides = array<i32>} : memref<5x16x32xf32, #tpu.memory_space<vmem>>, vector<1x1x16xf32>,
        %swap3A_2265 = vector.shape_cast %swap3A_2264 : vector<1x1x16xf32> to vector<16xf32>
        %swap3A_2266 = vector.shape_cast %broadcast_in_dim3A_2 : vector<16xf32> to vector<1x1x16xf32>
        tpu.vector_store %arg9[%swap3A_2261, %swap3A_2262, %swap3A_2263], %swap3A_2266 {strides = array<i32>} : memref<5x16x32xf32, #tpu.memory_space<vmem>>, vector<1x1x16xf32>,
        %swap3A_2267 = arith.constant 4 : i32
        %swap3A_2268 = arith.constant 13 : i32
        %swap3A_2269 = arith.index_cast %swap3A_2267 : i32 to index
        %swap3A_2270 = arith.index_cast %swap3A_2268 : i32 to index
        %swap3A_2271 = arith.constant 0 : index
        %swap3A_2272 = tpu.vector_load %arg9[%swap3A_2269, %swap3A_2270, %swap3A_2271] {strides = array<i32>} : memref<5x16x32xf32, #tpu.memory_space<vmem>>, vector<1x1x16xf32>,
        %swap3A_2273 = vector.shape_cast %swap3A_2272 : vector<1x1x16xf32> to vector<16xf32>
        %swap3A_2274 = vector.shape_cast %broadcast_in_dim3A_2 : vector<16xf32> to vector<1x1x16xf32>
        tpu.vector_store %arg9[%swap3A_2269, %swap3A_2270, %swap3A_2271], %swap3A_2274 {strides = array<i32>} : memref<5x16x32xf32, #tpu.memory_space<vmem>>, vector<1x1x16xf32>,
        %swap3A_2275 = arith.constant 4 : i32
        %swap3A_2276 = arith.constant 13 : i32
        %swap3A_2277 = arith.index_cast %swap3A_2275 : i32 to index
        %swap3A_2278 = arith.index_cast %swap3A_2276 : i32 to index
        %swap3A_2279 = arith.constant 16 : index
        %swap3A_2280 = tpu.vector_load %arg9[%swap3A_2277, %swap3A_2278, %swap3A_2279] {strides = array<i32>} : memref<5x16x32xf32, #tpu.memory_space<vmem>>, vector<1x1x16xf32>,
        %swap3A_2281 = vector.shape_cast %swap3A_2280 : vector<1x1x16xf32> to vector<16xf32>
        %swap3A_2282 = vector.shape_cast %broadcast_in_dim3A_2 : vector<16xf32> to vector<1x1x16xf32>
        tpu.vector_store %arg9[%swap3A_2277, %swap3A_2278, %swap3A_2279], %swap3A_2282 {strides = array<i32>} : memref<5x16x32xf32, #tpu.memory_space<vmem>>, vector<1x1x16xf32>,
        %swap3A_2283 = arith.constant 4 : i32
        %swap3A_2284 = arith.constant 14 : i32
        %swap3A_2285 = arith.index_cast %swap3A_2283 : i32 to index
        %swap3A_2286 = arith.index_cast %swap3A_2284 : i32 to index
        %swap3A_2287 = arith.constant 0 : index
        %swap3A_2288 = tpu.vector_load %arg9[%swap3A_2285, %swap3A_2286, %swap3A_2287] {strides = array<i32>} : memref<5x16x32xf32, #tpu.memory_space<vmem>>, vector<1x1x16xf32>,
        %swap3A_2289 = vector.shape_cast %swap3A_2288 : vector<1x1x16xf32> to vector<16xf32>
        %swap3A_2290 = vector.shape_cast %broadcast_in_dim3A_2 : vector<16xf32> to vector<1x1x16xf32>
        tpu.vector_store %arg9[%swap3A_2285, %swap3A_2286, %swap3A_2287], %swap3A_2290 {strides = array<i32>} : memref<5x16x32xf32, #tpu.memory_space<vmem>>, vector<1x1x16xf32>,
        %swap3A_2291 = arith.constant 4 : i32
        %swap3A_2292 = arith.constant 14 : i32
        %swap3A_2293 = arith.index_cast %swap3A_2291 : i32 to index
        %swap3A_2294 = arith.index_cast %swap3A_2292 : i32 to index
        %swap3A_2295 = arith.constant 16 : index
        %swap3A_2296 = tpu.vector_load %arg9[%swap3A_2293, %swap3A_2294, %swap3A_2295] {strides = array<i32>} : memref<5x16x32xf32, #tpu.memory_space<vmem>>, vector<1x1x16xf32>,
        %swap3A_2297 = vector.shape_cast %swap3A_2296 : vector<1x1x16xf32> to vector<16xf32>
        %swap3A_2298 = vector.shape_cast %broadcast_in_dim3A_2 : vector<16xf32> to vector<1x1x16xf32>
        tpu.vector_store %arg9[%swap3A_2293, %swap3A_2294, %swap3A_2295], %swap3A_2298 {strides = array<i32>} : memref<5x16x32xf32, #tpu.memory_space<vmem>>, vector<1x1x16xf32>,
        %swap3A_2299 = arith.constant 4 : i32
        %swap3A_2300 = arith.constant 15 : i32
        %swap3A_2301 = arith.index_cast %swap3A_2299 : i32 to index
        %swap3A_2302 = arith.index_cast %swap3A_2300 : i32 to index
        %swap3A_2303 = arith.constant 0 : index
        %swap3A_2304 = tpu.vector_load %arg9[%swap3A_2301, %swap3A_2302, %swap3A_2303] {strides = array<i32>} : memref<5x16x32xf32, #tpu.memory_space<vmem>>, vector<1x1x16xf32>,
        %swap3A_2305 = vector.shape_cast %swap3A_2304 : vector<1x1x16xf32> to vector<16xf32>
        %swap3A_2306 = vector.shape_cast %broadcast_in_dim3A_2 : vector<16xf32> to vector<1x1x16xf32>
        tpu.vector_store %arg9[%swap3A_2301, %swap3A_2302, %swap3A_2303], %swap3A_2306 {strides = array<i32>} : memref<5x16x32xf32, #tpu.memory_space<vmem>>, vector<1x1x16xf32>,
        %swap3A_2307 = arith.constant 4 : i32
        %swap3A_2308 = arith.constant 15 : i32
        %swap3A_2309 = arith.index_cast %swap3A_2307 : i32 to index
        %swap3A_2310 = arith.index_cast %swap3A_2308 : i32 to index
        %swap3A_2311 = arith.constant 16 : index
        %swap3A_2312 = tpu.vector_load %arg9[%swap3A_2309, %swap3A_2310, %swap3A_2311] {strides = array<i32>} : memref<5x16x32xf32, #tpu.memory_space<vmem>>, vector<1x1x16xf32>,
        %swap3A_2313 = vector.shape_cast %swap3A_2312 : vector<1x1x16xf32> to vector<16xf32>
        %swap3A_2314 = vector.shape_cast %broadcast_in_dim3A_2 : vector<16xf32> to vector<1x1x16xf32>
        tpu.vector_store %arg9[%swap3A_2309, %swap3A_2310, %swap3A_2311], %swap3A_2314 {strides = array<i32>} : memref<5x16x32xf32, #tpu.memory_space<vmem>>, vector<1x1x16xf32>,
      } else {
      }
      %dma_wait3A = arith.constant 0 : i32
      %dma_wait3A_41 = arith.constant 0 : i32
      %dma_wait3A_42 = tpu.memref_slice %arg5[%dma_wait3A, %dma_wait3A_41] : memref<1000000x32xf32, #tpu.memory_space<hbm>> -> memref<1000000x32xf32, #tpu.memory_space<hbm>>
      tpu.wait_indirect_dma semaphore(%arg15 : memref<!tpu.dma_semaphore, #tpu.memory_space<semaphore_mem>>) src(%dma_wait3A_42 : memref<1000000x32xf32, #tpu.memory_space<hbm>>) dst(%arg8 : memref<16x32xf32, #tpu.memory_space<vmem>>)
      %get3A = arith.constant 0 : i32
      %get3A_43 = arith.index_cast %get3A : i32 to index
      %get3A_44 = arith.constant 0 : index
      %get3A_45 = tpu.vector_load %arg8[%get3A_43, %get3A_44] {strides = array<i32>} : memref<16x32xf32, #tpu.memory_space<vmem>>, vector<1x16xf32>,
      %get3A_46 = vector.shape_cast %get3A_45 : vector<1x16xf32> to vector<16xf32>
      %get3A_47 = arith.constant 0 : i32
      %get3A_48 = arith.index_cast %get3A_47 : i32 to index
      %get3A_49 = arith.constant 16 : index
      %get3A_50 = tpu.vector_load %arg8[%get3A_48, %get3A_49] {strides = array<i32>} : memref<16x32xf32, #tpu.memory_space<vmem>>, vector<1x16xf32>,
      %get3A_51 = vector.shape_cast %get3A_50 : vector<1x16xf32> to vector<16xf32>
      %get3A_52 = arith.constant 0 : i32
      %get3A_53 = arith.constant 0 : i32
      %get3A_54 = arith.index_cast %get3A_52 : i32 to index
      %get3A_55 = arith.index_cast %get3A_53 : i32 to index
      %get3A_56 = arith.constant 0 : index
      %get3A_57 = tpu.vector_load %arg9[%get3A_54, %get3A_55, %get3A_56] {strides = array<i32>} : memref<5x16x32xf32, #tpu.memory_space<vmem>>, vector<1x1x16xf32>,
      %get3A_58 = vector.shape_cast %get3A_57 : vector<1x1x16xf32> to vector<16xf32>
      %mul3A_59 = arith.mulf %get3A_46, %get3A_58 : vector<16xf32>
      %add3A = arith.addf %broadcast_in_dim3A_2, %mul3A_59 : vector<16xf32>
      %get3A_60 = arith.constant 0 : i32
      %get3A_61 = arith.constant 0 : i32
      %get3A_62 = arith.index_cast %get3A_60 : i32 to index
      %get3A_63 = arith.index_cast %get3A_61 : i32 to index
      %get3A_64 = arith.constant 16 : index
      %get3A_65 = tpu.vector_load %arg9[%get3A_62, %get3A_63, %get3A_64] {strides = array<i32>} : memref<5x16x32xf32, #tpu.memory_space<vmem>>, vector<1x1x16xf32>,
      %get3A_66 = vector.shape_cast %get3A_65 : vector<1x1x16xf32> to vector<16xf32>
      %mul3A_67 = arith.mulf %get3A_51, %get3A_66 : vector<16xf32>
      %add3A_68 = arith.addf %add3A, %mul3A_67 : vector<16xf32>
      %get3A_69 = arith.constant 1 : i32
      %get3A_70 = arith.constant 0 : i32
      %get3A_71 = arith.index_cast %get3A_69 : i32 to index
      %get3A_72 = arith.index_cast %get3A_70 : i32 to index
      %get3A_73 = arith.constant 0 : index
      %get3A_74 = tpu.vector_load %arg9[%get3A_71, %get3A_72, %get3A_73] {strides = array<i32>} : memref<5x16x32xf32, #tpu.memory_space<vmem>>, vector<1x1x16xf32>,
      %get3A_75 = vector.shape_cast %get3A_74 : vector<1x1x16xf32> to vector<16xf32>
      %mul3A_76 = arith.mulf %get3A_46, %get3A_75 : vector<16xf32>
      %add3A_77 = arith.addf %broadcast_in_dim3A_2, %mul3A_76 : vector<16xf32>
      %get3A_78 = arith.constant 1 : i32
      %get3A_79 = arith.constant 0 : i32
      %get3A_80 = arith.index_cast %get3A_78 : i32 to index
      %get3A_81 = arith.index_cast %get3A_79 : i32 to index
      %get3A_82 = arith.constant 16 : index
      %get3A_83 = tpu.vector_load %arg9[%get3A_80, %get3A_81, %get3A_82] {strides = array<i32>} : memref<5x16x32xf32, #tpu.memory_space<vmem>>, vector<1x1x16xf32>,
      %get3A_84 = vector.shape_cast %get3A_83 : vector<1x1x16xf32> to vector<16xf32>
      %mul3A_85 = arith.mulf %get3A_51, %get3A_84 : vector<16xf32>
      %add3A_86 = arith.addf %add3A_77, %mul3A_85 : vector<16xf32>
      %get3A_87 = arith.constant 2 : i32
      %get3A_88 = arith.constant 0 : i32
      %get3A_89 = arith.index_cast %get3A_87 : i32 to index
      %get3A_90 = arith.index_cast %get3A_88 : i32 to index
      %get3A_91 = arith.constant 0 : index
      %get3A_92 = tpu.vector_load %arg9[%get3A_89, %get3A_90, %get3A_91] {strides = array<i32>} : memref<5x16x32xf32, #tpu.memory_space<vmem>>, vector<1x1x16xf32>,
      %get3A_93 = vector.shape_cast %get3A_92 : vector<1x1x16xf32> to vector<16xf32>
      %mul3A_94 = arith.mulf %get3A_46, %get3A_93 : vector<16xf32>
      %add3A_95 = arith.addf %broadcast_in_dim3A_2, %mul3A_94 : vector<16xf32>
      %get3A_96 = arith.constant 2 : i32
      %get3A_97 = arith.constant 0 : i32
      %get3A_98 = arith.index_cast %get3A_96 : i32 to index
      %get3A_99 = arith.index_cast %get3A_97 : i32 to index
      %get3A_100 = arith.constant 16 : index
      %get3A_101 = tpu.vector_load %arg9[%get3A_98, %get3A_99, %get3A_100] {strides = array<i32>} : memref<5x16x32xf32, #tpu.memory_space<vmem>>, vector<1x1x16xf32>,
      %get3A_102 = vector.shape_cast %get3A_101 : vector<1x1x16xf32> to vector<16xf32>
      %mul3A_103 = arith.mulf %get3A_51, %get3A_102 : vector<16xf32>
      %add3A_104 = arith.addf %add3A_95, %mul3A_103 : vector<16xf32>
      %get3A_105 = arith.constant 3 : i32
      %get3A_106 = arith.constant 0 : i32
      %get3A_107 = arith.index_cast %get3A_105 : i32 to index
      %get3A_108 = arith.index_cast %get3A_106 : i32 to index
      %get3A_109 = arith.constant 0 : index
      %get3A_110 = tpu.vector_load %arg9[%get3A_107, %get3A_108, %get3A_109] {strides = array<i32>} : memref<5x16x32xf32, #tpu.memory_space<vmem>>, vector<1x1x16xf32>,
      %get3A_111 = vector.shape_cast %get3A_110 : vector<1x1x16xf32> to vector<16xf32>
      %mul3A_112 = arith.mulf %get3A_46, %get3A_111 : vector<16xf32>
      %add3A_113 = arith.addf %broadcast_in_dim3A_2, %mul3A_112 : vector<16xf32>
      %get3A_114 = arith.constant 3 : i32
      %get3A_115 = arith.constant 0 : i32
      %get3A_116 = arith.index_cast %get3A_114 : i32 to index
      %get3A_117 = arith.index_cast %get3A_115 : i32 to index
      %get3A_118 = arith.constant 16 : index
      %get3A_119 = tpu.vector_load %arg9[%get3A_116, %get3A_117, %get3A_118] {strides = array<i32>} : memref<5x16x32xf32, #tpu.memory_space<vmem>>, vector<1x1x16xf32>,
      %get3A_120 = vector.shape_cast %get3A_119 : vector<1x1x16xf32> to vector<16xf32>
      %mul3A_121 = arith.mulf %get3A_51, %get3A_120 : vector<16xf32>
      %add3A_122 = arith.addf %add3A_113, %mul3A_121 : vector<16xf32>
      %get3A_123 = arith.constant 4 : i32
      %get3A_124 = arith.constant 0 : i32
      %get3A_125 = arith.index_cast %get3A_123 : i32 to index
      %get3A_126 = arith.index_cast %get3A_124 : i32 to index
      %get3A_127 = arith.constant 0 : index
      %get3A_128 = tpu.vector_load %arg9[%get3A_125, %get3A_126, %get3A_127] {strides = array<i32>} : memref<5x16x32xf32, #tpu.memory_space<vmem>>, vector<1x1x16xf32>,
      %get3A_129 = vector.shape_cast %get3A_128 : vector<1x1x16xf32> to vector<16xf32>
      %mul3A_130 = arith.mulf %get3A_46, %get3A_129 : vector<16xf32>
      %add3A_131 = arith.addf %broadcast_in_dim3A_2, %mul3A_130 : vector<16xf32>
      %get3A_132 = arith.constant 4 : i32
      %get3A_133 = arith.constant 0 : i32
      %get3A_134 = arith.index_cast %get3A_132 : i32 to index
      %get3A_135 = arith.index_cast %get3A_133 : i32 to index
      %get3A_136 = arith.constant 16 : index
      %get3A_137 = tpu.vector_load %arg9[%get3A_134, %get3A_135, %get3A_136] {strides = array<i32>} : memref<5x16x32xf32, #tpu.memory_space<vmem>>, vector<1x1x16xf32>,
      %get3A_138 = vector.shape_cast %get3A_137 : vector<1x1x16xf32> to vector<16xf32>
      %mul3A_139 = arith.mulf %get3A_51, %get3A_138 : vector<16xf32>
      %add3A_140 = arith.addf %add3A_131, %mul3A_139 : vector<16xf32>
      %get3A_141 = arith.constant 1 : i32
      %get3A_142 = arith.index_cast %get3A_141 : i32 to index
      %get3A_143 = arith.constant 0 : index
      %get3A_144 = tpu.vector_load %arg8[%get3A_142, %get3A_143] {strides = array<i32>} : memref<16x32xf32, #tpu.memory_space<vmem>>, vector<1x16xf32>,
      %get3A_145 = vector.shape_cast %get3A_144 : vector<1x16xf32> to vector<16xf32>
      %get3A_146 = arith.constant 1 : i32
      %get3A_147 = arith.index_cast %get3A_146 : i32 to index
      %get3A_148 = arith.constant 16 : index
      %get3A_149 = tpu.vector_load %arg8[%get3A_147, %get3A_148] {strides = array<i32>} : memref<16x32xf32, #tpu.memory_space<vmem>>, vector<1x16xf32>,
      %get3A_150 = vector.shape_cast %get3A_149 : vector<1x16xf32> to vector<16xf32>
      %get3A_151 = arith.constant 0 : i32
      %get3A_152 = arith.constant 1 : i32
      %get3A_153 = arith.index_cast %get3A_151 : i32 to index
      %get3A_154 = arith.index_cast %get3A_152 : i32 to index
      %get3A_155 = arith.constant 0 : index
      %get3A_156 = tpu.vector_load %arg9[%get3A_153, %get3A_154, %get3A_155] {strides = array<i32>} : memref<5x16x32xf32, #tpu.memory_space<vmem>>, vector<1x1x16xf32>,
      %get3A_157 = vector.shape_cast %get3A_156 : vector<1x1x16xf32> to vector<16xf32>
      %mul3A_158 = arith.mulf %get3A_145, %get3A_157 : vector<16xf32>
      %add3A_159 = arith.addf %add3A_68, %mul3A_158 : vector<16xf32>
      %get3A_160 = arith.constant 0 : i32
      %get3A_161 = arith.constant 1 : i32
      %get3A_162 = arith.index_cast %get3A_160 : i32 to index
      %get3A_163 = arith.index_cast %get3A_161 : i32 to index
      %get3A_164 = arith.constant 16 : index
      %get3A_165 = tpu.vector_load %arg9[%get3A_162, %get3A_163, %get3A_164] {strides = array<i32>} : memref<5x16x32xf32, #tpu.memory_space<vmem>>, vector<1x1x16xf32>,
      %get3A_166 = vector.shape_cast %get3A_165 : vector<1x1x16xf32> to vector<16xf32>
      %mul3A_167 = arith.mulf %get3A_150, %get3A_166 : vector<16xf32>
      %add3A_168 = arith.addf %add3A_159, %mul3A_167 : vector<16xf32>
      %get3A_169 = arith.constant 1 : i32
      %get3A_170 = arith.constant 1 : i32
      %get3A_171 = arith.index_cast %get3A_169 : i32 to index
      %get3A_172 = arith.index_cast %get3A_170 : i32 to index
      %get3A_173 = arith.constant 0 : index
      %get3A_174 = tpu.vector_load %arg9[%get3A_171, %get3A_172, %get3A_173] {strides = array<i32>} : memref<5x16x32xf32, #tpu.memory_space<vmem>>, vector<1x1x16xf32>,
      %get3A_175 = vector.shape_cast %get3A_174 : vector<1x1x16xf32> to vector<16xf32>
      %mul3A_176 = arith.mulf %get3A_145, %get3A_175 : vector<16xf32>
      %add3A_177 = arith.addf %add3A_86, %mul3A_176 : vector<16xf32>
      %get3A_178 = arith.constant 1 : i32
      %get3A_179 = arith.constant 1 : i32
      %get3A_180 = arith.index_cast %get3A_178 : i32 to index
      %get3A_181 = arith.index_cast %get3A_179 : i32 to index
      %get3A_182 = arith.constant 16 : index
      %get3A_183 = tpu.vector_load %arg9[%get3A_180, %get3A_181, %get3A_182] {strides = array<i32>} : memref<5x16x32xf32, #tpu.memory_space<vmem>>, vector<1x1x16xf32>,
      %get3A_184 = vector.shape_cast %get3A_183 : vector<1x1x16xf32> to vector<16xf32>
      %mul3A_185 = arith.mulf %get3A_150, %get3A_184 : vector<16xf32>
      %add3A_186 = arith.addf %add3A_177, %mul3A_185 : vector<16xf32>
      %get3A_187 = arith.constant 2 : i32
      %get3A_188 = arith.constant 1 : i32
      %get3A_189 = arith.index_cast %get3A_187 : i32 to index
      %get3A_190 = arith.index_cast %get3A_188 : i32 to index
      %get3A_191 = arith.constant 0 : index
      %get3A_192 = tpu.vector_load %arg9[%get3A_189, %get3A_190, %get3A_191] {strides = array<i32>} : memref<5x16x32xf32, #tpu.memory_space<vmem>>, vector<1x1x16xf32>,
      %get3A_193 = vector.shape_cast %get3A_192 : vector<1x1x16xf32> to vector<16xf32>
      %mul3A_194 = arith.mulf %get3A_145, %get3A_193 : vector<16xf32>
      %add3A_195 = arith.addf %add3A_104, %mul3A_194 : vector<16xf32>
      %get3A_196 = arith.constant 2 : i32
      %get3A_197 = arith.constant 1 : i32
      %get3A_198 = arith.index_cast %get3A_196 : i32 to index
      %get3A_199 = arith.index_cast %get3A_197 : i32 to index
      %get3A_200 = arith.constant 16 : index
      %get3A_201 = tpu.vector_load %arg9[%get3A_198, %get3A_199, %get3A_200] {strides = array<i32>} : memref<5x16x32xf32, #tpu.memory_space<vmem>>, vector<1x1x16xf32>,
      %get3A_202 = vector.shape_cast %get3A_201 : vector<1x1x16xf32> to vector<16xf32>
      %mul3A_203 = arith.mulf %get3A_150, %get3A_202 : vector<16xf32>
      %add3A_204 = arith.addf %add3A_195, %mul3A_203 : vector<16xf32>
      %get3A_205 = arith.constant 3 : i32
      %get3A_206 = arith.constant 1 : i32
      %get3A_207 = arith.index_cast %get3A_205 : i32 to index
      %get3A_208 = arith.index_cast %get3A_206 : i32 to index
      %get3A_209 = arith.constant 0 : index
      %get3A_210 = tpu.vector_load %arg9[%get3A_207, %get3A_208, %get3A_209] {strides = array<i32>} : memref<5x16x32xf32, #tpu.memory_space<vmem>>, vector<1x1x16xf32>,
      %get3A_211 = vector.shape_cast %get3A_210 : vector<1x1x16xf32> to vector<16xf32>
      %mul3A_212 = arith.mulf %get3A_145, %get3A_211 : vector<16xf32>
      %add3A_213 = arith.addf %add3A_122, %mul3A_212 : vector<16xf32>
      %get3A_214 = arith.constant 3 : i32
      %get3A_215 = arith.constant 1 : i32
      %get3A_216 = arith.index_cast %get3A_214 : i32 to index
      %get3A_217 = arith.index_cast %get3A_215 : i32 to index
      %get3A_218 = arith.constant 16 : index
      %get3A_219 = tpu.vector_load %arg9[%get3A_216, %get3A_217, %get3A_218] {strides = array<i32>} : memref<5x16x32xf32, #tpu.memory_space<vmem>>, vector<1x1x16xf32>,
      %get3A_220 = vector.shape_cast %get3A_219 : vector<1x1x16xf32> to vector<16xf32>
      %mul3A_221 = arith.mulf %get3A_150, %get3A_220 : vector<16xf32>
      %add3A_222 = arith.addf %add3A_213, %mul3A_221 : vector<16xf32>
      %get3A_223 = arith.constant 4 : i32
      %get3A_224 = arith.constant 1 : i32
      %get3A_225 = arith.index_cast %get3A_223 : i32 to index
      %get3A_226 = arith.index_cast %get3A_224 : i32 to index
      %get3A_227 = arith.constant 0 : index
      %get3A_228 = tpu.vector_load %arg9[%get3A_225, %get3A_226, %get3A_227] {strides = array<i32>} : memref<5x16x32xf32, #tpu.memory_space<vmem>>, vector<1x1x16xf32>,
      %get3A_229 = vector.shape_cast %get3A_228 : vector<1x1x16xf32> to vector<16xf32>
      %mul3A_230 = arith.mulf %get3A_145, %get3A_229 : vector<16xf32>
      %add3A_231 = arith.addf %add3A_140, %mul3A_230 : vector<16xf32>
      %get3A_232 = arith.constant 4 : i32
      %get3A_233 = arith.constant 1 : i32
      %get3A_234 = arith.index_cast %get3A_232 : i32 to index
      %get3A_235 = arith.index_cast %get3A_233 : i32 to index
      %get3A_236 = arith.constant 16 : index
      %get3A_237 = tpu.vector_load %arg9[%get3A_234, %get3A_235, %get3A_236] {strides = array<i32>} : memref<5x16x32xf32, #tpu.memory_space<vmem>>, vector<1x1x16xf32>,
      %get3A_238 = vector.shape_cast %get3A_237 : vector<1x1x16xf32> to vector<16xf32>
      %mul3A_239 = arith.mulf %get3A_150, %get3A_238 : vector<16xf32>
      %add3A_240 = arith.addf %add3A_231, %mul3A_239 : vector<16xf32>
      %get3A_241 = arith.constant 2 : i32
      %get3A_242 = arith.index_cast %get3A_241 : i32 to index
      %get3A_243 = arith.constant 0 : index
      %get3A_244 = tpu.vector_load %arg8[%get3A_242, %get3A_243] {strides = array<i32>} : memref<16x32xf32, #tpu.memory_space<vmem>>, vector<1x16xf32>,
      %get3A_245 = vector.shape_cast %get3A_244 : vector<1x16xf32> to vector<16xf32>
      %get3A_246 = arith.constant 2 : i32
      %get3A_247 = arith.index_cast %get3A_246 : i32 to index
      %get3A_248 = arith.constant 16 : index
      %get3A_249 = tpu.vector_load %arg8[%get3A_247, %get3A_248] {strides = array<i32>} : memref<16x32xf32, #tpu.memory_space<vmem>>, vector<1x16xf32>,
      %get3A_250 = vector.shape_cast %get3A_249 : vector<1x16xf32> to vector<16xf32>
      %get3A_251 = arith.constant 0 : i32
      %get3A_252 = arith.constant 2 : i32
      %get3A_253 = arith.index_cast %get3A_251 : i32 to index
      %get3A_254 = arith.index_cast %get3A_252 : i32 to index
      %get3A_255 = arith.constant 0 : index
      %get3A_256 = tpu.vector_load %arg9[%get3A_253, %get3A_254, %get3A_255] {strides = array<i32>} : memref<5x16x32xf32, #tpu.memory_space<vmem>>, vector<1x1x16xf32>,
      %get3A_257 = vector.shape_cast %get3A_256 : vector<1x1x16xf32> to vector<16xf32>
      %mul3A_258 = arith.mulf %get3A_245, %get3A_257 : vector<16xf32>
      %add3A_259 = arith.addf %add3A_168, %mul3A_258 : vector<16xf32>
      %get3A_260 = arith.constant 0 : i32
      %get3A_261 = arith.constant 2 : i32
      %get3A_262 = arith.index_cast %get3A_260 : i32 to index
      %get3A_263 = arith.index_cast %get3A_261 : i32 to index
      %get3A_264 = arith.constant 16 : index
      %get3A_265 = tpu.vector_load %arg9[%get3A_262, %get3A_263, %get3A_264] {strides = array<i32>} : memref<5x16x32xf32, #tpu.memory_space<vmem>>, vector<1x1x16xf32>,
      %get3A_266 = vector.shape_cast %get3A_265 : vector<1x1x16xf32> to vector<16xf32>
      %mul3A_267 = arith.mulf %get3A_250, %get3A_266 : vector<16xf32>
      %add3A_268 = arith.addf %add3A_259, %mul3A_267 : vector<16xf32>
      %get3A_269 = arith.constant 1 : i32
      %get3A_270 = arith.constant 2 : i32
      %get3A_271 = arith.index_cast %get3A_269 : i32 to index
      %get3A_272 = arith.index_cast %get3A_270 : i32 to index
      %get3A_273 = arith.constant 0 : index
      %get3A_274 = tpu.vector_load %arg9[%get3A_271, %get3A_272, %get3A_273] {strides = array<i32>} : memref<5x16x32xf32, #tpu.memory_space<vmem>>, vector<1x1x16xf32>,
      %get3A_275 = vector.shape_cast %get3A_274 : vector<1x1x16xf32> to vector<16xf32>
      %mul3A_276 = arith.mulf %get3A_245, %get3A_275 : vector<16xf32>
      %add3A_277 = arith.addf %add3A_186, %mul3A_276 : vector<16xf32>
      %get3A_278 = arith.constant 1 : i32
      %get3A_279 = arith.constant 2 : i32
      %get3A_280 = arith.index_cast %get3A_278 : i32 to index
      %get3A_281 = arith.index_cast %get3A_279 : i32 to index
      %get3A_282 = arith.constant 16 : index
      %get3A_283 = tpu.vector_load %arg9[%get3A_280, %get3A_281, %get3A_282] {strides = array<i32>} : memref<5x16x32xf32, #tpu.memory_space<vmem>>, vector<1x1x16xf32>,
      %get3A_284 = vector.shape_cast %get3A_283 : vector<1x1x16xf32> to vector<16xf32>
      %mul3A_285 = arith.mulf %get3A_250, %get3A_284 : vector<16xf32>
      %add3A_286 = arith.addf %add3A_277, %mul3A_285 : vector<16xf32>
      %get3A_287 = arith.constant 2 : i32
      %get3A_288 = arith.constant 2 : i32
      %get3A_289 = arith.index_cast %get3A_287 : i32 to index
      %get3A_290 = arith.index_cast %get3A_288 : i32 to index
      %get3A_291 = arith.constant 0 : index
      %get3A_292 = tpu.vector_load %arg9[%get3A_289, %get3A_290, %get3A_291] {strides = array<i32>} : memref<5x16x32xf32, #tpu.memory_space<vmem>>, vector<1x1x16xf32>,
      %get3A_293 = vector.shape_cast %get3A_292 : vector<1x1x16xf32> to vector<16xf32>
      %mul3A_294 = arith.mulf %get3A_245, %get3A_293 : vector<16xf32>
      %add3A_295 = arith.addf %add3A_204, %mul3A_294 : vector<16xf32>
      %get3A_296 = arith.constant 2 : i32
      %get3A_297 = arith.constant 2 : i32
      %get3A_298 = arith.index_cast %get3A_296 : i32 to index
      %get3A_299 = arith.index_cast %get3A_297 : i32 to index
      %get3A_300 = arith.constant 16 : index
      %get3A_301 = tpu.vector_load %arg9[%get3A_298, %get3A_299, %get3A_300] {strides = array<i32>} : memref<5x16x32xf32, #tpu.memory_space<vmem>>, vector<1x1x16xf32>,
      %get3A_302 = vector.shape_cast %get3A_301 : vector<1x1x16xf32> to vector<16xf32>
      %mul3A_303 = arith.mulf %get3A_250, %get3A_302 : vector<16xf32>
      %add3A_304 = arith.addf %add3A_295, %mul3A_303 : vector<16xf32>
      %get3A_305 = arith.constant 3 : i32
      %get3A_306 = arith.constant 2 : i32
      %get3A_307 = arith.index_cast %get3A_305 : i32 to index
      %get3A_308 = arith.index_cast %get3A_306 : i32 to index
      %get3A_309 = arith.constant 0 : index
      %get3A_310 = tpu.vector_load %arg9[%get3A_307, %get3A_308, %get3A_309] {strides = array<i32>} : memref<5x16x32xf32, #tpu.memory_space<vmem>>, vector<1x1x16xf32>,
      %get3A_311 = vector.shape_cast %get3A_310 : vector<1x1x16xf32> to vector<16xf32>
      %mul3A_312 = arith.mulf %get3A_245, %get3A_311 : vector<16xf32>
      %add3A_313 = arith.addf %add3A_222, %mul3A_312 : vector<16xf32>
      %get3A_314 = arith.constant 3 : i32
      %get3A_315 = arith.constant 2 : i32
      %get3A_316 = arith.index_cast %get3A_314 : i32 to index
      %get3A_317 = arith.index_cast %get3A_315 : i32 to index
      %get3A_318 = arith.constant 16 : index
      %get3A_319 = tpu.vector_load %arg9[%get3A_316, %get3A_317, %get3A_318] {strides = array<i32>} : memref<5x16x32xf32, #tpu.memory_space<vmem>>, vector<1x1x16xf32>,
      %get3A_320 = vector.shape_cast %get3A_319 : vector<1x1x16xf32> to vector<16xf32>
      %mul3A_321 = arith.mulf %get3A_250, %get3A_320 : vector<16xf32>
      %add3A_322 = arith.addf %add3A_313, %mul3A_321 : vector<16xf32>
      %get3A_323 = arith.constant 4 : i32
      %get3A_324 = arith.constant 2 : i32
      %get3A_325 = arith.index_cast %get3A_323 : i32 to index
      %get3A_326 = arith.index_cast %get3A_324 : i32 to index
      %get3A_327 = arith.constant 0 : index
      %get3A_328 = tpu.vector_load %arg9[%get3A_325, %get3A_326, %get3A_327] {strides = array<i32>} : memref<5x16x32xf32, #tpu.memory_space<vmem>>, vector<1x1x16xf32>,
      %get3A_329 = vector.shape_cast %get3A_328 : vector<1x1x16xf32> to vector<16xf32>
      %mul3A_330 = arith.mulf %get3A_245, %get3A_329 : vector<16xf32>
      %add3A_331 = arith.addf %add3A_240, %mul3A_330 : vector<16xf32>
      %get3A_332 = arith.constant 4 : i32
      %get3A_333 = arith.constant 2 : i32
      %get3A_334 = arith.index_cast %get3A_332 : i32 to index
      %get3A_335 = arith.index_cast %get3A_333 : i32 to index
      %get3A_336 = arith.constant 16 : index
      %get3A_337 = tpu.vector_load %arg9[%get3A_334, %get3A_335, %get3A_336] {strides = array<i32>} : memref<5x16x32xf32, #tpu.memory_space<vmem>>, vector<1x1x16xf32>,
      %get3A_338 = vector.shape_cast %get3A_337 : vector<1x1x16xf32> to vector<16xf32>
      %mul3A_339 = arith.mulf %get3A_250, %get3A_338 : vector<16xf32>
      %add3A_340 = arith.addf %add3A_331, %mul3A_339 : vector<16xf32>
      %get3A_341 = arith.constant 3 : i32
      %get3A_342 = arith.index_cast %get3A_341 : i32 to index
      %get3A_343 = arith.constant 0 : index
      %get3A_344 = tpu.vector_load %arg8[%get3A_342, %get3A_343] {strides = array<i32>} : memref<16x32xf32, #tpu.memory_space<vmem>>, vector<1x16xf32>,
      %get3A_345 = vector.shape_cast %get3A_344 : vector<1x16xf32> to vector<16xf32>
      %get3A_346 = arith.constant 3 : i32
      %get3A_347 = arith.index_cast %get3A_346 : i32 to index
      %get3A_348 = arith.constant 16 : index
      %get3A_349 = tpu.vector_load %arg8[%get3A_347, %get3A_348] {strides = array<i32>} : memref<16x32xf32, #tpu.memory_space<vmem>>, vector<1x16xf32>,
      %get3A_350 = vector.shape_cast %get3A_349 : vector<1x16xf32> to vector<16xf32>
      %get3A_351 = arith.constant 0 : i32
      %get3A_352 = arith.constant 3 : i32
      %get3A_353 = arith.index_cast %get3A_351 : i32 to index
      %get3A_354 = arith.index_cast %get3A_352 : i32 to index
      %get3A_355 = arith.constant 0 : index
      %get3A_356 = tpu.vector_load %arg9[%get3A_353, %get3A_354, %get3A_355] {strides = array<i32>} : memref<5x16x32xf32, #tpu.memory_space<vmem>>, vector<1x1x16xf32>,
      %get3A_357 = vector.shape_cast %get3A_356 : vector<1x1x16xf32> to vector<16xf32>
      %mul3A_358 = arith.mulf %get3A_345, %get3A_357 : vector<16xf32>
      %add3A_359 = arith.addf %add3A_268, %mul3A_358 : vector<16xf32>
      %get3A_360 = arith.constant 0 : i32
      %get3A_361 = arith.constant 3 : i32
      %get3A_362 = arith.index_cast %get3A_360 : i32 to index
      %get3A_363 = arith.index_cast %get3A_361 : i32 to index
      %get3A_364 = arith.constant 16 : index
      %get3A_365 = tpu.vector_load %arg9[%get3A_362, %get3A_363, %get3A_364] {strides = array<i32>} : memref<5x16x32xf32, #tpu.memory_space<vmem>>, vector<1x1x16xf32>,
      %get3A_366 = vector.shape_cast %get3A_365 : vector<1x1x16xf32> to vector<16xf32>
      %mul3A_367 = arith.mulf %get3A_350, %get3A_366 : vector<16xf32>
      %add3A_368 = arith.addf %add3A_359, %mul3A_367 : vector<16xf32>
      %get3A_369 = arith.constant 1 : i32
      %get3A_370 = arith.constant 3 : i32
      %get3A_371 = arith.index_cast %get3A_369 : i32 to index
      %get3A_372 = arith.index_cast %get3A_370 : i32 to index
      %get3A_373 = arith.constant 0 : index
      %get3A_374 = tpu.vector_load %arg9[%get3A_371, %get3A_372, %get3A_373] {strides = array<i32>} : memref<5x16x32xf32, #tpu.memory_space<vmem>>, vector<1x1x16xf32>,
      %get3A_375 = vector.shape_cast %get3A_374 : vector<1x1x16xf32> to vector<16xf32>
      %mul3A_376 = arith.mulf %get3A_345, %get3A_375 : vector<16xf32>
      %add3A_377 = arith.addf %add3A_286, %mul3A_376 : vector<16xf32>
      %get3A_378 = arith.constant 1 : i32
      %get3A_379 = arith.constant 3 : i32
      %get3A_380 = arith.index_cast %get3A_378 : i32 to index
      %get3A_381 = arith.index_cast %get3A_379 : i32 to index
      %get3A_382 = arith.constant 16 : index
      %get3A_383 = tpu.vector_load %arg9[%get3A_380, %get3A_381, %get3A_382] {strides = array<i32>} : memref<5x16x32xf32, #tpu.memory_space<vmem>>, vector<1x1x16xf32>,
      %get3A_384 = vector.shape_cast %get3A_383 : vector<1x1x16xf32> to vector<16xf32>
      %mul3A_385 = arith.mulf %get3A_350, %get3A_384 : vector<16xf32>
      %add3A_386 = arith.addf %add3A_377, %mul3A_385 : vector<16xf32>
      %get3A_387 = arith.constant 2 : i32
      %get3A_388 = arith.constant 3 : i32
      %get3A_389 = arith.index_cast %get3A_387 : i32 to index
      %get3A_390 = arith.index_cast %get3A_388 : i32 to index
      %get3A_391 = arith.constant 0 : index
      %get3A_392 = tpu.vector_load %arg9[%get3A_389, %get3A_390, %get3A_391] {strides = array<i32>} : memref<5x16x32xf32, #tpu.memory_space<vmem>>, vector<1x1x16xf32>,
      %get3A_393 = vector.shape_cast %get3A_392 : vector<1x1x16xf32> to vector<16xf32>
      %mul3A_394 = arith.mulf %get3A_345, %get3A_393 : vector<16xf32>
      %add3A_395 = arith.addf %add3A_304, %mul3A_394 : vector<16xf32>
      %get3A_396 = arith.constant 2 : i32
      %get3A_397 = arith.constant 3 : i32
      %get3A_398 = arith.index_cast %get3A_396 : i32 to index
      %get3A_399 = arith.index_cast %get3A_397 : i32 to index
      %get3A_400 = arith.constant 16 : index
      %get3A_401 = tpu.vector_load %arg9[%get3A_398, %get3A_399, %get3A_400] {strides = array<i32>} : memref<5x16x32xf32, #tpu.memory_space<vmem>>, vector<1x1x16xf32>,
      %get3A_402 = vector.shape_cast %get3A_401 : vector<1x1x16xf32> to vector<16xf32>
      %mul3A_403 = arith.mulf %get3A_350, %get3A_402 : vector<16xf32>
      %add3A_404 = arith.addf %add3A_395, %mul3A_403 : vector<16xf32>
      %get3A_405 = arith.constant 3 : i32
      %get3A_406 = arith.constant 3 : i32
      %get3A_407 = arith.index_cast %get3A_405 : i32 to index
      %get3A_408 = arith.index_cast %get3A_406 : i32 to index
      %get3A_409 = arith.constant 0 : index
      %get3A_410 = tpu.vector_load %arg9[%get3A_407, %get3A_408, %get3A_409] {strides = array<i32>} : memref<5x16x32xf32, #tpu.memory_space<vmem>>, vector<1x1x16xf32>,
      %get3A_411 = vector.shape_cast %get3A_410 : vector<1x1x16xf32> to vector<16xf32>
      %mul3A_412 = arith.mulf %get3A_345, %get3A_411 : vector<16xf32>
      %add3A_413 = arith.addf %add3A_322, %mul3A_412 : vector<16xf32>
      %get3A_414 = arith.constant 3 : i32
      %get3A_415 = arith.constant 3 : i32
      %get3A_416 = arith.index_cast %get3A_414 : i32 to index
      %get3A_417 = arith.index_cast %get3A_415 : i32 to index
      %get3A_418 = arith.constant 16 : index
      %get3A_419 = tpu.vector_load %arg9[%get3A_416, %get3A_417, %get3A_418] {strides = array<i32>} : memref<5x16x32xf32, #tpu.memory_space<vmem>>, vector<1x1x16xf32>,
      %get3A_420 = vector.shape_cast %get3A_419 : vector<1x1x16xf32> to vector<16xf32>
      %mul3A_421 = arith.mulf %get3A_350, %get3A_420 : vector<16xf32>
      %add3A_422 = arith.addf %add3A_413, %mul3A_421 : vector<16xf32>
      %get3A_423 = arith.constant 4 : i32
      %get3A_424 = arith.constant 3 : i32
      %get3A_425 = arith.index_cast %get3A_423 : i32 to index
      %get3A_426 = arith.index_cast %get3A_424 : i32 to index
      %get3A_427 = arith.constant 0 : index
      %get3A_428 = tpu.vector_load %arg9[%get3A_425, %get3A_426, %get3A_427] {strides = array<i32>} : memref<5x16x32xf32, #tpu.memory_space<vmem>>, vector<1x1x16xf32>,
      %get3A_429 = vector.shape_cast %get3A_428 : vector<1x1x16xf32> to vector<16xf32>
      %mul3A_430 = arith.mulf %get3A_345, %get3A_429 : vector<16xf32>
      %add3A_431 = arith.addf %add3A_340, %mul3A_430 : vector<16xf32>
      %get3A_432 = arith.constant 4 : i32
      %get3A_433 = arith.constant 3 : i32
      %get3A_434 = arith.index_cast %get3A_432 : i32 to index
      %get3A_435 = arith.index_cast %get3A_433 : i32 to index
      %get3A_436 = arith.constant 16 : index
      %get3A_437 = tpu.vector_load %arg9[%get3A_434, %get3A_435, %get3A_436] {strides = array<i32>} : memref<5x16x32xf32, #tpu.memory_space<vmem>>, vector<1x1x16xf32>,
      %get3A_438 = vector.shape_cast %get3A_437 : vector<1x1x16xf32> to vector<16xf32>
      %mul3A_439 = arith.mulf %get3A_350, %get3A_438 : vector<16xf32>
      %add3A_440 = arith.addf %add3A_431, %mul3A_439 : vector<16xf32>
      %get3A_441 = arith.constant 4 : i32
      %get3A_442 = arith.index_cast %get3A_441 : i32 to index
      %get3A_443 = arith.constant 0 : index
      %get3A_444 = tpu.vector_load %arg8[%get3A_442, %get3A_443] {strides = array<i32>} : memref<16x32xf32, #tpu.memory_space<vmem>>, vector<1x16xf32>,
      %get3A_445 = vector.shape_cast %get3A_444 : vector<1x16xf32> to vector<16xf32>
      %get3A_446 = arith.constant 4 : i32
      %get3A_447 = arith.index_cast %get3A_446 : i32 to index
      %get3A_448 = arith.constant 16 : index
      %get3A_449 = tpu.vector_load %arg8[%get3A_447, %get3A_448] {strides = array<i32>} : memref<16x32xf32, #tpu.memory_space<vmem>>, vector<1x16xf32>,
      %get3A_450 = vector.shape_cast %get3A_449 : vector<1x16xf32> to vector<16xf32>
      %get3A_451 = arith.constant 0 : i32
      %get3A_452 = arith.constant 4 : i32
      %get3A_453 = arith.index_cast %get3A_451 : i32 to index
      %get3A_454 = arith.index_cast %get3A_452 : i32 to index
      %get3A_455 = arith.constant 0 : index
      %get3A_456 = tpu.vector_load %arg9[%get3A_453, %get3A_454, %get3A_455] {strides = array<i32>} : memref<5x16x32xf32, #tpu.memory_space<vmem>>, vector<1x1x16xf32>,
      %get3A_457 = vector.shape_cast %get3A_456 : vector<1x1x16xf32> to vector<16xf32>
      %mul3A_458 = arith.mulf %get3A_445, %get3A_457 : vector<16xf32>
      %add3A_459 = arith.addf %add3A_368, %mul3A_458 : vector<16xf32>
      %get3A_460 = arith.constant 0 : i32
      %get3A_461 = arith.constant 4 : i32
      %get3A_462 = arith.index_cast %get3A_460 : i32 to index
      %get3A_463 = arith.index_cast %get3A_461 : i32 to index
      %get3A_464 = arith.constant 16 : index
      %get3A_465 = tpu.vector_load %arg9[%get3A_462, %get3A_463, %get3A_464] {strides = array<i32>} : memref<5x16x32xf32, #tpu.memory_space<vmem>>, vector<1x1x16xf32>,
      %get3A_466 = vector.shape_cast %get3A_465 : vector<1x1x16xf32> to vector<16xf32>
      %mul3A_467 = arith.mulf %get3A_450, %get3A_466 : vector<16xf32>
      %add3A_468 = arith.addf %add3A_459, %mul3A_467 : vector<16xf32>
      %get3A_469 = arith.constant 1 : i32
      %get3A_470 = arith.constant 4 : i32
      %get3A_471 = arith.index_cast %get3A_469 : i32 to index
      %get3A_472 = arith.index_cast %get3A_470 : i32 to index
      %get3A_473 = arith.constant 0 : index
      %get3A_474 = tpu.vector_load %arg9[%get3A_471, %get3A_472, %get3A_473] {strides = array<i32>} : memref<5x16x32xf32, #tpu.memory_space<vmem>>, vector<1x1x16xf32>,
      %get3A_475 = vector.shape_cast %get3A_474 : vector<1x1x16xf32> to vector<16xf32>
      %mul3A_476 = arith.mulf %get3A_445, %get3A_475 : vector<16xf32>
      %add3A_477 = arith.addf %add3A_386, %mul3A_476 : vector<16xf32>
      %get3A_478 = arith.constant 1 : i32
      %get3A_479 = arith.constant 4 : i32
      %get3A_480 = arith.index_cast %get3A_478 : i32 to index
      %get3A_481 = arith.index_cast %get3A_479 : i32 to index
      %get3A_482 = arith.constant 16 : index
      %get3A_483 = tpu.vector_load %arg9[%get3A_480, %get3A_481, %get3A_482] {strides = array<i32>} : memref<5x16x32xf32, #tpu.memory_space<vmem>>, vector<1x1x16xf32>,
      %get3A_484 = vector.shape_cast %get3A_483 : vector<1x1x16xf32> to vector<16xf32>
      %mul3A_485 = arith.mulf %get3A_450, %get3A_484 : vector<16xf32>
      %add3A_486 = arith.addf %add3A_477, %mul3A_485 : vector<16xf32>
      %get3A_487 = arith.constant 2 : i32
      %get3A_488 = arith.constant 4 : i32
      %get3A_489 = arith.index_cast %get3A_487 : i32 to index
      %get3A_490 = arith.index_cast %get3A_488 : i32 to index
      %get3A_491 = arith.constant 0 : index
      %get3A_492 = tpu.vector_load %arg9[%get3A_489, %get3A_490, %get3A_491] {strides = array<i32>} : memref<5x16x32xf32, #tpu.memory_space<vmem>>, vector<1x1x16xf32>,
      %get3A_493 = vector.shape_cast %get3A_492 : vector<1x1x16xf32> to vector<16xf32>
      %mul3A_494 = arith.mulf %get3A_445, %get3A_493 : vector<16xf32>
      %add3A_495 = arith.addf %add3A_404, %mul3A_494 : vector<16xf32>
      %get3A_496 = arith.constant 2 : i32
      %get3A_497 = arith.constant 4 : i32
      %get3A_498 = arith.index_cast %get3A_496 : i32 to index
      %get3A_499 = arith.index_cast %get3A_497 : i32 to index
      %get3A_500 = arith.constant 16 : index
      %get3A_501 = tpu.vector_load %arg9[%get3A_498, %get3A_499, %get3A_500] {strides = array<i32>} : memref<5x16x32xf32, #tpu.memory_space<vmem>>, vector<1x1x16xf32>,
      %get3A_502 = vector.shape_cast %get3A_501 : vector<1x1x16xf32> to vector<16xf32>
      %mul3A_503 = arith.mulf %get3A_450, %get3A_502 : vector<16xf32>
      %add3A_504 = arith.addf %add3A_495, %mul3A_503 : vector<16xf32>
      %get3A_505 = arith.constant 3 : i32
      %get3A_506 = arith.constant 4 : i32
      %get3A_507 = arith.index_cast %get3A_505 : i32 to index
      %get3A_508 = arith.index_cast %get3A_506 : i32 to index
      %get3A_509 = arith.constant 0 : index
      %get3A_510 = tpu.vector_load %arg9[%get3A_507, %get3A_508, %get3A_509] {strides = array<i32>} : memref<5x16x32xf32, #tpu.memory_space<vmem>>, vector<1x1x16xf32>,
      %get3A_511 = vector.shape_cast %get3A_510 : vector<1x1x16xf32> to vector<16xf32>
      %mul3A_512 = arith.mulf %get3A_445, %get3A_511 : vector<16xf32>
      %add3A_513 = arith.addf %add3A_422, %mul3A_512 : vector<16xf32>
      %get3A_514 = arith.constant 3 : i32
      %get3A_515 = arith.constant 4 : i32
      %get3A_516 = arith.index_cast %get3A_514 : i32 to index
      %get3A_517 = arith.index_cast %get3A_515 : i32 to index
      %get3A_518 = arith.constant 16 : index
      %get3A_519 = tpu.vector_load %arg9[%get3A_516, %get3A_517, %get3A_518] {strides = array<i32>} : memref<5x16x32xf32, #tpu.memory_space<vmem>>, vector<1x1x16xf32>,
      %get3A_520 = vector.shape_cast %get3A_519 : vector<1x1x16xf32> to vector<16xf32>
      %mul3A_521 = arith.mulf %get3A_450, %get3A_520 : vector<16xf32>
      %add3A_522 = arith.addf %add3A_513, %mul3A_521 : vector<16xf32>
      %get3A_523 = arith.constant 4 : i32
      %get3A_524 = arith.constant 4 : i32
      %get3A_525 = arith.index_cast %get3A_523 : i32 to index
      %get3A_526 = arith.index_cast %get3A_524 : i32 to index
      %get3A_527 = arith.constant 0 : index
      %get3A_528 = tpu.vector_load %arg9[%get3A_525, %get3A_526, %get3A_527] {strides = array<i32>} : memref<5x16x32xf32, #tpu.memory_space<vmem>>, vector<1x1x16xf32>,
      %get3A_529 = vector.shape_cast %get3A_528 : vector<1x1x16xf32> to vector<16xf32>
      %mul3A_530 = arith.mulf %get3A_445, %get3A_529 : vector<16xf32>
      %add3A_531 = arith.addf %add3A_440, %mul3A_530 : vector<16xf32>
      %get3A_532 = arith.constant 4 : i32
      %get3A_533 = arith.constant 4 : i32
      %get3A_534 = arith.index_cast %get3A_532 : i32 to index
      %get3A_535 = arith.index_cast %get3A_533 : i32 to index
      %get3A_536 = arith.constant 16 : index
      %get3A_537 = tpu.vector_load %arg9[%get3A_534, %get3A_535, %get3A_536] {strides = array<i32>} : memref<5x16x32xf32, #tpu.memory_space<vmem>>, vector<1x1x16xf32>,
      %get3A_538 = vector.shape_cast %get3A_537 : vector<1x1x16xf32> to vector<16xf32>
      %mul3A_539 = arith.mulf %get3A_450, %get3A_538 : vector<16xf32>
      %add3A_540 = arith.addf %add3A_531, %mul3A_539 : vector<16xf32>
      %get3A_541 = arith.constant 5 : i32
      %get3A_542 = arith.index_cast %get3A_541 : i32 to index
      %get3A_543 = arith.constant 0 : index
      %get3A_544 = tpu.vector_load %arg8[%get3A_542, %get3A_543] {strides = array<i32>} : memref<16x32xf32, #tpu.memory_space<vmem>>, vector<1x16xf32>,
      %get3A_545 = vector.shape_cast %get3A_544 : vector<1x16xf32> to vector<16xf32>
      %get3A_546 = arith.constant 5 : i32
      %get3A_547 = arith.index_cast %get3A_546 : i32 to index
      %get3A_548 = arith.constant 16 : index
      %get3A_549 = tpu.vector_load %arg8[%get3A_547, %get3A_548] {strides = array<i32>} : memref<16x32xf32, #tpu.memory_space<vmem>>, vector<1x16xf32>,
      %get3A_550 = vector.shape_cast %get3A_549 : vector<1x16xf32> to vector<16xf32>
      %get3A_551 = arith.constant 0 : i32
      %get3A_552 = arith.constant 5 : i32
      %get3A_553 = arith.index_cast %get3A_551 : i32 to index
      %get3A_554 = arith.index_cast %get3A_552 : i32 to index
      %get3A_555 = arith.constant 0 : index
      %get3A_556 = tpu.vector_load %arg9[%get3A_553, %get3A_554, %get3A_555] {strides = array<i32>} : memref<5x16x32xf32, #tpu.memory_space<vmem>>, vector<1x1x16xf32>,
      %get3A_557 = vector.shape_cast %get3A_556 : vector<1x1x16xf32> to vector<16xf32>
      %mul3A_558 = arith.mulf %get3A_545, %get3A_557 : vector<16xf32>
      %add3A_559 = arith.addf %add3A_468, %mul3A_558 : vector<16xf32>
      %get3A_560 = arith.constant 0 : i32
      %get3A_561 = arith.constant 5 : i32
      %get3A_562 = arith.index_cast %get3A_560 : i32 to index
      %get3A_563 = arith.index_cast %get3A_561 : i32 to index
      %get3A_564 = arith.constant 16 : index
      %get3A_565 = tpu.vector_load %arg9[%get3A_562, %get3A_563, %get3A_564] {strides = array<i32>} : memref<5x16x32xf32, #tpu.memory_space<vmem>>, vector<1x1x16xf32>,
      %get3A_566 = vector.shape_cast %get3A_565 : vector<1x1x16xf32> to vector<16xf32>
      %mul3A_567 = arith.mulf %get3A_550, %get3A_566 : vector<16xf32>
      %add3A_568 = arith.addf %add3A_559, %mul3A_567 : vector<16xf32>
      %get3A_569 = arith.constant 1 : i32
      %get3A_570 = arith.constant 5 : i32
      %get3A_571 = arith.index_cast %get3A_569 : i32 to index
      %get3A_572 = arith.index_cast %get3A_570 : i32 to index
      %get3A_573 = arith.constant 0 : index
      %get3A_574 = tpu.vector_load %arg9[%get3A_571, %get3A_572, %get3A_573] {strides = array<i32>} : memref<5x16x32xf32, #tpu.memory_space<vmem>>, vector<1x1x16xf32>,
      %get3A_575 = vector.shape_cast %get3A_574 : vector<1x1x16xf32> to vector<16xf32>
      %mul3A_576 = arith.mulf %get3A_545, %get3A_575 : vector<16xf32>
      %add3A_577 = arith.addf %add3A_486, %mul3A_576 : vector<16xf32>
      %get3A_578 = arith.constant 1 : i32
      %get3A_579 = arith.constant 5 : i32
      %get3A_580 = arith.index_cast %get3A_578 : i32 to index
      %get3A_581 = arith.index_cast %get3A_579 : i32 to index
      %get3A_582 = arith.constant 16 : index
      %get3A_583 = tpu.vector_load %arg9[%get3A_580, %get3A_581, %get3A_582] {strides = array<i32>} : memref<5x16x32xf32, #tpu.memory_space<vmem>>, vector<1x1x16xf32>,
      %get3A_584 = vector.shape_cast %get3A_583 : vector<1x1x16xf32> to vector<16xf32>
      %mul3A_585 = arith.mulf %get3A_550, %get3A_584 : vector<16xf32>
      %add3A_586 = arith.addf %add3A_577, %mul3A_585 : vector<16xf32>
      %get3A_587 = arith.constant 2 : i32
      %get3A_588 = arith.constant 5 : i32
      %get3A_589 = arith.index_cast %get3A_587 : i32 to index
      %get3A_590 = arith.index_cast %get3A_588 : i32 to index
      %get3A_591 = arith.constant 0 : index
      %get3A_592 = tpu.vector_load %arg9[%get3A_589, %get3A_590, %get3A_591] {strides = array<i32>} : memref<5x16x32xf32, #tpu.memory_space<vmem>>, vector<1x1x16xf32>,
      %get3A_593 = vector.shape_cast %get3A_592 : vector<1x1x16xf32> to vector<16xf32>
      %mul3A_594 = arith.mulf %get3A_545, %get3A_593 : vector<16xf32>
      %add3A_595 = arith.addf %add3A_504, %mul3A_594 : vector<16xf32>
      %get3A_596 = arith.constant 2 : i32
      %get3A_597 = arith.constant 5 : i32
      %get3A_598 = arith.index_cast %get3A_596 : i32 to index
      %get3A_599 = arith.index_cast %get3A_597 : i32 to index
      %get3A_600 = arith.constant 16 : index
      %get3A_601 = tpu.vector_load %arg9[%get3A_598, %get3A_599, %get3A_600] {strides = array<i32>} : memref<5x16x32xf32, #tpu.memory_space<vmem>>, vector<1x1x16xf32>,
      %get3A_602 = vector.shape_cast %get3A_601 : vector<1x1x16xf32> to vector<16xf32>
      %mul3A_603 = arith.mulf %get3A_550, %get3A_602 : vector<16xf32>
      %add3A_604 = arith.addf %add3A_595, %mul3A_603 : vector<16xf32>
      %get3A_605 = arith.constant 3 : i32
      %get3A_606 = arith.constant 5 : i32
      %get3A_607 = arith.index_cast %get3A_605 : i32 to index
      %get3A_608 = arith.index_cast %get3A_606 : i32 to index
      %get3A_609 = arith.constant 0 : index
      %get3A_610 = tpu.vector_load %arg9[%get3A_607, %get3A_608, %get3A_609] {strides = array<i32>} : memref<5x16x32xf32, #tpu.memory_space<vmem>>, vector<1x1x16xf32>,
      %get3A_611 = vector.shape_cast %get3A_610 : vector<1x1x16xf32> to vector<16xf32>
      %mul3A_612 = arith.mulf %get3A_545, %get3A_611 : vector<16xf32>
      %add3A_613 = arith.addf %add3A_522, %mul3A_612 : vector<16xf32>
      %get3A_614 = arith.constant 3 : i32
      %get3A_615 = arith.constant 5 : i32
      %get3A_616 = arith.index_cast %get3A_614 : i32 to index
      %get3A_617 = arith.index_cast %get3A_615 : i32 to index
      %get3A_618 = arith.constant 16 : index
      %get3A_619 = tpu.vector_load %arg9[%get3A_616, %get3A_617, %get3A_618] {strides = array<i32>} : memref<5x16x32xf32, #tpu.memory_space<vmem>>, vector<1x1x16xf32>,
      %get3A_620 = vector.shape_cast %get3A_619 : vector<1x1x16xf32> to vector<16xf32>
      %mul3A_621 = arith.mulf %get3A_550, %get3A_620 : vector<16xf32>
      %add3A_622 = arith.addf %add3A_613, %mul3A_621 : vector<16xf32>
      %get3A_623 = arith.constant 4 : i32
      %get3A_624 = arith.constant 5 : i32
      %get3A_625 = arith.index_cast %get3A_623 : i32 to index
      %get3A_626 = arith.index_cast %get3A_624 : i32 to index
      %get3A_627 = arith.constant 0 : index
      %get3A_628 = tpu.vector_load %arg9[%get3A_625, %get3A_626, %get3A_627] {strides = array<i32>} : memref<5x16x32xf32, #tpu.memory_space<vmem>>, vector<1x1x16xf32>,
      %get3A_629 = vector.shape_cast %get3A_628 : vector<1x1x16xf32> to vector<16xf32>
      %mul3A_630 = arith.mulf %get3A_545, %get3A_629 : vector<16xf32>
      %add3A_631 = arith.addf %add3A_540, %mul3A_630 : vector<16xf32>
      %get3A_632 = arith.constant 4 : i32
      %get3A_633 = arith.constant 5 : i32
      %get3A_634 = arith.index_cast %get3A_632 : i32 to index
      %get3A_635 = arith.index_cast %get3A_633 : i32 to index
      %get3A_636 = arith.constant 16 : index
      %get3A_637 = tpu.vector_load %arg9[%get3A_634, %get3A_635, %get3A_636] {strides = array<i32>} : memref<5x16x32xf32, #tpu.memory_space<vmem>>, vector<1x1x16xf32>,
      %get3A_638 = vector.shape_cast %get3A_637 : vector<1x1x16xf32> to vector<16xf32>
      %mul3A_639 = arith.mulf %get3A_550, %get3A_638 : vector<16xf32>
      %add3A_640 = arith.addf %add3A_631, %mul3A_639 : vector<16xf32>
      %get3A_641 = arith.constant 6 : i32
      %get3A_642 = arith.index_cast %get3A_641 : i32 to index
      %get3A_643 = arith.constant 0 : index
      %get3A_644 = tpu.vector_load %arg8[%get3A_642, %get3A_643] {strides = array<i32>} : memref<16x32xf32, #tpu.memory_space<vmem>>, vector<1x16xf32>,
      %get3A_645 = vector.shape_cast %get3A_644 : vector<1x16xf32> to vector<16xf32>
      %get3A_646 = arith.constant 6 : i32
      %get3A_647 = arith.index_cast %get3A_646 : i32 to index
      %get3A_648 = arith.constant 16 : index
      %get3A_649 = tpu.vector_load %arg8[%get3A_647, %get3A_648] {strides = array<i32>} : memref<16x32xf32, #tpu.memory_space<vmem>>, vector<1x16xf32>,
      %get3A_650 = vector.shape_cast %get3A_649 : vector<1x16xf32> to vector<16xf32>
      %get3A_651 = arith.constant 0 : i32
      %get3A_652 = arith.constant 6 : i32
      %get3A_653 = arith.index_cast %get3A_651 : i32 to index
      %get3A_654 = arith.index_cast %get3A_652 : i32 to index
      %get3A_655 = arith.constant 0 : index
      %get3A_656 = tpu.vector_load %arg9[%get3A_653, %get3A_654, %get3A_655] {strides = array<i32>} : memref<5x16x32xf32, #tpu.memory_space<vmem>>, vector<1x1x16xf32>,
      %get3A_657 = vector.shape_cast %get3A_656 : vector<1x1x16xf32> to vector<16xf32>
      %mul3A_658 = arith.mulf %get3A_645, %get3A_657 : vector<16xf32>
      %add3A_659 = arith.addf %add3A_568, %mul3A_658 : vector<16xf32>
      %get3A_660 = arith.constant 0 : i32
      %get3A_661 = arith.constant 6 : i32
      %get3A_662 = arith.index_cast %get3A_660 : i32 to index
      %get3A_663 = arith.index_cast %get3A_661 : i32 to index
      %get3A_664 = arith.constant 16 : index
      %get3A_665 = tpu.vector_load %arg9[%get3A_662, %get3A_663, %get3A_664] {strides = array<i32>} : memref<5x16x32xf32, #tpu.memory_space<vmem>>, vector<1x1x16xf32>,
      %get3A_666 = vector.shape_cast %get3A_665 : vector<1x1x16xf32> to vector<16xf32>
      %mul3A_667 = arith.mulf %get3A_650, %get3A_666 : vector<16xf32>
      %add3A_668 = arith.addf %add3A_659, %mul3A_667 : vector<16xf32>
      %get3A_669 = arith.constant 1 : i32
      %get3A_670 = arith.constant 6 : i32
      %get3A_671 = arith.index_cast %get3A_669 : i32 to index
      %get3A_672 = arith.index_cast %get3A_670 : i32 to index
      %get3A_673 = arith.constant 0 : index
      %get3A_674 = tpu.vector_load %arg9[%get3A_671, %get3A_672, %get3A_673] {strides = array<i32>} : memref<5x16x32xf32, #tpu.memory_space<vmem>>, vector<1x1x16xf32>,
      %get3A_675 = vector.shape_cast %get3A_674 : vector<1x1x16xf32> to vector<16xf32>
      %mul3A_676 = arith.mulf %get3A_645, %get3A_675 : vector<16xf32>
      %add3A_677 = arith.addf %add3A_586, %mul3A_676 : vector<16xf32>
      %get3A_678 = arith.constant 1 : i32
      %get3A_679 = arith.constant 6 : i32
      %get3A_680 = arith.index_cast %get3A_678 : i32 to index
      %get3A_681 = arith.index_cast %get3A_679 : i32 to index
      %get3A_682 = arith.constant 16 : index
      %get3A_683 = tpu.vector_load %arg9[%get3A_680, %get3A_681, %get3A_682] {strides = array<i32>} : memref<5x16x32xf32, #tpu.memory_space<vmem>>, vector<1x1x16xf32>,
      %get3A_684 = vector.shape_cast %get3A_683 : vector<1x1x16xf32> to vector<16xf32>
      %mul3A_685 = arith.mulf %get3A_650, %get3A_684 : vector<16xf32>
      %add3A_686 = arith.addf %add3A_677, %mul3A_685 : vector<16xf32>
      %get3A_687 = arith.constant 2 : i32
      %get3A_688 = arith.constant 6 : i32
      %get3A_689 = arith.index_cast %get3A_687 : i32 to index
      %get3A_690 = arith.index_cast %get3A_688 : i32 to index
      %get3A_691 = arith.constant 0 : index
      %get3A_692 = tpu.vector_load %arg9[%get3A_689, %get3A_690, %get3A_691] {strides = array<i32>} : memref<5x16x32xf32, #tpu.memory_space<vmem>>, vector<1x1x16xf32>,
      %get3A_693 = vector.shape_cast %get3A_692 : vector<1x1x16xf32> to vector<16xf32>
      %mul3A_694 = arith.mulf %get3A_645, %get3A_693 : vector<16xf32>
      %add3A_695 = arith.addf %add3A_604, %mul3A_694 : vector<16xf32>
      %get3A_696 = arith.constant 2 : i32
      %get3A_697 = arith.constant 6 : i32
      %get3A_698 = arith.index_cast %get3A_696 : i32 to index
      %get3A_699 = arith.index_cast %get3A_697 : i32 to index
      %get3A_700 = arith.constant 16 : index
      %get3A_701 = tpu.vector_load %arg9[%get3A_698, %get3A_699, %get3A_700] {strides = array<i32>} : memref<5x16x32xf32, #tpu.memory_space<vmem>>, vector<1x1x16xf32>,
      %get3A_702 = vector.shape_cast %get3A_701 : vector<1x1x16xf32> to vector<16xf32>
      %mul3A_703 = arith.mulf %get3A_650, %get3A_702 : vector<16xf32>
      %add3A_704 = arith.addf %add3A_695, %mul3A_703 : vector<16xf32>
      %get3A_705 = arith.constant 3 : i32
      %get3A_706 = arith.constant 6 : i32
      %get3A_707 = arith.index_cast %get3A_705 : i32 to index
      %get3A_708 = arith.index_cast %get3A_706 : i32 to index
      %get3A_709 = arith.constant 0 : index
      %get3A_710 = tpu.vector_load %arg9[%get3A_707, %get3A_708, %get3A_709] {strides = array<i32>} : memref<5x16x32xf32, #tpu.memory_space<vmem>>, vector<1x1x16xf32>,
      %get3A_711 = vector.shape_cast %get3A_710 : vector<1x1x16xf32> to vector<16xf32>
      %mul3A_712 = arith.mulf %get3A_645, %get3A_711 : vector<16xf32>
      %add3A_713 = arith.addf %add3A_622, %mul3A_712 : vector<16xf32>
      %get3A_714 = arith.constant 3 : i32
      %get3A_715 = arith.constant 6 : i32
      %get3A_716 = arith.index_cast %get3A_714 : i32 to index
      %get3A_717 = arith.index_cast %get3A_715 : i32 to index
      %get3A_718 = arith.constant 16 : index
      %get3A_719 = tpu.vector_load %arg9[%get3A_716, %get3A_717, %get3A_718] {strides = array<i32>} : memref<5x16x32xf32, #tpu.memory_space<vmem>>, vector<1x1x16xf32>,
      %get3A_720 = vector.shape_cast %get3A_719 : vector<1x1x16xf32> to vector<16xf32>
      %mul3A_721 = arith.mulf %get3A_650, %get3A_720 : vector<16xf32>
      %add3A_722 = arith.addf %add3A_713, %mul3A_721 : vector<16xf32>
      %get3A_723 = arith.constant 4 : i32
      %get3A_724 = arith.constant 6 : i32
      %get3A_725 = arith.index_cast %get3A_723 : i32 to index
      %get3A_726 = arith.index_cast %get3A_724 : i32 to index
      %get3A_727 = arith.constant 0 : index
      %get3A_728 = tpu.vector_load %arg9[%get3A_725, %get3A_726, %get3A_727] {strides = array<i32>} : memref<5x16x32xf32, #tpu.memory_space<vmem>>, vector<1x1x16xf32>,
      %get3A_729 = vector.shape_cast %get3A_728 : vector<1x1x16xf32> to vector<16xf32>
      %mul3A_730 = arith.mulf %get3A_645, %get3A_729 : vector<16xf32>
      %add3A_731 = arith.addf %add3A_640, %mul3A_730 : vector<16xf32>
      %get3A_732 = arith.constant 4 : i32
      %get3A_733 = arith.constant 6 : i32
      %get3A_734 = arith.index_cast %get3A_732 : i32 to index
      %get3A_735 = arith.index_cast %get3A_733 : i32 to index
      %get3A_736 = arith.constant 16 : index
      %get3A_737 = tpu.vector_load %arg9[%get3A_734, %get3A_735, %get3A_736] {strides = array<i32>} : memref<5x16x32xf32, #tpu.memory_space<vmem>>, vector<1x1x16xf32>,
      %get3A_738 = vector.shape_cast %get3A_737 : vector<1x1x16xf32> to vector<16xf32>
      %mul3A_739 = arith.mulf %get3A_650, %get3A_738 : vector<16xf32>
      %add3A_740 = arith.addf %add3A_731, %mul3A_739 : vector<16xf32>
      %get3A_741 = arith.constant 7 : i32
      %get3A_742 = arith.index_cast %get3A_741 : i32 to index
      %get3A_743 = arith.constant 0 : index
      %get3A_744 = tpu.vector_load %arg8[%get3A_742, %get3A_743] {strides = array<i32>} : memref<16x32xf32, #tpu.memory_space<vmem>>, vector<1x16xf32>,
      %get3A_745 = vector.shape_cast %get3A_744 : vector<1x16xf32> to vector<16xf32>
      %get3A_746 = arith.constant 7 : i32
      %get3A_747 = arith.index_cast %get3A_746 : i32 to index
      %get3A_748 = arith.constant 16 : index
      %get3A_749 = tpu.vector_load %arg8[%get3A_747, %get3A_748] {strides = array<i32>} : memref<16x32xf32, #tpu.memory_space<vmem>>, vector<1x16xf32>,
      %get3A_750 = vector.shape_cast %get3A_749 : vector<1x16xf32> to vector<16xf32>
      %get3A_751 = arith.constant 0 : i32
      %get3A_752 = arith.constant 7 : i32
      %get3A_753 = arith.index_cast %get3A_751 : i32 to index
      %get3A_754 = arith.index_cast %get3A_752 : i32 to index
      %get3A_755 = arith.constant 0 : index
      %get3A_756 = tpu.vector_load %arg9[%get3A_753, %get3A_754, %get3A_755] {strides = array<i32>} : memref<5x16x32xf32, #tpu.memory_space<vmem>>, vector<1x1x16xf32>,
      %get3A_757 = vector.shape_cast %get3A_756 : vector<1x1x16xf32> to vector<16xf32>
      %mul3A_758 = arith.mulf %get3A_745, %get3A_757 : vector<16xf32>
      %add3A_759 = arith.addf %add3A_668, %mul3A_758 : vector<16xf32>
      %get3A_760 = arith.constant 0 : i32
      %get3A_761 = arith.constant 7 : i32
      %get3A_762 = arith.index_cast %get3A_760 : i32 to index
      %get3A_763 = arith.index_cast %get3A_761 : i32 to index
      %get3A_764 = arith.constant 16 : index
      %get3A_765 = tpu.vector_load %arg9[%get3A_762, %get3A_763, %get3A_764] {strides = array<i32>} : memref<5x16x32xf32, #tpu.memory_space<vmem>>, vector<1x1x16xf32>,
      %get3A_766 = vector.shape_cast %get3A_765 : vector<1x1x16xf32> to vector<16xf32>
      %mul3A_767 = arith.mulf %get3A_750, %get3A_766 : vector<16xf32>
      %add3A_768 = arith.addf %add3A_759, %mul3A_767 : vector<16xf32>
      %get3A_769 = arith.constant 1 : i32
      %get3A_770 = arith.constant 7 : i32
      %get3A_771 = arith.index_cast %get3A_769 : i32 to index
      %get3A_772 = arith.index_cast %get3A_770 : i32 to index
      %get3A_773 = arith.constant 0 : index
      %get3A_774 = tpu.vector_load %arg9[%get3A_771, %get3A_772, %get3A_773] {strides = array<i32>} : memref<5x16x32xf32, #tpu.memory_space<vmem>>, vector<1x1x16xf32>,
      %get3A_775 = vector.shape_cast %get3A_774 : vector<1x1x16xf32> to vector<16xf32>
      %mul3A_776 = arith.mulf %get3A_745, %get3A_775 : vector<16xf32>
      %add3A_777 = arith.addf %add3A_686, %mul3A_776 : vector<16xf32>
      %get3A_778 = arith.constant 1 : i32
      %get3A_779 = arith.constant 7 : i32
      %get3A_780 = arith.index_cast %get3A_778 : i32 to index
      %get3A_781 = arith.index_cast %get3A_779 : i32 to index
      %get3A_782 = arith.constant 16 : index
      %get3A_783 = tpu.vector_load %arg9[%get3A_780, %get3A_781, %get3A_782] {strides = array<i32>} : memref<5x16x32xf32, #tpu.memory_space<vmem>>, vector<1x1x16xf32>,
      %get3A_784 = vector.shape_cast %get3A_783 : vector<1x1x16xf32> to vector<16xf32>
      %mul3A_785 = arith.mulf %get3A_750, %get3A_784 : vector<16xf32>
      %add3A_786 = arith.addf %add3A_777, %mul3A_785 : vector<16xf32>
      %get3A_787 = arith.constant 2 : i32
      %get3A_788 = arith.constant 7 : i32
      %get3A_789 = arith.index_cast %get3A_787 : i32 to index
      %get3A_790 = arith.index_cast %get3A_788 : i32 to index
      %get3A_791 = arith.constant 0 : index
      %get3A_792 = tpu.vector_load %arg9[%get3A_789, %get3A_790, %get3A_791] {strides = array<i32>} : memref<5x16x32xf32, #tpu.memory_space<vmem>>, vector<1x1x16xf32>,
      %get3A_793 = vector.shape_cast %get3A_792 : vector<1x1x16xf32> to vector<16xf32>
      %mul3A_794 = arith.mulf %get3A_745, %get3A_793 : vector<16xf32>
      %add3A_795 = arith.addf %add3A_704, %mul3A_794 : vector<16xf32>
      %get3A_796 = arith.constant 2 : i32
      %get3A_797 = arith.constant 7 : i32
      %get3A_798 = arith.index_cast %get3A_796 : i32 to index
      %get3A_799 = arith.index_cast %get3A_797 : i32 to index
      %get3A_800 = arith.constant 16 : index
      %get3A_801 = tpu.vector_load %arg9[%get3A_798, %get3A_799, %get3A_800] {strides = array<i32>} : memref<5x16x32xf32, #tpu.memory_space<vmem>>, vector<1x1x16xf32>,
      %get3A_802 = vector.shape_cast %get3A_801 : vector<1x1x16xf32> to vector<16xf32>
      %mul3A_803 = arith.mulf %get3A_750, %get3A_802 : vector<16xf32>
      %add3A_804 = arith.addf %add3A_795, %mul3A_803 : vector<16xf32>
      %get3A_805 = arith.constant 3 : i32
      %get3A_806 = arith.constant 7 : i32
      %get3A_807 = arith.index_cast %get3A_805 : i32 to index
      %get3A_808 = arith.index_cast %get3A_806 : i32 to index
      %get3A_809 = arith.constant 0 : index
      %get3A_810 = tpu.vector_load %arg9[%get3A_807, %get3A_808, %get3A_809] {strides = array<i32>} : memref<5x16x32xf32, #tpu.memory_space<vmem>>, vector<1x1x16xf32>,
      %get3A_811 = vector.shape_cast %get3A_810 : vector<1x1x16xf32> to vector<16xf32>
      %mul3A_812 = arith.mulf %get3A_745, %get3A_811 : vector<16xf32>
      %add3A_813 = arith.addf %add3A_722, %mul3A_812 : vector<16xf32>
      %get3A_814 = arith.constant 3 : i32
      %get3A_815 = arith.constant 7 : i32
      %get3A_816 = arith.index_cast %get3A_814 : i32 to index
      %get3A_817 = arith.index_cast %get3A_815 : i32 to index
      %get3A_818 = arith.constant 16 : index
      %get3A_819 = tpu.vector_load %arg9[%get3A_816, %get3A_817, %get3A_818] {strides = array<i32>} : memref<5x16x32xf32, #tpu.memory_space<vmem>>, vector<1x1x16xf32>,
      %get3A_820 = vector.shape_cast %get3A_819 : vector<1x1x16xf32> to vector<16xf32>
      %mul3A_821 = arith.mulf %get3A_750, %get3A_820 : vector<16xf32>
      %add3A_822 = arith.addf %add3A_813, %mul3A_821 : vector<16xf32>
      %get3A_823 = arith.constant 4 : i32
      %get3A_824 = arith.constant 7 : i32
      %get3A_825 = arith.index_cast %get3A_823 : i32 to index
      %get3A_826 = arith.index_cast %get3A_824 : i32 to index
      %get3A_827 = arith.constant 0 : index
      %get3A_828 = tpu.vector_load %arg9[%get3A_825, %get3A_826, %get3A_827] {strides = array<i32>} : memref<5x16x32xf32, #tpu.memory_space<vmem>>, vector<1x1x16xf32>,
      %get3A_829 = vector.shape_cast %get3A_828 : vector<1x1x16xf32> to vector<16xf32>
      %mul3A_830 = arith.mulf %get3A_745, %get3A_829 : vector<16xf32>
      %add3A_831 = arith.addf %add3A_740, %mul3A_830 : vector<16xf32>
      %get3A_832 = arith.constant 4 : i32
      %get3A_833 = arith.constant 7 : i32
      %get3A_834 = arith.index_cast %get3A_832 : i32 to index
      %get3A_835 = arith.index_cast %get3A_833 : i32 to index
      %get3A_836 = arith.constant 16 : index
      %get3A_837 = tpu.vector_load %arg9[%get3A_834, %get3A_835, %get3A_836] {strides = array<i32>} : memref<5x16x32xf32, #tpu.memory_space<vmem>>, vector<1x1x16xf32>,
      %get3A_838 = vector.shape_cast %get3A_837 : vector<1x1x16xf32> to vector<16xf32>
      %mul3A_839 = arith.mulf %get3A_750, %get3A_838 : vector<16xf32>
      %add3A_840 = arith.addf %add3A_831, %mul3A_839 : vector<16xf32>
      %get3A_841 = arith.constant 8 : i32
      %get3A_842 = arith.index_cast %get3A_841 : i32 to index
      %get3A_843 = arith.constant 0 : index
      %get3A_844 = tpu.vector_load %arg8[%get3A_842, %get3A_843] {strides = array<i32>} : memref<16x32xf32, #tpu.memory_space<vmem>>, vector<1x16xf32>,
      %get3A_845 = vector.shape_cast %get3A_844 : vector<1x16xf32> to vector<16xf32>
      %get3A_846 = arith.constant 8 : i32
      %get3A_847 = arith.index_cast %get3A_846 : i32 to index
      %get3A_848 = arith.constant 16 : index
      %get3A_849 = tpu.vector_load %arg8[%get3A_847, %get3A_848] {strides = array<i32>} : memref<16x32xf32, #tpu.memory_space<vmem>>, vector<1x16xf32>,
      %get3A_850 = vector.shape_cast %get3A_849 : vector<1x16xf32> to vector<16xf32>
      %get3A_851 = arith.constant 0 : i32
      %get3A_852 = arith.constant 8 : i32
      %get3A_853 = arith.index_cast %get3A_851 : i32 to index
      %get3A_854 = arith.index_cast %get3A_852 : i32 to index
      %get3A_855 = arith.constant 0 : index
      %get3A_856 = tpu.vector_load %arg9[%get3A_853, %get3A_854, %get3A_855] {strides = array<i32>} : memref<5x16x32xf32, #tpu.memory_space<vmem>>, vector<1x1x16xf32>,
      %get3A_857 = vector.shape_cast %get3A_856 : vector<1x1x16xf32> to vector<16xf32>
      %mul3A_858 = arith.mulf %get3A_845, %get3A_857 : vector<16xf32>
      %add3A_859 = arith.addf %add3A_768, %mul3A_858 : vector<16xf32>
      %get3A_860 = arith.constant 0 : i32
      %get3A_861 = arith.constant 8 : i32
      %get3A_862 = arith.index_cast %get3A_860 : i32 to index
      %get3A_863 = arith.index_cast %get3A_861 : i32 to index
      %get3A_864 = arith.constant 16 : index
      %get3A_865 = tpu.vector_load %arg9[%get3A_862, %get3A_863, %get3A_864] {strides = array<i32>} : memref<5x16x32xf32, #tpu.memory_space<vmem>>, vector<1x1x16xf32>,
      %get3A_866 = vector.shape_cast %get3A_865 : vector<1x1x16xf32> to vector<16xf32>
      %mul3A_867 = arith.mulf %get3A_850, %get3A_866 : vector<16xf32>
      %add3A_868 = arith.addf %add3A_859, %mul3A_867 : vector<16xf32>
      %get3A_869 = arith.constant 1 : i32
      %get3A_870 = arith.constant 8 : i32
      %get3A_871 = arith.index_cast %get3A_869 : i32 to index
      %get3A_872 = arith.index_cast %get3A_870 : i32 to index
      %get3A_873 = arith.constant 0 : index
      %get3A_874 = tpu.vector_load %arg9[%get3A_871, %get3A_872, %get3A_873] {strides = array<i32>} : memref<5x16x32xf32, #tpu.memory_space<vmem>>, vector<1x1x16xf32>,
      %get3A_875 = vector.shape_cast %get3A_874 : vector<1x1x16xf32> to vector<16xf32>
      %mul3A_876 = arith.mulf %get3A_845, %get3A_875 : vector<16xf32>
      %add3A_877 = arith.addf %add3A_786, %mul3A_876 : vector<16xf32>
      %get3A_878 = arith.constant 1 : i32
      %get3A_879 = arith.constant 8 : i32
      %get3A_880 = arith.index_cast %get3A_878 : i32 to index
      %get3A_881 = arith.index_cast %get3A_879 : i32 to index
      %get3A_882 = arith.constant 16 : index
      %get3A_883 = tpu.vector_load %arg9[%get3A_880, %get3A_881, %get3A_882] {strides = array<i32>} : memref<5x16x32xf32, #tpu.memory_space<vmem>>, vector<1x1x16xf32>,
      %get3A_884 = vector.shape_cast %get3A_883 : vector<1x1x16xf32> to vector<16xf32>
      %mul3A_885 = arith.mulf %get3A_850, %get3A_884 : vector<16xf32>
      %add3A_886 = arith.addf %add3A_877, %mul3A_885 : vector<16xf32>
      %get3A_887 = arith.constant 2 : i32
      %get3A_888 = arith.constant 8 : i32
      %get3A_889 = arith.index_cast %get3A_887 : i32 to index
      %get3A_890 = arith.index_cast %get3A_888 : i32 to index
      %get3A_891 = arith.constant 0 : index
      %get3A_892 = tpu.vector_load %arg9[%get3A_889, %get3A_890, %get3A_891] {strides = array<i32>} : memref<5x16x32xf32, #tpu.memory_space<vmem>>, vector<1x1x16xf32>,
      %get3A_893 = vector.shape_cast %get3A_892 : vector<1x1x16xf32> to vector<16xf32>
      %mul3A_894 = arith.mulf %get3A_845, %get3A_893 : vector<16xf32>
      %add3A_895 = arith.addf %add3A_804, %mul3A_894 : vector<16xf32>
      %get3A_896 = arith.constant 2 : i32
      %get3A_897 = arith.constant 8 : i32
      %get3A_898 = arith.index_cast %get3A_896 : i32 to index
      %get3A_899 = arith.index_cast %get3A_897 : i32 to index
      %get3A_900 = arith.constant 16 : index
      %get3A_901 = tpu.vector_load %arg9[%get3A_898, %get3A_899, %get3A_900] {strides = array<i32>} : memref<5x16x32xf32, #tpu.memory_space<vmem>>, vector<1x1x16xf32>,
      %get3A_902 = vector.shape_cast %get3A_901 : vector<1x1x16xf32> to vector<16xf32>
      %mul3A_903 = arith.mulf %get3A_850, %get3A_902 : vector<16xf32>
      %add3A_904 = arith.addf %add3A_895, %mul3A_903 : vector<16xf32>
      %get3A_905 = arith.constant 3 : i32
      %get3A_906 = arith.constant 8 : i32
      %get3A_907 = arith.index_cast %get3A_905 : i32 to index
      %get3A_908 = arith.index_cast %get3A_906 : i32 to index
      %get3A_909 = arith.constant 0 : index
      %get3A_910 = tpu.vector_load %arg9[%get3A_907, %get3A_908, %get3A_909] {strides = array<i32>} : memref<5x16x32xf32, #tpu.memory_space<vmem>>, vector<1x1x16xf32>,
      %get3A_911 = vector.shape_cast %get3A_910 : vector<1x1x16xf32> to vector<16xf32>
      %mul3A_912 = arith.mulf %get3A_845, %get3A_911 : vector<16xf32>
      %add3A_913 = arith.addf %add3A_822, %mul3A_912 : vector<16xf32>
      %get3A_914 = arith.constant 3 : i32
      %get3A_915 = arith.constant 8 : i32
      %get3A_916 = arith.index_cast %get3A_914 : i32 to index
      %get3A_917 = arith.index_cast %get3A_915 : i32 to index
      %get3A_918 = arith.constant 16 : index
      %get3A_919 = tpu.vector_load %arg9[%get3A_916, %get3A_917, %get3A_918] {strides = array<i32>} : memref<5x16x32xf32, #tpu.memory_space<vmem>>, vector<1x1x16xf32>,
      %get3A_920 = vector.shape_cast %get3A_919 : vector<1x1x16xf32> to vector<16xf32>
      %mul3A_921 = arith.mulf %get3A_850, %get3A_920 : vector<16xf32>
      %add3A_922 = arith.addf %add3A_913, %mul3A_921 : vector<16xf32>
      %get3A_923 = arith.constant 4 : i32
      %get3A_924 = arith.constant 8 : i32
      %get3A_925 = arith.index_cast %get3A_923 : i32 to index
      %get3A_926 = arith.index_cast %get3A_924 : i32 to index
      %get3A_927 = arith.constant 0 : index
      %get3A_928 = tpu.vector_load %arg9[%get3A_925, %get3A_926, %get3A_927] {strides = array<i32>} : memref<5x16x32xf32, #tpu.memory_space<vmem>>, vector<1x1x16xf32>,
      %get3A_929 = vector.shape_cast %get3A_928 : vector<1x1x16xf32> to vector<16xf32>
      %mul3A_930 = arith.mulf %get3A_845, %get3A_929 : vector<16xf32>
      %add3A_931 = arith.addf %add3A_840, %mul3A_930 : vector<16xf32>
      %get3A_932 = arith.constant 4 : i32
      %get3A_933 = arith.constant 8 : i32
      %get3A_934 = arith.index_cast %get3A_932 : i32 to index
      %get3A_935 = arith.index_cast %get3A_933 : i32 to index
      %get3A_936 = arith.constant 16 : index
      %get3A_937 = tpu.vector_load %arg9[%get3A_934, %get3A_935, %get3A_936] {strides = array<i32>} : memref<5x16x32xf32, #tpu.memory_space<vmem>>, vector<1x1x16xf32>,
      %get3A_938 = vector.shape_cast %get3A_937 : vector<1x1x16xf32> to vector<16xf32>
      %mul3A_939 = arith.mulf %get3A_850, %get3A_938 : vector<16xf32>
      %add3A_940 = arith.addf %add3A_931, %mul3A_939 : vector<16xf32>
      %get3A_941 = arith.constant 9 : i32
      %get3A_942 = arith.index_cast %get3A_941 : i32 to index
      %get3A_943 = arith.constant 0 : index
      %get3A_944 = tpu.vector_load %arg8[%get3A_942, %get3A_943] {strides = array<i32>} : memref<16x32xf32, #tpu.memory_space<vmem>>, vector<1x16xf32>,
      %get3A_945 = vector.shape_cast %get3A_944 : vector<1x16xf32> to vector<16xf32>
      %get3A_946 = arith.constant 9 : i32
      %get3A_947 = arith.index_cast %get3A_946 : i32 to index
      %get3A_948 = arith.constant 16 : index
      %get3A_949 = tpu.vector_load %arg8[%get3A_947, %get3A_948] {strides = array<i32>} : memref<16x32xf32, #tpu.memory_space<vmem>>, vector<1x16xf32>,
      %get3A_950 = vector.shape_cast %get3A_949 : vector<1x16xf32> to vector<16xf32>
      %get3A_951 = arith.constant 0 : i32
      %get3A_952 = arith.constant 9 : i32
      %get3A_953 = arith.index_cast %get3A_951 : i32 to index
      %get3A_954 = arith.index_cast %get3A_952 : i32 to index
      %get3A_955 = arith.constant 0 : index
      %get3A_956 = tpu.vector_load %arg9[%get3A_953, %get3A_954, %get3A_955] {strides = array<i32>} : memref<5x16x32xf32, #tpu.memory_space<vmem>>, vector<1x1x16xf32>,
      %get3A_957 = vector.shape_cast %get3A_956 : vector<1x1x16xf32> to vector<16xf32>
      %mul3A_958 = arith.mulf %get3A_945, %get3A_957 : vector<16xf32>
      %add3A_959 = arith.addf %add3A_868, %mul3A_958 : vector<16xf32>
      %get3A_960 = arith.constant 0 : i32
      %get3A_961 = arith.constant 9 : i32
      %get3A_962 = arith.index_cast %get3A_960 : i32 to index
      %get3A_963 = arith.index_cast %get3A_961 : i32 to index
      %get3A_964 = arith.constant 16 : index
      %get3A_965 = tpu.vector_load %arg9[%get3A_962, %get3A_963, %get3A_964] {strides = array<i32>} : memref<5x16x32xf32, #tpu.memory_space<vmem>>, vector<1x1x16xf32>,
      %get3A_966 = vector.shape_cast %get3A_965 : vector<1x1x16xf32> to vector<16xf32>
      %mul3A_967 = arith.mulf %get3A_950, %get3A_966 : vector<16xf32>
      %add3A_968 = arith.addf %add3A_959, %mul3A_967 : vector<16xf32>
      %get3A_969 = arith.constant 1 : i32
      %get3A_970 = arith.constant 9 : i32
      %get3A_971 = arith.index_cast %get3A_969 : i32 to index
      %get3A_972 = arith.index_cast %get3A_970 : i32 to index
      %get3A_973 = arith.constant 0 : index
      %get3A_974 = tpu.vector_load %arg9[%get3A_971, %get3A_972, %get3A_973] {strides = array<i32>} : memref<5x16x32xf32, #tpu.memory_space<vmem>>, vector<1x1x16xf32>,
      %get3A_975 = vector.shape_cast %get3A_974 : vector<1x1x16xf32> to vector<16xf32>
      %mul3A_976 = arith.mulf %get3A_945, %get3A_975 : vector<16xf32>
      %add3A_977 = arith.addf %add3A_886, %mul3A_976 : vector<16xf32>
      %get3A_978 = arith.constant 1 : i32
      %get3A_979 = arith.constant 9 : i32
      %get3A_980 = arith.index_cast %get3A_978 : i32 to index
      %get3A_981 = arith.index_cast %get3A_979 : i32 to index
      %get3A_982 = arith.constant 16 : index
      %get3A_983 = tpu.vector_load %arg9[%get3A_980, %get3A_981, %get3A_982] {strides = array<i32>} : memref<5x16x32xf32, #tpu.memory_space<vmem>>, vector<1x1x16xf32>,
      %get3A_984 = vector.shape_cast %get3A_983 : vector<1x1x16xf32> to vector<16xf32>
      %mul3A_985 = arith.mulf %get3A_950, %get3A_984 : vector<16xf32>
      %add3A_986 = arith.addf %add3A_977, %mul3A_985 : vector<16xf32>
      %get3A_987 = arith.constant 2 : i32
      %get3A_988 = arith.constant 9 : i32
      %get3A_989 = arith.index_cast %get3A_987 : i32 to index
      %get3A_990 = arith.index_cast %get3A_988 : i32 to index
      %get3A_991 = arith.constant 0 : index
      %get3A_992 = tpu.vector_load %arg9[%get3A_989, %get3A_990, %get3A_991] {strides = array<i32>} : memref<5x16x32xf32, #tpu.memory_space<vmem>>, vector<1x1x16xf32>,
      %get3A_993 = vector.shape_cast %get3A_992 : vector<1x1x16xf32> to vector<16xf32>
      %mul3A_994 = arith.mulf %get3A_945, %get3A_993 : vector<16xf32>
      %add3A_995 = arith.addf %add3A_904, %mul3A_994 : vector<16xf32>
      %get3A_996 = arith.constant 2 : i32
      %get3A_997 = arith.constant 9 : i32
      %get3A_998 = arith.index_cast %get3A_996 : i32 to index
      %get3A_999 = arith.index_cast %get3A_997 : i32 to index
      %get3A_1000 = arith.constant 16 : index
      %get3A_1001 = tpu.vector_load %arg9[%get3A_998, %get3A_999, %get3A_1000] {strides = array<i32>} : memref<5x16x32xf32, #tpu.memory_space<vmem>>, vector<1x1x16xf32>,
      %get3A_1002 = vector.shape_cast %get3A_1001 : vector<1x1x16xf32> to vector<16xf32>
      %mul3A_1003 = arith.mulf %get3A_950, %get3A_1002 : vector<16xf32>
      %add3A_1004 = arith.addf %add3A_995, %mul3A_1003 : vector<16xf32>
      %get3A_1005 = arith.constant 3 : i32
      %get3A_1006 = arith.constant 9 : i32
      %get3A_1007 = arith.index_cast %get3A_1005 : i32 to index
      %get3A_1008 = arith.index_cast %get3A_1006 : i32 to index
      %get3A_1009 = arith.constant 0 : index
      %get3A_1010 = tpu.vector_load %arg9[%get3A_1007, %get3A_1008, %get3A_1009] {strides = array<i32>} : memref<5x16x32xf32, #tpu.memory_space<vmem>>, vector<1x1x16xf32>,
      %get3A_1011 = vector.shape_cast %get3A_1010 : vector<1x1x16xf32> to vector<16xf32>
      %mul3A_1012 = arith.mulf %get3A_945, %get3A_1011 : vector<16xf32>
      %add3A_1013 = arith.addf %add3A_922, %mul3A_1012 : vector<16xf32>
      %get3A_1014 = arith.constant 3 : i32
      %get3A_1015 = arith.constant 9 : i32
      %get3A_1016 = arith.index_cast %get3A_1014 : i32 to index
      %get3A_1017 = arith.index_cast %get3A_1015 : i32 to index
      %get3A_1018 = arith.constant 16 : index
      %get3A_1019 = tpu.vector_load %arg9[%get3A_1016, %get3A_1017, %get3A_1018] {strides = array<i32>} : memref<5x16x32xf32, #tpu.memory_space<vmem>>, vector<1x1x16xf32>,
      %get3A_1020 = vector.shape_cast %get3A_1019 : vector<1x1x16xf32> to vector<16xf32>
      %mul3A_1021 = arith.mulf %get3A_950, %get3A_1020 : vector<16xf32>
      %add3A_1022 = arith.addf %add3A_1013, %mul3A_1021 : vector<16xf32>
      %get3A_1023 = arith.constant 4 : i32
      %get3A_1024 = arith.constant 9 : i32
      %get3A_1025 = arith.index_cast %get3A_1023 : i32 to index
      %get3A_1026 = arith.index_cast %get3A_1024 : i32 to index
      %get3A_1027 = arith.constant 0 : index
      %get3A_1028 = tpu.vector_load %arg9[%get3A_1025, %get3A_1026, %get3A_1027] {strides = array<i32>} : memref<5x16x32xf32, #tpu.memory_space<vmem>>, vector<1x1x16xf32>,
      %get3A_1029 = vector.shape_cast %get3A_1028 : vector<1x1x16xf32> to vector<16xf32>
      %mul3A_1030 = arith.mulf %get3A_945, %get3A_1029 : vector<16xf32>
      %add3A_1031 = arith.addf %add3A_940, %mul3A_1030 : vector<16xf32>
      %get3A_1032 = arith.constant 4 : i32
      %get3A_1033 = arith.constant 9 : i32
      %get3A_1034 = arith.index_cast %get3A_1032 : i32 to index
      %get3A_1035 = arith.index_cast %get3A_1033 : i32 to index
      %get3A_1036 = arith.constant 16 : index
      %get3A_1037 = tpu.vector_load %arg9[%get3A_1034, %get3A_1035, %get3A_1036] {strides = array<i32>} : memref<5x16x32xf32, #tpu.memory_space<vmem>>, vector<1x1x16xf32>,
      %get3A_1038 = vector.shape_cast %get3A_1037 : vector<1x1x16xf32> to vector<16xf32>
      %mul3A_1039 = arith.mulf %get3A_950, %get3A_1038 : vector<16xf32>
      %add3A_1040 = arith.addf %add3A_1031, %mul3A_1039 : vector<16xf32>
      %get3A_1041 = arith.constant 10 : i32
      %get3A_1042 = arith.index_cast %get3A_1041 : i32 to index
      %get3A_1043 = arith.constant 0 : index
      %get3A_1044 = tpu.vector_load %arg8[%get3A_1042, %get3A_1043] {strides = array<i32>} : memref<16x32xf32, #tpu.memory_space<vmem>>, vector<1x16xf32>,
      %get3A_1045 = vector.shape_cast %get3A_1044 : vector<1x16xf32> to vector<16xf32>
      %get3A_1046 = arith.constant 10 : i32
      %get3A_1047 = arith.index_cast %get3A_1046 : i32 to index
      %get3A_1048 = arith.constant 16 : index
      %get3A_1049 = tpu.vector_load %arg8[%get3A_1047, %get3A_1048] {strides = array<i32>} : memref<16x32xf32, #tpu.memory_space<vmem>>, vector<1x16xf32>,
      %get3A_1050 = vector.shape_cast %get3A_1049 : vector<1x16xf32> to vector<16xf32>
      %get3A_1051 = arith.constant 0 : i32
      %get3A_1052 = arith.constant 10 : i32
      %get3A_1053 = arith.index_cast %get3A_1051 : i32 to index
      %get3A_1054 = arith.index_cast %get3A_1052 : i32 to index
      %get3A_1055 = arith.constant 0 : index
      %get3A_1056 = tpu.vector_load %arg9[%get3A_1053, %get3A_1054, %get3A_1055] {strides = array<i32>} : memref<5x16x32xf32, #tpu.memory_space<vmem>>, vector<1x1x16xf32>,
      %get3A_1057 = vector.shape_cast %get3A_1056 : vector<1x1x16xf32> to vector<16xf32>
      %mul3A_1058 = arith.mulf %get3A_1045, %get3A_1057 : vector<16xf32>
      %add3A_1059 = arith.addf %add3A_968, %mul3A_1058 : vector<16xf32>
      %get3A_1060 = arith.constant 0 : i32
      %get3A_1061 = arith.constant 10 : i32
      %get3A_1062 = arith.index_cast %get3A_1060 : i32 to index
      %get3A_1063 = arith.index_cast %get3A_1061 : i32 to index
      %get3A_1064 = arith.constant 16 : index
      %get3A_1065 = tpu.vector_load %arg9[%get3A_1062, %get3A_1063, %get3A_1064] {strides = array<i32>} : memref<5x16x32xf32, #tpu.memory_space<vmem>>, vector<1x1x16xf32>,
      %get3A_1066 = vector.shape_cast %get3A_1065 : vector<1x1x16xf32> to vector<16xf32>
      %mul3A_1067 = arith.mulf %get3A_1050, %get3A_1066 : vector<16xf32>
      %add3A_1068 = arith.addf %add3A_1059, %mul3A_1067 : vector<16xf32>
      %get3A_1069 = arith.constant 1 : i32
      %get3A_1070 = arith.constant 10 : i32
      %get3A_1071 = arith.index_cast %get3A_1069 : i32 to index
      %get3A_1072 = arith.index_cast %get3A_1070 : i32 to index
      %get3A_1073 = arith.constant 0 : index
      %get3A_1074 = tpu.vector_load %arg9[%get3A_1071, %get3A_1072, %get3A_1073] {strides = array<i32>} : memref<5x16x32xf32, #tpu.memory_space<vmem>>, vector<1x1x16xf32>,
      %get3A_1075 = vector.shape_cast %get3A_1074 : vector<1x1x16xf32> to vector<16xf32>
      %mul3A_1076 = arith.mulf %get3A_1045, %get3A_1075 : vector<16xf32>
      %add3A_1077 = arith.addf %add3A_986, %mul3A_1076 : vector<16xf32>
      %get3A_1078 = arith.constant 1 : i32
      %get3A_1079 = arith.constant 10 : i32
      %get3A_1080 = arith.index_cast %get3A_1078 : i32 to index
      %get3A_1081 = arith.index_cast %get3A_1079 : i32 to index
      %get3A_1082 = arith.constant 16 : index
      %get3A_1083 = tpu.vector_load %arg9[%get3A_1080, %get3A_1081, %get3A_1082] {strides = array<i32>} : memref<5x16x32xf32, #tpu.memory_space<vmem>>, vector<1x1x16xf32>,
      %get3A_1084 = vector.shape_cast %get3A_1083 : vector<1x1x16xf32> to vector<16xf32>
      %mul3A_1085 = arith.mulf %get3A_1050, %get3A_1084 : vector<16xf32>
      %add3A_1086 = arith.addf %add3A_1077, %mul3A_1085 : vector<16xf32>
      %get3A_1087 = arith.constant 2 : i32
      %get3A_1088 = arith.constant 10 : i32
      %get3A_1089 = arith.index_cast %get3A_1087 : i32 to index
      %get3A_1090 = arith.index_cast %get3A_1088 : i32 to index
      %get3A_1091 = arith.constant 0 : index
      %get3A_1092 = tpu.vector_load %arg9[%get3A_1089, %get3A_1090, %get3A_1091] {strides = array<i32>} : memref<5x16x32xf32, #tpu.memory_space<vmem>>, vector<1x1x16xf32>,
      %get3A_1093 = vector.shape_cast %get3A_1092 : vector<1x1x16xf32> to vector<16xf32>
      %mul3A_1094 = arith.mulf %get3A_1045, %get3A_1093 : vector<16xf32>
      %add3A_1095 = arith.addf %add3A_1004, %mul3A_1094 : vector<16xf32>
      %get3A_1096 = arith.constant 2 : i32
      %get3A_1097 = arith.constant 10 : i32
      %get3A_1098 = arith.index_cast %get3A_1096 : i32 to index
      %get3A_1099 = arith.index_cast %get3A_1097 : i32 to index
      %get3A_1100 = arith.constant 16 : index
      %get3A_1101 = tpu.vector_load %arg9[%get3A_1098, %get3A_1099, %get3A_1100] {strides = array<i32>} : memref<5x16x32xf32, #tpu.memory_space<vmem>>, vector<1x1x16xf32>,
      %get3A_1102 = vector.shape_cast %get3A_1101 : vector<1x1x16xf32> to vector<16xf32>
      %mul3A_1103 = arith.mulf %get3A_1050, %get3A_1102 : vector<16xf32>
      %add3A_1104 = arith.addf %add3A_1095, %mul3A_1103 : vector<16xf32>
      %get3A_1105 = arith.constant 3 : i32
      %get3A_1106 = arith.constant 10 : i32
      %get3A_1107 = arith.index_cast %get3A_1105 : i32 to index
      %get3A_1108 = arith.index_cast %get3A_1106 : i32 to index
      %get3A_1109 = arith.constant 0 : index
      %get3A_1110 = tpu.vector_load %arg9[%get3A_1107, %get3A_1108, %get3A_1109] {strides = array<i32>} : memref<5x16x32xf32, #tpu.memory_space<vmem>>, vector<1x1x16xf32>,
      %get3A_1111 = vector.shape_cast %get3A_1110 : vector<1x1x16xf32> to vector<16xf32>
      %mul3A_1112 = arith.mulf %get3A_1045, %get3A_1111 : vector<16xf32>
      %add3A_1113 = arith.addf %add3A_1022, %mul3A_1112 : vector<16xf32>
      %get3A_1114 = arith.constant 3 : i32
      %get3A_1115 = arith.constant 10 : i32
      %get3A_1116 = arith.index_cast %get3A_1114 : i32 to index
      %get3A_1117 = arith.index_cast %get3A_1115 : i32 to index
      %get3A_1118 = arith.constant 16 : index
      %get3A_1119 = tpu.vector_load %arg9[%get3A_1116, %get3A_1117, %get3A_1118] {strides = array<i32>} : memref<5x16x32xf32, #tpu.memory_space<vmem>>, vector<1x1x16xf32>,
      %get3A_1120 = vector.shape_cast %get3A_1119 : vector<1x1x16xf32> to vector<16xf32>
      %mul3A_1121 = arith.mulf %get3A_1050, %get3A_1120 : vector<16xf32>
      %add3A_1122 = arith.addf %add3A_1113, %mul3A_1121 : vector<16xf32>
      %get3A_1123 = arith.constant 4 : i32
      %get3A_1124 = arith.constant 10 : i32
      %get3A_1125 = arith.index_cast %get3A_1123 : i32 to index
      %get3A_1126 = arith.index_cast %get3A_1124 : i32 to index
      %get3A_1127 = arith.constant 0 : index
      %get3A_1128 = tpu.vector_load %arg9[%get3A_1125, %get3A_1126, %get3A_1127] {strides = array<i32>} : memref<5x16x32xf32, #tpu.memory_space<vmem>>, vector<1x1x16xf32>,
      %get3A_1129 = vector.shape_cast %get3A_1128 : vector<1x1x16xf32> to vector<16xf32>
      %mul3A_1130 = arith.mulf %get3A_1045, %get3A_1129 : vector<16xf32>
      %add3A_1131 = arith.addf %add3A_1040, %mul3A_1130 : vector<16xf32>
      %get3A_1132 = arith.constant 4 : i32
      %get3A_1133 = arith.constant 10 : i32
      %get3A_1134 = arith.index_cast %get3A_1132 : i32 to index
      %get3A_1135 = arith.index_cast %get3A_1133 : i32 to index
      %get3A_1136 = arith.constant 16 : index
      %get3A_1137 = tpu.vector_load %arg9[%get3A_1134, %get3A_1135, %get3A_1136] {strides = array<i32>} : memref<5x16x32xf32, #tpu.memory_space<vmem>>, vector<1x1x16xf32>,
      %get3A_1138 = vector.shape_cast %get3A_1137 : vector<1x1x16xf32> to vector<16xf32>
      %mul3A_1139 = arith.mulf %get3A_1050, %get3A_1138 : vector<16xf32>
      %add3A_1140 = arith.addf %add3A_1131, %mul3A_1139 : vector<16xf32>
      %get3A_1141 = arith.constant 11 : i32
      %get3A_1142 = arith.index_cast %get3A_1141 : i32 to index
      %get3A_1143 = arith.constant 0 : index
      %get3A_1144 = tpu.vector_load %arg8[%get3A_1142, %get3A_1143] {strides = array<i32>} : memref<16x32xf32, #tpu.memory_space<vmem>>, vector<1x16xf32>,
      %get3A_1145 = vector.shape_cast %get3A_1144 : vector<1x16xf32> to vector<16xf32>
      %get3A_1146 = arith.constant 11 : i32
      %get3A_1147 = arith.index_cast %get3A_1146 : i32 to index
      %get3A_1148 = arith.constant 16 : index
      %get3A_1149 = tpu.vector_load %arg8[%get3A_1147, %get3A_1148] {strides = array<i32>} : memref<16x32xf32, #tpu.memory_space<vmem>>, vector<1x16xf32>,
      %get3A_1150 = vector.shape_cast %get3A_1149 : vector<1x16xf32> to vector<16xf32>
      %get3A_1151 = arith.constant 0 : i32
      %get3A_1152 = arith.constant 11 : i32
      %get3A_1153 = arith.index_cast %get3A_1151 : i32 to index
      %get3A_1154 = arith.index_cast %get3A_1152 : i32 to index
      %get3A_1155 = arith.constant 0 : index
      %get3A_1156 = tpu.vector_load %arg9[%get3A_1153, %get3A_1154, %get3A_1155] {strides = array<i32>} : memref<5x16x32xf32, #tpu.memory_space<vmem>>, vector<1x1x16xf32>,
      %get3A_1157 = vector.shape_cast %get3A_1156 : vector<1x1x16xf32> to vector<16xf32>
      %mul3A_1158 = arith.mulf %get3A_1145, %get3A_1157 : vector<16xf32>
      %add3A_1159 = arith.addf %add3A_1068, %mul3A_1158 : vector<16xf32>
      %get3A_1160 = arith.constant 0 : i32
      %get3A_1161 = arith.constant 11 : i32
      %get3A_1162 = arith.index_cast %get3A_1160 : i32 to index
      %get3A_1163 = arith.index_cast %get3A_1161 : i32 to index
      %get3A_1164 = arith.constant 16 : index
      %get3A_1165 = tpu.vector_load %arg9[%get3A_1162, %get3A_1163, %get3A_1164] {strides = array<i32>} : memref<5x16x32xf32, #tpu.memory_space<vmem>>, vector<1x1x16xf32>,
      %get3A_1166 = vector.shape_cast %get3A_1165 : vector<1x1x16xf32> to vector<16xf32>
      %mul3A_1167 = arith.mulf %get3A_1150, %get3A_1166 : vector<16xf32>
      %add3A_1168 = arith.addf %add3A_1159, %mul3A_1167 : vector<16xf32>
      %get3A_1169 = arith.constant 1 : i32
      %get3A_1170 = arith.constant 11 : i32
      %get3A_1171 = arith.index_cast %get3A_1169 : i32 to index
      %get3A_1172 = arith.index_cast %get3A_1170 : i32 to index
      %get3A_1173 = arith.constant 0 : index
      %get3A_1174 = tpu.vector_load %arg9[%get3A_1171, %get3A_1172, %get3A_1173] {strides = array<i32>} : memref<5x16x32xf32, #tpu.memory_space<vmem>>, vector<1x1x16xf32>,
      %get3A_1175 = vector.shape_cast %get3A_1174 : vector<1x1x16xf32> to vector<16xf32>
      %mul3A_1176 = arith.mulf %get3A_1145, %get3A_1175 : vector<16xf32>
      %add3A_1177 = arith.addf %add3A_1086, %mul3A_1176 : vector<16xf32>
      %get3A_1178 = arith.constant 1 : i32
      %get3A_1179 = arith.constant 11 : i32
      %get3A_1180 = arith.index_cast %get3A_1178 : i32 to index
      %get3A_1181 = arith.index_cast %get3A_1179 : i32 to index
      %get3A_1182 = arith.constant 16 : index
      %get3A_1183 = tpu.vector_load %arg9[%get3A_1180, %get3A_1181, %get3A_1182] {strides = array<i32>} : memref<5x16x32xf32, #tpu.memory_space<vmem>>, vector<1x1x16xf32>,
      %get3A_1184 = vector.shape_cast %get3A_1183 : vector<1x1x16xf32> to vector<16xf32>
      %mul3A_1185 = arith.mulf %get3A_1150, %get3A_1184 : vector<16xf32>
      %add3A_1186 = arith.addf %add3A_1177, %mul3A_1185 : vector<16xf32>
      %get3A_1187 = arith.constant 2 : i32
      %get3A_1188 = arith.constant 11 : i32
      %get3A_1189 = arith.index_cast %get3A_1187 : i32 to index
      %get3A_1190 = arith.index_cast %get3A_1188 : i32 to index
      %get3A_1191 = arith.constant 0 : index
      %get3A_1192 = tpu.vector_load %arg9[%get3A_1189, %get3A_1190, %get3A_1191] {strides = array<i32>} : memref<5x16x32xf32, #tpu.memory_space<vmem>>, vector<1x1x16xf32>,
      %get3A_1193 = vector.shape_cast %get3A_1192 : vector<1x1x16xf32> to vector<16xf32>
      %mul3A_1194 = arith.mulf %get3A_1145, %get3A_1193 : vector<16xf32>
      %add3A_1195 = arith.addf %add3A_1104, %mul3A_1194 : vector<16xf32>
      %get3A_1196 = arith.constant 2 : i32
      %get3A_1197 = arith.constant 11 : i32
      %get3A_1198 = arith.index_cast %get3A_1196 : i32 to index
      %get3A_1199 = arith.index_cast %get3A_1197 : i32 to index
      %get3A_1200 = arith.constant 16 : index
      %get3A_1201 = tpu.vector_load %arg9[%get3A_1198, %get3A_1199, %get3A_1200] {strides = array<i32>} : memref<5x16x32xf32, #tpu.memory_space<vmem>>, vector<1x1x16xf32>,
      %get3A_1202 = vector.shape_cast %get3A_1201 : vector<1x1x16xf32> to vector<16xf32>
      %mul3A_1203 = arith.mulf %get3A_1150, %get3A_1202 : vector<16xf32>
      %add3A_1204 = arith.addf %add3A_1195, %mul3A_1203 : vector<16xf32>
      %get3A_1205 = arith.constant 3 : i32
      %get3A_1206 = arith.constant 11 : i32
      %get3A_1207 = arith.index_cast %get3A_1205 : i32 to index
      %get3A_1208 = arith.index_cast %get3A_1206 : i32 to index
      %get3A_1209 = arith.constant 0 : index
      %get3A_1210 = tpu.vector_load %arg9[%get3A_1207, %get3A_1208, %get3A_1209] {strides = array<i32>} : memref<5x16x32xf32, #tpu.memory_space<vmem>>, vector<1x1x16xf32>,
      %get3A_1211 = vector.shape_cast %get3A_1210 : vector<1x1x16xf32> to vector<16xf32>
      %mul3A_1212 = arith.mulf %get3A_1145, %get3A_1211 : vector<16xf32>
      %add3A_1213 = arith.addf %add3A_1122, %mul3A_1212 : vector<16xf32>
      %get3A_1214 = arith.constant 3 : i32
      %get3A_1215 = arith.constant 11 : i32
      %get3A_1216 = arith.index_cast %get3A_1214 : i32 to index
      %get3A_1217 = arith.index_cast %get3A_1215 : i32 to index
      %get3A_1218 = arith.constant 16 : index
      %get3A_1219 = tpu.vector_load %arg9[%get3A_1216, %get3A_1217, %get3A_1218] {strides = array<i32>} : memref<5x16x32xf32, #tpu.memory_space<vmem>>, vector<1x1x16xf32>,
      %get3A_1220 = vector.shape_cast %get3A_1219 : vector<1x1x16xf32> to vector<16xf32>
      %mul3A_1221 = arith.mulf %get3A_1150, %get3A_1220 : vector<16xf32>
      %add3A_1222 = arith.addf %add3A_1213, %mul3A_1221 : vector<16xf32>
      %get3A_1223 = arith.constant 4 : i32
      %get3A_1224 = arith.constant 11 : i32
      %get3A_1225 = arith.index_cast %get3A_1223 : i32 to index
      %get3A_1226 = arith.index_cast %get3A_1224 : i32 to index
      %get3A_1227 = arith.constant 0 : index
      %get3A_1228 = tpu.vector_load %arg9[%get3A_1225, %get3A_1226, %get3A_1227] {strides = array<i32>} : memref<5x16x32xf32, #tpu.memory_space<vmem>>, vector<1x1x16xf32>,
      %get3A_1229 = vector.shape_cast %get3A_1228 : vector<1x1x16xf32> to vector<16xf32>
      %mul3A_1230 = arith.mulf %get3A_1145, %get3A_1229 : vector<16xf32>
      %add3A_1231 = arith.addf %add3A_1140, %mul3A_1230 : vector<16xf32>
      %get3A_1232 = arith.constant 4 : i32
      %get3A_1233 = arith.constant 11 : i32
      %get3A_1234 = arith.index_cast %get3A_1232 : i32 to index
      %get3A_1235 = arith.index_cast %get3A_1233 : i32 to index
      %get3A_1236 = arith.constant 16 : index
      %get3A_1237 = tpu.vector_load %arg9[%get3A_1234, %get3A_1235, %get3A_1236] {strides = array<i32>} : memref<5x16x32xf32, #tpu.memory_space<vmem>>, vector<1x1x16xf32>,
      %get3A_1238 = vector.shape_cast %get3A_1237 : vector<1x1x16xf32> to vector<16xf32>
      %mul3A_1239 = arith.mulf %get3A_1150, %get3A_1238 : vector<16xf32>
      %add3A_1240 = arith.addf %add3A_1231, %mul3A_1239 : vector<16xf32>
      %get3A_1241 = arith.constant 12 : i32
      %get3A_1242 = arith.index_cast %get3A_1241 : i32 to index
      %get3A_1243 = arith.constant 0 : index
      %get3A_1244 = tpu.vector_load %arg8[%get3A_1242, %get3A_1243] {strides = array<i32>} : memref<16x32xf32, #tpu.memory_space<vmem>>, vector<1x16xf32>,
      %get3A_1245 = vector.shape_cast %get3A_1244 : vector<1x16xf32> to vector<16xf32>
      %get3A_1246 = arith.constant 12 : i32
      %get3A_1247 = arith.index_cast %get3A_1246 : i32 to index
      %get3A_1248 = arith.constant 16 : index
      %get3A_1249 = tpu.vector_load %arg8[%get3A_1247, %get3A_1248] {strides = array<i32>} : memref<16x32xf32, #tpu.memory_space<vmem>>, vector<1x16xf32>,
      %get3A_1250 = vector.shape_cast %get3A_1249 : vector<1x16xf32> to vector<16xf32>
      %get3A_1251 = arith.constant 0 : i32
      %get3A_1252 = arith.constant 12 : i32
      %get3A_1253 = arith.index_cast %get3A_1251 : i32 to index
      %get3A_1254 = arith.index_cast %get3A_1252 : i32 to index
      %get3A_1255 = arith.constant 0 : index
      %get3A_1256 = tpu.vector_load %arg9[%get3A_1253, %get3A_1254, %get3A_1255] {strides = array<i32>} : memref<5x16x32xf32, #tpu.memory_space<vmem>>, vector<1x1x16xf32>,
      %get3A_1257 = vector.shape_cast %get3A_1256 : vector<1x1x16xf32> to vector<16xf32>
      %mul3A_1258 = arith.mulf %get3A_1245, %get3A_1257 : vector<16xf32>
      %add3A_1259 = arith.addf %add3A_1168, %mul3A_1258 : vector<16xf32>
      %get3A_1260 = arith.constant 0 : i32
      %get3A_1261 = arith.constant 12 : i32
      %get3A_1262 = arith.index_cast %get3A_1260 : i32 to index
      %get3A_1263 = arith.index_cast %get3A_1261 : i32 to index
      %get3A_1264 = arith.constant 16 : index
      %get3A_1265 = tpu.vector_load %arg9[%get3A_1262, %get3A_1263, %get3A_1264] {strides = array<i32>} : memref<5x16x32xf32, #tpu.memory_space<vmem>>, vector<1x1x16xf32>,
      %get3A_1266 = vector.shape_cast %get3A_1265 : vector<1x1x16xf32> to vector<16xf32>
      %mul3A_1267 = arith.mulf %get3A_1250, %get3A_1266 : vector<16xf32>
      %add3A_1268 = arith.addf %add3A_1259, %mul3A_1267 : vector<16xf32>
      %get3A_1269 = arith.constant 1 : i32
      %get3A_1270 = arith.constant 12 : i32
      %get3A_1271 = arith.index_cast %get3A_1269 : i32 to index
      %get3A_1272 = arith.index_cast %get3A_1270 : i32 to index
      %get3A_1273 = arith.constant 0 : index
      %get3A_1274 = tpu.vector_load %arg9[%get3A_1271, %get3A_1272, %get3A_1273] {strides = array<i32>} : memref<5x16x32xf32, #tpu.memory_space<vmem>>, vector<1x1x16xf32>,
      %get3A_1275 = vector.shape_cast %get3A_1274 : vector<1x1x16xf32> to vector<16xf32>
      %mul3A_1276 = arith.mulf %get3A_1245, %get3A_1275 : vector<16xf32>
      %add3A_1277 = arith.addf %add3A_1186, %mul3A_1276 : vector<16xf32>
      %get3A_1278 = arith.constant 1 : i32
      %get3A_1279 = arith.constant 12 : i32
      %get3A_1280 = arith.index_cast %get3A_1278 : i32 to index
      %get3A_1281 = arith.index_cast %get3A_1279 : i32 to index
      %get3A_1282 = arith.constant 16 : index
      %get3A_1283 = tpu.vector_load %arg9[%get3A_1280, %get3A_1281, %get3A_1282] {strides = array<i32>} : memref<5x16x32xf32, #tpu.memory_space<vmem>>, vector<1x1x16xf32>,
      %get3A_1284 = vector.shape_cast %get3A_1283 : vector<1x1x16xf32> to vector<16xf32>
      %mul3A_1285 = arith.mulf %get3A_1250, %get3A_1284 : vector<16xf32>
      %add3A_1286 = arith.addf %add3A_1277, %mul3A_1285 : vector<16xf32>
      %get3A_1287 = arith.constant 2 : i32
      %get3A_1288 = arith.constant 12 : i32
      %get3A_1289 = arith.index_cast %get3A_1287 : i32 to index
      %get3A_1290 = arith.index_cast %get3A_1288 : i32 to index
      %get3A_1291 = arith.constant 0 : index
      %get3A_1292 = tpu.vector_load %arg9[%get3A_1289, %get3A_1290, %get3A_1291] {strides = array<i32>} : memref<5x16x32xf32, #tpu.memory_space<vmem>>, vector<1x1x16xf32>,
      %get3A_1293 = vector.shape_cast %get3A_1292 : vector<1x1x16xf32> to vector<16xf32>
      %mul3A_1294 = arith.mulf %get3A_1245, %get3A_1293 : vector<16xf32>
      %add3A_1295 = arith.addf %add3A_1204, %mul3A_1294 : vector<16xf32>
      %get3A_1296 = arith.constant 2 : i32
      %get3A_1297 = arith.constant 12 : i32
      %get3A_1298 = arith.index_cast %get3A_1296 : i32 to index
      %get3A_1299 = arith.index_cast %get3A_1297 : i32 to index
      %get3A_1300 = arith.constant 16 : index
      %get3A_1301 = tpu.vector_load %arg9[%get3A_1298, %get3A_1299, %get3A_1300] {strides = array<i32>} : memref<5x16x32xf32, #tpu.memory_space<vmem>>, vector<1x1x16xf32>,
      %get3A_1302 = vector.shape_cast %get3A_1301 : vector<1x1x16xf32> to vector<16xf32>
      %mul3A_1303 = arith.mulf %get3A_1250, %get3A_1302 : vector<16xf32>
      %add3A_1304 = arith.addf %add3A_1295, %mul3A_1303 : vector<16xf32>
      %get3A_1305 = arith.constant 3 : i32
      %get3A_1306 = arith.constant 12 : i32
      %get3A_1307 = arith.index_cast %get3A_1305 : i32 to index
      %get3A_1308 = arith.index_cast %get3A_1306 : i32 to index
      %get3A_1309 = arith.constant 0 : index
      %get3A_1310 = tpu.vector_load %arg9[%get3A_1307, %get3A_1308, %get3A_1309] {strides = array<i32>} : memref<5x16x32xf32, #tpu.memory_space<vmem>>, vector<1x1x16xf32>,
      %get3A_1311 = vector.shape_cast %get3A_1310 : vector<1x1x16xf32> to vector<16xf32>
      %mul3A_1312 = arith.mulf %get3A_1245, %get3A_1311 : vector<16xf32>
      %add3A_1313 = arith.addf %add3A_1222, %mul3A_1312 : vector<16xf32>
      %get3A_1314 = arith.constant 3 : i32
      %get3A_1315 = arith.constant 12 : i32
      %get3A_1316 = arith.index_cast %get3A_1314 : i32 to index
      %get3A_1317 = arith.index_cast %get3A_1315 : i32 to index
      %get3A_1318 = arith.constant 16 : index
      %get3A_1319 = tpu.vector_load %arg9[%get3A_1316, %get3A_1317, %get3A_1318] {strides = array<i32>} : memref<5x16x32xf32, #tpu.memory_space<vmem>>, vector<1x1x16xf32>,
      %get3A_1320 = vector.shape_cast %get3A_1319 : vector<1x1x16xf32> to vector<16xf32>
      %mul3A_1321 = arith.mulf %get3A_1250, %get3A_1320 : vector<16xf32>
      %add3A_1322 = arith.addf %add3A_1313, %mul3A_1321 : vector<16xf32>
      %get3A_1323 = arith.constant 4 : i32
      %get3A_1324 = arith.constant 12 : i32
      %get3A_1325 = arith.index_cast %get3A_1323 : i32 to index
      %get3A_1326 = arith.index_cast %get3A_1324 : i32 to index
      %get3A_1327 = arith.constant 0 : index
      %get3A_1328 = tpu.vector_load %arg9[%get3A_1325, %get3A_1326, %get3A_1327] {strides = array<i32>} : memref<5x16x32xf32, #tpu.memory_space<vmem>>, vector<1x1x16xf32>,
      %get3A_1329 = vector.shape_cast %get3A_1328 : vector<1x1x16xf32> to vector<16xf32>
      %mul3A_1330 = arith.mulf %get3A_1245, %get3A_1329 : vector<16xf32>
      %add3A_1331 = arith.addf %add3A_1240, %mul3A_1330 : vector<16xf32>
      %get3A_1332 = arith.constant 4 : i32
      %get3A_1333 = arith.constant 12 : i32
      %get3A_1334 = arith.index_cast %get3A_1332 : i32 to index
      %get3A_1335 = arith.index_cast %get3A_1333 : i32 to index
      %get3A_1336 = arith.constant 16 : index
      %get3A_1337 = tpu.vector_load %arg9[%get3A_1334, %get3A_1335, %get3A_1336] {strides = array<i32>} : memref<5x16x32xf32, #tpu.memory_space<vmem>>, vector<1x1x16xf32>,
      %get3A_1338 = vector.shape_cast %get3A_1337 : vector<1x1x16xf32> to vector<16xf32>
      %mul3A_1339 = arith.mulf %get3A_1250, %get3A_1338 : vector<16xf32>
      %add3A_1340 = arith.addf %add3A_1331, %mul3A_1339 : vector<16xf32>
      %get3A_1341 = arith.constant 13 : i32
      %get3A_1342 = arith.index_cast %get3A_1341 : i32 to index
      %get3A_1343 = arith.constant 0 : index
      %get3A_1344 = tpu.vector_load %arg8[%get3A_1342, %get3A_1343] {strides = array<i32>} : memref<16x32xf32, #tpu.memory_space<vmem>>, vector<1x16xf32>,
      %get3A_1345 = vector.shape_cast %get3A_1344 : vector<1x16xf32> to vector<16xf32>
      %get3A_1346 = arith.constant 13 : i32
      %get3A_1347 = arith.index_cast %get3A_1346 : i32 to index
      %get3A_1348 = arith.constant 16 : index
      %get3A_1349 = tpu.vector_load %arg8[%get3A_1347, %get3A_1348] {strides = array<i32>} : memref<16x32xf32, #tpu.memory_space<vmem>>, vector<1x16xf32>,
      %get3A_1350 = vector.shape_cast %get3A_1349 : vector<1x16xf32> to vector<16xf32>
      %get3A_1351 = arith.constant 0 : i32
      %get3A_1352 = arith.constant 13 : i32
      %get3A_1353 = arith.index_cast %get3A_1351 : i32 to index
      %get3A_1354 = arith.index_cast %get3A_1352 : i32 to index
      %get3A_1355 = arith.constant 0 : index
      %get3A_1356 = tpu.vector_load %arg9[%get3A_1353, %get3A_1354, %get3A_1355] {strides = array<i32>} : memref<5x16x32xf32, #tpu.memory_space<vmem>>, vector<1x1x16xf32>,
      %get3A_1357 = vector.shape_cast %get3A_1356 : vector<1x1x16xf32> to vector<16xf32>
      %mul3A_1358 = arith.mulf %get3A_1345, %get3A_1357 : vector<16xf32>
      %add3A_1359 = arith.addf %add3A_1268, %mul3A_1358 : vector<16xf32>
      %get3A_1360 = arith.constant 0 : i32
      %get3A_1361 = arith.constant 13 : i32
      %get3A_1362 = arith.index_cast %get3A_1360 : i32 to index
      %get3A_1363 = arith.index_cast %get3A_1361 : i32 to index
      %get3A_1364 = arith.constant 16 : index
      %get3A_1365 = tpu.vector_load %arg9[%get3A_1362, %get3A_1363, %get3A_1364] {strides = array<i32>} : memref<5x16x32xf32, #tpu.memory_space<vmem>>, vector<1x1x16xf32>,
      %get3A_1366 = vector.shape_cast %get3A_1365 : vector<1x1x16xf32> to vector<16xf32>
      %mul3A_1367 = arith.mulf %get3A_1350, %get3A_1366 : vector<16xf32>
      %add3A_1368 = arith.addf %add3A_1359, %mul3A_1367 : vector<16xf32>
      %get3A_1369 = arith.constant 1 : i32
      %get3A_1370 = arith.constant 13 : i32
      %get3A_1371 = arith.index_cast %get3A_1369 : i32 to index
      %get3A_1372 = arith.index_cast %get3A_1370 : i32 to index
      %get3A_1373 = arith.constant 0 : index
      %get3A_1374 = tpu.vector_load %arg9[%get3A_1371, %get3A_1372, %get3A_1373] {strides = array<i32>} : memref<5x16x32xf32, #tpu.memory_space<vmem>>, vector<1x1x16xf32>,
      %get3A_1375 = vector.shape_cast %get3A_1374 : vector<1x1x16xf32> to vector<16xf32>
      %mul3A_1376 = arith.mulf %get3A_1345, %get3A_1375 : vector<16xf32>
      %add3A_1377 = arith.addf %add3A_1286, %mul3A_1376 : vector<16xf32>
      %get3A_1378 = arith.constant 1 : i32
      %get3A_1379 = arith.constant 13 : i32
      %get3A_1380 = arith.index_cast %get3A_1378 : i32 to index
      %get3A_1381 = arith.index_cast %get3A_1379 : i32 to index
      %get3A_1382 = arith.constant 16 : index
      %get3A_1383 = tpu.vector_load %arg9[%get3A_1380, %get3A_1381, %get3A_1382] {strides = array<i32>} : memref<5x16x32xf32, #tpu.memory_space<vmem>>, vector<1x1x16xf32>,
      %get3A_1384 = vector.shape_cast %get3A_1383 : vector<1x1x16xf32> to vector<16xf32>
      %mul3A_1385 = arith.mulf %get3A_1350, %get3A_1384 : vector<16xf32>
      %add3A_1386 = arith.addf %add3A_1377, %mul3A_1385 : vector<16xf32>
      %get3A_1387 = arith.constant 2 : i32
      %get3A_1388 = arith.constant 13 : i32
      %get3A_1389 = arith.index_cast %get3A_1387 : i32 to index
      %get3A_1390 = arith.index_cast %get3A_1388 : i32 to index
      %get3A_1391 = arith.constant 0 : index
      %get3A_1392 = tpu.vector_load %arg9[%get3A_1389, %get3A_1390, %get3A_1391] {strides = array<i32>} : memref<5x16x32xf32, #tpu.memory_space<vmem>>, vector<1x1x16xf32>,
      %get3A_1393 = vector.shape_cast %get3A_1392 : vector<1x1x16xf32> to vector<16xf32>
      %mul3A_1394 = arith.mulf %get3A_1345, %get3A_1393 : vector<16xf32>
      %add3A_1395 = arith.addf %add3A_1304, %mul3A_1394 : vector<16xf32>
      %get3A_1396 = arith.constant 2 : i32
      %get3A_1397 = arith.constant 13 : i32
      %get3A_1398 = arith.index_cast %get3A_1396 : i32 to index
      %get3A_1399 = arith.index_cast %get3A_1397 : i32 to index
      %get3A_1400 = arith.constant 16 : index
      %get3A_1401 = tpu.vector_load %arg9[%get3A_1398, %get3A_1399, %get3A_1400] {strides = array<i32>} : memref<5x16x32xf32, #tpu.memory_space<vmem>>, vector<1x1x16xf32>,
      %get3A_1402 = vector.shape_cast %get3A_1401 : vector<1x1x16xf32> to vector<16xf32>
      %mul3A_1403 = arith.mulf %get3A_1350, %get3A_1402 : vector<16xf32>
      %add3A_1404 = arith.addf %add3A_1395, %mul3A_1403 : vector<16xf32>
      %get3A_1405 = arith.constant 3 : i32
      %get3A_1406 = arith.constant 13 : i32
      %get3A_1407 = arith.index_cast %get3A_1405 : i32 to index
      %get3A_1408 = arith.index_cast %get3A_1406 : i32 to index
      %get3A_1409 = arith.constant 0 : index
      %get3A_1410 = tpu.vector_load %arg9[%get3A_1407, %get3A_1408, %get3A_1409] {strides = array<i32>} : memref<5x16x32xf32, #tpu.memory_space<vmem>>, vector<1x1x16xf32>,
      %get3A_1411 = vector.shape_cast %get3A_1410 : vector<1x1x16xf32> to vector<16xf32>
      %mul3A_1412 = arith.mulf %get3A_1345, %get3A_1411 : vector<16xf32>
      %add3A_1413 = arith.addf %add3A_1322, %mul3A_1412 : vector<16xf32>
      %get3A_1414 = arith.constant 3 : i32
      %get3A_1415 = arith.constant 13 : i32
      %get3A_1416 = arith.index_cast %get3A_1414 : i32 to index
      %get3A_1417 = arith.index_cast %get3A_1415 : i32 to index
      %get3A_1418 = arith.constant 16 : index
      %get3A_1419 = tpu.vector_load %arg9[%get3A_1416, %get3A_1417, %get3A_1418] {strides = array<i32>} : memref<5x16x32xf32, #tpu.memory_space<vmem>>, vector<1x1x16xf32>,
      %get3A_1420 = vector.shape_cast %get3A_1419 : vector<1x1x16xf32> to vector<16xf32>
      %mul3A_1421 = arith.mulf %get3A_1350, %get3A_1420 : vector<16xf32>
      %add3A_1422 = arith.addf %add3A_1413, %mul3A_1421 : vector<16xf32>
      %get3A_1423 = arith.constant 4 : i32
      %get3A_1424 = arith.constant 13 : i32
      %get3A_1425 = arith.index_cast %get3A_1423 : i32 to index
      %get3A_1426 = arith.index_cast %get3A_1424 : i32 to index
      %get3A_1427 = arith.constant 0 : index
      %get3A_1428 = tpu.vector_load %arg9[%get3A_1425, %get3A_1426, %get3A_1427] {strides = array<i32>} : memref<5x16x32xf32, #tpu.memory_space<vmem>>, vector<1x1x16xf32>,
      %get3A_1429 = vector.shape_cast %get3A_1428 : vector<1x1x16xf32> to vector<16xf32>
      %mul3A_1430 = arith.mulf %get3A_1345, %get3A_1429 : vector<16xf32>
      %add3A_1431 = arith.addf %add3A_1340, %mul3A_1430 : vector<16xf32>
      %get3A_1432 = arith.constant 4 : i32
      %get3A_1433 = arith.constant 13 : i32
      %get3A_1434 = arith.index_cast %get3A_1432 : i32 to index
      %get3A_1435 = arith.index_cast %get3A_1433 : i32 to index
      %get3A_1436 = arith.constant 16 : index
      %get3A_1437 = tpu.vector_load %arg9[%get3A_1434, %get3A_1435, %get3A_1436] {strides = array<i32>} : memref<5x16x32xf32, #tpu.memory_space<vmem>>, vector<1x1x16xf32>,
      %get3A_1438 = vector.shape_cast %get3A_1437 : vector<1x1x16xf32> to vector<16xf32>
      %mul3A_1439 = arith.mulf %get3A_1350, %get3A_1438 : vector<16xf32>
      %add3A_1440 = arith.addf %add3A_1431, %mul3A_1439 : vector<16xf32>
      %get3A_1441 = arith.constant 14 : i32
      %get3A_1442 = arith.index_cast %get3A_1441 : i32 to index
      %get3A_1443 = arith.constant 0 : index
      %get3A_1444 = tpu.vector_load %arg8[%get3A_1442, %get3A_1443] {strides = array<i32>} : memref<16x32xf32, #tpu.memory_space<vmem>>, vector<1x16xf32>,
      %get3A_1445 = vector.shape_cast %get3A_1444 : vector<1x16xf32> to vector<16xf32>
      %get3A_1446 = arith.constant 14 : i32
      %get3A_1447 = arith.index_cast %get3A_1446 : i32 to index
      %get3A_1448 = arith.constant 16 : index
      %get3A_1449 = tpu.vector_load %arg8[%get3A_1447, %get3A_1448] {strides = array<i32>} : memref<16x32xf32, #tpu.memory_space<vmem>>, vector<1x16xf32>,
      %get3A_1450 = vector.shape_cast %get3A_1449 : vector<1x16xf32> to vector<16xf32>
      %get3A_1451 = arith.constant 0 : i32
      %get3A_1452 = arith.constant 14 : i32
      %get3A_1453 = arith.index_cast %get3A_1451 : i32 to index
      %get3A_1454 = arith.index_cast %get3A_1452 : i32 to index
      %get3A_1455 = arith.constant 0 : index
      %get3A_1456 = tpu.vector_load %arg9[%get3A_1453, %get3A_1454, %get3A_1455] {strides = array<i32>} : memref<5x16x32xf32, #tpu.memory_space<vmem>>, vector<1x1x16xf32>,
      %get3A_1457 = vector.shape_cast %get3A_1456 : vector<1x1x16xf32> to vector<16xf32>
      %mul3A_1458 = arith.mulf %get3A_1445, %get3A_1457 : vector<16xf32>
      %add3A_1459 = arith.addf %add3A_1368, %mul3A_1458 : vector<16xf32>
      %get3A_1460 = arith.constant 0 : i32
      %get3A_1461 = arith.constant 14 : i32
      %get3A_1462 = arith.index_cast %get3A_1460 : i32 to index
      %get3A_1463 = arith.index_cast %get3A_1461 : i32 to index
      %get3A_1464 = arith.constant 16 : index
      %get3A_1465 = tpu.vector_load %arg9[%get3A_1462, %get3A_1463, %get3A_1464] {strides = array<i32>} : memref<5x16x32xf32, #tpu.memory_space<vmem>>, vector<1x1x16xf32>,
      %get3A_1466 = vector.shape_cast %get3A_1465 : vector<1x1x16xf32> to vector<16xf32>
      %mul3A_1467 = arith.mulf %get3A_1450, %get3A_1466 : vector<16xf32>
      %add3A_1468 = arith.addf %add3A_1459, %mul3A_1467 : vector<16xf32>
      %get3A_1469 = arith.constant 1 : i32
      %get3A_1470 = arith.constant 14 : i32
      %get3A_1471 = arith.index_cast %get3A_1469 : i32 to index
      %get3A_1472 = arith.index_cast %get3A_1470 : i32 to index
      %get3A_1473 = arith.constant 0 : index
      %get3A_1474 = tpu.vector_load %arg9[%get3A_1471, %get3A_1472, %get3A_1473] {strides = array<i32>} : memref<5x16x32xf32, #tpu.memory_space<vmem>>, vector<1x1x16xf32>,
      %get3A_1475 = vector.shape_cast %get3A_1474 : vector<1x1x16xf32> to vector<16xf32>
      %mul3A_1476 = arith.mulf %get3A_1445, %get3A_1475 : vector<16xf32>
      %add3A_1477 = arith.addf %add3A_1386, %mul3A_1476 : vector<16xf32>
      %get3A_1478 = arith.constant 1 : i32
      %get3A_1479 = arith.constant 14 : i32
      %get3A_1480 = arith.index_cast %get3A_1478 : i32 to index
      %get3A_1481 = arith.index_cast %get3A_1479 : i32 to index
      %get3A_1482 = arith.constant 16 : index
      %get3A_1483 = tpu.vector_load %arg9[%get3A_1480, %get3A_1481, %get3A_1482] {strides = array<i32>} : memref<5x16x32xf32, #tpu.memory_space<vmem>>, vector<1x1x16xf32>,
      %get3A_1484 = vector.shape_cast %get3A_1483 : vector<1x1x16xf32> to vector<16xf32>
      %mul3A_1485 = arith.mulf %get3A_1450, %get3A_1484 : vector<16xf32>
      %add3A_1486 = arith.addf %add3A_1477, %mul3A_1485 : vector<16xf32>
      %get3A_1487 = arith.constant 2 : i32
      %get3A_1488 = arith.constant 14 : i32
      %get3A_1489 = arith.index_cast %get3A_1487 : i32 to index
      %get3A_1490 = arith.index_cast %get3A_1488 : i32 to index
      %get3A_1491 = arith.constant 0 : index
      %get3A_1492 = tpu.vector_load %arg9[%get3A_1489, %get3A_1490, %get3A_1491] {strides = array<i32>} : memref<5x16x32xf32, #tpu.memory_space<vmem>>, vector<1x1x16xf32>,
      %get3A_1493 = vector.shape_cast %get3A_1492 : vector<1x1x16xf32> to vector<16xf32>
      %mul3A_1494 = arith.mulf %get3A_1445, %get3A_1493 : vector<16xf32>
      %add3A_1495 = arith.addf %add3A_1404, %mul3A_1494 : vector<16xf32>
      %get3A_1496 = arith.constant 2 : i32
      %get3A_1497 = arith.constant 14 : i32
      %get3A_1498 = arith.index_cast %get3A_1496 : i32 to index
      %get3A_1499 = arith.index_cast %get3A_1497 : i32 to index
      %get3A_1500 = arith.constant 16 : index
      %get3A_1501 = tpu.vector_load %arg9[%get3A_1498, %get3A_1499, %get3A_1500] {strides = array<i32>} : memref<5x16x32xf32, #tpu.memory_space<vmem>>, vector<1x1x16xf32>,
      %get3A_1502 = vector.shape_cast %get3A_1501 : vector<1x1x16xf32> to vector<16xf32>
      %mul3A_1503 = arith.mulf %get3A_1450, %get3A_1502 : vector<16xf32>
      %add3A_1504 = arith.addf %add3A_1495, %mul3A_1503 : vector<16xf32>
      %get3A_1505 = arith.constant 3 : i32
      %get3A_1506 = arith.constant 14 : i32
      %get3A_1507 = arith.index_cast %get3A_1505 : i32 to index
      %get3A_1508 = arith.index_cast %get3A_1506 : i32 to index
      %get3A_1509 = arith.constant 0 : index
      %get3A_1510 = tpu.vector_load %arg9[%get3A_1507, %get3A_1508, %get3A_1509] {strides = array<i32>} : memref<5x16x32xf32, #tpu.memory_space<vmem>>, vector<1x1x16xf32>,
      %get3A_1511 = vector.shape_cast %get3A_1510 : vector<1x1x16xf32> to vector<16xf32>
      %mul3A_1512 = arith.mulf %get3A_1445, %get3A_1511 : vector<16xf32>
      %add3A_1513 = arith.addf %add3A_1422, %mul3A_1512 : vector<16xf32>
      %get3A_1514 = arith.constant 3 : i32
      %get3A_1515 = arith.constant 14 : i32
      %get3A_1516 = arith.index_cast %get3A_1514 : i32 to index
      %get3A_1517 = arith.index_cast %get3A_1515 : i32 to index
      %get3A_1518 = arith.constant 16 : index
      %get3A_1519 = tpu.vector_load %arg9[%get3A_1516, %get3A_1517, %get3A_1518] {strides = array<i32>} : memref<5x16x32xf32, #tpu.memory_space<vmem>>, vector<1x1x16xf32>,
      %get3A_1520 = vector.shape_cast %get3A_1519 : vector<1x1x16xf32> to vector<16xf32>
      %mul3A_1521 = arith.mulf %get3A_1450, %get3A_1520 : vector<16xf32>
      %add3A_1522 = arith.addf %add3A_1513, %mul3A_1521 : vector<16xf32>
      %get3A_1523 = arith.constant 4 : i32
      %get3A_1524 = arith.constant 14 : i32
      %get3A_1525 = arith.index_cast %get3A_1523 : i32 to index
      %get3A_1526 = arith.index_cast %get3A_1524 : i32 to index
      %get3A_1527 = arith.constant 0 : index
      %get3A_1528 = tpu.vector_load %arg9[%get3A_1525, %get3A_1526, %get3A_1527] {strides = array<i32>} : memref<5x16x32xf32, #tpu.memory_space<vmem>>, vector<1x1x16xf32>,
      %get3A_1529 = vector.shape_cast %get3A_1528 : vector<1x1x16xf32> to vector<16xf32>
      %mul3A_1530 = arith.mulf %get3A_1445, %get3A_1529 : vector<16xf32>
      %add3A_1531 = arith.addf %add3A_1440, %mul3A_1530 : vector<16xf32>
      %get3A_1532 = arith.constant 4 : i32
      %get3A_1533 = arith.constant 14 : i32
      %get3A_1534 = arith.index_cast %get3A_1532 : i32 to index
      %get3A_1535 = arith.index_cast %get3A_1533 : i32 to index
      %get3A_1536 = arith.constant 16 : index
      %get3A_1537 = tpu.vector_load %arg9[%get3A_1534, %get3A_1535, %get3A_1536] {strides = array<i32>} : memref<5x16x32xf32, #tpu.memory_space<vmem>>, vector<1x1x16xf32>,
      %get3A_1538 = vector.shape_cast %get3A_1537 : vector<1x1x16xf32> to vector<16xf32>
      %mul3A_1539 = arith.mulf %get3A_1450, %get3A_1538 : vector<16xf32>
      %add3A_1540 = arith.addf %add3A_1531, %mul3A_1539 : vector<16xf32>
      %get3A_1541 = arith.constant 15 : i32
      %get3A_1542 = arith.index_cast %get3A_1541 : i32 to index
      %get3A_1543 = arith.constant 0 : index
      %get3A_1544 = tpu.vector_load %arg8[%get3A_1542, %get3A_1543] {strides = array<i32>} : memref<16x32xf32, #tpu.memory_space<vmem>>, vector<1x16xf32>,
      %get3A_1545 = vector.shape_cast %get3A_1544 : vector<1x16xf32> to vector<16xf32>
      %get3A_1546 = arith.constant 15 : i32
      %get3A_1547 = arith.index_cast %get3A_1546 : i32 to index
      %get3A_1548 = arith.constant 16 : index
      %get3A_1549 = tpu.vector_load %arg8[%get3A_1547, %get3A_1548] {strides = array<i32>} : memref<16x32xf32, #tpu.memory_space<vmem>>, vector<1x16xf32>,
      %get3A_1550 = vector.shape_cast %get3A_1549 : vector<1x16xf32> to vector<16xf32>
      %get3A_1551 = arith.constant 0 : i32
      %get3A_1552 = arith.constant 15 : i32
      %get3A_1553 = arith.index_cast %get3A_1551 : i32 to index
      %get3A_1554 = arith.index_cast %get3A_1552 : i32 to index
      %get3A_1555 = arith.constant 0 : index
      %get3A_1556 = tpu.vector_load %arg9[%get3A_1553, %get3A_1554, %get3A_1555] {strides = array<i32>} : memref<5x16x32xf32, #tpu.memory_space<vmem>>, vector<1x1x16xf32>,
      %get3A_1557 = vector.shape_cast %get3A_1556 : vector<1x1x16xf32> to vector<16xf32>
      %mul3A_1558 = arith.mulf %get3A_1545, %get3A_1557 : vector<16xf32>
      %add3A_1559 = arith.addf %add3A_1468, %mul3A_1558 : vector<16xf32>
      %get3A_1560 = arith.constant 0 : i32
      %get3A_1561 = arith.constant 15 : i32
      %get3A_1562 = arith.index_cast %get3A_1560 : i32 to index
      %get3A_1563 = arith.index_cast %get3A_1561 : i32 to index
      %get3A_1564 = arith.constant 16 : index
      %get3A_1565 = tpu.vector_load %arg9[%get3A_1562, %get3A_1563, %get3A_1564] {strides = array<i32>} : memref<5x16x32xf32, #tpu.memory_space<vmem>>, vector<1x1x16xf32>,
      %get3A_1566 = vector.shape_cast %get3A_1565 : vector<1x1x16xf32> to vector<16xf32>
      %mul3A_1567 = arith.mulf %get3A_1550, %get3A_1566 : vector<16xf32>
      %add3A_1568 = arith.addf %add3A_1559, %mul3A_1567 : vector<16xf32>
      %get3A_1569 = arith.constant 1 : i32
      %get3A_1570 = arith.constant 15 : i32
      %get3A_1571 = arith.index_cast %get3A_1569 : i32 to index
      %get3A_1572 = arith.index_cast %get3A_1570 : i32 to index
      %get3A_1573 = arith.constant 0 : index
      %get3A_1574 = tpu.vector_load %arg9[%get3A_1571, %get3A_1572, %get3A_1573] {strides = array<i32>} : memref<5x16x32xf32, #tpu.memory_space<vmem>>, vector<1x1x16xf32>,
      %get3A_1575 = vector.shape_cast %get3A_1574 : vector<1x1x16xf32> to vector<16xf32>
      %mul3A_1576 = arith.mulf %get3A_1545, %get3A_1575 : vector<16xf32>
      %add3A_1577 = arith.addf %add3A_1486, %mul3A_1576 : vector<16xf32>
      %get3A_1578 = arith.constant 1 : i32
      %get3A_1579 = arith.constant 15 : i32
      %get3A_1580 = arith.index_cast %get3A_1578 : i32 to index
      %get3A_1581 = arith.index_cast %get3A_1579 : i32 to index
      %get3A_1582 = arith.constant 16 : index
      %get3A_1583 = tpu.vector_load %arg9[%get3A_1580, %get3A_1581, %get3A_1582] {strides = array<i32>} : memref<5x16x32xf32, #tpu.memory_space<vmem>>, vector<1x1x16xf32>,
      %get3A_1584 = vector.shape_cast %get3A_1583 : vector<1x1x16xf32> to vector<16xf32>
      %mul3A_1585 = arith.mulf %get3A_1550, %get3A_1584 : vector<16xf32>
      %add3A_1586 = arith.addf %add3A_1577, %mul3A_1585 : vector<16xf32>
      %get3A_1587 = arith.constant 2 : i32
      %get3A_1588 = arith.constant 15 : i32
      %get3A_1589 = arith.index_cast %get3A_1587 : i32 to index
      %get3A_1590 = arith.index_cast %get3A_1588 : i32 to index
      %get3A_1591 = arith.constant 0 : index
      %get3A_1592 = tpu.vector_load %arg9[%get3A_1589, %get3A_1590, %get3A_1591] {strides = array<i32>} : memref<5x16x32xf32, #tpu.memory_space<vmem>>, vector<1x1x16xf32>,
      %get3A_1593 = vector.shape_cast %get3A_1592 : vector<1x1x16xf32> to vector<16xf32>
      %mul3A_1594 = arith.mulf %get3A_1545, %get3A_1593 : vector<16xf32>
      %add3A_1595 = arith.addf %add3A_1504, %mul3A_1594 : vector<16xf32>
      %get3A_1596 = arith.constant 2 : i32
      %get3A_1597 = arith.constant 15 : i32
      %get3A_1598 = arith.index_cast %get3A_1596 : i32 to index
      %get3A_1599 = arith.index_cast %get3A_1597 : i32 to index
      %get3A_1600 = arith.constant 16 : index
      %get3A_1601 = tpu.vector_load %arg9[%get3A_1598, %get3A_1599, %get3A_1600] {strides = array<i32>} : memref<5x16x32xf32, #tpu.memory_space<vmem>>, vector<1x1x16xf32>,
      %get3A_1602 = vector.shape_cast %get3A_1601 : vector<1x1x16xf32> to vector<16xf32>
      %mul3A_1603 = arith.mulf %get3A_1550, %get3A_1602 : vector<16xf32>
      %add3A_1604 = arith.addf %add3A_1595, %mul3A_1603 : vector<16xf32>
      %get3A_1605 = arith.constant 3 : i32
      %get3A_1606 = arith.constant 15 : i32
      %get3A_1607 = arith.index_cast %get3A_1605 : i32 to index
      %get3A_1608 = arith.index_cast %get3A_1606 : i32 to index
      %get3A_1609 = arith.constant 0 : index
      %get3A_1610 = tpu.vector_load %arg9[%get3A_1607, %get3A_1608, %get3A_1609] {strides = array<i32>} : memref<5x16x32xf32, #tpu.memory_space<vmem>>, vector<1x1x16xf32>,
      %get3A_1611 = vector.shape_cast %get3A_1610 : vector<1x1x16xf32> to vector<16xf32>
      %mul3A_1612 = arith.mulf %get3A_1545, %get3A_1611 : vector<16xf32>
      %add3A_1613 = arith.addf %add3A_1522, %mul3A_1612 : vector<16xf32>
      %get3A_1614 = arith.constant 3 : i32
      %get3A_1615 = arith.constant 15 : i32
      %get3A_1616 = arith.index_cast %get3A_1614 : i32 to index
      %get3A_1617 = arith.index_cast %get3A_1615 : i32 to index
      %get3A_1618 = arith.constant 16 : index
      %get3A_1619 = tpu.vector_load %arg9[%get3A_1616, %get3A_1617, %get3A_1618] {strides = array<i32>} : memref<5x16x32xf32, #tpu.memory_space<vmem>>, vector<1x1x16xf32>,
      %get3A_1620 = vector.shape_cast %get3A_1619 : vector<1x1x16xf32> to vector<16xf32>
      %mul3A_1621 = arith.mulf %get3A_1550, %get3A_1620 : vector<16xf32>
      %add3A_1622 = arith.addf %add3A_1613, %mul3A_1621 : vector<16xf32>
      %get3A_1623 = arith.constant 4 : i32
      %get3A_1624 = arith.constant 15 : i32
      %get3A_1625 = arith.index_cast %get3A_1623 : i32 to index
      %get3A_1626 = arith.index_cast %get3A_1624 : i32 to index
      %get3A_1627 = arith.constant 0 : index
      %get3A_1628 = tpu.vector_load %arg9[%get3A_1625, %get3A_1626, %get3A_1627] {strides = array<i32>} : memref<5x16x32xf32, #tpu.memory_space<vmem>>, vector<1x1x16xf32>,
      %get3A_1629 = vector.shape_cast %get3A_1628 : vector<1x1x16xf32> to vector<16xf32>
      %mul3A_1630 = arith.mulf %get3A_1545, %get3A_1629 : vector<16xf32>
      %add3A_1631 = arith.addf %add3A_1540, %mul3A_1630 : vector<16xf32>
      %get3A_1632 = arith.constant 4 : i32
      %get3A_1633 = arith.constant 15 : i32
      %get3A_1634 = arith.index_cast %get3A_1632 : i32 to index
      %get3A_1635 = arith.index_cast %get3A_1633 : i32 to index
      %get3A_1636 = arith.constant 16 : index
      %get3A_1637 = tpu.vector_load %arg9[%get3A_1634, %get3A_1635, %get3A_1636] {strides = array<i32>} : memref<5x16x32xf32, #tpu.memory_space<vmem>>, vector<1x1x16xf32>,
      %get3A_1638 = vector.shape_cast %get3A_1637 : vector<1x1x16xf32> to vector<16xf32>
      %mul3A_1639 = arith.mulf %get3A_1550, %get3A_1638 : vector<16xf32>
      %add3A_1640 = arith.addf %add3A_1631, %mul3A_1639 : vector<16xf32>
      %swap3A = arith.constant 0 : i32
      %swap3A_1641 = arith.index_cast %swap3A : i32 to index
      %swap3A_1642 = arith.constant 0 : index
      %swap3A_1643 = tpu.vector_load %arg10[%swap3A_1641, %swap3A_1642] {strides = array<i32>} : memref<5x16xf32, #tpu.memory_space<vmem>>, vector<1x16xf32>,
      %swap3A_1644 = vector.shape_cast %swap3A_1643 : vector<1x16xf32> to vector<16xf32>
      %swap3A_1645 = vector.shape_cast %add3A_1568 : vector<16xf32> to vector<1x16xf32>
      tpu.vector_store %arg10[%swap3A_1641, %swap3A_1642], %swap3A_1645 {strides = array<i32>} : memref<5x16xf32, #tpu.memory_space<vmem>>, vector<1x16xf32>,
      %swap3A_1646 = arith.constant 1 : i32
      %swap3A_1647 = arith.index_cast %swap3A_1646 : i32 to index
      %swap3A_1648 = arith.constant 0 : index
      %swap3A_1649 = tpu.vector_load %arg10[%swap3A_1647, %swap3A_1648] {strides = array<i32>} : memref<5x16xf32, #tpu.memory_space<vmem>>, vector<1x16xf32>,
      %swap3A_1650 = vector.shape_cast %swap3A_1649 : vector<1x16xf32> to vector<16xf32>
      %swap3A_1651 = vector.shape_cast %add3A_1586 : vector<16xf32> to vector<1x16xf32>
      tpu.vector_store %arg10[%swap3A_1647, %swap3A_1648], %swap3A_1651 {strides = array<i32>} : memref<5x16xf32, #tpu.memory_space<vmem>>, vector<1x16xf32>,
      %swap3A_1652 = arith.constant 2 : i32
      %swap3A_1653 = arith.index_cast %swap3A_1652 : i32 to index
      %swap3A_1654 = arith.constant 0 : index
      %swap3A_1655 = tpu.vector_load %arg10[%swap3A_1653, %swap3A_1654] {strides = array<i32>} : memref<5x16xf32, #tpu.memory_space<vmem>>, vector<1x16xf32>,
      %swap3A_1656 = vector.shape_cast %swap3A_1655 : vector<1x16xf32> to vector<16xf32>
      %swap3A_1657 = vector.shape_cast %add3A_1604 : vector<16xf32> to vector<1x16xf32>
      tpu.vector_store %arg10[%swap3A_1653, %swap3A_1654], %swap3A_1657 {strides = array<i32>} : memref<5x16xf32, #tpu.memory_space<vmem>>, vector<1x16xf32>,
      %swap3A_1658 = arith.constant 3 : i32
      %swap3A_1659 = arith.index_cast %swap3A_1658 : i32 to index
      %swap3A_1660 = arith.constant 0 : index
      %swap3A_1661 = tpu.vector_load %arg10[%swap3A_1659, %swap3A_1660] {strides = array<i32>} : memref<5x16xf32, #tpu.memory_space<vmem>>, vector<1x16xf32>,
      %swap3A_1662 = vector.shape_cast %swap3A_1661 : vector<1x16xf32> to vector<16xf32>
      %swap3A_1663 = vector.shape_cast %add3A_1622 : vector<16xf32> to vector<1x16xf32>
      tpu.vector_store %arg10[%swap3A_1659, %swap3A_1660], %swap3A_1663 {strides = array<i32>} : memref<5x16xf32, #tpu.memory_space<vmem>>, vector<1x16xf32>,
      %swap3A_1664 = arith.constant 4 : i32
      %swap3A_1665 = arith.index_cast %swap3A_1664 : i32 to index
      %swap3A_1666 = arith.constant 0 : index
      %swap3A_1667 = tpu.vector_load %arg10[%swap3A_1665, %swap3A_1666] {strides = array<i32>} : memref<5x16xf32, #tpu.memory_space<vmem>>, vector<1x16xf32>,
      %swap3A_1668 = vector.shape_cast %swap3A_1667 : vector<1x16xf32> to vector<16xf32>
      %swap3A_1669 = vector.shape_cast %add3A_1640 : vector<16xf32> to vector<1x16xf32>
      tpu.vector_store %arg10[%swap3A_1665, %swap3A_1666], %swap3A_1669 {strides = array<i32>} : memref<5x16xf32, #tpu.memory_space<vmem>>, vector<1x16xf32>,
      "tpu.region"() ({
        %run_scoped3A_1675 = tpu.sem_alloc : memref<!tpu.dma_semaphore, #tpu.memory_space<semaphore_mem>>
        %dma_start3A_1676 = arith.constant 0 : i32
        %dma_start3A_1677 = arith.constant 0 : i32
        %dma_start3A_1678 = tpu.memref_slice %arg14[%arg1, %dma_start3A_1676, %dma_start3A_1677] : memref<16x5x16xf32, #tpu.memory_space<vmem_shared>> -> memref<1x5x16xf32, #tpu.memory_space<vmem_shared>>
        %dma_start3A_1679 = tpu.memref_squeeze %dma_start3A_1678 : memref<1x5x16xf32, #tpu.memory_space<vmem_shared>> -> memref<5x16xf32, #tpu.memory_space<vmem_shared>>
        %dma_start3A_1680 = arith.constant 0 : i32
        %dma_start3A_1681 = arith.constant 0 : i32
        %dma_start3A_1682 = tpu.memref_slice %arg14[%arg1, %dma_start3A_1680, %dma_start3A_1681] : memref<16x5x16xf32, #tpu.memory_space<vmem_shared>> -> memref<1x5x16xf32, #tpu.memory_space<vmem_shared>>
        %dma_start3A_1683 = tpu.memref_squeeze %dma_start3A_1682 : memref<1x5x16xf32, #tpu.memory_space<vmem_shared>> -> memref<5x16xf32, #tpu.memory_space<vmem_shared>>
        tpu.enqueue_dma source(%arg10 : memref<5x16xf32, #tpu.memory_space<vmem>>) target(%dma_start3A_1683 : memref<5x16xf32, #tpu.memory_space<vmem_shared>>) target_semaphore(%run_scoped3A_1675 : memref<!tpu.dma_semaphore, #tpu.memory_space<semaphore_mem>>)
        %dma_wait3A_1684 = arith.constant 0 : i32
        %dma_wait3A_1685 = arith.constant 0 : i32
        %dma_wait3A_1686 = tpu.memref_slice %arg14[%arg1, %dma_wait3A_1684, %dma_wait3A_1685] : memref<16x5x16xf32, #tpu.memory_space<vmem_shared>> -> memref<1x5x16xf32, #tpu.memory_space<vmem_shared>>
        %dma_wait3A_1687 = tpu.memref_squeeze %dma_wait3A_1686 : memref<1x5x16xf32, #tpu.memory_space<vmem_shared>> -> memref<5x16xf32, #tpu.memory_space<vmem_shared>>
        %dma_wait3A_1688 = arith.constant 0 : i32
        %dma_wait3A_1689 = arith.constant 0 : i32
        %dma_wait3A_1690 = tpu.memref_slice %arg14[%arg1, %dma_wait3A_1688, %dma_wait3A_1689] : memref<16x5x16xf32, #tpu.memory_space<vmem_shared>> -> memref<1x5x16xf32, #tpu.memory_space<vmem_shared>>
        %dma_wait3A_1691 = tpu.memref_squeeze %dma_wait3A_1690 : memref<1x5x16xf32, #tpu.memory_space<vmem_shared>> -> memref<5x16xf32, #tpu.memory_space<vmem_shared>>
        tpu.wait_dma2 semaphore(%run_scoped3A_1675 : memref<!tpu.dma_semaphore, #tpu.memory_space<semaphore_mem>>) src(%arg10 : memref<5x16xf32, #tpu.memory_space<vmem>>) dst(%dma_wait3A_1691 : memref<5x16xf32, #tpu.memory_space<vmem_shared>>)
        tpu.yield
      }) : () -> ()
      %barrier3A = arith.constant 0 : index
      tpu.barrier barrier_id(%barrier3A)
      %eq3A_1670 = arith.constant 0 : i32
      %eq3A_1671 = arith.cmpi eq, %arg1, %eq3A_1670 : i32
      %convert_element_type3A_1672 = arith.extui %eq3A_1671 : i1 to i32
      %cond3A_1673 = arith.constant 0 : i32
      %cond3A_1674 = arith.cmpi ne, %convert_element_type3A_1672, %cond3A_1673 : i32
      scf.if %cond3A_1674 {
        "tpu.region"() ({
          %run_scoped3A_2758 = tpu.sem_alloc : memref<!tpu.dma_semaphore, #tpu.memory_space<semaphore_mem>>
          tpu.enqueue_dma source(%arg14 : memref<16x5x16xf32, #tpu.memory_space<vmem_shared>>) target(%arg11 : memref<16x5x16xf32, #tpu.memory_space<vmem>>) target_semaphore(%run_scoped3A_2758 : memref<!tpu.dma_semaphore, #tpu.memory_space<semaphore_mem>>)
          tpu.wait_dma2 semaphore(%run_scoped3A_2758 : memref<!tpu.dma_semaphore, #tpu.memory_space<semaphore_mem>>) src(%arg14 : memref<16x5x16xf32, #tpu.memory_space<vmem_shared>>) dst(%arg11 : memref<16x5x16xf32, #tpu.memory_space<vmem>>)
          tpu.yield
        }) : () -> ()
        "tpu.region"() ({
          %run_scoped3A_2758 = tpu.sem_alloc : memref<!tpu.dma_semaphore, #tpu.memory_space<semaphore_mem>>
          tpu.enqueue_dma source(%arg4 : memref<16xf32, #tpu.memory_space<hbm>>) target(%arg12 : memref<16xf32, #tpu.memory_space<vmem>>) target_semaphore(%run_scoped3A_2758 : memref<!tpu.dma_semaphore, #tpu.memory_space<semaphore_mem>>)
          tpu.wait_dma2 semaphore(%run_scoped3A_2758 : memref<!tpu.dma_semaphore, #tpu.memory_space<semaphore_mem>>) src(%arg4 : memref<16xf32, #tpu.memory_space<hbm>>) dst(%arg12 : memref<16xf32, #tpu.memory_space<vmem>>)
          tpu.yield
        }) : () -> ()
        %iota3A = tpu.iota {dimensions = array<i32: 0>} : vector<16xi32>
        %get3A_1675 = arith.constant 0 : index
        %get3A_1676 = tpu.vector_load %arg12[%get3A_1675] {strides = array<i32>} : memref<16xf32, #tpu.memory_space<vmem>>, vector<16xf32>,
        %get3A_1677 = vector.shape_cast %get3A_1676 : vector<16xf32> to vector<16xf32>
        %get3A_1678 = arith.constant 0 : i32
        %get3A_1679 = arith.constant 0 : i32
        %get3A_1680 = arith.index_cast %get3A_1678 : i32 to index
        %get3A_1681 = arith.index_cast %get3A_1679 : i32 to index
        %get3A_1682 = arith.constant 0 : index
        %get3A_1683 = tpu.vector_load %arg11[%get3A_1680, %get3A_1681, %get3A_1682] {strides = array<i32>} : memref<16x5x16xf32, #tpu.memory_space<vmem>>, vector<1x1x16xf32>,
        %get3A_1684 = vector.shape_cast %get3A_1683 : vector<1x1x16xf32> to vector<16xf32>
        %get3A_1685 = arith.constant 1 : i32
        %get3A_1686 = arith.constant 0 : i32
        %get3A_1687 = arith.index_cast %get3A_1685 : i32 to index
        %get3A_1688 = arith.index_cast %get3A_1686 : i32 to index
        %get3A_1689 = arith.constant 0 : index
        %get3A_1690 = tpu.vector_load %arg11[%get3A_1687, %get3A_1688, %get3A_1689] {strides = array<i32>} : memref<16x5x16xf32, #tpu.memory_space<vmem>>, vector<1x1x16xf32>,
        %get3A_1691 = vector.shape_cast %get3A_1690 : vector<1x1x16xf32> to vector<16xf32>
        %add3A_1692 = arith.addf %get3A_1684, %get3A_1691 : vector<16xf32>
        %get3A_1693 = arith.constant 2 : i32
        %get3A_1694 = arith.constant 0 : i32
        %get3A_1695 = arith.index_cast %get3A_1693 : i32 to index
        %get3A_1696 = arith.index_cast %get3A_1694 : i32 to index
        %get3A_1697 = arith.constant 0 : index
        %get3A_1698 = tpu.vector_load %arg11[%get3A_1695, %get3A_1696, %get3A_1697] {strides = array<i32>} : memref<16x5x16xf32, #tpu.memory_space<vmem>>, vector<1x1x16xf32>,
        %get3A_1699 = vector.shape_cast %get3A_1698 : vector<1x1x16xf32> to vector<16xf32>
        %add3A_1700 = arith.addf %add3A_1692, %get3A_1699 : vector<16xf32>
        %get3A_1701 = arith.constant 3 : i32
        %get3A_1702 = arith.constant 0 : i32
        %get3A_1703 = arith.index_cast %get3A_1701 : i32 to index
        %get3A_1704 = arith.index_cast %get3A_1702 : i32 to index
        %get3A_1705 = arith.constant 0 : index
        %get3A_1706 = tpu.vector_load %arg11[%get3A_1703, %get3A_1704, %get3A_1705] {strides = array<i32>} : memref<16x5x16xf32, #tpu.memory_space<vmem>>, vector<1x1x16xf32>,
        %get3A_1707 = vector.shape_cast %get3A_1706 : vector<1x1x16xf32> to vector<16xf32>
        %add3A_1708 = arith.addf %add3A_1700, %get3A_1707 : vector<16xf32>
        %get3A_1709 = arith.constant 4 : i32
        %get3A_1710 = arith.constant 0 : i32
        %get3A_1711 = arith.index_cast %get3A_1709 : i32 to index
        %get3A_1712 = arith.index_cast %get3A_1710 : i32 to index
        %get3A_1713 = arith.constant 0 : index
        %get3A_1714 = tpu.vector_load %arg11[%get3A_1711, %get3A_1712, %get3A_1713] {strides = array<i32>} : memref<16x5x16xf32, #tpu.memory_space<vmem>>, vector<1x1x16xf32>,
        %get3A_1715 = vector.shape_cast %get3A_1714 : vector<1x1x16xf32> to vector<16xf32>
        %add3A_1716 = arith.addf %add3A_1708, %get3A_1715 : vector<16xf32>
        %get3A_1717 = arith.constant 5 : i32
        %get3A_1718 = arith.constant 0 : i32
        %get3A_1719 = arith.index_cast %get3A_1717 : i32 to index
        %get3A_1720 = arith.index_cast %get3A_1718 : i32 to index
        %get3A_1721 = arith.constant 0 : index
        %get3A_1722 = tpu.vector_load %arg11[%get3A_1719, %get3A_1720, %get3A_1721] {strides = array<i32>} : memref<16x5x16xf32, #tpu.memory_space<vmem>>, vector<1x1x16xf32>,
        %get3A_1723 = vector.shape_cast %get3A_1722 : vector<1x1x16xf32> to vector<16xf32>
        %add3A_1724 = arith.addf %add3A_1716, %get3A_1723 : vector<16xf32>
        %get3A_1725 = arith.constant 6 : i32
        %get3A_1726 = arith.constant 0 : i32
        %get3A_1727 = arith.index_cast %get3A_1725 : i32 to index
        %get3A_1728 = arith.index_cast %get3A_1726 : i32 to index
        %get3A_1729 = arith.constant 0 : index
        %get3A_1730 = tpu.vector_load %arg11[%get3A_1727, %get3A_1728, %get3A_1729] {strides = array<i32>} : memref<16x5x16xf32, #tpu.memory_space<vmem>>, vector<1x1x16xf32>,
        %get3A_1731 = vector.shape_cast %get3A_1730 : vector<1x1x16xf32> to vector<16xf32>
        %add3A_1732 = arith.addf %add3A_1724, %get3A_1731 : vector<16xf32>
        %get3A_1733 = arith.constant 7 : i32
        %get3A_1734 = arith.constant 0 : i32
        %get3A_1735 = arith.index_cast %get3A_1733 : i32 to index
        %get3A_1736 = arith.index_cast %get3A_1734 : i32 to index
        %get3A_1737 = arith.constant 0 : index
        %get3A_1738 = tpu.vector_load %arg11[%get3A_1735, %get3A_1736, %get3A_1737] {strides = array<i32>} : memref<16x5x16xf32, #tpu.memory_space<vmem>>, vector<1x1x16xf32>,
        %get3A_1739 = vector.shape_cast %get3A_1738 : vector<1x1x16xf32> to vector<16xf32>
        %add3A_1740 = arith.addf %add3A_1732, %get3A_1739 : vector<16xf32>
        %get3A_1741 = arith.constant 8 : i32
        %get3A_1742 = arith.constant 0 : i32
        %get3A_1743 = arith.index_cast %get3A_1741 : i32 to index
        %get3A_1744 = arith.index_cast %get3A_1742 : i32 to index
        %get3A_1745 = arith.constant 0 : index
        %get3A_1746 = tpu.vector_load %arg11[%get3A_1743, %get3A_1744, %get3A_1745] {strides = array<i32>} : memref<16x5x16xf32, #tpu.memory_space<vmem>>, vector<1x1x16xf32>,
        %get3A_1747 = vector.shape_cast %get3A_1746 : vector<1x1x16xf32> to vector<16xf32>
        %add3A_1748 = arith.addf %add3A_1740, %get3A_1747 : vector<16xf32>
        %get3A_1749 = arith.constant 9 : i32
        %get3A_1750 = arith.constant 0 : i32
        %get3A_1751 = arith.index_cast %get3A_1749 : i32 to index
        %get3A_1752 = arith.index_cast %get3A_1750 : i32 to index
        %get3A_1753 = arith.constant 0 : index
        %get3A_1754 = tpu.vector_load %arg11[%get3A_1751, %get3A_1752, %get3A_1753] {strides = array<i32>} : memref<16x5x16xf32, #tpu.memory_space<vmem>>, vector<1x1x16xf32>,
        %get3A_1755 = vector.shape_cast %get3A_1754 : vector<1x1x16xf32> to vector<16xf32>
        %add3A_1756 = arith.addf %add3A_1748, %get3A_1755 : vector<16xf32>
        %get3A_1757 = arith.constant 10 : i32
        %get3A_1758 = arith.constant 0 : i32
        %get3A_1759 = arith.index_cast %get3A_1757 : i32 to index
        %get3A_1760 = arith.index_cast %get3A_1758 : i32 to index
        %get3A_1761 = arith.constant 0 : index
        %get3A_1762 = tpu.vector_load %arg11[%get3A_1759, %get3A_1760, %get3A_1761] {strides = array<i32>} : memref<16x5x16xf32, #tpu.memory_space<vmem>>, vector<1x1x16xf32>,
        %get3A_1763 = vector.shape_cast %get3A_1762 : vector<1x1x16xf32> to vector<16xf32>
        %add3A_1764 = arith.addf %add3A_1756, %get3A_1763 : vector<16xf32>
        %get3A_1765 = arith.constant 11 : i32
        %get3A_1766 = arith.constant 0 : i32
        %get3A_1767 = arith.index_cast %get3A_1765 : i32 to index
        %get3A_1768 = arith.index_cast %get3A_1766 : i32 to index
        %get3A_1769 = arith.constant 0 : index
        %get3A_1770 = tpu.vector_load %arg11[%get3A_1767, %get3A_1768, %get3A_1769] {strides = array<i32>} : memref<16x5x16xf32, #tpu.memory_space<vmem>>, vector<1x1x16xf32>,
        %get3A_1771 = vector.shape_cast %get3A_1770 : vector<1x1x16xf32> to vector<16xf32>
        %add3A_1772 = arith.addf %add3A_1764, %get3A_1771 : vector<16xf32>
        %get3A_1773 = arith.constant 12 : i32
        %get3A_1774 = arith.constant 0 : i32
        %get3A_1775 = arith.index_cast %get3A_1773 : i32 to index
        %get3A_1776 = arith.index_cast %get3A_1774 : i32 to index
        %get3A_1777 = arith.constant 0 : index
        %get3A_1778 = tpu.vector_load %arg11[%get3A_1775, %get3A_1776, %get3A_1777] {strides = array<i32>} : memref<16x5x16xf32, #tpu.memory_space<vmem>>, vector<1x1x16xf32>,
        %get3A_1779 = vector.shape_cast %get3A_1778 : vector<1x1x16xf32> to vector<16xf32>
        %add3A_1780 = arith.addf %add3A_1772, %get3A_1779 : vector<16xf32>
        %get3A_1781 = arith.constant 13 : i32
        %get3A_1782 = arith.constant 0 : i32
        %get3A_1783 = arith.index_cast %get3A_1781 : i32 to index
        %get3A_1784 = arith.index_cast %get3A_1782 : i32 to index
        %get3A_1785 = arith.constant 0 : index
        %get3A_1786 = tpu.vector_load %arg11[%get3A_1783, %get3A_1784, %get3A_1785] {strides = array<i32>} : memref<16x5x16xf32, #tpu.memory_space<vmem>>, vector<1x1x16xf32>,
        %get3A_1787 = vector.shape_cast %get3A_1786 : vector<1x1x16xf32> to vector<16xf32>
        %add3A_1788 = arith.addf %add3A_1780, %get3A_1787 : vector<16xf32>
        %get3A_1789 = arith.constant 14 : i32
        %get3A_1790 = arith.constant 0 : i32
        %get3A_1791 = arith.index_cast %get3A_1789 : i32 to index
        %get3A_1792 = arith.index_cast %get3A_1790 : i32 to index
        %get3A_1793 = arith.constant 0 : index
        %get3A_1794 = tpu.vector_load %arg11[%get3A_1791, %get3A_1792, %get3A_1793] {strides = array<i32>} : memref<16x5x16xf32, #tpu.memory_space<vmem>>, vector<1x1x16xf32>,
        %get3A_1795 = vector.shape_cast %get3A_1794 : vector<1x1x16xf32> to vector<16xf32>
        %add3A_1796 = arith.addf %add3A_1788, %get3A_1795 : vector<16xf32>
        %get3A_1797 = arith.constant 15 : i32
        %get3A_1798 = arith.constant 0 : i32
        %get3A_1799 = arith.index_cast %get3A_1797 : i32 to index
        %get3A_1800 = arith.index_cast %get3A_1798 : i32 to index
        %get3A_1801 = arith.constant 0 : index
        %get3A_1802 = tpu.vector_load %arg11[%get3A_1799, %get3A_1800, %get3A_1801] {strides = array<i32>} : memref<16x5x16xf32, #tpu.memory_space<vmem>>, vector<1x1x16xf32>,
        %get3A_1803 = vector.shape_cast %get3A_1802 : vector<1x1x16xf32> to vector<16xf32>
        %add3A_1804 = arith.addf %add3A_1796, %get3A_1803 : vector<16xf32>
        %eq3A_1805 = arith.constant 0 : i32
        %eq3A_1806 = vector.broadcast %eq3A_1805 : i32 to vector<16xi32>
        %eq3A_1807 = arith.cmpi eq, %iota3A, %eq3A_1806 : vector<16xi32>
        %iota3A_1808 = tpu.iota {dimensions = array<i32: 0>} : vector<16xi32>
        %xor3A = arith.constant 8 : i32
        %xor3A_1809 = vector.broadcast %xor3A : i32 to vector<16xi32>
        %xor3A_1810 = arith.xori %iota3A_1808, %xor3A_1809 : vector<16xi32>
        %lt3A_1811 = arith.constant 0 : i32
        %lt3A_1812 = vector.broadcast %lt3A_1811 : i32 to vector<16xi32>
        %lt3A_1813 = arith.cmpi slt, %xor3A_1810, %lt3A_1812 : vector<16xi32>
        %add3A_1814 = arith.constant 16 : i32
        %add3A_1815 = vector.broadcast %add3A_1814 : i32 to vector<16xi32>
        %add3A_1816 = arith.addi %xor3A_1810, %add3A_1815 : vector<16xi32>
        %select_n3A = arith.select %lt3A_1813, %add3A_1816, %xor3A_1810 : vector<16xi1>, vector<16xi32>
        %broadcast_in_dim3A_1817 = vector.shape_cast %select_n3A : vector<16xi32> to vector<16x1xi32>
        %gather3A = vector.shape_cast %broadcast_in_dim3A_1817 : vector<16x1xi32> to vector<16xi32>
        %gather3A_1818 = tpu.dynamic_gather %add3A_1804[%gather3A] in [0] : vector<16xf32>, vector<16xi32> -> vector<16xf32>
        %add3A_1819 = arith.addf %add3A_1804, %gather3A_1818 : vector<16xf32>
        %xor3A_1820 = arith.constant 4 : i32
        %xor3A_1821 = vector.broadcast %xor3A_1820 : i32 to vector<16xi32>
        %xor3A_1822 = arith.xori %iota3A_1808, %xor3A_1821 : vector<16xi32>
        %lt3A_1823 = arith.constant 0 : i32
        %lt3A_1824 = vector.broadcast %lt3A_1823 : i32 to vector<16xi32>
        %lt3A_1825 = arith.cmpi slt, %xor3A_1822, %lt3A_1824 : vector<16xi32>
        %add3A_1826 = arith.constant 16 : i32
        %add3A_1827 = vector.broadcast %add3A_1826 : i32 to vector<16xi32>
        %add3A_1828 = arith.addi %xor3A_1822, %add3A_1827 : vector<16xi32>
        %select_n3A_1829 = arith.select %lt3A_1825, %add3A_1828, %xor3A_1822 : vector<16xi1>, vector<16xi32>
        %broadcast_in_dim3A_1830 = vector.shape_cast %select_n3A_1829 : vector<16xi32> to vector<16x1xi32>
        %gather3A_1831 = vector.shape_cast %broadcast_in_dim3A_1830 : vector<16x1xi32> to vector<16xi32>
        %gather3A_1832 = tpu.dynamic_gather %add3A_1819[%gather3A_1831] in [0] : vector<16xf32>, vector<16xi32> -> vector<16xf32>
        %add3A_1833 = arith.addf %add3A_1819, %gather3A_1832 : vector<16xf32>
        %xor3A_1834 = arith.constant 2 : i32
        %xor3A_1835 = vector.broadcast %xor3A_1834 : i32 to vector<16xi32>
        %xor3A_1836 = arith.xori %iota3A_1808, %xor3A_1835 : vector<16xi32>
        %lt3A_1837 = arith.constant 0 : i32
        %lt3A_1838 = vector.broadcast %lt3A_1837 : i32 to vector<16xi32>
        %lt3A_1839 = arith.cmpi slt, %xor3A_1836, %lt3A_1838 : vector<16xi32>
        %add3A_1840 = arith.constant 16 : i32
        %add3A_1841 = vector.broadcast %add3A_1840 : i32 to vector<16xi32>
        %add3A_1842 = arith.addi %xor3A_1836, %add3A_1841 : vector<16xi32>
        %select_n3A_1843 = arith.select %lt3A_1839, %add3A_1842, %xor3A_1836 : vector<16xi1>, vector<16xi32>
        %broadcast_in_dim3A_1844 = vector.shape_cast %select_n3A_1843 : vector<16xi32> to vector<16x1xi32>
        %gather3A_1845 = vector.shape_cast %broadcast_in_dim3A_1844 : vector<16x1xi32> to vector<16xi32>
        %gather3A_1846 = tpu.dynamic_gather %add3A_1833[%gather3A_1845] in [0] : vector<16xf32>, vector<16xi32> -> vector<16xf32>
        %add3A_1847 = arith.addf %add3A_1833, %gather3A_1846 : vector<16xf32>
        %xor3A_1848 = arith.constant 1 : i32
        %xor3A_1849 = vector.broadcast %xor3A_1848 : i32 to vector<16xi32>
        %xor3A_1850 = arith.xori %iota3A_1808, %xor3A_1849 : vector<16xi32>
        %lt3A_1851 = arith.constant 0 : i32
        %lt3A_1852 = vector.broadcast %lt3A_1851 : i32 to vector<16xi32>
        %lt3A_1853 = arith.cmpi slt, %xor3A_1850, %lt3A_1852 : vector<16xi32>
        %add3A_1854 = arith.constant 16 : i32
        %add3A_1855 = vector.broadcast %add3A_1854 : i32 to vector<16xi32>
        %add3A_1856 = arith.addi %xor3A_1850, %add3A_1855 : vector<16xi32>
        %select_n3A_1857 = arith.select %lt3A_1853, %add3A_1856, %xor3A_1850 : vector<16xi1>, vector<16xi32>
        %broadcast_in_dim3A_1858 = vector.shape_cast %select_n3A_1857 : vector<16xi32> to vector<16x1xi32>
        %gather3A_1859 = vector.shape_cast %broadcast_in_dim3A_1858 : vector<16x1xi32> to vector<16xi32>
        %gather3A_1860 = tpu.dynamic_gather %add3A_1847[%gather3A_1859] in [0] : vector<16xf32>, vector<16xi32> -> vector<16xf32>
        %add3A_1861 = arith.addf %add3A_1847, %gather3A_1860 : vector<16xf32>
        %jit3A = arith.constant 0.000000e+00 : f32
        %broadcast_in_dim3A_1862 = vector.broadcast %jit3A : f32 to vector<16xf32>
        %select_n3A_1863 = arith.select %eq3A_1807, %add3A_1861, %broadcast_in_dim3A_1862 : vector<16xi1>, vector<16xf32>
        %add3A_1864 = arith.addf %get3A_1677, %select_n3A_1863 : vector<16xf32>
        %get3A_1865 = arith.constant 0 : i32
        %get3A_1866 = arith.constant 1 : i32
        %get3A_1867 = arith.index_cast %get3A_1865 : i32 to index
        %get3A_1868 = arith.index_cast %get3A_1866 : i32 to index
        %get3A_1869 = arith.constant 0 : index
        %get3A_1870 = tpu.vector_load %arg11[%get3A_1867, %get3A_1868, %get3A_1869] {strides = array<i32>} : memref<16x5x16xf32, #tpu.memory_space<vmem>>, vector<1x1x16xf32>,
        %get3A_1871 = vector.shape_cast %get3A_1870 : vector<1x1x16xf32> to vector<16xf32>
        %get3A_1872 = arith.constant 1 : i32
        %get3A_1873 = arith.constant 1 : i32
        %get3A_1874 = arith.index_cast %get3A_1872 : i32 to index
        %get3A_1875 = arith.index_cast %get3A_1873 : i32 to index
        %get3A_1876 = arith.constant 0 : index
        %get3A_1877 = tpu.vector_load %arg11[%get3A_1874, %get3A_1875, %get3A_1876] {strides = array<i32>} : memref<16x5x16xf32, #tpu.memory_space<vmem>>, vector<1x1x16xf32>,
        %get3A_1878 = vector.shape_cast %get3A_1877 : vector<1x1x16xf32> to vector<16xf32>
        %add3A_1879 = arith.addf %get3A_1871, %get3A_1878 : vector<16xf32>
        %get3A_1880 = arith.constant 2 : i32
        %get3A_1881 = arith.constant 1 : i32
        %get3A_1882 = arith.index_cast %get3A_1880 : i32 to index
        %get3A_1883 = arith.index_cast %get3A_1881 : i32 to index
        %get3A_1884 = arith.constant 0 : index
        %get3A_1885 = tpu.vector_load %arg11[%get3A_1882, %get3A_1883, %get3A_1884] {strides = array<i32>} : memref<16x5x16xf32, #tpu.memory_space<vmem>>, vector<1x1x16xf32>,
        %get3A_1886 = vector.shape_cast %get3A_1885 : vector<1x1x16xf32> to vector<16xf32>
        %add3A_1887 = arith.addf %add3A_1879, %get3A_1886 : vector<16xf32>
        %get3A_1888 = arith.constant 3 : i32
        %get3A_1889 = arith.constant 1 : i32
        %get3A_1890 = arith.index_cast %get3A_1888 : i32 to index
        %get3A_1891 = arith.index_cast %get3A_1889 : i32 to index
        %get3A_1892 = arith.constant 0 : index
        %get3A_1893 = tpu.vector_load %arg11[%get3A_1890, %get3A_1891, %get3A_1892] {strides = array<i32>} : memref<16x5x16xf32, #tpu.memory_space<vmem>>, vector<1x1x16xf32>,
        %get3A_1894 = vector.shape_cast %get3A_1893 : vector<1x1x16xf32> to vector<16xf32>
        %add3A_1895 = arith.addf %add3A_1887, %get3A_1894 : vector<16xf32>
        %get3A_1896 = arith.constant 4 : i32
        %get3A_1897 = arith.constant 1 : i32
        %get3A_1898 = arith.index_cast %get3A_1896 : i32 to index
        %get3A_1899 = arith.index_cast %get3A_1897 : i32 to index
        %get3A_1900 = arith.constant 0 : index
        %get3A_1901 = tpu.vector_load %arg11[%get3A_1898, %get3A_1899, %get3A_1900] {strides = array<i32>} : memref<16x5x16xf32, #tpu.memory_space<vmem>>, vector<1x1x16xf32>,
        %get3A_1902 = vector.shape_cast %get3A_1901 : vector<1x1x16xf32> to vector<16xf32>
        %add3A_1903 = arith.addf %add3A_1895, %get3A_1902 : vector<16xf32>
        %get3A_1904 = arith.constant 5 : i32
        %get3A_1905 = arith.constant 1 : i32
        %get3A_1906 = arith.index_cast %get3A_1904 : i32 to index
        %get3A_1907 = arith.index_cast %get3A_1905 : i32 to index
        %get3A_1908 = arith.constant 0 : index
        %get3A_1909 = tpu.vector_load %arg11[%get3A_1906, %get3A_1907, %get3A_1908] {strides = array<i32>} : memref<16x5x16xf32, #tpu.memory_space<vmem>>, vector<1x1x16xf32>,
        %get3A_1910 = vector.shape_cast %get3A_1909 : vector<1x1x16xf32> to vector<16xf32>
        %add3A_1911 = arith.addf %add3A_1903, %get3A_1910 : vector<16xf32>
        %get3A_1912 = arith.constant 6 : i32
        %get3A_1913 = arith.constant 1 : i32
        %get3A_1914 = arith.index_cast %get3A_1912 : i32 to index
        %get3A_1915 = arith.index_cast %get3A_1913 : i32 to index
        %get3A_1916 = arith.constant 0 : index
        %get3A_1917 = tpu.vector_load %arg11[%get3A_1914, %get3A_1915, %get3A_1916] {strides = array<i32>} : memref<16x5x16xf32, #tpu.memory_space<vmem>>, vector<1x1x16xf32>,
        %get3A_1918 = vector.shape_cast %get3A_1917 : vector<1x1x16xf32> to vector<16xf32>
        %add3A_1919 = arith.addf %add3A_1911, %get3A_1918 : vector<16xf32>
        %get3A_1920 = arith.constant 7 : i32
        %get3A_1921 = arith.constant 1 : i32
        %get3A_1922 = arith.index_cast %get3A_1920 : i32 to index
        %get3A_1923 = arith.index_cast %get3A_1921 : i32 to index
        %get3A_1924 = arith.constant 0 : index
        %get3A_1925 = tpu.vector_load %arg11[%get3A_1922, %get3A_1923, %get3A_1924] {strides = array<i32>} : memref<16x5x16xf32, #tpu.memory_space<vmem>>, vector<1x1x16xf32>,
        %get3A_1926 = vector.shape_cast %get3A_1925 : vector<1x1x16xf32> to vector<16xf32>
        %add3A_1927 = arith.addf %add3A_1919, %get3A_1926 : vector<16xf32>
        %get3A_1928 = arith.constant 8 : i32
        %get3A_1929 = arith.constant 1 : i32
        %get3A_1930 = arith.index_cast %get3A_1928 : i32 to index
        %get3A_1931 = arith.index_cast %get3A_1929 : i32 to index
        %get3A_1932 = arith.constant 0 : index
        %get3A_1933 = tpu.vector_load %arg11[%get3A_1930, %get3A_1931, %get3A_1932] {strides = array<i32>} : memref<16x5x16xf32, #tpu.memory_space<vmem>>, vector<1x1x16xf32>,
        %get3A_1934 = vector.shape_cast %get3A_1933 : vector<1x1x16xf32> to vector<16xf32>
        %add3A_1935 = arith.addf %add3A_1927, %get3A_1934 : vector<16xf32>
        %get3A_1936 = arith.constant 9 : i32
        %get3A_1937 = arith.constant 1 : i32
        %get3A_1938 = arith.index_cast %get3A_1936 : i32 to index
        %get3A_1939 = arith.index_cast %get3A_1937 : i32 to index
        %get3A_1940 = arith.constant 0 : index
        %get3A_1941 = tpu.vector_load %arg11[%get3A_1938, %get3A_1939, %get3A_1940] {strides = array<i32>} : memref<16x5x16xf32, #tpu.memory_space<vmem>>, vector<1x1x16xf32>,
        %get3A_1942 = vector.shape_cast %get3A_1941 : vector<1x1x16xf32> to vector<16xf32>
        %add3A_1943 = arith.addf %add3A_1935, %get3A_1942 : vector<16xf32>
        %get3A_1944 = arith.constant 10 : i32
        %get3A_1945 = arith.constant 1 : i32
        %get3A_1946 = arith.index_cast %get3A_1944 : i32 to index
        %get3A_1947 = arith.index_cast %get3A_1945 : i32 to index
        %get3A_1948 = arith.constant 0 : index
        %get3A_1949 = tpu.vector_load %arg11[%get3A_1946, %get3A_1947, %get3A_1948] {strides = array<i32>} : memref<16x5x16xf32, #tpu.memory_space<vmem>>, vector<1x1x16xf32>,
        %get3A_1950 = vector.shape_cast %get3A_1949 : vector<1x1x16xf32> to vector<16xf32>
        %add3A_1951 = arith.addf %add3A_1943, %get3A_1950 : vector<16xf32>
        %get3A_1952 = arith.constant 11 : i32
        %get3A_1953 = arith.constant 1 : i32
        %get3A_1954 = arith.index_cast %get3A_1952 : i32 to index
        %get3A_1955 = arith.index_cast %get3A_1953 : i32 to index
        %get3A_1956 = arith.constant 0 : index
        %get3A_1957 = tpu.vector_load %arg11[%get3A_1954, %get3A_1955, %get3A_1956] {strides = array<i32>} : memref<16x5x16xf32, #tpu.memory_space<vmem>>, vector<1x1x16xf32>,
        %get3A_1958 = vector.shape_cast %get3A_1957 : vector<1x1x16xf32> to vector<16xf32>
        %add3A_1959 = arith.addf %add3A_1951, %get3A_1958 : vector<16xf32>
        %get3A_1960 = arith.constant 12 : i32
        %get3A_1961 = arith.constant 1 : i32
        %get3A_1962 = arith.index_cast %get3A_1960 : i32 to index
        %get3A_1963 = arith.index_cast %get3A_1961 : i32 to index
        %get3A_1964 = arith.constant 0 : index
        %get3A_1965 = tpu.vector_load %arg11[%get3A_1962, %get3A_1963, %get3A_1964] {strides = array<i32>} : memref<16x5x16xf32, #tpu.memory_space<vmem>>, vector<1x1x16xf32>,
        %get3A_1966 = vector.shape_cast %get3A_1965 : vector<1x1x16xf32> to vector<16xf32>
        %add3A_1967 = arith.addf %add3A_1959, %get3A_1966 : vector<16xf32>
        %get3A_1968 = arith.constant 13 : i32
        %get3A_1969 = arith.constant 1 : i32
        %get3A_1970 = arith.index_cast %get3A_1968 : i32 to index
        %get3A_1971 = arith.index_cast %get3A_1969 : i32 to index
        %get3A_1972 = arith.constant 0 : index
        %get3A_1973 = tpu.vector_load %arg11[%get3A_1970, %get3A_1971, %get3A_1972] {strides = array<i32>} : memref<16x5x16xf32, #tpu.memory_space<vmem>>, vector<1x1x16xf32>,
        %get3A_1974 = vector.shape_cast %get3A_1973 : vector<1x1x16xf32> to vector<16xf32>
        %add3A_1975 = arith.addf %add3A_1967, %get3A_1974 : vector<16xf32>
        %get3A_1976 = arith.constant 14 : i32
        %get3A_1977 = arith.constant 1 : i32
        %get3A_1978 = arith.index_cast %get3A_1976 : i32 to index
        %get3A_1979 = arith.index_cast %get3A_1977 : i32 to index
        %get3A_1980 = arith.constant 0 : index
        %get3A_1981 = tpu.vector_load %arg11[%get3A_1978, %get3A_1979, %get3A_1980] {strides = array<i32>} : memref<16x5x16xf32, #tpu.memory_space<vmem>>, vector<1x1x16xf32>,
        %get3A_1982 = vector.shape_cast %get3A_1981 : vector<1x1x16xf32> to vector<16xf32>
        %add3A_1983 = arith.addf %add3A_1975, %get3A_1982 : vector<16xf32>
        %get3A_1984 = arith.constant 15 : i32
        %get3A_1985 = arith.constant 1 : i32
        %get3A_1986 = arith.index_cast %get3A_1984 : i32 to index
        %get3A_1987 = arith.index_cast %get3A_1985 : i32 to index
        %get3A_1988 = arith.constant 0 : index
        %get3A_1989 = tpu.vector_load %arg11[%get3A_1986, %get3A_1987, %get3A_1988] {strides = array<i32>} : memref<16x5x16xf32, #tpu.memory_space<vmem>>, vector<1x1x16xf32>,
        %get3A_1990 = vector.shape_cast %get3A_1989 : vector<1x1x16xf32> to vector<16xf32>
        %add3A_1991 = arith.addf %add3A_1983, %get3A_1990 : vector<16xf32>
        %eq3A_1992 = arith.constant 1 : i32
        %eq3A_1993 = vector.broadcast %eq3A_1992 : i32 to vector<16xi32>
        %eq3A_1994 = arith.cmpi eq, %iota3A, %eq3A_1993 : vector<16xi32>
        %iota3A_1995 = tpu.iota {dimensions = array<i32: 0>} : vector<16xi32>
        %xor3A_1996 = arith.constant 8 : i32
        %xor3A_1997 = vector.broadcast %xor3A_1996 : i32 to vector<16xi32>
        %xor3A_1998 = arith.xori %iota3A_1995, %xor3A_1997 : vector<16xi32>
        %lt3A_1999 = arith.constant 0 : i32
        %lt3A_2000 = vector.broadcast %lt3A_1999 : i32 to vector<16xi32>
        %lt3A_2001 = arith.cmpi slt, %xor3A_1998, %lt3A_2000 : vector<16xi32>
        %add3A_2002 = arith.constant 16 : i32
        %add3A_2003 = vector.broadcast %add3A_2002 : i32 to vector<16xi32>
        %add3A_2004 = arith.addi %xor3A_1998, %add3A_2003 : vector<16xi32>
        %select_n3A_2005 = arith.select %lt3A_2001, %add3A_2004, %xor3A_1998 : vector<16xi1>, vector<16xi32>
        %broadcast_in_dim3A_2006 = vector.shape_cast %select_n3A_2005 : vector<16xi32> to vector<16x1xi32>
        %gather3A_2007 = vector.shape_cast %broadcast_in_dim3A_2006 : vector<16x1xi32> to vector<16xi32>
        %gather3A_2008 = tpu.dynamic_gather %add3A_1991[%gather3A_2007] in [0] : vector<16xf32>, vector<16xi32> -> vector<16xf32>
        %add3A_2009 = arith.addf %add3A_1991, %gather3A_2008 : vector<16xf32>
        %xor3A_2010 = arith.constant 4 : i32
        %xor3A_2011 = vector.broadcast %xor3A_2010 : i32 to vector<16xi32>
        %xor3A_2012 = arith.xori %iota3A_1995, %xor3A_2011 : vector<16xi32>
        %lt3A_2013 = arith.constant 0 : i32
        %lt3A_2014 = vector.broadcast %lt3A_2013 : i32 to vector<16xi32>
        %lt3A_2015 = arith.cmpi slt, %xor3A_2012, %lt3A_2014 : vector<16xi32>
        %add3A_2016 = arith.constant 16 : i32
        %add3A_2017 = vector.broadcast %add3A_2016 : i32 to vector<16xi32>
        %add3A_2018 = arith.addi %xor3A_2012, %add3A_2017 : vector<16xi32>
        %select_n3A_2019 = arith.select %lt3A_2015, %add3A_2018, %xor3A_2012 : vector<16xi1>, vector<16xi32>
        %broadcast_in_dim3A_2020 = vector.shape_cast %select_n3A_2019 : vector<16xi32> to vector<16x1xi32>
        %gather3A_2021 = vector.shape_cast %broadcast_in_dim3A_2020 : vector<16x1xi32> to vector<16xi32>
        %gather3A_2022 = tpu.dynamic_gather %add3A_2009[%gather3A_2021] in [0] : vector<16xf32>, vector<16xi32> -> vector<16xf32>
        %add3A_2023 = arith.addf %add3A_2009, %gather3A_2022 : vector<16xf32>
        %xor3A_2024 = arith.constant 2 : i32
        %xor3A_2025 = vector.broadcast %xor3A_2024 : i32 to vector<16xi32>
        %xor3A_2026 = arith.xori %iota3A_1995, %xor3A_2025 : vector<16xi32>
        %lt3A_2027 = arith.constant 0 : i32
        %lt3A_2028 = vector.broadcast %lt3A_2027 : i32 to vector<16xi32>
        %lt3A_2029 = arith.cmpi slt, %xor3A_2026, %lt3A_2028 : vector<16xi32>
        %add3A_2030 = arith.constant 16 : i32
        %add3A_2031 = vector.broadcast %add3A_2030 : i32 to vector<16xi32>
        %add3A_2032 = arith.addi %xor3A_2026, %add3A_2031 : vector<16xi32>
        %select_n3A_2033 = arith.select %lt3A_2029, %add3A_2032, %xor3A_2026 : vector<16xi1>, vector<16xi32>
        %broadcast_in_dim3A_2034 = vector.shape_cast %select_n3A_2033 : vector<16xi32> to vector<16x1xi32>
        %gather3A_2035 = vector.shape_cast %broadcast_in_dim3A_2034 : vector<16x1xi32> to vector<16xi32>
        %gather3A_2036 = tpu.dynamic_gather %add3A_2023[%gather3A_2035] in [0] : vector<16xf32>, vector<16xi32> -> vector<16xf32>
        %add3A_2037 = arith.addf %add3A_2023, %gather3A_2036 : vector<16xf32>
        %xor3A_2038 = arith.constant 1 : i32
        %xor3A_2039 = vector.broadcast %xor3A_2038 : i32 to vector<16xi32>
        %xor3A_2040 = arith.xori %iota3A_1995, %xor3A_2039 : vector<16xi32>
        %lt3A_2041 = arith.constant 0 : i32
        %lt3A_2042 = vector.broadcast %lt3A_2041 : i32 to vector<16xi32>
        %lt3A_2043 = arith.cmpi slt, %xor3A_2040, %lt3A_2042 : vector<16xi32>
        %add3A_2044 = arith.constant 16 : i32
        %add3A_2045 = vector.broadcast %add3A_2044 : i32 to vector<16xi32>
        %add3A_2046 = arith.addi %xor3A_2040, %add3A_2045 : vector<16xi32>
        %select_n3A_2047 = arith.select %lt3A_2043, %add3A_2046, %xor3A_2040 : vector<16xi1>, vector<16xi32>
        %broadcast_in_dim3A_2048 = vector.shape_cast %select_n3A_2047 : vector<16xi32> to vector<16x1xi32>
        %gather3A_2049 = vector.shape_cast %broadcast_in_dim3A_2048 : vector<16x1xi32> to vector<16xi32>
        %gather3A_2050 = tpu.dynamic_gather %add3A_2037[%gather3A_2049] in [0] : vector<16xf32>, vector<16xi32> -> vector<16xf32>
        %add3A_2051 = arith.addf %add3A_2037, %gather3A_2050 : vector<16xf32>
        %jit3A_2052 = arith.constant 0.000000e+00 : f32
        %broadcast_in_dim3A_2053 = vector.broadcast %jit3A_2052 : f32 to vector<16xf32>
        %select_n3A_2054 = arith.select %eq3A_1994, %add3A_2051, %broadcast_in_dim3A_2053 : vector<16xi1>, vector<16xf32>
        %add3A_2055 = arith.addf %add3A_1864, %select_n3A_2054 : vector<16xf32>
        %get3A_2056 = arith.constant 0 : i32
        %get3A_2057 = arith.constant 2 : i32
        %get3A_2058 = arith.index_cast %get3A_2056 : i32 to index
        %get3A_2059 = arith.index_cast %get3A_2057 : i32 to index
        %get3A_2060 = arith.constant 0 : index
        %get3A_2061 = tpu.vector_load %arg11[%get3A_2058, %get3A_2059, %get3A_2060] {strides = array<i32>} : memref<16x5x16xf32, #tpu.memory_space<vmem>>, vector<1x1x16xf32>,
        %get3A_2062 = vector.shape_cast %get3A_2061 : vector<1x1x16xf32> to vector<16xf32>
        %get3A_2063 = arith.constant 1 : i32
        %get3A_2064 = arith.constant 2 : i32
        %get3A_2065 = arith.index_cast %get3A_2063 : i32 to index
        %get3A_2066 = arith.index_cast %get3A_2064 : i32 to index
        %get3A_2067 = arith.constant 0 : index
        %get3A_2068 = tpu.vector_load %arg11[%get3A_2065, %get3A_2066, %get3A_2067] {strides = array<i32>} : memref<16x5x16xf32, #tpu.memory_space<vmem>>, vector<1x1x16xf32>,
        %get3A_2069 = vector.shape_cast %get3A_2068 : vector<1x1x16xf32> to vector<16xf32>
        %add3A_2070 = arith.addf %get3A_2062, %get3A_2069 : vector<16xf32>
        %get3A_2071 = arith.constant 2 : i32
        %get3A_2072 = arith.constant 2 : i32
        %get3A_2073 = arith.index_cast %get3A_2071 : i32 to index
        %get3A_2074 = arith.index_cast %get3A_2072 : i32 to index
        %get3A_2075 = arith.constant 0 : index
        %get3A_2076 = tpu.vector_load %arg11[%get3A_2073, %get3A_2074, %get3A_2075] {strides = array<i32>} : memref<16x5x16xf32, #tpu.memory_space<vmem>>, vector<1x1x16xf32>,
        %get3A_2077 = vector.shape_cast %get3A_2076 : vector<1x1x16xf32> to vector<16xf32>
        %add3A_2078 = arith.addf %add3A_2070, %get3A_2077 : vector<16xf32>
        %get3A_2079 = arith.constant 3 : i32
        %get3A_2080 = arith.constant 2 : i32
        %get3A_2081 = arith.index_cast %get3A_2079 : i32 to index
        %get3A_2082 = arith.index_cast %get3A_2080 : i32 to index
        %get3A_2083 = arith.constant 0 : index
        %get3A_2084 = tpu.vector_load %arg11[%get3A_2081, %get3A_2082, %get3A_2083] {strides = array<i32>} : memref<16x5x16xf32, #tpu.memory_space<vmem>>, vector<1x1x16xf32>,
        %get3A_2085 = vector.shape_cast %get3A_2084 : vector<1x1x16xf32> to vector<16xf32>
        %add3A_2086 = arith.addf %add3A_2078, %get3A_2085 : vector<16xf32>
        %get3A_2087 = arith.constant 4 : i32
        %get3A_2088 = arith.constant 2 : i32
        %get3A_2089 = arith.index_cast %get3A_2087 : i32 to index
        %get3A_2090 = arith.index_cast %get3A_2088 : i32 to index
        %get3A_2091 = arith.constant 0 : index
        %get3A_2092 = tpu.vector_load %arg11[%get3A_2089, %get3A_2090, %get3A_2091] {strides = array<i32>} : memref<16x5x16xf32, #tpu.memory_space<vmem>>, vector<1x1x16xf32>,
        %get3A_2093 = vector.shape_cast %get3A_2092 : vector<1x1x16xf32> to vector<16xf32>
        %add3A_2094 = arith.addf %add3A_2086, %get3A_2093 : vector<16xf32>
        %get3A_2095 = arith.constant 5 : i32
        %get3A_2096 = arith.constant 2 : i32
        %get3A_2097 = arith.index_cast %get3A_2095 : i32 to index
        %get3A_2098 = arith.index_cast %get3A_2096 : i32 to index
        %get3A_2099 = arith.constant 0 : index
        %get3A_2100 = tpu.vector_load %arg11[%get3A_2097, %get3A_2098, %get3A_2099] {strides = array<i32>} : memref<16x5x16xf32, #tpu.memory_space<vmem>>, vector<1x1x16xf32>,
        %get3A_2101 = vector.shape_cast %get3A_2100 : vector<1x1x16xf32> to vector<16xf32>
        %add3A_2102 = arith.addf %add3A_2094, %get3A_2101 : vector<16xf32>
        %get3A_2103 = arith.constant 6 : i32
        %get3A_2104 = arith.constant 2 : i32
        %get3A_2105 = arith.index_cast %get3A_2103 : i32 to index
        %get3A_2106 = arith.index_cast %get3A_2104 : i32 to index
        %get3A_2107 = arith.constant 0 : index
        %get3A_2108 = tpu.vector_load %arg11[%get3A_2105, %get3A_2106, %get3A_2107] {strides = array<i32>} : memref<16x5x16xf32, #tpu.memory_space<vmem>>, vector<1x1x16xf32>,
        %get3A_2109 = vector.shape_cast %get3A_2108 : vector<1x1x16xf32> to vector<16xf32>
        %add3A_2110 = arith.addf %add3A_2102, %get3A_2109 : vector<16xf32>
        %get3A_2111 = arith.constant 7 : i32
        %get3A_2112 = arith.constant 2 : i32
        %get3A_2113 = arith.index_cast %get3A_2111 : i32 to index
        %get3A_2114 = arith.index_cast %get3A_2112 : i32 to index
        %get3A_2115 = arith.constant 0 : index
        %get3A_2116 = tpu.vector_load %arg11[%get3A_2113, %get3A_2114, %get3A_2115] {strides = array<i32>} : memref<16x5x16xf32, #tpu.memory_space<vmem>>, vector<1x1x16xf32>,
        %get3A_2117 = vector.shape_cast %get3A_2116 : vector<1x1x16xf32> to vector<16xf32>
        %add3A_2118 = arith.addf %add3A_2110, %get3A_2117 : vector<16xf32>
        %get3A_2119 = arith.constant 8 : i32
        %get3A_2120 = arith.constant 2 : i32
        %get3A_2121 = arith.index_cast %get3A_2119 : i32 to index
        %get3A_2122 = arith.index_cast %get3A_2120 : i32 to index
        %get3A_2123 = arith.constant 0 : index
        %get3A_2124 = tpu.vector_load %arg11[%get3A_2121, %get3A_2122, %get3A_2123] {strides = array<i32>} : memref<16x5x16xf32, #tpu.memory_space<vmem>>, vector<1x1x16xf32>,
        %get3A_2125 = vector.shape_cast %get3A_2124 : vector<1x1x16xf32> to vector<16xf32>
        %add3A_2126 = arith.addf %add3A_2118, %get3A_2125 : vector<16xf32>
        %get3A_2127 = arith.constant 9 : i32
        %get3A_2128 = arith.constant 2 : i32
        %get3A_2129 = arith.index_cast %get3A_2127 : i32 to index
        %get3A_2130 = arith.index_cast %get3A_2128 : i32 to index
        %get3A_2131 = arith.constant 0 : index
        %get3A_2132 = tpu.vector_load %arg11[%get3A_2129, %get3A_2130, %get3A_2131] {strides = array<i32>} : memref<16x5x16xf32, #tpu.memory_space<vmem>>, vector<1x1x16xf32>,
        %get3A_2133 = vector.shape_cast %get3A_2132 : vector<1x1x16xf32> to vector<16xf32>
        %add3A_2134 = arith.addf %add3A_2126, %get3A_2133 : vector<16xf32>
        %get3A_2135 = arith.constant 10 : i32
        %get3A_2136 = arith.constant 2 : i32
        %get3A_2137 = arith.index_cast %get3A_2135 : i32 to index
        %get3A_2138 = arith.index_cast %get3A_2136 : i32 to index
        %get3A_2139 = arith.constant 0 : index
        %get3A_2140 = tpu.vector_load %arg11[%get3A_2137, %get3A_2138, %get3A_2139] {strides = array<i32>} : memref<16x5x16xf32, #tpu.memory_space<vmem>>, vector<1x1x16xf32>,
        %get3A_2141 = vector.shape_cast %get3A_2140 : vector<1x1x16xf32> to vector<16xf32>
        %add3A_2142 = arith.addf %add3A_2134, %get3A_2141 : vector<16xf32>
        %get3A_2143 = arith.constant 11 : i32
        %get3A_2144 = arith.constant 2 : i32
        %get3A_2145 = arith.index_cast %get3A_2143 : i32 to index
        %get3A_2146 = arith.index_cast %get3A_2144 : i32 to index
        %get3A_2147 = arith.constant 0 : index
        %get3A_2148 = tpu.vector_load %arg11[%get3A_2145, %get3A_2146, %get3A_2147] {strides = array<i32>} : memref<16x5x16xf32, #tpu.memory_space<vmem>>, vector<1x1x16xf32>,
        %get3A_2149 = vector.shape_cast %get3A_2148 : vector<1x1x16xf32> to vector<16xf32>
        %add3A_2150 = arith.addf %add3A_2142, %get3A_2149 : vector<16xf32>
        %get3A_2151 = arith.constant 12 : i32
        %get3A_2152 = arith.constant 2 : i32
        %get3A_2153 = arith.index_cast %get3A_2151 : i32 to index
        %get3A_2154 = arith.index_cast %get3A_2152 : i32 to index
        %get3A_2155 = arith.constant 0 : index
        %get3A_2156 = tpu.vector_load %arg11[%get3A_2153, %get3A_2154, %get3A_2155] {strides = array<i32>} : memref<16x5x16xf32, #tpu.memory_space<vmem>>, vector<1x1x16xf32>,
        %get3A_2157 = vector.shape_cast %get3A_2156 : vector<1x1x16xf32> to vector<16xf32>
        %add3A_2158 = arith.addf %add3A_2150, %get3A_2157 : vector<16xf32>
        %get3A_2159 = arith.constant 13 : i32
        %get3A_2160 = arith.constant 2 : i32
        %get3A_2161 = arith.index_cast %get3A_2159 : i32 to index
        %get3A_2162 = arith.index_cast %get3A_2160 : i32 to index
        %get3A_2163 = arith.constant 0 : index
        %get3A_2164 = tpu.vector_load %arg11[%get3A_2161, %get3A_2162, %get3A_2163] {strides = array<i32>} : memref<16x5x16xf32, #tpu.memory_space<vmem>>, vector<1x1x16xf32>,
        %get3A_2165 = vector.shape_cast %get3A_2164 : vector<1x1x16xf32> to vector<16xf32>
        %add3A_2166 = arith.addf %add3A_2158, %get3A_2165 : vector<16xf32>
        %get3A_2167 = arith.constant 14 : i32
        %get3A_2168 = arith.constant 2 : i32
        %get3A_2169 = arith.index_cast %get3A_2167 : i32 to index
        %get3A_2170 = arith.index_cast %get3A_2168 : i32 to index
        %get3A_2171 = arith.constant 0 : index
        %get3A_2172 = tpu.vector_load %arg11[%get3A_2169, %get3A_2170, %get3A_2171] {strides = array<i32>} : memref<16x5x16xf32, #tpu.memory_space<vmem>>, vector<1x1x16xf32>,
        %get3A_2173 = vector.shape_cast %get3A_2172 : vector<1x1x16xf32> to vector<16xf32>
        %add3A_2174 = arith.addf %add3A_2166, %get3A_2173 : vector<16xf32>
        %get3A_2175 = arith.constant 15 : i32
        %get3A_2176 = arith.constant 2 : i32
        %get3A_2177 = arith.index_cast %get3A_2175 : i32 to index
        %get3A_2178 = arith.index_cast %get3A_2176 : i32 to index
        %get3A_2179 = arith.constant 0 : index
        %get3A_2180 = tpu.vector_load %arg11[%get3A_2177, %get3A_2178, %get3A_2179] {strides = array<i32>} : memref<16x5x16xf32, #tpu.memory_space<vmem>>, vector<1x1x16xf32>,
        %get3A_2181 = vector.shape_cast %get3A_2180 : vector<1x1x16xf32> to vector<16xf32>
        %add3A_2182 = arith.addf %add3A_2174, %get3A_2181 : vector<16xf32>
        %eq3A_2183 = arith.constant 2 : i32
        %eq3A_2184 = vector.broadcast %eq3A_2183 : i32 to vector<16xi32>
        %eq3A_2185 = arith.cmpi eq, %iota3A, %eq3A_2184 : vector<16xi32>
        %iota3A_2186 = tpu.iota {dimensions = array<i32: 0>} : vector<16xi32>
        %xor3A_2187 = arith.constant 8 : i32
        %xor3A_2188 = vector.broadcast %xor3A_2187 : i32 to vector<16xi32>
        %xor3A_2189 = arith.xori %iota3A_2186, %xor3A_2188 : vector<16xi32>
        %lt3A_2190 = arith.constant 0 : i32
        %lt3A_2191 = vector.broadcast %lt3A_2190 : i32 to vector<16xi32>
        %lt3A_2192 = arith.cmpi slt, %xor3A_2189, %lt3A_2191 : vector<16xi32>
        %add3A_2193 = arith.constant 16 : i32
        %add3A_2194 = vector.broadcast %add3A_2193 : i32 to vector<16xi32>
        %add3A_2195 = arith.addi %xor3A_2189, %add3A_2194 : vector<16xi32>
        %select_n3A_2196 = arith.select %lt3A_2192, %add3A_2195, %xor3A_2189 : vector<16xi1>, vector<16xi32>
        %broadcast_in_dim3A_2197 = vector.shape_cast %select_n3A_2196 : vector<16xi32> to vector<16x1xi32>
        %gather3A_2198 = vector.shape_cast %broadcast_in_dim3A_2197 : vector<16x1xi32> to vector<16xi32>
        %gather3A_2199 = tpu.dynamic_gather %add3A_2182[%gather3A_2198] in [0] : vector<16xf32>, vector<16xi32> -> vector<16xf32>
        %add3A_2200 = arith.addf %add3A_2182, %gather3A_2199 : vector<16xf32>
        %xor3A_2201 = arith.constant 4 : i32
        %xor3A_2202 = vector.broadcast %xor3A_2201 : i32 to vector<16xi32>
        %xor3A_2203 = arith.xori %iota3A_2186, %xor3A_2202 : vector<16xi32>
        %lt3A_2204 = arith.constant 0 : i32
        %lt3A_2205 = vector.broadcast %lt3A_2204 : i32 to vector<16xi32>
        %lt3A_2206 = arith.cmpi slt, %xor3A_2203, %lt3A_2205 : vector<16xi32>
        %add3A_2207 = arith.constant 16 : i32
        %add3A_2208 = vector.broadcast %add3A_2207 : i32 to vector<16xi32>
        %add3A_2209 = arith.addi %xor3A_2203, %add3A_2208 : vector<16xi32>
        %select_n3A_2210 = arith.select %lt3A_2206, %add3A_2209, %xor3A_2203 : vector<16xi1>, vector<16xi32>
        %broadcast_in_dim3A_2211 = vector.shape_cast %select_n3A_2210 : vector<16xi32> to vector<16x1xi32>
        %gather3A_2212 = vector.shape_cast %broadcast_in_dim3A_2211 : vector<16x1xi32> to vector<16xi32>
        %gather3A_2213 = tpu.dynamic_gather %add3A_2200[%gather3A_2212] in [0] : vector<16xf32>, vector<16xi32> -> vector<16xf32>
        %add3A_2214 = arith.addf %add3A_2200, %gather3A_2213 : vector<16xf32>
        %xor3A_2215 = arith.constant 2 : i32
        %xor3A_2216 = vector.broadcast %xor3A_2215 : i32 to vector<16xi32>
        %xor3A_2217 = arith.xori %iota3A_2186, %xor3A_2216 : vector<16xi32>
        %lt3A_2218 = arith.constant 0 : i32
        %lt3A_2219 = vector.broadcast %lt3A_2218 : i32 to vector<16xi32>
        %lt3A_2220 = arith.cmpi slt, %xor3A_2217, %lt3A_2219 : vector<16xi32>
        %add3A_2221 = arith.constant 16 : i32
        %add3A_2222 = vector.broadcast %add3A_2221 : i32 to vector<16xi32>
        %add3A_2223 = arith.addi %xor3A_2217, %add3A_2222 : vector<16xi32>
        %select_n3A_2224 = arith.select %lt3A_2220, %add3A_2223, %xor3A_2217 : vector<16xi1>, vector<16xi32>
        %broadcast_in_dim3A_2225 = vector.shape_cast %select_n3A_2224 : vector<16xi32> to vector<16x1xi32>
        %gather3A_2226 = vector.shape_cast %broadcast_in_dim3A_2225 : vector<16x1xi32> to vector<16xi32>
        %gather3A_2227 = tpu.dynamic_gather %add3A_2214[%gather3A_2226] in [0] : vector<16xf32>, vector<16xi32> -> vector<16xf32>
        %add3A_2228 = arith.addf %add3A_2214, %gather3A_2227 : vector<16xf32>
        %xor3A_2229 = arith.constant 1 : i32
        %xor3A_2230 = vector.broadcast %xor3A_2229 : i32 to vector<16xi32>
        %xor3A_2231 = arith.xori %iota3A_2186, %xor3A_2230 : vector<16xi32>
        %lt3A_2232 = arith.constant 0 : i32
        %lt3A_2233 = vector.broadcast %lt3A_2232 : i32 to vector<16xi32>
        %lt3A_2234 = arith.cmpi slt, %xor3A_2231, %lt3A_2233 : vector<16xi32>
        %add3A_2235 = arith.constant 16 : i32
        %add3A_2236 = vector.broadcast %add3A_2235 : i32 to vector<16xi32>
        %add3A_2237 = arith.addi %xor3A_2231, %add3A_2236 : vector<16xi32>
        %select_n3A_2238 = arith.select %lt3A_2234, %add3A_2237, %xor3A_2231 : vector<16xi1>, vector<16xi32>
        %broadcast_in_dim3A_2239 = vector.shape_cast %select_n3A_2238 : vector<16xi32> to vector<16x1xi32>
        %gather3A_2240 = vector.shape_cast %broadcast_in_dim3A_2239 : vector<16x1xi32> to vector<16xi32>
        %gather3A_2241 = tpu.dynamic_gather %add3A_2228[%gather3A_2240] in [0] : vector<16xf32>, vector<16xi32> -> vector<16xf32>
        %add3A_2242 = arith.addf %add3A_2228, %gather3A_2241 : vector<16xf32>
        %jit3A_2243 = arith.constant 0.000000e+00 : f32
        %broadcast_in_dim3A_2244 = vector.broadcast %jit3A_2243 : f32 to vector<16xf32>
        %select_n3A_2245 = arith.select %eq3A_2185, %add3A_2242, %broadcast_in_dim3A_2244 : vector<16xi1>, vector<16xf32>
        %add3A_2246 = arith.addf %add3A_2055, %select_n3A_2245 : vector<16xf32>
        %get3A_2247 = arith.constant 0 : i32
        %get3A_2248 = arith.constant 3 : i32
        %get3A_2249 = arith.index_cast %get3A_2247 : i32 to index
        %get3A_2250 = arith.index_cast %get3A_2248 : i32 to index
        %get3A_2251 = arith.constant 0 : index
        %get3A_2252 = tpu.vector_load %arg11[%get3A_2249, %get3A_2250, %get3A_2251] {strides = array<i32>} : memref<16x5x16xf32, #tpu.memory_space<vmem>>, vector<1x1x16xf32>,
        %get3A_2253 = vector.shape_cast %get3A_2252 : vector<1x1x16xf32> to vector<16xf32>
        %get3A_2254 = arith.constant 1 : i32
        %get3A_2255 = arith.constant 3 : i32
        %get3A_2256 = arith.index_cast %get3A_2254 : i32 to index
        %get3A_2257 = arith.index_cast %get3A_2255 : i32 to index
        %get3A_2258 = arith.constant 0 : index
        %get3A_2259 = tpu.vector_load %arg11[%get3A_2256, %get3A_2257, %get3A_2258] {strides = array<i32>} : memref<16x5x16xf32, #tpu.memory_space<vmem>>, vector<1x1x16xf32>,
        %get3A_2260 = vector.shape_cast %get3A_2259 : vector<1x1x16xf32> to vector<16xf32>
        %add3A_2261 = arith.addf %get3A_2253, %get3A_2260 : vector<16xf32>
        %get3A_2262 = arith.constant 2 : i32
        %get3A_2263 = arith.constant 3 : i32
        %get3A_2264 = arith.index_cast %get3A_2262 : i32 to index
        %get3A_2265 = arith.index_cast %get3A_2263 : i32 to index
        %get3A_2266 = arith.constant 0 : index
        %get3A_2267 = tpu.vector_load %arg11[%get3A_2264, %get3A_2265, %get3A_2266] {strides = array<i32>} : memref<16x5x16xf32, #tpu.memory_space<vmem>>, vector<1x1x16xf32>,
        %get3A_2268 = vector.shape_cast %get3A_2267 : vector<1x1x16xf32> to vector<16xf32>
        %add3A_2269 = arith.addf %add3A_2261, %get3A_2268 : vector<16xf32>
        %get3A_2270 = arith.constant 3 : i32
        %get3A_2271 = arith.constant 3 : i32
        %get3A_2272 = arith.index_cast %get3A_2270 : i32 to index
        %get3A_2273 = arith.index_cast %get3A_2271 : i32 to index
        %get3A_2274 = arith.constant 0 : index
        %get3A_2275 = tpu.vector_load %arg11[%get3A_2272, %get3A_2273, %get3A_2274] {strides = array<i32>} : memref<16x5x16xf32, #tpu.memory_space<vmem>>, vector<1x1x16xf32>,
        %get3A_2276 = vector.shape_cast %get3A_2275 : vector<1x1x16xf32> to vector<16xf32>
        %add3A_2277 = arith.addf %add3A_2269, %get3A_2276 : vector<16xf32>
        %get3A_2278 = arith.constant 4 : i32
        %get3A_2279 = arith.constant 3 : i32
        %get3A_2280 = arith.index_cast %get3A_2278 : i32 to index
        %get3A_2281 = arith.index_cast %get3A_2279 : i32 to index
        %get3A_2282 = arith.constant 0 : index
        %get3A_2283 = tpu.vector_load %arg11[%get3A_2280, %get3A_2281, %get3A_2282] {strides = array<i32>} : memref<16x5x16xf32, #tpu.memory_space<vmem>>, vector<1x1x16xf32>,
        %get3A_2284 = vector.shape_cast %get3A_2283 : vector<1x1x16xf32> to vector<16xf32>
        %add3A_2285 = arith.addf %add3A_2277, %get3A_2284 : vector<16xf32>
        %get3A_2286 = arith.constant 5 : i32
        %get3A_2287 = arith.constant 3 : i32
        %get3A_2288 = arith.index_cast %get3A_2286 : i32 to index
        %get3A_2289 = arith.index_cast %get3A_2287 : i32 to index
        %get3A_2290 = arith.constant 0 : index
        %get3A_2291 = tpu.vector_load %arg11[%get3A_2288, %get3A_2289, %get3A_2290] {strides = array<i32>} : memref<16x5x16xf32, #tpu.memory_space<vmem>>, vector<1x1x16xf32>,
        %get3A_2292 = vector.shape_cast %get3A_2291 : vector<1x1x16xf32> to vector<16xf32>
        %add3A_2293 = arith.addf %add3A_2285, %get3A_2292 : vector<16xf32>
        %get3A_2294 = arith.constant 6 : i32
        %get3A_2295 = arith.constant 3 : i32
        %get3A_2296 = arith.index_cast %get3A_2294 : i32 to index
        %get3A_2297 = arith.index_cast %get3A_2295 : i32 to index
        %get3A_2298 = arith.constant 0 : index
        %get3A_2299 = tpu.vector_load %arg11[%get3A_2296, %get3A_2297, %get3A_2298] {strides = array<i32>} : memref<16x5x16xf32, #tpu.memory_space<vmem>>, vector<1x1x16xf32>,
        %get3A_2300 = vector.shape_cast %get3A_2299 : vector<1x1x16xf32> to vector<16xf32>
        %add3A_2301 = arith.addf %add3A_2293, %get3A_2300 : vector<16xf32>
        %get3A_2302 = arith.constant 7 : i32
        %get3A_2303 = arith.constant 3 : i32
        %get3A_2304 = arith.index_cast %get3A_2302 : i32 to index
        %get3A_2305 = arith.index_cast %get3A_2303 : i32 to index
        %get3A_2306 = arith.constant 0 : index
        %get3A_2307 = tpu.vector_load %arg11[%get3A_2304, %get3A_2305, %get3A_2306] {strides = array<i32>} : memref<16x5x16xf32, #tpu.memory_space<vmem>>, vector<1x1x16xf32>,
        %get3A_2308 = vector.shape_cast %get3A_2307 : vector<1x1x16xf32> to vector<16xf32>
        %add3A_2309 = arith.addf %add3A_2301, %get3A_2308 : vector<16xf32>
        %get3A_2310 = arith.constant 8 : i32
        %get3A_2311 = arith.constant 3 : i32
        %get3A_2312 = arith.index_cast %get3A_2310 : i32 to index
        %get3A_2313 = arith.index_cast %get3A_2311 : i32 to index
        %get3A_2314 = arith.constant 0 : index
        %get3A_2315 = tpu.vector_load %arg11[%get3A_2312, %get3A_2313, %get3A_2314] {strides = array<i32>} : memref<16x5x16xf32, #tpu.memory_space<vmem>>, vector<1x1x16xf32>,
        %get3A_2316 = vector.shape_cast %get3A_2315 : vector<1x1x16xf32> to vector<16xf32>
        %add3A_2317 = arith.addf %add3A_2309, %get3A_2316 : vector<16xf32>
        %get3A_2318 = arith.constant 9 : i32
        %get3A_2319 = arith.constant 3 : i32
        %get3A_2320 = arith.index_cast %get3A_2318 : i32 to index
        %get3A_2321 = arith.index_cast %get3A_2319 : i32 to index
        %get3A_2322 = arith.constant 0 : index
        %get3A_2323 = tpu.vector_load %arg11[%get3A_2320, %get3A_2321, %get3A_2322] {strides = array<i32>} : memref<16x5x16xf32, #tpu.memory_space<vmem>>, vector<1x1x16xf32>,
        %get3A_2324 = vector.shape_cast %get3A_2323 : vector<1x1x16xf32> to vector<16xf32>
        %add3A_2325 = arith.addf %add3A_2317, %get3A_2324 : vector<16xf32>
        %get3A_2326 = arith.constant 10 : i32
        %get3A_2327 = arith.constant 3 : i32
        %get3A_2328 = arith.index_cast %get3A_2326 : i32 to index
        %get3A_2329 = arith.index_cast %get3A_2327 : i32 to index
        %get3A_2330 = arith.constant 0 : index
        %get3A_2331 = tpu.vector_load %arg11[%get3A_2328, %get3A_2329, %get3A_2330] {strides = array<i32>} : memref<16x5x16xf32, #tpu.memory_space<vmem>>, vector<1x1x16xf32>,
        %get3A_2332 = vector.shape_cast %get3A_2331 : vector<1x1x16xf32> to vector<16xf32>
        %add3A_2333 = arith.addf %add3A_2325, %get3A_2332 : vector<16xf32>
        %get3A_2334 = arith.constant 11 : i32
        %get3A_2335 = arith.constant 3 : i32
        %get3A_2336 = arith.index_cast %get3A_2334 : i32 to index
        %get3A_2337 = arith.index_cast %get3A_2335 : i32 to index
        %get3A_2338 = arith.constant 0 : index
        %get3A_2339 = tpu.vector_load %arg11[%get3A_2336, %get3A_2337, %get3A_2338] {strides = array<i32>} : memref<16x5x16xf32, #tpu.memory_space<vmem>>, vector<1x1x16xf32>,
        %get3A_2340 = vector.shape_cast %get3A_2339 : vector<1x1x16xf32> to vector<16xf32>
        %add3A_2341 = arith.addf %add3A_2333, %get3A_2340 : vector<16xf32>
        %get3A_2342 = arith.constant 12 : i32
        %get3A_2343 = arith.constant 3 : i32
        %get3A_2344 = arith.index_cast %get3A_2342 : i32 to index
        %get3A_2345 = arith.index_cast %get3A_2343 : i32 to index
        %get3A_2346 = arith.constant 0 : index
        %get3A_2347 = tpu.vector_load %arg11[%get3A_2344, %get3A_2345, %get3A_2346] {strides = array<i32>} : memref<16x5x16xf32, #tpu.memory_space<vmem>>, vector<1x1x16xf32>,
        %get3A_2348 = vector.shape_cast %get3A_2347 : vector<1x1x16xf32> to vector<16xf32>
        %add3A_2349 = arith.addf %add3A_2341, %get3A_2348 : vector<16xf32>
        %get3A_2350 = arith.constant 13 : i32
        %get3A_2351 = arith.constant 3 : i32
        %get3A_2352 = arith.index_cast %get3A_2350 : i32 to index
        %get3A_2353 = arith.index_cast %get3A_2351 : i32 to index
        %get3A_2354 = arith.constant 0 : index
        %get3A_2355 = tpu.vector_load %arg11[%get3A_2352, %get3A_2353, %get3A_2354] {strides = array<i32>} : memref<16x5x16xf32, #tpu.memory_space<vmem>>, vector<1x1x16xf32>,
        %get3A_2356 = vector.shape_cast %get3A_2355 : vector<1x1x16xf32> to vector<16xf32>
        %add3A_2357 = arith.addf %add3A_2349, %get3A_2356 : vector<16xf32>
        %get3A_2358 = arith.constant 14 : i32
        %get3A_2359 = arith.constant 3 : i32
        %get3A_2360 = arith.index_cast %get3A_2358 : i32 to index
        %get3A_2361 = arith.index_cast %get3A_2359 : i32 to index
        %get3A_2362 = arith.constant 0 : index
        %get3A_2363 = tpu.vector_load %arg11[%get3A_2360, %get3A_2361, %get3A_2362] {strides = array<i32>} : memref<16x5x16xf32, #tpu.memory_space<vmem>>, vector<1x1x16xf32>,
        %get3A_2364 = vector.shape_cast %get3A_2363 : vector<1x1x16xf32> to vector<16xf32>
        %add3A_2365 = arith.addf %add3A_2357, %get3A_2364 : vector<16xf32>
        %get3A_2366 = arith.constant 15 : i32
        %get3A_2367 = arith.constant 3 : i32
        %get3A_2368 = arith.index_cast %get3A_2366 : i32 to index
        %get3A_2369 = arith.index_cast %get3A_2367 : i32 to index
        %get3A_2370 = arith.constant 0 : index
        %get3A_2371 = tpu.vector_load %arg11[%get3A_2368, %get3A_2369, %get3A_2370] {strides = array<i32>} : memref<16x5x16xf32, #tpu.memory_space<vmem>>, vector<1x1x16xf32>,
        %get3A_2372 = vector.shape_cast %get3A_2371 : vector<1x1x16xf32> to vector<16xf32>
        %add3A_2373 = arith.addf %add3A_2365, %get3A_2372 : vector<16xf32>
        %eq3A_2374 = arith.constant 3 : i32
        %eq3A_2375 = vector.broadcast %eq3A_2374 : i32 to vector<16xi32>
        %eq3A_2376 = arith.cmpi eq, %iota3A, %eq3A_2375 : vector<16xi32>
        %iota3A_2377 = tpu.iota {dimensions = array<i32: 0>} : vector<16xi32>
        %xor3A_2378 = arith.constant 8 : i32
        %xor3A_2379 = vector.broadcast %xor3A_2378 : i32 to vector<16xi32>
        %xor3A_2380 = arith.xori %iota3A_2377, %xor3A_2379 : vector<16xi32>
        %lt3A_2381 = arith.constant 0 : i32
        %lt3A_2382 = vector.broadcast %lt3A_2381 : i32 to vector<16xi32>
        %lt3A_2383 = arith.cmpi slt, %xor3A_2380, %lt3A_2382 : vector<16xi32>
        %add3A_2384 = arith.constant 16 : i32
        %add3A_2385 = vector.broadcast %add3A_2384 : i32 to vector<16xi32>
        %add3A_2386 = arith.addi %xor3A_2380, %add3A_2385 : vector<16xi32>
        %select_n3A_2387 = arith.select %lt3A_2383, %add3A_2386, %xor3A_2380 : vector<16xi1>, vector<16xi32>
        %broadcast_in_dim3A_2388 = vector.shape_cast %select_n3A_2387 : vector<16xi32> to vector<16x1xi32>
        %gather3A_2389 = vector.shape_cast %broadcast_in_dim3A_2388 : vector<16x1xi32> to vector<16xi32>
        %gather3A_2390 = tpu.dynamic_gather %add3A_2373[%gather3A_2389] in [0] : vector<16xf32>, vector<16xi32> -> vector<16xf32>
        %add3A_2391 = arith.addf %add3A_2373, %gather3A_2390 : vector<16xf32>
        %xor3A_2392 = arith.constant 4 : i32
        %xor3A_2393 = vector.broadcast %xor3A_2392 : i32 to vector<16xi32>
        %xor3A_2394 = arith.xori %iota3A_2377, %xor3A_2393 : vector<16xi32>
        %lt3A_2395 = arith.constant 0 : i32
        %lt3A_2396 = vector.broadcast %lt3A_2395 : i32 to vector<16xi32>
        %lt3A_2397 = arith.cmpi slt, %xor3A_2394, %lt3A_2396 : vector<16xi32>
        %add3A_2398 = arith.constant 16 : i32
        %add3A_2399 = vector.broadcast %add3A_2398 : i32 to vector<16xi32>
        %add3A_2400 = arith.addi %xor3A_2394, %add3A_2399 : vector<16xi32>
        %select_n3A_2401 = arith.select %lt3A_2397, %add3A_2400, %xor3A_2394 : vector<16xi1>, vector<16xi32>
        %broadcast_in_dim3A_2402 = vector.shape_cast %select_n3A_2401 : vector<16xi32> to vector<16x1xi32>
        %gather3A_2403 = vector.shape_cast %broadcast_in_dim3A_2402 : vector<16x1xi32> to vector<16xi32>
        %gather3A_2404 = tpu.dynamic_gather %add3A_2391[%gather3A_2403] in [0] : vector<16xf32>, vector<16xi32> -> vector<16xf32>
        %add3A_2405 = arith.addf %add3A_2391, %gather3A_2404 : vector<16xf32>
        %xor3A_2406 = arith.constant 2 : i32
        %xor3A_2407 = vector.broadcast %xor3A_2406 : i32 to vector<16xi32>
        %xor3A_2408 = arith.xori %iota3A_2377, %xor3A_2407 : vector<16xi32>
        %lt3A_2409 = arith.constant 0 : i32
        %lt3A_2410 = vector.broadcast %lt3A_2409 : i32 to vector<16xi32>
        %lt3A_2411 = arith.cmpi slt, %xor3A_2408, %lt3A_2410 : vector<16xi32>
        %add3A_2412 = arith.constant 16 : i32
        %add3A_2413 = vector.broadcast %add3A_2412 : i32 to vector<16xi32>
        %add3A_2414 = arith.addi %xor3A_2408, %add3A_2413 : vector<16xi32>
        %select_n3A_2415 = arith.select %lt3A_2411, %add3A_2414, %xor3A_2408 : vector<16xi1>, vector<16xi32>
        %broadcast_in_dim3A_2416 = vector.shape_cast %select_n3A_2415 : vector<16xi32> to vector<16x1xi32>
        %gather3A_2417 = vector.shape_cast %broadcast_in_dim3A_2416 : vector<16x1xi32> to vector<16xi32>
        %gather3A_2418 = tpu.dynamic_gather %add3A_2405[%gather3A_2417] in [0] : vector<16xf32>, vector<16xi32> -> vector<16xf32>
        %add3A_2419 = arith.addf %add3A_2405, %gather3A_2418 : vector<16xf32>
        %xor3A_2420 = arith.constant 1 : i32
        %xor3A_2421 = vector.broadcast %xor3A_2420 : i32 to vector<16xi32>
        %xor3A_2422 = arith.xori %iota3A_2377, %xor3A_2421 : vector<16xi32>
        %lt3A_2423 = arith.constant 0 : i32
        %lt3A_2424 = vector.broadcast %lt3A_2423 : i32 to vector<16xi32>
        %lt3A_2425 = arith.cmpi slt, %xor3A_2422, %lt3A_2424 : vector<16xi32>
        %add3A_2426 = arith.constant 16 : i32
        %add3A_2427 = vector.broadcast %add3A_2426 : i32 to vector<16xi32>
        %add3A_2428 = arith.addi %xor3A_2422, %add3A_2427 : vector<16xi32>
        %select_n3A_2429 = arith.select %lt3A_2425, %add3A_2428, %xor3A_2422 : vector<16xi1>, vector<16xi32>
        %broadcast_in_dim3A_2430 = vector.shape_cast %select_n3A_2429 : vector<16xi32> to vector<16x1xi32>
        %gather3A_2431 = vector.shape_cast %broadcast_in_dim3A_2430 : vector<16x1xi32> to vector<16xi32>
        %gather3A_2432 = tpu.dynamic_gather %add3A_2419[%gather3A_2431] in [0] : vector<16xf32>, vector<16xi32> -> vector<16xf32>
        %add3A_2433 = arith.addf %add3A_2419, %gather3A_2432 : vector<16xf32>
        %jit3A_2434 = arith.constant 0.000000e+00 : f32
        %broadcast_in_dim3A_2435 = vector.broadcast %jit3A_2434 : f32 to vector<16xf32>
        %select_n3A_2436 = arith.select %eq3A_2376, %add3A_2433, %broadcast_in_dim3A_2435 : vector<16xi1>, vector<16xf32>
        %add3A_2437 = arith.addf %add3A_2246, %select_n3A_2436 : vector<16xf32>
        %get3A_2438 = arith.constant 0 : i32
        %get3A_2439 = arith.constant 4 : i32
        %get3A_2440 = arith.index_cast %get3A_2438 : i32 to index
        %get3A_2441 = arith.index_cast %get3A_2439 : i32 to index
        %get3A_2442 = arith.constant 0 : index
        %get3A_2443 = tpu.vector_load %arg11[%get3A_2440, %get3A_2441, %get3A_2442] {strides = array<i32>} : memref<16x5x16xf32, #tpu.memory_space<vmem>>, vector<1x1x16xf32>,
        %get3A_2444 = vector.shape_cast %get3A_2443 : vector<1x1x16xf32> to vector<16xf32>
        %get3A_2445 = arith.constant 1 : i32
        %get3A_2446 = arith.constant 4 : i32
        %get3A_2447 = arith.index_cast %get3A_2445 : i32 to index
        %get3A_2448 = arith.index_cast %get3A_2446 : i32 to index
        %get3A_2449 = arith.constant 0 : index
        %get3A_2450 = tpu.vector_load %arg11[%get3A_2447, %get3A_2448, %get3A_2449] {strides = array<i32>} : memref<16x5x16xf32, #tpu.memory_space<vmem>>, vector<1x1x16xf32>,
        %get3A_2451 = vector.shape_cast %get3A_2450 : vector<1x1x16xf32> to vector<16xf32>
        %add3A_2452 = arith.addf %get3A_2444, %get3A_2451 : vector<16xf32>
        %get3A_2453 = arith.constant 2 : i32
        %get3A_2454 = arith.constant 4 : i32
        %get3A_2455 = arith.index_cast %get3A_2453 : i32 to index
        %get3A_2456 = arith.index_cast %get3A_2454 : i32 to index
        %get3A_2457 = arith.constant 0 : index
        %get3A_2458 = tpu.vector_load %arg11[%get3A_2455, %get3A_2456, %get3A_2457] {strides = array<i32>} : memref<16x5x16xf32, #tpu.memory_space<vmem>>, vector<1x1x16xf32>,
        %get3A_2459 = vector.shape_cast %get3A_2458 : vector<1x1x16xf32> to vector<16xf32>
        %add3A_2460 = arith.addf %add3A_2452, %get3A_2459 : vector<16xf32>
        %get3A_2461 = arith.constant 3 : i32
        %get3A_2462 = arith.constant 4 : i32
        %get3A_2463 = arith.index_cast %get3A_2461 : i32 to index
        %get3A_2464 = arith.index_cast %get3A_2462 : i32 to index
        %get3A_2465 = arith.constant 0 : index
        %get3A_2466 = tpu.vector_load %arg11[%get3A_2463, %get3A_2464, %get3A_2465] {strides = array<i32>} : memref<16x5x16xf32, #tpu.memory_space<vmem>>, vector<1x1x16xf32>,
        %get3A_2467 = vector.shape_cast %get3A_2466 : vector<1x1x16xf32> to vector<16xf32>
        %add3A_2468 = arith.addf %add3A_2460, %get3A_2467 : vector<16xf32>
        %get3A_2469 = arith.constant 4 : i32
        %get3A_2470 = arith.constant 4 : i32
        %get3A_2471 = arith.index_cast %get3A_2469 : i32 to index
        %get3A_2472 = arith.index_cast %get3A_2470 : i32 to index
        %get3A_2473 = arith.constant 0 : index
        %get3A_2474 = tpu.vector_load %arg11[%get3A_2471, %get3A_2472, %get3A_2473] {strides = array<i32>} : memref<16x5x16xf32, #tpu.memory_space<vmem>>, vector<1x1x16xf32>,
        %get3A_2475 = vector.shape_cast %get3A_2474 : vector<1x1x16xf32> to vector<16xf32>
        %add3A_2476 = arith.addf %add3A_2468, %get3A_2475 : vector<16xf32>
        %get3A_2477 = arith.constant 5 : i32
        %get3A_2478 = arith.constant 4 : i32
        %get3A_2479 = arith.index_cast %get3A_2477 : i32 to index
        %get3A_2480 = arith.index_cast %get3A_2478 : i32 to index
        %get3A_2481 = arith.constant 0 : index
        %get3A_2482 = tpu.vector_load %arg11[%get3A_2479, %get3A_2480, %get3A_2481] {strides = array<i32>} : memref<16x5x16xf32, #tpu.memory_space<vmem>>, vector<1x1x16xf32>,
        %get3A_2483 = vector.shape_cast %get3A_2482 : vector<1x1x16xf32> to vector<16xf32>
        %add3A_2484 = arith.addf %add3A_2476, %get3A_2483 : vector<16xf32>
        %get3A_2485 = arith.constant 6 : i32
        %get3A_2486 = arith.constant 4 : i32
        %get3A_2487 = arith.index_cast %get3A_2485 : i32 to index
        %get3A_2488 = arith.index_cast %get3A_2486 : i32 to index
        %get3A_2489 = arith.constant 0 : index
        %get3A_2490 = tpu.vector_load %arg11[%get3A_2487, %get3A_2488, %get3A_2489] {strides = array<i32>} : memref<16x5x16xf32, #tpu.memory_space<vmem>>, vector<1x1x16xf32>,
        %get3A_2491 = vector.shape_cast %get3A_2490 : vector<1x1x16xf32> to vector<16xf32>
        %add3A_2492 = arith.addf %add3A_2484, %get3A_2491 : vector<16xf32>
        %get3A_2493 = arith.constant 7 : i32
        %get3A_2494 = arith.constant 4 : i32
        %get3A_2495 = arith.index_cast %get3A_2493 : i32 to index
        %get3A_2496 = arith.index_cast %get3A_2494 : i32 to index
        %get3A_2497 = arith.constant 0 : index
        %get3A_2498 = tpu.vector_load %arg11[%get3A_2495, %get3A_2496, %get3A_2497] {strides = array<i32>} : memref<16x5x16xf32, #tpu.memory_space<vmem>>, vector<1x1x16xf32>,
        %get3A_2499 = vector.shape_cast %get3A_2498 : vector<1x1x16xf32> to vector<16xf32>
        %add3A_2500 = arith.addf %add3A_2492, %get3A_2499 : vector<16xf32>
        %get3A_2501 = arith.constant 8 : i32
        %get3A_2502 = arith.constant 4 : i32
        %get3A_2503 = arith.index_cast %get3A_2501 : i32 to index
        %get3A_2504 = arith.index_cast %get3A_2502 : i32 to index
        %get3A_2505 = arith.constant 0 : index
        %get3A_2506 = tpu.vector_load %arg11[%get3A_2503, %get3A_2504, %get3A_2505] {strides = array<i32>} : memref<16x5x16xf32, #tpu.memory_space<vmem>>, vector<1x1x16xf32>,
        %get3A_2507 = vector.shape_cast %get3A_2506 : vector<1x1x16xf32> to vector<16xf32>
        %add3A_2508 = arith.addf %add3A_2500, %get3A_2507 : vector<16xf32>
        %get3A_2509 = arith.constant 9 : i32
        %get3A_2510 = arith.constant 4 : i32
        %get3A_2511 = arith.index_cast %get3A_2509 : i32 to index
        %get3A_2512 = arith.index_cast %get3A_2510 : i32 to index
        %get3A_2513 = arith.constant 0 : index
        %get3A_2514 = tpu.vector_load %arg11[%get3A_2511, %get3A_2512, %get3A_2513] {strides = array<i32>} : memref<16x5x16xf32, #tpu.memory_space<vmem>>, vector<1x1x16xf32>,
        %get3A_2515 = vector.shape_cast %get3A_2514 : vector<1x1x16xf32> to vector<16xf32>
        %add3A_2516 = arith.addf %add3A_2508, %get3A_2515 : vector<16xf32>
        %get3A_2517 = arith.constant 10 : i32
        %get3A_2518 = arith.constant 4 : i32
        %get3A_2519 = arith.index_cast %get3A_2517 : i32 to index
        %get3A_2520 = arith.index_cast %get3A_2518 : i32 to index
        %get3A_2521 = arith.constant 0 : index
        %get3A_2522 = tpu.vector_load %arg11[%get3A_2519, %get3A_2520, %get3A_2521] {strides = array<i32>} : memref<16x5x16xf32, #tpu.memory_space<vmem>>, vector<1x1x16xf32>,
        %get3A_2523 = vector.shape_cast %get3A_2522 : vector<1x1x16xf32> to vector<16xf32>
        %add3A_2524 = arith.addf %add3A_2516, %get3A_2523 : vector<16xf32>
        %get3A_2525 = arith.constant 11 : i32
        %get3A_2526 = arith.constant 4 : i32
        %get3A_2527 = arith.index_cast %get3A_2525 : i32 to index
        %get3A_2528 = arith.index_cast %get3A_2526 : i32 to index
        %get3A_2529 = arith.constant 0 : index
        %get3A_2530 = tpu.vector_load %arg11[%get3A_2527, %get3A_2528, %get3A_2529] {strides = array<i32>} : memref<16x5x16xf32, #tpu.memory_space<vmem>>, vector<1x1x16xf32>,
        %get3A_2531 = vector.shape_cast %get3A_2530 : vector<1x1x16xf32> to vector<16xf32>
        %add3A_2532 = arith.addf %add3A_2524, %get3A_2531 : vector<16xf32>
        %get3A_2533 = arith.constant 12 : i32
        %get3A_2534 = arith.constant 4 : i32
        %get3A_2535 = arith.index_cast %get3A_2533 : i32 to index
        %get3A_2536 = arith.index_cast %get3A_2534 : i32 to index
        %get3A_2537 = arith.constant 0 : index
        %get3A_2538 = tpu.vector_load %arg11[%get3A_2535, %get3A_2536, %get3A_2537] {strides = array<i32>} : memref<16x5x16xf32, #tpu.memory_space<vmem>>, vector<1x1x16xf32>,
        %get3A_2539 = vector.shape_cast %get3A_2538 : vector<1x1x16xf32> to vector<16xf32>
        %add3A_2540 = arith.addf %add3A_2532, %get3A_2539 : vector<16xf32>
        %get3A_2541 = arith.constant 13 : i32
        %get3A_2542 = arith.constant 4 : i32
        %get3A_2543 = arith.index_cast %get3A_2541 : i32 to index
        %get3A_2544 = arith.index_cast %get3A_2542 : i32 to index
        %get3A_2545 = arith.constant 0 : index
        %get3A_2546 = tpu.vector_load %arg11[%get3A_2543, %get3A_2544, %get3A_2545] {strides = array<i32>} : memref<16x5x16xf32, #tpu.memory_space<vmem>>, vector<1x1x16xf32>,
        %get3A_2547 = vector.shape_cast %get3A_2546 : vector<1x1x16xf32> to vector<16xf32>
        %add3A_2548 = arith.addf %add3A_2540, %get3A_2547 : vector<16xf32>
        %get3A_2549 = arith.constant 14 : i32
        %get3A_2550 = arith.constant 4 : i32
        %get3A_2551 = arith.index_cast %get3A_2549 : i32 to index
        %get3A_2552 = arith.index_cast %get3A_2550 : i32 to index
        %get3A_2553 = arith.constant 0 : index
        %get3A_2554 = tpu.vector_load %arg11[%get3A_2551, %get3A_2552, %get3A_2553] {strides = array<i32>} : memref<16x5x16xf32, #tpu.memory_space<vmem>>, vector<1x1x16xf32>,
        %get3A_2555 = vector.shape_cast %get3A_2554 : vector<1x1x16xf32> to vector<16xf32>
        %add3A_2556 = arith.addf %add3A_2548, %get3A_2555 : vector<16xf32>
        %get3A_2557 = arith.constant 15 : i32
        %get3A_2558 = arith.constant 4 : i32
        %get3A_2559 = arith.index_cast %get3A_2557 : i32 to index
        %get3A_2560 = arith.index_cast %get3A_2558 : i32 to index
        %get3A_2561 = arith.constant 0 : index
        %get3A_2562 = tpu.vector_load %arg11[%get3A_2559, %get3A_2560, %get3A_2561] {strides = array<i32>} : memref<16x5x16xf32, #tpu.memory_space<vmem>>, vector<1x1x16xf32>,
        %get3A_2563 = vector.shape_cast %get3A_2562 : vector<1x1x16xf32> to vector<16xf32>
        %add3A_2564 = arith.addf %add3A_2556, %get3A_2563 : vector<16xf32>
        %eq3A_2565 = arith.constant 4 : i32
        %eq3A_2566 = vector.broadcast %eq3A_2565 : i32 to vector<16xi32>
        %eq3A_2567 = arith.cmpi eq, %iota3A, %eq3A_2566 : vector<16xi32>
        %iota3A_2568 = tpu.iota {dimensions = array<i32: 0>} : vector<16xi32>
        %xor3A_2569 = arith.constant 8 : i32
        %xor3A_2570 = vector.broadcast %xor3A_2569 : i32 to vector<16xi32>
        %xor3A_2571 = arith.xori %iota3A_2568, %xor3A_2570 : vector<16xi32>
        %lt3A_2572 = arith.constant 0 : i32
        %lt3A_2573 = vector.broadcast %lt3A_2572 : i32 to vector<16xi32>
        %lt3A_2574 = arith.cmpi slt, %xor3A_2571, %lt3A_2573 : vector<16xi32>
        %add3A_2575 = arith.constant 16 : i32
        %add3A_2576 = vector.broadcast %add3A_2575 : i32 to vector<16xi32>
        %add3A_2577 = arith.addi %xor3A_2571, %add3A_2576 : vector<16xi32>
        %select_n3A_2578 = arith.select %lt3A_2574, %add3A_2577, %xor3A_2571 : vector<16xi1>, vector<16xi32>
        %broadcast_in_dim3A_2579 = vector.shape_cast %select_n3A_2578 : vector<16xi32> to vector<16x1xi32>
        %gather3A_2580 = vector.shape_cast %broadcast_in_dim3A_2579 : vector<16x1xi32> to vector<16xi32>
        %gather3A_2581 = tpu.dynamic_gather %add3A_2564[%gather3A_2580] in [0] : vector<16xf32>, vector<16xi32> -> vector<16xf32>
        %add3A_2582 = arith.addf %add3A_2564, %gather3A_2581 : vector<16xf32>
        %xor3A_2583 = arith.constant 4 : i32
        %xor3A_2584 = vector.broadcast %xor3A_2583 : i32 to vector<16xi32>
        %xor3A_2585 = arith.xori %iota3A_2568, %xor3A_2584 : vector<16xi32>
        %lt3A_2586 = arith.constant 0 : i32
        %lt3A_2587 = vector.broadcast %lt3A_2586 : i32 to vector<16xi32>
        %lt3A_2588 = arith.cmpi slt, %xor3A_2585, %lt3A_2587 : vector<16xi32>
        %add3A_2589 = arith.constant 16 : i32
        %add3A_2590 = vector.broadcast %add3A_2589 : i32 to vector<16xi32>
        %add3A_2591 = arith.addi %xor3A_2585, %add3A_2590 : vector<16xi32>
        %select_n3A_2592 = arith.select %lt3A_2588, %add3A_2591, %xor3A_2585 : vector<16xi1>, vector<16xi32>
        %broadcast_in_dim3A_2593 = vector.shape_cast %select_n3A_2592 : vector<16xi32> to vector<16x1xi32>
        %gather3A_2594 = vector.shape_cast %broadcast_in_dim3A_2593 : vector<16x1xi32> to vector<16xi32>
        %gather3A_2595 = tpu.dynamic_gather %add3A_2582[%gather3A_2594] in [0] : vector<16xf32>, vector<16xi32> -> vector<16xf32>
        %add3A_2596 = arith.addf %add3A_2582, %gather3A_2595 : vector<16xf32>
        %xor3A_2597 = arith.constant 2 : i32
        %xor3A_2598 = vector.broadcast %xor3A_2597 : i32 to vector<16xi32>
        %xor3A_2599 = arith.xori %iota3A_2568, %xor3A_2598 : vector<16xi32>
        %lt3A_2600 = arith.constant 0 : i32
        %lt3A_2601 = vector.broadcast %lt3A_2600 : i32 to vector<16xi32>
        %lt3A_2602 = arith.cmpi slt, %xor3A_2599, %lt3A_2601 : vector<16xi32>
        %add3A_2603 = arith.constant 16 : i32
        %add3A_2604 = vector.broadcast %add3A_2603 : i32 to vector<16xi32>
        %add3A_2605 = arith.addi %xor3A_2599, %add3A_2604 : vector<16xi32>
        %select_n3A_2606 = arith.select %lt3A_2602, %add3A_2605, %xor3A_2599 : vector<16xi1>, vector<16xi32>
        %broadcast_in_dim3A_2607 = vector.shape_cast %select_n3A_2606 : vector<16xi32> to vector<16x1xi32>
        %gather3A_2608 = vector.shape_cast %broadcast_in_dim3A_2607 : vector<16x1xi32> to vector<16xi32>
        %gather3A_2609 = tpu.dynamic_gather %add3A_2596[%gather3A_2608] in [0] : vector<16xf32>, vector<16xi32> -> vector<16xf32>
        %add3A_2610 = arith.addf %add3A_2596, %gather3A_2609 : vector<16xf32>
        %xor3A_2611 = arith.constant 1 : i32
        %xor3A_2612 = vector.broadcast %xor3A_2611 : i32 to vector<16xi32>
        %xor3A_2613 = arith.xori %iota3A_2568, %xor3A_2612 : vector<16xi32>
        %lt3A_2614 = arith.constant 0 : i32
        %lt3A_2615 = vector.broadcast %lt3A_2614 : i32 to vector<16xi32>
        %lt3A_2616 = arith.cmpi slt, %xor3A_2613, %lt3A_2615 : vector<16xi32>
        %add3A_2617 = arith.constant 16 : i32
        %add3A_2618 = vector.broadcast %add3A_2617 : i32 to vector<16xi32>
        %add3A_2619 = arith.addi %xor3A_2613, %add3A_2618 : vector<16xi32>
        %select_n3A_2620 = arith.select %lt3A_2616, %add3A_2619, %xor3A_2613 : vector<16xi1>, vector<16xi32>
        %broadcast_in_dim3A_2621 = vector.shape_cast %select_n3A_2620 : vector<16xi32> to vector<16x1xi32>
        %gather3A_2622 = vector.shape_cast %broadcast_in_dim3A_2621 : vector<16x1xi32> to vector<16xi32>
        %gather3A_2623 = tpu.dynamic_gather %add3A_2610[%gather3A_2622] in [0] : vector<16xf32>, vector<16xi32> -> vector<16xf32>
        %add3A_2624 = arith.addf %add3A_2610, %gather3A_2623 : vector<16xf32>
        %jit3A_2625 = arith.constant 0.000000e+00 : f32
        %broadcast_in_dim3A_2626 = vector.broadcast %jit3A_2625 : f32 to vector<16xf32>
        %select_n3A_2627 = arith.select %eq3A_2567, %add3A_2624, %broadcast_in_dim3A_2626 : vector<16xi1>, vector<16xf32>
        %add3A_2628 = arith.addf %add3A_2437, %select_n3A_2627 : vector<16xf32>
        %lt3A_2629 = arith.constant 5 : i32
        %lt3A_2630 = vector.broadcast %lt3A_2629 : i32 to vector<16xi32>
        %lt3A_2631 = arith.cmpi slt, %iota3A, %lt3A_2630 : vector<16xi32>
        %jit3A_2632 = arith.constant -1.000000e+30 : f32
        %broadcast_in_dim3A_2633 = vector.broadcast %jit3A_2632 : f32 to vector<16xf32>
        %select_n3A_2634 = arith.select %lt3A_2631, %add3A_2628, %broadcast_in_dim3A_2633 : vector<16xi1>, vector<16xf32>
        %iota3A_2635 = tpu.iota {dimensions = array<i32: 0>} : vector<16xi32>
        %xor3A_2636 = arith.constant 8 : i32
        %xor3A_2637 = vector.broadcast %xor3A_2636 : i32 to vector<16xi32>
        %xor3A_2638 = arith.xori %iota3A_2635, %xor3A_2637 : vector<16xi32>
        %lt3A_2639 = arith.constant 0 : i32
        %lt3A_2640 = vector.broadcast %lt3A_2639 : i32 to vector<16xi32>
        %lt3A_2641 = arith.cmpi slt, %xor3A_2638, %lt3A_2640 : vector<16xi32>
        %add3A_2642 = arith.constant 16 : i32
        %add3A_2643 = vector.broadcast %add3A_2642 : i32 to vector<16xi32>
        %add3A_2644 = arith.addi %xor3A_2638, %add3A_2643 : vector<16xi32>
        %select_n3A_2645 = arith.select %lt3A_2641, %add3A_2644, %xor3A_2638 : vector<16xi1>, vector<16xi32>
        %broadcast_in_dim3A_2646 = vector.shape_cast %select_n3A_2645 : vector<16xi32> to vector<16x1xi32>
        %gather3A_2647 = vector.shape_cast %broadcast_in_dim3A_2646 : vector<16x1xi32> to vector<16xi32>
        %gather3A_2648 = tpu.dynamic_gather %select_n3A_2634[%gather3A_2647] in [0] : vector<16xf32>, vector<16xi32> -> vector<16xf32>
        %max3A = arith.maximumf %select_n3A_2634, %gather3A_2648 : vector<16xf32>
        %xor3A_2649 = arith.constant 4 : i32
        %xor3A_2650 = vector.broadcast %xor3A_2649 : i32 to vector<16xi32>
        %xor3A_2651 = arith.xori %iota3A_2635, %xor3A_2650 : vector<16xi32>
        %lt3A_2652 = arith.constant 0 : i32
        %lt3A_2653 = vector.broadcast %lt3A_2652 : i32 to vector<16xi32>
        %lt3A_2654 = arith.cmpi slt, %xor3A_2651, %lt3A_2653 : vector<16xi32>
        %add3A_2655 = arith.constant 16 : i32
        %add3A_2656 = vector.broadcast %add3A_2655 : i32 to vector<16xi32>
        %add3A_2657 = arith.addi %xor3A_2651, %add3A_2656 : vector<16xi32>
        %select_n3A_2658 = arith.select %lt3A_2654, %add3A_2657, %xor3A_2651 : vector<16xi1>, vector<16xi32>
        %broadcast_in_dim3A_2659 = vector.shape_cast %select_n3A_2658 : vector<16xi32> to vector<16x1xi32>
        %gather3A_2660 = vector.shape_cast %broadcast_in_dim3A_2659 : vector<16x1xi32> to vector<16xi32>
        %gather3A_2661 = tpu.dynamic_gather %max3A[%gather3A_2660] in [0] : vector<16xf32>, vector<16xi32> -> vector<16xf32>
        %max3A_2662 = arith.maximumf %max3A, %gather3A_2661 : vector<16xf32>
        %xor3A_2663 = arith.constant 2 : i32
        %xor3A_2664 = vector.broadcast %xor3A_2663 : i32 to vector<16xi32>
        %xor3A_2665 = arith.xori %iota3A_2635, %xor3A_2664 : vector<16xi32>
        %lt3A_2666 = arith.constant 0 : i32
        %lt3A_2667 = vector.broadcast %lt3A_2666 : i32 to vector<16xi32>
        %lt3A_2668 = arith.cmpi slt, %xor3A_2665, %lt3A_2667 : vector<16xi32>
        %add3A_2669 = arith.constant 16 : i32
        %add3A_2670 = vector.broadcast %add3A_2669 : i32 to vector<16xi32>
        %add3A_2671 = arith.addi %xor3A_2665, %add3A_2670 : vector<16xi32>
        %select_n3A_2672 = arith.select %lt3A_2668, %add3A_2671, %xor3A_2665 : vector<16xi1>, vector<16xi32>
        %broadcast_in_dim3A_2673 = vector.shape_cast %select_n3A_2672 : vector<16xi32> to vector<16x1xi32>
        %gather3A_2674 = vector.shape_cast %broadcast_in_dim3A_2673 : vector<16x1xi32> to vector<16xi32>
        %gather3A_2675 = tpu.dynamic_gather %max3A_2662[%gather3A_2674] in [0] : vector<16xf32>, vector<16xi32> -> vector<16xf32>
        %max3A_2676 = arith.maximumf %max3A_2662, %gather3A_2675 : vector<16xf32>
        %xor3A_2677 = arith.constant 1 : i32
        %xor3A_2678 = vector.broadcast %xor3A_2677 : i32 to vector<16xi32>
        %xor3A_2679 = arith.xori %iota3A_2635, %xor3A_2678 : vector<16xi32>
        %lt3A_2680 = arith.constant 0 : i32
        %lt3A_2681 = vector.broadcast %lt3A_2680 : i32 to vector<16xi32>
        %lt3A_2682 = arith.cmpi slt, %xor3A_2679, %lt3A_2681 : vector<16xi32>
        %add3A_2683 = arith.constant 16 : i32
        %add3A_2684 = vector.broadcast %add3A_2683 : i32 to vector<16xi32>
        %add3A_2685 = arith.addi %xor3A_2679, %add3A_2684 : vector<16xi32>
        %select_n3A_2686 = arith.select %lt3A_2682, %add3A_2685, %xor3A_2679 : vector<16xi1>, vector<16xi32>
        %broadcast_in_dim3A_2687 = vector.shape_cast %select_n3A_2686 : vector<16xi32> to vector<16x1xi32>
        %gather3A_2688 = vector.shape_cast %broadcast_in_dim3A_2687 : vector<16x1xi32> to vector<16xi32>
        %gather3A_2689 = tpu.dynamic_gather %max3A_2676[%gather3A_2688] in [0] : vector<16xf32>, vector<16xi32> -> vector<16xf32>
        %max3A_2690 = arith.maximumf %max3A_2676, %gather3A_2689 : vector<16xf32>
        %sub3A = arith.subf %select_n3A_2634, %max3A_2690 : vector<16xf32>
        %exp3A = math.exp %sub3A : vector<16xf32>
        %lt3A_2691 = arith.constant 5 : i32
        %lt3A_2692 = vector.broadcast %lt3A_2691 : i32 to vector<16xi32>
        %lt3A_2693 = arith.cmpi slt, %iota3A, %lt3A_2692 : vector<16xi32>
        %jit3A_2694 = arith.constant 0.000000e+00 : f32
        %broadcast_in_dim3A_2695 = vector.broadcast %jit3A_2694 : f32 to vector<16xf32>
        %select_n3A_2696 = arith.select %lt3A_2693, %exp3A, %broadcast_in_dim3A_2695 : vector<16xi1>, vector<16xf32>
        %iota3A_2697 = tpu.iota {dimensions = array<i32: 0>} : vector<16xi32>
        %xor3A_2698 = arith.constant 8 : i32
        %xor3A_2699 = vector.broadcast %xor3A_2698 : i32 to vector<16xi32>
        %xor3A_2700 = arith.xori %iota3A_2697, %xor3A_2699 : vector<16xi32>
        %lt3A_2701 = arith.constant 0 : i32
        %lt3A_2702 = vector.broadcast %lt3A_2701 : i32 to vector<16xi32>
        %lt3A_2703 = arith.cmpi slt, %xor3A_2700, %lt3A_2702 : vector<16xi32>
        %add3A_2704 = arith.constant 16 : i32
        %add3A_2705 = vector.broadcast %add3A_2704 : i32 to vector<16xi32>
        %add3A_2706 = arith.addi %xor3A_2700, %add3A_2705 : vector<16xi32>
        %select_n3A_2707 = arith.select %lt3A_2703, %add3A_2706, %xor3A_2700 : vector<16xi1>, vector<16xi32>
        %broadcast_in_dim3A_2708 = vector.shape_cast %select_n3A_2707 : vector<16xi32> to vector<16x1xi32>
        %gather3A_2709 = vector.shape_cast %broadcast_in_dim3A_2708 : vector<16x1xi32> to vector<16xi32>
        %gather3A_2710 = tpu.dynamic_gather %select_n3A_2696[%gather3A_2709] in [0] : vector<16xf32>, vector<16xi32> -> vector<16xf32>
        %add3A_2711 = arith.addf %select_n3A_2696, %gather3A_2710 : vector<16xf32>
        %xor3A_2712 = arith.constant 4 : i32
        %xor3A_2713 = vector.broadcast %xor3A_2712 : i32 to vector<16xi32>
        %xor3A_2714 = arith.xori %iota3A_2697, %xor3A_2713 : vector<16xi32>
        %lt3A_2715 = arith.constant 0 : i32
        %lt3A_2716 = vector.broadcast %lt3A_2715 : i32 to vector<16xi32>
        %lt3A_2717 = arith.cmpi slt, %xor3A_2714, %lt3A_2716 : vector<16xi32>
        %add3A_2718 = arith.constant 16 : i32
        %add3A_2719 = vector.broadcast %add3A_2718 : i32 to vector<16xi32>
        %add3A_2720 = arith.addi %xor3A_2714, %add3A_2719 : vector<16xi32>
        %select_n3A_2721 = arith.select %lt3A_2717, %add3A_2720, %xor3A_2714 : vector<16xi1>, vector<16xi32>
        %broadcast_in_dim3A_2722 = vector.shape_cast %select_n3A_2721 : vector<16xi32> to vector<16x1xi32>
        %gather3A_2723 = vector.shape_cast %broadcast_in_dim3A_2722 : vector<16x1xi32> to vector<16xi32>
        %gather3A_2724 = tpu.dynamic_gather %add3A_2711[%gather3A_2723] in [0] : vector<16xf32>, vector<16xi32> -> vector<16xf32>
        %add3A_2725 = arith.addf %add3A_2711, %gather3A_2724 : vector<16xf32>
        %xor3A_2726 = arith.constant 2 : i32
        %xor3A_2727 = vector.broadcast %xor3A_2726 : i32 to vector<16xi32>
        %xor3A_2728 = arith.xori %iota3A_2697, %xor3A_2727 : vector<16xi32>
        %lt3A_2729 = arith.constant 0 : i32
        %lt3A_2730 = vector.broadcast %lt3A_2729 : i32 to vector<16xi32>
        %lt3A_2731 = arith.cmpi slt, %xor3A_2728, %lt3A_2730 : vector<16xi32>
        %add3A_2732 = arith.constant 16 : i32
        %add3A_2733 = vector.broadcast %add3A_2732 : i32 to vector<16xi32>
        %add3A_2734 = arith.addi %xor3A_2728, %add3A_2733 : vector<16xi32>
        %select_n3A_2735 = arith.select %lt3A_2731, %add3A_2734, %xor3A_2728 : vector<16xi1>, vector<16xi32>
        %broadcast_in_dim3A_2736 = vector.shape_cast %select_n3A_2735 : vector<16xi32> to vector<16x1xi32>
        %gather3A_2737 = vector.shape_cast %broadcast_in_dim3A_2736 : vector<16x1xi32> to vector<16xi32>
        %gather3A_2738 = tpu.dynamic_gather %add3A_2725[%gather3A_2737] in [0] : vector<16xf32>, vector<16xi32> -> vector<16xf32>
        %add3A_2739 = arith.addf %add3A_2725, %gather3A_2738 : vector<16xf32>
        %xor3A_2740 = arith.constant 1 : i32
        %xor3A_2741 = vector.broadcast %xor3A_2740 : i32 to vector<16xi32>
        %xor3A_2742 = arith.xori %iota3A_2697, %xor3A_2741 : vector<16xi32>
        %lt3A_2743 = arith.constant 0 : i32
        %lt3A_2744 = vector.broadcast %lt3A_2743 : i32 to vector<16xi32>
        %lt3A_2745 = arith.cmpi slt, %xor3A_2742, %lt3A_2744 : vector<16xi32>
        %add3A_2746 = arith.constant 16 : i32
        %add3A_2747 = vector.broadcast %add3A_2746 : i32 to vector<16xi32>
        %add3A_2748 = arith.addi %xor3A_2742, %add3A_2747 : vector<16xi32>
        %select_n3A_2749 = arith.select %lt3A_2745, %add3A_2748, %xor3A_2742 : vector<16xi1>, vector<16xi32>
        %broadcast_in_dim3A_2750 = vector.shape_cast %select_n3A_2749 : vector<16xi32> to vector<16x1xi32>
        %gather3A_2751 = vector.shape_cast %broadcast_in_dim3A_2750 : vector<16x1xi32> to vector<16xi32>
        %gather3A_2752 = tpu.dynamic_gather %add3A_2739[%gather3A_2751] in [0] : vector<16xf32>, vector<16xi32> -> vector<16xf32>
        %add3A_2753 = arith.addf %add3A_2739, %gather3A_2752 : vector<16xf32>
        %div3A = arith.divf %select_n3A_2696, %add3A_2753 : vector<16xf32>
        %swap3A_2754 = arith.constant 0 : index
        %swap3A_2755 = tpu.vector_load %arg13[%swap3A_2754] {strides = array<i32>} : memref<16xf32, #tpu.memory_space<vmem>>, vector<16xf32>,
        %swap3A_2756 = vector.shape_cast %swap3A_2755 : vector<16xf32> to vector<16xf32>
        %swap3A_2757 = vector.shape_cast %div3A : vector<16xf32> to vector<16xf32>
        tpu.vector_store %arg13[%swap3A_2754], %swap3A_2757 {strides = array<i32>} : memref<16xf32, #tpu.memory_space<vmem>>, vector<16xf32>,
        "tpu.region"() ({
          %run_scoped3A_2758 = tpu.sem_alloc : memref<!tpu.dma_semaphore, #tpu.memory_space<semaphore_mem>>
          tpu.enqueue_dma source(%arg13 : memref<16xf32, #tpu.memory_space<vmem>>) target(%arg6 : memref<16xf32, #tpu.memory_space<hbm>>) target_semaphore(%run_scoped3A_2758 : memref<!tpu.dma_semaphore, #tpu.memory_space<semaphore_mem>>)
          tpu.wait_dma2 semaphore(%run_scoped3A_2758 : memref<!tpu.dma_semaphore, #tpu.memory_space<semaphore_mem>>) src(%arg13 : memref<16xf32, #tpu.memory_space<vmem>>) dst(%arg6 : memref<16xf32, #tpu.memory_space<hbm>>)
          tpu.yield
        }) : () -> ()
      } else {
      }
    } else {
    }
    return
  }
}

</mosaic_0001>

<sc_bundles>
// kernel: kernel.3.cloned.1.call-start
scs
__scs_entry_jumppad:
0x0: {  	(pc) =	sbr.rel $0x88, $3  }
0x1: {  	(tag) =	ssettag $0x0;
	lr =	simm.s32 $0x1  }
0x2: {  	[smem:$0x3F9D] =	sst lr;
	_ =	strace $0xD0000000  }
0x3: {  	_ = 	snop  }
0x4: {  	_ = 	snop  }
0x5: {  	_ = 	snop  }
0x6: {  	_ = 	snop  }
0x7: {  	_ = 	snop  }
__scs_overlays_trampoline_lowered:
0x8: {  	[smem:$0x3FAC] =	sst s0  }
0x9: {  	[smem:$0x3FAD] =	sst s1  }
0xa: {  	[smem:$0x3FAE] =	sst s2  }
0xb: {  	[smem:$0x3FAF] =	sst s3  }
0xc: {  	[smem:$0x3FB0] =	sst s4  }
0xd: {  	[smem:$0x3FB1] =	sst s5  }
0xe: {  	[smem:$0x3FB2] =	sst s6  }
0xf: {  	[smem:$0x3FB3] =	sst s7  }
0x10: {  	[smem:$0x3FB4] =	sst s8  }
0x11: {  	[smem:$0x3FB5] =	sst s9;
	s0 =	simm.s32 @!p0 $0x0  }
0x12: {  	s1 =	sld [smem:$0x3F9B];
	s0 =	simm.s32 @p0 $0x1  }
0x13: {  	[smem:$0x3FB6] =	sst s0;
	s0 =	simm.s32 @!p1 $0x0  }
0x14: {  	s2 =	sld [smem:$0x3F9A];
	s0 =	simm.s32 @p1 $0x1  }
0x15: {  	[smem:$0x3FB7] =	sst s0;
	s0 =	simm.s32 @!p2 $0x0  }
0x16: {  	s3 =	sld [smem:$0x3FDB];
	s0 =	simm.s32 @p2 $0x1  }
0x17: {  	s4 =	simm.s32 $0x1BF5;
	[smem:$0x3FB9] =	sst s0  }
0x18: {  	s0 =	sld [smem:$0x3F9C];
	_ =	swait.ge [sflag:s4], $0x0  }
0x19: {  	s7 =	sld [smem:$0x3F9D]  }
0x1a: {  	s8 =	sadd.s32 $0xFFFFE003, lr  }
0x1b: {  	s9 =	sadd.s32 $0xFFFFFEF7, lr;
	s5 =	simm.s32 $0xFFFFFFFF;
	p2 =	slt.u32 s8, $0xFFFFF086  }
0x1c: {  	p1 =	slt.u32 s9, $0xF7A;
	s5 =	simm.s32 @!p2 $0x0  }
0x1d: {  	s5 =	simm.s32 @p1 $0x1;
	p0 =	seq.s32 s7, s2  }
0x1e: {  	s7 =	smul.u32 @!p0 $0xF7A, s2;
	p2 =	seq.s32 @!p0 s5, $0x0  }
0x1f: {  	s9 =	smul.u32 $0xF7A, s1;
	s8 =	simm.s32 @!p0 $0x1BF5;
	p2 =	por !p2, p0  }
0x20: {  	[sflag:s8] =	ssyncset.s32 @!p0 $0xFFFFF086;
	s6 =	sadd.s32 @!p0 s3, s7;
	s7 =	simm.s32 @!p0 $0x108  }
0x21: {  	s3 =	sadd.s32 s3, s9;
	s6 =	sadd.s32 @!p0 $0x88, s6;
	s7 =	simm.s32 @p2 $0x1082  }
0x22: {  	[simem:s7], [sflag:s8] =	dma.local @!p0 [hbm:s6], $0xF7A  }
0x23: {  	s9 =	sor.u32 $0xD0000000, s2;
	s6 =	simm.s32 $0x108;
	_ =	swait.ge @!p0 [sflag:s8], $0x0  }
0x24: {  	s3 =	sadd.s32 $0x88, s3;
	s6 =	simm.s32 @!p1 $0x1082;
	[sflag:s4] =	ssyncset.s32 $0xFFFFF086  }
0x25: {  	[simem:s6], [sflag:s4] =	dma.local [hbm:s3], $0xF7A  }
0x26: {  	[smem:$0x3F9D] =	sst s1;
	(tag) =	ssettag s2;
	_ =	strace s9  }
0x27: {  	s1 =	sld [smem:$0x3FAD]  }
0x28: {  	s2 =	sld [smem:$0x3FAE]  }
0x29: {  	s4 =	sld [smem:$0x3FB0]  }
0x2a: {  	p0 =	seq.s32 s5, $0x0;
	s5 =	sld [smem:$0x3FB1]  }
0x2b: {  	s6 =	sld [smem:$0x3FB2]  }
0x2c: {  	s7 =	sld [smem:$0x3FB3]  }
0x2d: {  	s3 =	simm.s32 $0x108;
	s8 =	sld [smem:$0x3FB4]  }
0x2e: {  	s3 =	simm.s32 @!p0 $0x1082;
	s9 =	sld [smem:$0x3FB5]  }
0x2f: {  	lr =	sadd.s32 s0, s3;
	s0 =	sld [smem:$0x3FAC]  }
0x30: {  	s3 =	sld [smem:$0x3FAF]  }
0x31: {  	[smem:$0x3FB8] =	sst s10  }
0x32: {  	s10 =	sld [smem:$0x3FB6];
	_ =	sdelay $0x3  }
0x33: {  	p0 =	seq.s32 s10, $0x1;
	s10 =	sld [smem:$0x3FB8];
	_ =	sdelay $0x3  }
0x34: {  	[smem:$0x3FB8] =	sst s10  }
0x35: {  	s10 =	sld [smem:$0x3FB7];
	_ =	sdelay $0x3  }
0x36: {  	p1 =	seq.s32 s10, $0x1;
	s10 =	sld [smem:$0x3FB8];
	_ =	sdelay $0x3  }
0x37: {  	[smem:$0x3FB8] =	sst s10  }
0x38: {  	s10 =	sld [smem:$0x3FB9]  }
0x39: {  	_ = 	snop;
	(pc) =	sbr.ind lr, $3  }
0x3a: {  	_ = 	snop  }
0x3b: {  	_ = 	snop  }
0x3c: {  	p2 =	seq.s32 s10, $0x1;
	s10 =	sld [smem:$0x3FB8]  }
0x3d: {  	_ =	shalt  }
0x3e: {  	_ =	shalt  }
0x3f: {  	_ =	shalt  }
0x40: {  	_ =	shalt  }
0x41: {  	_ =	shalt  }
0x42: {  	_ =	shalt  }
0x43: {  	_ =	shalt  }
0x44: {  	_ =	shalt  }
0x45: {  	_ =	shalt  }
0x46: {  	_ =	shalt  }
0x47: {  	_ =	shalt  }
0x48: {  	_ =	shalt  }
0x49: {  	_ =	shalt  }
0x4a: {  	_ =	shalt  }
0x4b: {  	_ =	shalt  }
0x4c: {  	_ =	shalt  }
0x4d: {  	_ =	shalt  }
0x4e: {  	_ =	shalt  }
0x4f: {  	_ =	shalt  }
0x50: {  	_ =	shalt  }
0x51: {  	_ =	shalt  }
0x52: {  	_ =	shalt  }
0x53: {  	_ =	shalt  }
0x54: {  	_ =	shalt  }
0x55: {  	_ =	shalt  }
0x56: {  	_ =	shalt  }
0x57: {  	_ =	shalt  }
0x58: {  	_ =	shalt  }
0x59: {  	_ =	shalt  }
0x5a: {  	_ =	shalt  }
0x5b: {  	_ =	shalt  }
0x5c: {  	_ =	shalt  }
0x5d: {  	_ =	shalt  }
0x5e: {  	_ =	shalt  }
0x5f: {  	_ =	shalt  }
0x60: {  	_ =	shalt  }
0x61: {  	_ =	shalt  }
0x62: {  	_ =	shalt  }
0x63: {  	_ =	shalt  }
0x64: {  	_ =	shalt  }
0x65: {  	_ =	shalt  }
0x66: {  	_ =	shalt  }
0x67: {  	_ =	shalt  }
0x68: {  	_ =	shalt  }
0x69: {  	_ =	shalt  }
0x6a: {  	_ =	shalt  }
0x6b: {  	_ =	shalt  }
0x6c: {  	_ =	shalt  }
0x6d: {  	_ =	shalt  }
0x6e: {  	_ =	shalt  }
0x6f: {  	_ =	shalt  }
0x70: {  	_ =	shalt  }
0x71: {  	_ =	shalt  }
0x72: {  	_ =	shalt  }
0x73: {  	_ =	shalt  }
0x74: {  	_ =	shalt  }
0x75: {  	_ =	shalt  }
0x76: {  	_ =	shalt  }
0x77: {  	_ =	shalt  }
0x78: {  	_ =	shalt  }
0x79: {  	_ =	shalt  }
0x7a: {  	_ =	shalt  }
0x7b: {  	_ =	shalt  }
0x7c: {  	_ =	shalt  }
0x7d: {  	_ =	shalt  }
0x7e: {  	_ =	shalt  }
0x7f: {  	_ =	shalt  }
0x80: {  	_ =	shalt  }
0x81: {  	_ =	shalt  }
0x82: {  	_ =	shalt  }
0x83: {  	_ =	shalt  }
0x84: {  	_ =	shalt  }
0x85: {  	_ =	shalt  }
0x86: {  	_ =	shalt  }
0x87: {  	_ =	shalt  }
.Lfunc_end0:
.L_simem_size_0:
called_computation_lowered:
.L_overlay_start_0:
0x88: {  	s2 =	sld [smem:$0x3FD9]  }
0x89: {  	s3 =	sld [smem:$0x3FFE];
	_ =	sdelay $0x1  }
0x8a: {  	s1 =	srdreg.scid  }
0x8b: {  	s0 =	sand.u32 $0x1, s1  }
0x8c: {  	s17 =	sshll.u32 s0, $0xA;
	s2 =	sadd.s32 s3, s2  }
0x8d: {  	s2 =	sadd.s32 s2, s17  }
0x8e: {  	[smem:$0x3FC4] =	sst s2  }
0x8f: {  	_ = 	snop  }
0x90: {  	s2 =	sld [smem:$0x3FC9]  }
0x91: {  	s18 =	sld [smem:$0x3FD0];
	(tm) =	ssettm $0x1  }
0x92: {  	s4 =	sld [smem:$0x3FFB];
	_ =	sdelay $0x3  }
0x93: {  	_ =	strace s4  }
0x94: {  	s4 =	sld [smem:$0x3FFC];
	_ =	sdelay $0x3  }
0x95: {  	_ =	strace s4  }
0x96: {  	s4 =	sld [smem:$0x3FFD];
	_ =	sdelay $0x3  }
0x97: {  	_ =	strace s4  }
0x98: {  	_ =	strace $0x8FFFFFFF  }
0x99: {  	s19 =	sld [smem:$0x3FDB];
	_ =	sdelay $0x1  }
0x9a: {  	s5 =	simm.s32 $_scs_section_size  }
0x9b: {  	s6 =	simm.s32 $_size__tile_overlayer_lowered;
	s7 =	simm.s32 $_tile_overlayer_lowered  }
0x9c: {  	s22 =	simm.s32 $0x1BFF;
	s21 =	sshll.u32 s7, $0x1;
	s4 =	sadd.s32 s5, s19  }
0x9d: {  	s8 =	simm.s32 $0x0;
	s20 =	sshll.u32 s6, $0x1;
	s6 =	sadd.s32 s21, s4  }
0x9e: {  	[timem:s8], [sflag:s22] =	dma.local [hbm:s6], s20  }
0x9f: {  	_ =	swait.ge [sflag:s22], s20  }
0xa0: {  	s5 =	ssub.s32 $0x0, s20;
	[sflag:s22] =	ssyncset.done $0x0  }
0xa1: {  	[sflag:s22] =	ssyncadd.s32 s5;
	_ =	sdelay $0x1  }
0xa2: {  	s23 =	simm.s32 $0x1B8B  }
0xa3: {  	_ =	swait.ge [sflag:s23], $0x1  }
0xa4: {  	[sflag:s23] =	ssyncset.done $0x0  }
0xa5: {  	s25 =	simm.s32 $0x1B8E;
	s24 =	sld [smem:$0x3FFE];
	[sflag:s23] =	ssyncadd.s32 $0xFFFFFFFF  }
0xa6: {  	s26 =	simm.s32 $execute0_lowered;
	[smem:$0x3FD2] =	sst s25  }
0xa7: {  	s6 =	sshll.u32 s26, $0x1;
	_ =	strace $0x80000046;
	[dreg:$0x1] =	wrdreg $0xFFFFFFFF  }
0xa8: {  	s28 =	simm.s32 $_size_execute0_lowered;
	s4 =	sadd.s32 s4, s6;
	[dreg:$0x0] =	wrdreg $0x0  }
0xa9: {  	s6 =	sshll.u32 s28, $0x1;
	[dreg:$0x2] =	wrdreg s4  }
0xaa: {  	[dreg:$0x3] =	wrdreg s6  }
0xab: {  	[dreg:$0x4] =	wrdreg $0xC0  }
0xac: {  	_ =	task [dreg:s8], $0x5FFFF  }
0xad: {  	[dreg:$0x1] =	wrdreg $0xFFFFFFFF  }
0xae: {  	[dreg:$0x0] =	wrdreg $0x60  }
0xaf: {  	[dreg:$0x2] =	wrdreg s2  }
0xb0: {  	[dreg:$0x3] =	wrdreg s24  }
0xb1: {  	[dreg:$0x4] =	wrdreg s18  }
0xb2: {  	[dreg:$0x5] =	wrdreg $0x11800  }
0xb3: {  	[dreg:$0x6] =	wrdreg $0x9  }
0xb4: {  	_ =	task.clear_ibuf [dreg:s8], $0x7FFFF;
	_ =	strace $0x90000046  }
0xb5: {  	s29 =	simm.s32 $0x9;
	_ =	strace $0x80000048  }
0xb6: {  	_ =	swait.ge [sflag:s29], $0x1  }
0xb7: {  	[sflag:s29] =	ssyncadd.s32 $0xFFFFFFFF  }
0xb8: {  	_ =	strace $0x90000048  }
0xb9: {  	_ =	sfence  }
0xba: {  	s30 =	sld [smem:$0x0];
	_ =	sdelay $0x2  }
0xbb: {  	s31 =	sshll.u32 s1, $0xD;
	s1 =	sshrl.u32 s1, $0x2  }
0xbc: {  	s3 =	sand.u32 $0x4000, s31;
	s1 =	sadd.s32 s1, s30  }
0xbd: {  	s0 =	sor.u32 s3, s0;
	s1 =	sshll.u32 s1, $0x11  }
0xbe: {  	s0 =	sor.u32 s1, s0  }
0xbf: {  	s0 =	sadd.s32 $0x8F2B, s0  }
0xc0: {  	[sflag:s0] =	ssyncadd.remote.s32 $0x1  }
0xc1: {  	_ =	sfence.sel $0xFFFF  }
0xc2: {  	[dreg:$0x0] =	wrdreg $0xFFFFFFFF;
	(pc) =	sbr.abs _section_cstart, $3  }
0xc3: {  	[dreg:$0x1] =	wrdreg $0xFFFFFFFF  }
0xc4: {  	_ =	task.clear_ibuf [dreg:s8], $0x2FFFF;
	_ =	strace $0x9FFFFFFF  }
0xc5: {  	(tm) =	ssettm $0x7FFFFFFF  }
tec
execute0_lowered:
.L_overlay_start_1:
0x0: {  	(tag) =	ssettag $0x1  }
0x1: {  	s1 =	srdreg.scid  }
0x2: {  	s1 =	sand.u32 $0x1, s1  }
0x3: {  	s7 =	rddreg [dreg:$0x0];
	p0 =	seq.s32 s1, $0x1  }
.Ltmp0:
0x4: {  	s2 =	rddreg [dreg:$0x1];
	(pc) =	sbr.rel @p0 .LBB2_6-.Ltmp0, $4  }
0x5: {  	s3 =	rddreg [dreg:$0x2]  }
0x6: {  	s4 =	rddreg [dreg:$0x3];
	s5 =	simm.s32 $0x0  }
0x7: {  	[smem:$0x7FF] =	sst s5  }
0x8: {  	s0 =	rddreg [dreg:$0x4];
	_ =	strace $0x80000047;
	s1 =	stileid.u32  }
0x9: {  	p0 =	slt.u32 s1, $0x9  }
0xa: {  	v0 =	vimm.s32 @!p0 $0x0  }
0xb: {  	s6 =	sadd.s32 s7, s1;
	[tilespmem:$0x0] =	vst @!p0 v0  }
0xc: {  	[tilespmem:s5], [sflag:$0x2] =	stream.linear.gather [hbm4b:s6+s5], $0x8, $0x38;
	[tilespmem:$0x11D0] =	vst v63  }
0xd: {  	s6 =	simm.s32 $0x2  }
0xe: {  	s16 =	sadd.s32 s1, s7;
	_ =	swait.ge [sflag:s6], $0x8  }
0xf: {  	s7 =	sadd.s32 $0x10, s16;
	p0 =	sgt.u32 s1, $0x8;
	[sflag:s6] =	ssyncset.done $0x0  }
0x10: {  	s8 =	simm.s32 @!p0 $0x0;
	s9 =	simm.s32 @!p0 $0x8;
	[sflag:s6] =	ssyncadd.s32 $0xFFFFFFF8  }
0x11: {  	[tilespmem:s9], [sflag:$0x2] =	stream.linear.gather @!p0 [hbm4b:s7+s8], $0x8, $0x38;
	[tilespmem:$0x11D0] =	vst v63  }
0x12: {  	s8 =	simm.s32 @!p0 $0x2  }
0x13: {  	_ =	swait.ge @!p0 [sflag:s8], $0x8  }
0x14: {  	s17 =	sshll.u32 s1, $0x5;
	s18 =	sadd.s32 $0xF42C00, s2;
	[sflag:s8] =	ssyncset.done @!p0 $0x0  }
0x15: {  	s19 =	simm.s32 $0x10;
	s7 =	sadd.s32 s17, s2;
	[sflag:s8] =	ssyncadd.s32 @!p0 $0xFFFFFFF8  }
0x16: {  	[tilespmem:s19], [sflag:$0x1] =	stream.indirect.gather [hbm4b:s18+s19], $0x20, s5, s19, $0xb8;
	[tilespmem:$0x11D0] =	vst v63  }
0x17: {  	s21 =	simm.s32 $0x210;
	s20 =	sadd.s32 $0x800, s7  }
0x18: {  	[tilespmem:s21], [sflag:$0x2] =	stream.linear.gather [hbm4b:s20+s5], $0x100, $0x38;
	[tilespmem:$0x11D0] =	vst v63  }
0x19: {  	_ =	swait.ge [sflag:s6], $0x100  }
0x1a: {  	[sflag:s6] =	ssyncset.done $0x0  }
0x1b: {  	s23 =	simm.s32 $0x410;
	s22 =	sadd.s32 $0xB20, s7;
	[sflag:s6] =	ssyncadd.s32 $0xFFFFFF00  }
0x1c: {  	[tilespmem:s23], [sflag:$0x2] =	stream.linear.gather [hbm4b:s22+s5], $0x100, $0x38;
	[tilespmem:$0x11D0] =	vst v63  }
0x1d: {  	_ =	swait.ge [sflag:s6], $0x100  }
0x1e: {  	[sflag:s6] =	ssyncset.done $0x0  }
0x1f: {  	s25 =	simm.s32 $0x610;
	s24 =	sadd.s32 $0xE40, s7;
	[sflag:s6] =	ssyncadd.s32 $0xFFFFFF00  }
0x20: {  	[tilespmem:s25], [sflag:$0x2] =	stream.linear.gather [hbm4b:s24+s5], $0x100, $0x38;
	[tilespmem:$0x11D0] =	vst v63  }
0x21: {  	_ =	swait.ge [sflag:s6], $0x100  }
0x22: {  	[sflag:s6] =	ssyncset.done $0x0  }
0x23: {  	s28 =	simm.s32 $0x810;
	s26 =	sadd.s32 $0x1160, s7;
	[sflag:s6] =	ssyncadd.s32 $0xFFFFFF00  }
0x24: {  	[tilespmem:s28], [sflag:$0x2] =	stream.linear.gather [hbm4b:s26+s5], $0x100, $0x38;
	[tilespmem:$0x11D0] =	vst v63  }
0x25: {  	_ =	swait.ge [sflag:s6], $0x100  }
0x26: {  	s30 =	smul.u32 $0x140, s1;
	s10 =	simm.s32 $0xA10;
	[sflag:s6] =	ssyncset.done $0x0  }
.Ltmp1:
0x27: {  	s29 =	sadd.s32 $0x1480, s7;
	[sflag:s6] =	ssyncadd.s32 $0xFFFFFF00;
	(pc) =	sbr.rel @p0 .LBB2_3-.Ltmp1, $4  }
0x28: {  	[tilespmem:s10], [sflag:$0x2] =	stream.linear.gather [hbm4b:s29+s5], $0x100, $0x38;
	[tilespmem:$0x11D0] =	vst v63  }
0x29: {  	_ =	swait.ge [sflag:s6], $0x100  }
0x2a: {  	s31 =	sshrl.u32 s30, $0x2;
	[sflag:s6] =	ssyncset.done $0x0  }
0x2b: {  	s5 =	sadd.s32 s31, s4;
	[sflag:s6] =	ssyncadd.s32 $0xFFFFFF00  }
0x2c: {  	s8 =	sadd.s32 $0xA00, s7;
	s9 =	simm.s32 $0x0;
	s10 =	simm.s32 $0x310  }
0x2d: {  	[tilespmem:s10], [sflag:$0x2] =	stream.linear.gather [hbm4b:s8+s9], $0x100, $0x38;
	[tilespmem:$0x11D0] =	vst v63  }
0x2e: {  	_ =	swait.ge [sflag:s6], $0x100  }
0x2f: {  	[sflag:s6] =	ssyncset.done $0x0  }
0x30: {  	s23 =	sadd.s32 $0xD20, s7;
	s24 =	simm.s32 $0x510;
	[sflag:s6] =	ssyncadd.s32 $0xFFFFFF00  }
0x31: {  	[tilespmem:s24], [sflag:$0x2] =	stream.linear.gather [hbm4b:s23+s9], $0x100, $0x38;
	[tilespmem:$0x11D0] =	vst v63  }
0x32: {  	_ =	swait.ge [sflag:s6], $0x100  }
0x33: {  	[sflag:s6] =	ssyncset.done $0x0  }
0x34: {  	s25 =	sadd.s32 $0x1040, s7;
	s26 =	simm.s32 $0x710;
	[sflag:s6] =	ssyncadd.s32 $0xFFFFFF00  }
0x35: {  	[tilespmem:s26], [sflag:$0x2] =	stream.linear.gather [hbm4b:s25+s9], $0x100, $0x38;
	[tilespmem:$0x11D0] =	vst v63  }
0x36: {  	_ =	swait.ge [sflag:s6], $0x100  }
0x37: {  	[sflag:s6] =	ssyncset.done $0x0  }
0x38: {  	s28 =	sadd.s32 $0x1360, s7;
	s29 =	simm.s32 $0x910;
	[sflag:s6] =	ssyncadd.s32 $0xFFFFFF00  }
0x39: {  	[tilespmem:s29], [sflag:$0x2] =	stream.linear.gather [hbm4b:s28+s9], $0x100, $0x38;
	[tilespmem:$0x11D0] =	vst v63  }
0x3a: {  	_ =	swait.ge [sflag:s6], $0x100  }
0x3b: {  	s30 =	sadd.s32 $0x1680, s7;
	[sflag:s6] =	ssyncset.done $0x0  }
.Ltmp2:
0x3c: {  	s31 =	simm.s32 $0xB10;
	[sflag:s6] =	ssyncadd.s32 $0xFFFFFF00;
	(pc) =	sbr.rel .LBB2_4-.Ltmp2, $4  }
0x3d: {  	[tilespmem:s31], [sflag:$0x2] =	stream.linear.gather [hbm4b:s30+s9], $0x100, $0x38;
	[tilespmem:$0x11D0] =	vst v63  }
0x3e: {  	_ =	swait.ge [sflag:s6], $0x100  }
0x3f: {  	[sflag:s6] =	ssyncset.done $0x0  }
0x40: {  	[sflag:s6] =	ssyncadd.s32 $0xFFFFFF00  }
.LBB2_3:
0x41: {  	v0 =	vimm.f32 $0.0e+00  }
0x42: {  	[tilespmem:$0x310] =	vst v0  }
0x43: {  	[tilespmem:$0x320] =	vst v0  }
0x44: {  	[tilespmem:$0x330] =	vst v0  }
0x45: {  	[tilespmem:$0x340] =	vst v0  }
0x46: {  	[tilespmem:$0x350] =	vst v0  }
0x47: {  	[tilespmem:$0x360] =	vst v0  }
0x48: {  	[tilespmem:$0x370] =	vst v0  }
0x49: {  	[tilespmem:$0x380] =	vst v0  }
0x4a: {  	[tilespmem:$0x390] =	vst v0  }
0x4b: {  	[tilespmem:$0x3A0] =	vst v0  }
0x4c: {  	[tilespmem:$0x3B0] =	vst v0  }
0x4d: {  	[tilespmem:$0x3C0] =	vst v0  }
0x4e: {  	[tilespmem:$0x3D0] =	vst v0  }
0x4f: {  	[tilespmem:$0x3E0] =	vst v0  }
0x50: {  	[tilespmem:$0x3F0] =	vst v0  }
0x51: {  	[tilespmem:$0x400] =	vst v0  }
0x52: {  	[tilespmem:$0x510] =	vst v0  }
0x53: {  	[tilespmem:$0x520] =	vst v0  }
0x54: {  	[tilespmem:$0x530] =	vst v0  }
0x55: {  	[tilespmem:$0x540] =	vst v0  }
0x56: {  	[tilespmem:$0x550] =	vst v0  }
0x57: {  	[tilespmem:$0x560] =	vst v0  }
0x58: {  	[tilespmem:$0x570] =	vst v0  }
0x59: {  	[tilespmem:$0x580] =	vst v0  }
0x5a: {  	[tilespmem:$0x590] =	vst v0  }
0x5b: {  	[tilespmem:$0x5A0] =	vst v0  }
0x5c: {  	[tilespmem:$0x5B0] =	vst v0  }
0x5d: {  	[tilespmem:$0x5C0] =	vst v0  }
0x5e: {  	[tilespmem:$0x5D0] =	vst v0  }
0x5f: {  	[tilespmem:$0x5E0] =	vst v0  }
0x60: {  	[tilespmem:$0x5F0] =	vst v0  }
0x61: {  	[tilespmem:$0x600] =	vst v0  }
0x62: {  	[tilespmem:$0x710] =	vst v0  }
0x63: {  	[tilespmem:$0x720] =	vst v0  }
0x64: {  	[tilespmem:$0x730] =	vst v0  }
0x65: {  	[tilespmem:$0x740] =	vst v0  }
0x66: {  	[tilespmem:$0x750] =	vst v0  }
0x67: {  	[tilespmem:$0x760] =	vst v0  }
0x68: {  	[tilespmem:$0x770] =	vst v0  }
0x69: {  	[tilespmem:$0x780] =	vst v0  }
0x6a: {  	[tilespmem:$0x790] =	vst v0  }
0x6b: {  	[tilespmem:$0x7A0] =	vst v0  }
0x6c: {  	[tilespmem:$0x7B0] =	vst v0  }
0x6d: {  	[tilespmem:$0x7C0] =	vst v0  }
0x6e: {  	[tilespmem:$0x7D0] =	vst v0  }
0x6f: {  	[tilespmem:$0x7E0] =	vst v0  }
0x70: {  	[tilespmem:$0x7F0] =	vst v0  }
0x71: {  	[tilespmem:$0x800] =	vst v0  }
0x72: {  	[tilespmem:$0x910] =	vst v0  }
0x73: {  	[tilespmem:$0x920] =	vst v0  }
0x74: {  	[tilespmem:$0x930] =	vst v0  }
0x75: {  	[tilespmem:$0x940] =	vst v0  }
0x76: {  	[tilespmem:$0x950] =	vst v0  }
0x77: {  	[tilespmem:$0x960] =	vst v0  }
0x78: {  	[tilespmem:$0x970] =	vst v0  }
0x79: {  	[tilespmem:$0x980] =	vst v0  }
0x7a: {  	[tilespmem:$0x990] =	vst v0  }
0x7b: {  	[tilespmem:$0x9A0] =	vst v0  }
0x7c: {  	[tilespmem:$0x9B0] =	vst v0  }
0x7d: {  	[tilespmem:$0x9C0] =	vst v0  }
0x7e: {  	[tilespmem:$0x9D0] =	vst v0  }
0x7f: {  	[tilespmem:$0x9E0] =	vst v0  }
0x80: {  	[tilespmem:$0x9F0] =	vst v0  }
0x81: {  	[tilespmem:$0xA00] =	vst v0  }
0x82: {  	[tilespmem:$0xB10] =	vst v0  }
0x83: {  	[tilespmem:$0xB20] =	vst v0  }
0x84: {  	[tilespmem:$0xB30] =	vst v0  }
0x85: {  	[tilespmem:$0xB40] =	vst v0  }
0x86: {  	[tilespmem:$0xB50] =	vst v0  }
0x87: {  	[tilespmem:$0xB60] =	vst v0  }
0x88: {  	[tilespmem:$0xB70] =	vst v0  }
0x89: {  	[tilespmem:$0xB80] =	vst v0  }
0x8a: {  	[tilespmem:$0xB90] =	vst v0  }
0x8b: {  	[tilespmem:$0xBA0] =	vst v0  }
0x8c: {  	[tilespmem:$0xBB0] =	vst v0  }
0x8d: {  	[tilespmem:$0xBC0] =	vst v0  }
0x8e: {  	[tilespmem:$0xBD0] =	vst v0  }
0x8f: {  	[tilespmem:$0xBE0] =	vst v0  }
0x90: {  	[tilespmem:$0xBF0] =	vst v0  }
0x91: {  	[tilespmem:$0xC00] =	vst v0  }
.LBB2_4:
0x92: {  	s6 =	simm.s32 $0x1  }
0x93: {  	_ =	swait.ge [sflag:s6], $0x200  }
0x94: {  	[sflag:s6] =	ssyncset.done $0x0  }
0x95: {  	[sflag:s6] =	ssyncadd.s32 $0xFFFFFE00  }
0x96: {  	v2 =	vld [tilespmem:$0x10]  }
0x97: {  	v3 =	vld [tilespmem:$0x20]  }
0x98: {  	v26 =	vld [tilespmem:$0x210]  }
0x99: {  	v27 =	vld [tilespmem:$0x220]  }
0x9a: {  	v32 =	vld [tilespmem:$0x410]  }
0x9b: {  	v33 =	vld [tilespmem:$0x420]  }
0x9c: {  	v37 =	vld [tilespmem:$0x610]  }
0x9d: {  	v40 =	vld [tilespmem:$0x620]  }
0x9e: {  	v44 =	vld [tilespmem:$0x810]  }
0x9f: {  	v45 =	vld [tilespmem:$0x820]  }
0xa0: {  	v52 =	vld [tilespmem:$0xA10]  }
0xa1: {  	v9 =	vld [tilespmem:$0xA20]  }
0xa2: {  	v0 =	vld [tilespmem:$0x30]  }
0xa3: {  	v38 =	vld [tilespmem:$0x40]  }
0xa4: {  	v7 =	vld [tilespmem:$0x230]  }
0xa5: {  	v10 =	vld [tilespmem:$0x240]  }
0xa6: {  	v12 =	vld [tilespmem:$0x430]  }
0xa7: {  	v17 =	vld [tilespmem:$0x440]  }
0xa8: {  	v11 =	vld [tilespmem:$0x630]  }
0xa9: {  	v19 =	vld [tilespmem:$0x640]  }
0xaa: {  	v13 =	vld [tilespmem:$0x830]  }
0xab: {  	v15 =	vld [tilespmem:$0x840]  }
0xac: {  	v21 =	vld [tilespmem:$0xA30]  }
0xad: {  	v24 =	vld [tilespmem:$0xA40]  }
0xae: {  	v22 =	vld [tilespmem:$0x50]  }
0xaf: {  	v16 =	vld [tilespmem:$0x60]  }
0xb0: {  	v14 =	vld [tilespmem:$0x250]  }
0xb1: {  	v25 =	vld [tilespmem:$0x260]  }
0xb2: {  	v20 =	vld [tilespmem:$0x450]  }
0xb3: {  	v23 =	vld [tilespmem:$0x460]  }
0xb4: {  	v31 =	vld [tilespmem:$0x650]  }
0xb5: {  	v55 =	vld [tilespmem:$0x660]  }
0xb6: {  	v30 =	vld [tilespmem:$0x850]  }
0xb7: {  	v53 =	vld [tilespmem:$0x860]  }
0xb8: {  	v34 =	vld [tilespmem:$0xA50]  }
0xb9: {  	v36 =	vld [tilespmem:$0xA60]  }
0xba: {  	v5 =	vld [tilespmem:$0x70]  }
0xbb: {  	v41 =	vld [tilespmem:$0x80]  }
0xbc: {  	v39 =	vld [tilespmem:$0x270]  }
0xbd: {  	v62 =	vld [tilespmem:$0x280]  }
0xbe: {  	v35 =	vld [tilespmem:$0x470]  }
0xbf: {  	v58 =	vld [tilespmem:$0x480]  }
0xc0: {  	v43 =	vld [tilespmem:$0x670]  }
0xc1: {  	v46 =	vld [tilespmem:$0x680]  }
0xc2: {  	v63 =	vld [tilespmem:$0x870]  }
0xc3: {  	v50 =	vld [tilespmem:$0x880]  }
0xc4: {  	v47 =	vld [tilespmem:$0xA70]  }
0xc5: {  	v51 =	vld [tilespmem:$0xA80]  }
0xc6: {  	v42 =	vld [tilespmem:$0x90]  }
0xc7: {  	v29 =	vld [tilespmem:$0xA0]  }
0xc8: {  	v48 =	vld [tilespmem:$0x290]  }
0xc9: {  	v61 =	vld [tilespmem:$0x2A0]  }
0xca: {  	v54 =	vld [tilespmem:$0x490]  }
0xcb: {  	v1 =	vld [tilespmem:$0x4A0]  }
0xcc: {  	v49 =	vld [tilespmem:$0x690]  }
0xcd: {  	v60 =	vld [tilespmem:$0x6A0]  }
0xce: {  	v56 =	vld [tilespmem:$0x890]  }
0xcf: {  	v59 =	vld [tilespmem:$0x8A0]  }
0xd0: {  	v4 =	vld [tilespmem:$0xA90]  }
0xd1: {  	v6 =	vld [tilespmem:$0xAA0]  }
0xd2: {  	v28 =	vld [tilespmem:$0xB0]  }
0xd3: {  	v18 =	vld [tilespmem:$0xC0]  }
0xd4: {  	v8 =	vld [tilespmem:$0x2C0];
	v26 =	vmul.f32 v26, v2  }
0xd5: {  	v57 =	vld [tilespmem:$0x4B0];
	v32 =	vmul.f32 v32, v2;
	v37 =	vmul.f32 v37, v2  }
0xd6: {  	[tilespmem:$0x1FE10] =	vst v60;
	v60 =	vld [tilespmem:$0x2B0];
	v27 =	vmul.f32 v27, v3;
	v33 =	vmul.f32 v33, v3  }
0xd7: {  	[tilespmem:$0x1FE20] =	vst v4;
	v4 =	vld [tilespmem:$0x4C0];
	v40 =	vmul.f32 v40, v3;
	v7 =	vmul.f32 v7, v0;
	v26 =	vadd.f32 $0.0e+00, v26  }
0xd8: {  	[tilespmem:$0x1FE40] =	vst v6;
	v6 =	vld [tilespmem:$0x6B0];
	v9 =	vmul.f32 v9, v3;
	v12 =	vmul.f32 v12, v0;
	v32 =	vadd.f32 $0.0e+00, v32  }
0xd9: {  	[tilespmem:$0x1FE50] =	vst v8;
	v8 =	vld [tilespmem:$0x6C0];
	v11 =	vmul.f32 v11, v0;
	v37 =	vadd.f32 $0.0e+00, v37;
	v26 =	vadd.f32 v27, v26  }
0xda: {  	[tilespmem:$0x1FE30] =	vst v57;
	v57 =	vld [tilespmem:$0x8B0];
	v27 =	vadd.f32 v33, v32;
	v32 =	vmul.f32 v44, v2;
	v2 =	vmul.f32 v52, v2  }
0xdb: {  	[tilespmem:$0x1FE00] =	vst v1;
	v1 =	vld [tilespmem:$0xF0];
	v44 =	vmul.f32 v45, v3;
	v52 =	vmul.f32 v13, v0  }
0xdc: {  	v33 =	vadd.f32 v40, v37;
	v40 =	vld [tilespmem:$0xB00];
	v0 =	vmul.f32 v21, v0;
	v21 =	vmul.f32 v25, v16  }
0xdd: {  	v3 =	vld [tilespmem:$0x110];
	v25 =	vmul.f32 v31, v22;
	v31 =	vmul.f32 v30, v22  }
0xde: {  	v30 =	vmul.f32 v39, v5;
	v39 =	vmul.f32 v58, v41;
	v58 =	vld [tilespmem:$0x540]  }
0xdf: {  	[tilespmem:$0x1FE60] =	vst v4;
	v4 =	vld [tilespmem:$0x8C0]  }
0xe0: {  	[tilespmem:$0x1FE70] =	vst v6;
	v6 =	vld [tilespmem:$0xAB0]  }
0xe1: {  	[tilespmem:$0x1FEA0] =	vst v8;
	v8 =	vld [tilespmem:$0xAC0]  }
0xe2: {  	[tilespmem:$0x1FE80] =	vst v57;
	v57 =	vld [tilespmem:$0x2D0]  }
0xe3: {  	v45 =	vadd.f32 $0.0e+00, v2;
	v2 =	vld [tilespmem:$0x120]  }
0xe4: {  	v32 =	vadd.f32 $0.0e+00, v32;
	v7 =	vadd.f32 v7, v26;
	v26 =	vld [tilespmem:$0x320]  }
0xe5: {  	v10 =	vmul.f32 v10, v38;
	v11 =	vadd.f32 v11, v33;
	v33 =	vld [tilespmem:$0x520]  }
0xe6: {  	v15 =	vmul.f32 v15, v38;
	v12 =	vadd.f32 v12, v27;
	v27 =	vld [tilespmem:$0x720];
	v37 =	vadd.f32 v44, v32  }
0xe7: {  	v32 =	vld [tilespmem:$0x310];
	v9 =	vadd.f32 v9, v45;
	v44 =	vmul.f32 v17, v38;
	v45 =	vmul.f32 v19, v38  }
0xe8: {  	v19 =	vmul.f32 v20, v22;
	v20 =	vmul.f32 v24, v38;
	v38 =	vld [tilespmem:$0x920]  }
0xe9: {  	[tilespmem:$0x1FFF0] =	vst v40;
	v40 =	vld [tilespmem:$0x510]  }
0xea: {  	[tilespmem:$0x1FEC0] =	vst v8;
	v8 =	vld [tilespmem:$0xD0]  }
0xeb: {  	[tilespmem:$0x1FEB0] =	vst v4;
	v4 =	vld [tilespmem:$0xE0]  }
0xec: {  	[tilespmem:$0x1FE90] =	vst v6;
	v6 =	vld [tilespmem:$0x2E0]  }
0xed: {  	[tilespmem:$0x1FED0] =	vst v57;
	v57 =	vld [tilespmem:$0x4D0]  }
0xee: {  	v7 =	vadd.f32 v10, v7;
	v10 =	vadd.f32 v52, v37;
	v37 =	vld [tilespmem:$0x710]  }
0xef: {  	v12 =	vadd.f32 v44, v12;
	v44 =	vld [tilespmem:$0x910]  }
0xf0: {  	v52 =	vmul.f32 v14, v22;
	v11 =	vadd.f32 v45, v11;
	v45 =	vld [tilespmem:$0xB20]  }
0xf1: {  	v34 =	vmul.f32 v34, v22;
	v22 =	vld [tilespmem:$0x130]  }
0xf2: {  	v0 =	vadd.f32 v0, v9;
	v7 =	vadd.f32 v52, v7;
	v52 =	vld [tilespmem:$0xB10]  }
0xf3: {  	v9 =	vadd.f32 v25, v11;
	v25 =	vmul.f32 v36, v16;
	v36 =	vmul.f32 v62, v41;
	v62 =	vld [tilespmem:$0x530]  }
0xf4: {  	v10 =	vadd.f32 v15, v10;
	v15 =	vld [tilespmem:$0x930]  }
0xf5: {  	v24 =	vmul.f32 v23, v16;
	v12 =	vadd.f32 v19, v12;
	v19 =	vmul.f32 v47, v5;
	v47 =	vld [tilespmem:$0x150]  }
0xf6: {  	v55 =	vmul.f32 v55, v16;
	v0 =	vadd.f32 v20, v0;
	v20 =	vmul.f32 v48, v42;
	v48 =	vld [tilespmem:$0x1FE30]  }
0xf7: {  	v12 =	vadd.f32 v24, v12;
	v24 =	vmul.f32 v53, v16;
	v16 =	vld [tilespmem:$0x140]  }
0xf8: {  	v10 =	vadd.f32 v31, v10;
	v9 =	vadd.f32 v55, v9;
	v55 =	vld [tilespmem:$0x330]  }
0xf9: {  	v0 =	vadd.f32 v34, v0;
	v31 =	vmul.f32 v35, v5;
	v34 =	vmul.f32 v43, v5;
	v53 =	vld [tilespmem:$0x340]  }
0xfa: {  	v43 =	vmul.f32 v46, v41;
	v46 =	vmul.f32 v63, v5;
	v5 =	vld [tilespmem:$0x730]  }
0xfb: {  	v63 =	vld [tilespmem:$0x740]  }
0xfc: {  	v23 =	vmul.f32 v51, v41;
	v7 =	vadd.f32 v21, v7;
	v21 =	vmul.f32 v50, v41;
	v41 =	vld [tilespmem:$0x160]  }
0xfd: {  	v50 =	vld [tilespmem:$0x1FE40]  }
0xfe: {  	[tilespmem:$0x1FF00] =	vst v6;
	v6 =	vld [tilespmem:$0x4E0]  }
0xff: {  	[tilespmem:$0x1FEE0] =	vst v57;
	v57 =	vld [tilespmem:$0x6D0]  }
0x100: {  	v10 =	vadd.f32 v24, v10;
	v24 =	vmul.f32 v61, v29;
	v61 =	vld [tilespmem:$0x940]  }
0x101: {  	v9 =	vadd.f32 v34, v9;
	v34 =	vld [tilespmem:$0x1FE00]  }
0x102: {  	v0 =	vadd.f32 v25, v0;
	v35 =	vadd.f32 v31, v12;
	v25 =	vmul.f32 v54, v42;
	v54 =	vld [tilespmem:$0x1FE50]  }
0x103: {  	v7 =	vadd.f32 v30, v7;
	v30 =	vmul.f32 v49, v42;
	v49 =	vmul.f32 v48, v28;
	v48 =	vld [tilespmem:$0x1FF00]  }
0x104: {  	v11 =	vadd.f32 v39, v35;
	v35 =	vld [tilespmem:$0x1FE10]  }
0x105: {  	v39 =	vld [tilespmem:$0x1FE20]  }
0x106: {  	v7 =	vadd.f32 v36, v7;
	v36 =	vmul.f32 v59, v29;
	v59 =	vld [tilespmem:$0x1FE60]  }
0x107: {  	[tilespmem:$0x1FF10] =	vst v6;
	v6 =	vld [tilespmem:$0x6E0]  }
0x108: {  	v0 =	vadd.f32 v19, v0;
	[tilespmem:$0x1FEF0] =	vst v57;
	v57 =	vld [tilespmem:$0x8D0]  }
0x109: {  	v9 =	vadd.f32 v43, v9;
	v13 =	vadd.f32 v20, v7;
	v7 =	vld [tilespmem:$0xB30]  }
0x10a: {  	v10 =	vadd.f32 v46, v10;
	v14 =	vadd.f32 v23, v0;
	v0 =	vld [tilespmem:$0xB40]  }
0x10b: {  	v9 =	vadd.f32 v30, v9;
	v30 =	vld [tilespmem:$0x1FE80]  }
0x10c: {  	v31 =	vmul.f32 v56, v42;
	v10 =	vadd.f32 v21, v10;
	v12 =	vmul.f32 v34, v29;
	v34 =	vld [tilespmem:$0x1FEA0]  }
0x10d: {  	v51 =	vmul.f32 v50, v29;
	v50 =	vld [tilespmem:$0x1FF10]  }
0x10e: {  	v11 =	vadd.f32 v25, v11;
	v10 =	vadd.f32 v31, v10;
	v31 =	vld [tilespmem:$0x1FE90]  }
0x10f: {  	v17 =	vadd.f32 v24, v13;
	v24 =	vld [tilespmem:$0x950]  }
0x110: {  	v12 =	vadd.f32 v12, v11;
	v11 =	vld [tilespmem:$0x350]  }
0x111: {  	v13 =	vmul.f32 v35, v29;
	v29 =	vld [tilespmem:$0x1FE70]  }
0x112: {  	v35 =	vld [tilespmem:$0x1FEB0]  }
0x113: {  	v43 =	vmul.f32 v39, v42;
	v39 =	vld [tilespmem:$0x1FED0]  }
0x114: {  	v42 =	vld [tilespmem:$0x1FEE0]  }
0x115: {  	v10 =	vadd.f32 v36, v10;
	v36 =	vld [tilespmem:$0x1FEC0]  }
0x116: {  	[tilespmem:$0x1FF30] =	vst v57;
	v57 =	vld [tilespmem:$0xAD0]  }
0x117: {  	[tilespmem:$0x1FF20] =	vst v6;
	v6 =	vld [tilespmem:$0x8E0]  }
0x118: {  	v9 =	vadd.f32 v13, v9;
	v13 =	vld [tilespmem:$0x360]  }
0x119: {  	v46 =	vmul.f32 v60, v28;
	v20 =	vadd.f32 v43, v14;
	v14 =	vld [tilespmem:$0x550]  }
0x11a: {  	v19 =	vadd.f32 v49, v12;
	v12 =	vld [tilespmem:$0x560]  }
0x11b: {  	v56 =	vmul.f32 v54, v18;
	v17 =	vadd.f32 v46, v17;
	[tilespmem:$0x1FF40] =	vst v57;
	v57 =	vld [tilespmem:$0x2F0]  }
0x11c: {  	v25 =	vmul.f32 v30, v28;
	v43 =	vld [tilespmem:$0x1FEF0]  }
0x11d: {  	v21 =	vadd.f32 v56, v17;
	v56 =	vld [tilespmem:$0x1FF30]  }
0x11e: {  	v10 =	vadd.f32 v25, v10;
	v25 =	vld [tilespmem:$0x960]  }
0x11f: {  	v17 =	vmul.f32 v31, v28;
	v31 =	vld [tilespmem:$0xB50]  }
0x120: {  	[tilespmem:$0x1FF50] =	vst v57;
	v57 =	vld [tilespmem:$0x300]  }
0x121: {  	v20 =	vadd.f32 v51, v20;
	v51 =	vld [tilespmem:$0x1FF20]  }
0x122: {  	v23 =	vmul.f32 v29, v28;
	v29 =	vld [tilespmem:$0x750]  }
0x123: {  	v28 =	vld [tilespmem:$0x760]  }
0x124: {  	v17 =	vadd.f32 v17, v20;
	v20 =	vmul.f32 v35, v18;
	v35 =	vld [tilespmem:$0x380]  }
0x125: {  	[tilespmem:$0x1FF80] =	vst v57;
	v57 =	vld [tilespmem:$0x4F0]  }
0x126: {  	v60 =	vmul.f32 v59, v18;
	[tilespmem:$0x1FF60] =	vst v6;
	v6 =	vld [tilespmem:$0xAE0]  }
0x127: {  	v9 =	vadd.f32 v23, v9;
	v23 =	vmul.f32 v34, v18;
	v18 =	vmul.f32 v36, v18;
	v36 =	vld [tilespmem:$0x370]  }
0x128: {  	v20 =	vadd.f32 v20, v10;
	v10 =	vld [tilespmem:$0x170]  }
0x129: {  	v59 =	vld [tilespmem:$0x1FF40]  }
0x12a: {  	[tilespmem:$0x1FF90] =	vst v57;
	v57 =	vld [tilespmem:$0x500]  }
0x12b: {  	v46 =	vmul.f32 v43, v8;
	v43 =	vld [tilespmem:$0x1FF60]  }
0x12c: {  	v9 =	vadd.f32 v23, v9;
	v18 =	vadd.f32 v18, v17;
	v17 =	vld [tilespmem:$0xB60]  }
0x12d: {  	v23 =	vmul.f32 v39, v8;
	v39 =	vld [tilespmem:$0x580]  }
0x12e: {  	v34 =	vadd.f32 v46, v9;
	v9 =	vld [tilespmem:$0x180]  }
0x12f: {  	[tilespmem:$0x1FFC0] =	vst v57;
	v57 =	vld [tilespmem:$0x6F0]  }
0x130: {  	[tilespmem:$0x1FF70] =	vst v6;
	v6 =	vld [tilespmem:$0x100]  }
0x131: {  	v30 =	vmul.f32 v42, v8;
	v42 =	vld [tilespmem:$0x1FF50]  }
0x132: {  	v46 =	vld [tilespmem:$0x1FF70]  }
0x133: {  	v49 =	vmul.f32 v48, v4;
	v21 =	vadd.f32 v23, v21;
	v23 =	vmul.f32 v56, v8;
	v48 =	vld [tilespmem:$0x1FF80]  }
0x134: {  	v19 =	vadd.f32 v60, v19;
	v54 =	vmul.f32 v51, v4;
	v8 =	vmul.f32 v59, v8;
	[tilespmem:$0x1FFA0] =	vst v57;
	v57 =	vld [tilespmem:$0x700]  }
0x135: {  	v21 =	vadd.f32 v49, v21;
	v20 =	vadd.f32 v23, v20;
	v23 =	vmul.f32 v43, v4;
	v43 =	vld [tilespmem:$0x770]  }
0x136: {  	v60 =	vadd.f32 v54, v34;
	v8 =	vadd.f32 v8, v18;
	v18 =	vld [tilespmem:$0x570];
	v34 =	vmul.f32 v42, v1  }
0x137: {  	v49 =	vld [tilespmem:$0x1FF90]  }
0x138: {  	v21 =	vadd.f32 v34, v21;
	v34 =	vmul.f32 v48, v6;
	v48 =	vld [tilespmem:$0x980]  }
0x139: {  	[tilespmem:$0x1FFD0] =	vst v57;
	v57 =	vld [tilespmem:$0x8F0]  }
0x13a: {  	v19 =	vadd.f32 v30, v19;
	v30 =	vmul.f32 v50, v4;
	v4 =	vmul.f32 v46, v4;
	v54 =	vld [tilespmem:$0x1FFC0]  }
0x13b: {  	v50 =	vld [tilespmem:$0x1FFA0]  }
0x13c: {  	v15 =	vmul.f32 v15, v22;
	v4 =	vadd.f32 v4, v8;
	v8 =	vadd.f32 v34, v21;
	v34 =	vld [tilespmem:$0x780]  }
0x13d: {  	v19 =	vadd.f32 v30, v19;
	v20 =	vadd.f32 v23, v20;
	v23 =	vmul.f32 v49, v1;
	v56 =	vld [tilespmem:$0x1FFD0]  }
0x13e: {  	v7 =	vmul.f32 v7, v22;
	v0 =	vmul.f32 v0, v16;
	[tilespmem:$0x1FFB0] =	vst v57;
	v57 =	vld [tilespmem:$0x900]  }
0x13f: {  	v49 =	vmul.f32 v40, v3;
	v40 =	vld [tilespmem:$0xB80];
	v19 =	vadd.f32 v23, v19;
	v23 =	vmul.f32 v54, v6  }
0x140: {  	v54 =	vmul.f32 v26, v2;
	v26 =	vld [tilespmem:$0x1A0];
	v42 =	vmul.f32 v50, v1  }
0x141: {  	v14 =	vmul.f32 v14, v47;
	v12 =	vmul.f32 v12, v41;
	v19 =	vadd.f32 v23, v19;
	v23 =	vld [tilespmem:$0x990]  }
0x142: {  	v30 =	vadd.f32 v42, v60;
	v60 =	vmul.f32 v32, v3;
	v51 =	vld [tilespmem:$0x1FFB0];
	v46 =	vmul.f32 v56, v6  }
0x143: {  	v19 =	vadd.f32 v49, v19;
	v56 =	vmul.f32 v33, v2;
	v33 =	vmul.f32 v35, v9;
	[tilespmem:$0x1FFE0] =	vst v57;
	v57 =	vld [tilespmem:$0xAF0]  }
0x144: {  	v35 =	vmul.f32 v39, v9;
	v39 =	vmul.f32 v43, v10;
	v59 =	vld [tilespmem:$0x1FFE0]  }
0x145: {  	v49 =	vld [tilespmem:$0x790];
	v30 =	vadd.f32 v46, v30;
	v19 =	vadd.f32 v56, v19;
	v46 =	vmul.f32 v62, v22  }
0x146: {  	v50 =	vld [tilespmem:$0x1FFF0];
	v56 =	vmul.f32 v13, v41;
	v62 =	vmul.f32 v25, v41  }
0x147: {  	v42 =	vld [tilespmem:$0x970];
	v19 =	vadd.f32 v46, v19;
	v46 =	vmul.f32 v48, v9;
	v21 =	vmul.f32 v51, v1  }
0x148: {  	v51 =	vadd.f32 v60, v8;
	v8 =	vld [tilespmem:$0x190];
	v60 =	vmul.f32 v27, v2;
	v1 =	vmul.f32 v57, v1  }
0x149: {  	v27 =	vld [tilespmem:$0x590];
	v20 =	vadd.f32 v21, v20;
	v57 =	vmul.f32 v37, v3;
	v21 =	vmul.f32 v59, v6  }
0x14a: {  	v32 =	vld [tilespmem:$0xB70];
	v59 =	vmul.f32 v44, v3;
	v3 =	vmul.f32 v52, v3  }
0x14b: {  	v43 =	vld [tilespmem:$0xBC0];
	v44 =	vmul.f32 v38, v2;
	v2 =	vmul.f32 v45, v2  }
0x14c: {  	v13 =	vld [tilespmem:$0x1C0];
	v45 =	vmul.f32 v55, v22;
	v52 =	vmul.f32 v58, v16  }
0x14d: {  	v25 =	vld [tilespmem:$0x7B0];
	v55 =	vmul.f32 v61, v16;
	v61 =	vmul.f32 v28, v41  }
0x14e: {  	v48 =	vld [tilespmem:$0x3D0];
	v28 =	vmul.f32 v36, v10;
	v27 =	vmul.f32 v27, v8  }
0x14f: {  	v37 =	vld [tilespmem:$0x390];
	v49 =	vmul.f32 v49, v8;
	v1 =	vadd.f32 v1, v4;
	v4 =	vmul.f32 v50, v6  }
0x150: {  	v58 =	vld [tilespmem:$0x3B0];
	v6 =	vadd.f32 v54, v51;
	v50 =	vmul.f32 v5, v22;
	v51 =	vmul.f32 v53, v16  }
0x151: {  	v36 =	vld [tilespmem:$0x9C0];
	v53 =	vmul.f32 v63, v16;
	v54 =	vmul.f32 v11, v47  }
0x152: {  	v5 =	vld [tilespmem:$0x7A0];
	v63 =	vmul.f32 v31, v47;
	v31 =	vmul.f32 v17, v41  }
0x153: {  	v11 =	vld [tilespmem:$0xBA0];
	v41 =	vmul.f32 v42, v10;
	v20 =	vadd.f32 v21, v20;
	v19 =	vadd.f32 v52, v19  }
0x154: {  	v22 =	vld [tilespmem:$0x5C0];
	v1 =	vadd.f32 v4, v1;
	v4 =	vadd.f32 v57, v30;
	v57 =	vmul.f32 v29, v47  }
0x155: {  	v17 =	vld [tilespmem:$0x9B0];
	v6 =	vadd.f32 v45, v6;
	v29 =	vmul.f32 v18, v10;
	v10 =	vmul.f32 v32, v10  }
0x156: {  	v21 =	vld [tilespmem:$0x3A0];
	v45 =	vmul.f32 v34, v9;
	v20 =	vadd.f32 v59, v20;
	v14 =	vadd.f32 v14, v19  }
0x157: {  	v52 =	vld [tilespmem:$0x5D0];
	v9 =	vmul.f32 v40, v9;
	v1 =	vadd.f32 v3, v1;
	v4 =	vadd.f32 v60, v4  }
0x158: {  	v30 =	vld [tilespmem:$0x5A0];
	v6 =	vadd.f32 v51, v6;
	v60 =	vmul.f32 v24, v47;
	v47 =	vmul.f32 v37, v8  }
0x159: {  	v19 =	vld [tilespmem:$0x1D0];
	v36 =	vmul.f32 v36, v13;
	v3 =	vadd.f32 v44, v20;
	v12 =	vadd.f32 v12, v14  }
0x15a: {  	v18 =	vld [tilespmem:$0x7C0];
	v5 =	vmul.f32 v5, v26;
	v1 =	vadd.f32 v2, v1;
	v2 =	vadd.f32 v50, v4  }
0x15b: {  	v20 =	vld [tilespmem:$0xB90];
	v11 =	vmul.f32 v11, v26;
	v4 =	vadd.f32 v54, v6;
	v3 =	vadd.f32 v15, v3  }
0x15c: {  	v44 =	vld [tilespmem:$0x9A0];
	v51 =	vmul.f32 v21, v26;
	v2 =	vadd.f32 v53, v2;
	v1 =	vadd.f32 v7, v1  }
0x15d: {  	v6 =	vld [tilespmem:$0x3C0];
	v59 =	vadd.f32 v56, v4;
	v4 =	vadd.f32 v29, v12;
	v53 =	vmul.f32 v30, v26  }
0x15e: {  	v15 =	vld [tilespmem:$0x5B0];
	v38 =	vmul.f32 v48, v19;
	v40 =	vmul.f32 v52, v19;
	v3 =	vadd.f32 v55, v3  }
0x15f: {  	v7 =	vld [tilespmem:$0x1B0];
	v55 =	vmul.f32 v23, v8;
	v0 =	vadd.f32 v0, v1;
	v2 =	vadd.f32 v57, v2  }
0x160: {  	v42 =	vld [tilespmem:$0xBB0];
	v1 =	vadd.f32 v28, v59;
	v4 =	vadd.f32 v35, v4;
	v8 =	vmul.f32 v20, v8  }
0x161: {  	v34 =	vld [tilespmem:$0x1F0];
	v59 =	vmul.f32 v44, v26;
	v3 =	vadd.f32 v60, v3;
	v2 =	vadd.f32 v61, v2  }
0x162: {  	v37 =	vld [tilespmem:$0x200];
	v35 =	vmul.f32 v18, v13;
	v0 =	vadd.f32 v63, v0;
	v1 =	vadd.f32 v33, v1  }
0x163: {  	v54 =	vld [tilespmem:$0x5E0];
	v4 =	vadd.f32 v27, v4;
	v61 =	vmul.f32 v6, v13;
	v33 =	vmul.f32 v22, v13  }
0x164: {  	v28 =	vld [tilespmem:$0x1E0];
	v3 =	vadd.f32 v62, v3;
	v57 =	vmul.f32 v58, v7;
	v63 =	vmul.f32 v15, v7  }
0x165: {  	v50 =	vld [tilespmem:$0x3E0];
	v26 =	vmul.f32 v25, v7;
	v0 =	vadd.f32 v31, v0;
	v2 =	vadd.f32 v39, v2  }
0x166: {  	v56 =	vld [tilespmem:$0x7D0];
	v30 =	vmul.f32 v17, v7;
	v1 =	vadd.f32 v47, v1;
	v4 =	vadd.f32 v53, v4  }
0x167: {  	v27 =	vld [tilespmem:$0xBD0];
	v7 =	vmul.f32 v42, v7;
	v3 =	vadd.f32 v41, v3;
	v0 =	vadd.f32 v10, v0  }
0x168: {  	v58 =	vld [tilespmem:$0x7E0];
	v42 =	vmul.f32 v43, v13;
	v2 =	vadd.f32 v45, v2;
	v1 =	vadd.f32 v51, v1  }
0x169: {  	v62 =	vld [tilespmem:$0x9E0];
	v44 =	vmul.f32 v54, v28;
	v4 =	vadd.f32 v63, v4;
	v3 =	vadd.f32 v46, v3  }
0x16a: {  	v43 =	vld [tilespmem:$0x5F0];
	v10 =	vmul.f32 v50, v28;
	v0 =	vadd.f32 v9, v0;
	v2 =	vadd.f32 v49, v2  }
0x16b: {  	v39 =	vld [tilespmem:$0x3F0];
	v46 =	vmul.f32 v56, v19;
	v1 =	vadd.f32 v57, v1;
	v4 =	vadd.f32 v33, v4  }
0x16c: {  	v47 =	vld [tilespmem:$0x7F0];
	v48 =	vmul.f32 v27, v19;
	v3 =	vadd.f32 v55, v3;
	v2 =	vadd.f32 v5, v2  }
0x16d: {  	v60 =	vld [tilespmem:$0x9D0];
	v52 =	vmul.f32 v58, v28;
	v0 =	vadd.f32 v8, v0;
	v1 =	vadd.f32 v61, v1  }
0x16e: {  	v41 =	vld [tilespmem:$0x400];
	v6 =	vmul.f32 v62, v28;
	v4 =	vadd.f32 v40, v4;
	v3 =	vadd.f32 v59, v3  }
0x16f: {  	v53 =	vld [tilespmem:$0xBF0];
	v56 =	vmul.f32 v43, v34;
	v0 =	vadd.f32 v11, v0;
	v2 =	vadd.f32 v26, v2  }
0x170: {  	v45 =	vld [tilespmem:$0x600];
	v50 =	vmul.f32 v39, v34;
	v1 =	vadd.f32 v38, v1;
	v4 =	vadd.f32 v44, v4  }
0x171: {  	v32 =	vld [tilespmem:$0xBE0];
	v58 =	vmul.f32 v47, v34;
	v3 =	vadd.f32 v30, v3;
	v2 =	vadd.f32 v35, v2  }
0x172: {  	v51 =	vld [tilespmem:$0x9F0];
	v8 =	vmul.f32 v60, v19;
	v0 =	vadd.f32 v7, v0;
	v1 =	vadd.f32 v10, v1  }
0x173: {  	v49 =	vld [tilespmem:$0x800];
	v54 =	vmul.f32 v41, v37;
	v4 =	vadd.f32 v56, v4;
	v3 =	vadd.f32 v36, v3  }
0x174: {  	v55 =	vld [tilespmem:$0xA00];
	v5 =	vmul.f32 v53, v34;
	v0 =	vadd.f32 v42, v0;
	v2 =	vadd.f32 v46, v2  }
0x175: {  	v57 =	vld [tilespmem:$0xC00];
	v59 =	vmul.f32 v45, v37;
	v1 =	vadd.f32 v50, v1;
	v3 =	vadd.f32 v8, v3  }
0x176: {  	v11 =	vmul.f32 v32, v28;
	v0 =	vadd.f32 v48, v0;
	v2 =	vadd.f32 v52, v2  }
0x177: {  	v4 =	vadd.f32 v59, v4;
	v8 =	vmul.f32 v51, v34;
	v3 =	vadd.f32 v6, v3  }
0x178: {  	v60 =	vmul.f32 v49, v37;
	v0 =	vadd.f32 v11, v0;
	v2 =	vadd.f32 v58, v2  }
0x179: {  	v61 =	vmul.f32 v55, v37;
	v1 =	vadd.f32 v54, v1;
	v3 =	vadd.f32 v8, v3  }
0x17a: {  	v62 =	vmul.f32 v57, v37;
	[tilespmem:$0xC20] =	vst v4;
	v2 =	vadd.f32 v60, v2;
	v0 =	vadd.f32 v5, v0  }
0x17b: {  	[tilespmem:$0xC10] =	vst v1;
	v63 =	vadd.f32 v61, v3  }
0x17c: {  	v0 =	vadd.f32 v62, v0;
	[tilespmem:$0xC30] =	vst v2  }
0x17d: {  	[tilespmem:$0xC40] =	vst v63  }
0x17e: {  	s31 =	simm.s32 $0xC10;
	[tilespmem:$0xC50] =	vst v0  }
0x17f: {  	[spmem:s5] =	stream.linear.scatter [tilespmem:s31], [sflag:$0x2], $0x50, $0x38;
	[tilespmem:$0x11D0] =	vst v63  }
0x180: {  	p0 =	sne.s32 s1, $0x0;
	s5 =	simm.s32 $0x2  }
.Ltmp3:
0x181: {  	_ =	swait.ge [sflag:s5], $0x50;
	(pc) =	sbr.rel @p0 .LBB2_6-.Ltmp3, $3  }
0x182: {  	[sflag:s5] =	ssyncset.done $0x0  }
0x183: {  	[sflag:s5] =	ssyncadd.s32 $0xFFFFFFB0  }
0x184: {  	[bflag:$0x0] =	sbarrier.arrive $0xFFFF;
	_ =	sdelay $0x1  }
0x185: {  	s6 =	simm.s32 $0xC60  }
0x186: {  	[tilespmem:s6], [sflag:$0x2] =	stream.linear.gather [spmem:s4], $0x500, $0x38;
	[tilespmem:$0x11D0] =	vst v63  }
0x187: {  	_ =	swait.ge [sflag:s5], $0x500  }
0x188: {  	[sflag:s5] =	ssyncset.done $0x0  }
0x189: {  	s29 =	simm.s32 $0x0;
	s30 =	simm.s32 $0x1160;
	[sflag:s5] =	ssyncadd.s32 $0xFFFFFB00  }
0x18a: {  	[tilespmem:s30], [sflag:$0x2] =	stream.linear.gather [hbm4b:s3+s29], $0x10, $0x38;
	[tilespmem:$0x11D0] =	vst v63  }
0x18b: {  	_ =	swait.ge [sflag:s5], $0x10  }
0x18c: {  	[sflag:s5] =	ssyncset.done $0x0  }
0x18d: {  	[sflag:s5] =	ssyncadd.s32 $0xFFFFFFF0  }
0x18e: {  	v0 =	vld [tilespmem:$0xC60]  }
0x18f: {  	v1 =	vld [tilespmem:$0xCB0]  }
0x190: {  	v2 =	vld [tilespmem:$0xD00]  }
0x191: {  	v3 =	vld [tilespmem:$0xD50]  }
0x192: {  	v4 =	vld [tilespmem:$0xDA0]  }
0x193: {  	v5 =	vld [tilespmem:$0xDF0]  }
0x194: {  	v6 =	vld [tilespmem:$0xE40]  }
0x195: {  	v7 =	vld [tilespmem:$0xE90]  }
0x196: {  	v8 =	vld [tilespmem:$0xEE0]  }
0x197: {  	v9 =	vld [tilespmem:$0xF30]  }
0x198: {  	v10 =	vld [tilespmem:$0xF80]  }
0x199: {  	v11 =	vld [tilespmem:$0xFD0]  }
0x19a: {  	v12 =	vld [tilespmem:$0x1020]  }
0x19b: {  	v13 =	vld [tilespmem:$0x1070]  }
0x19c: {  	v14 =	vld [tilespmem:$0x10C0]  }
0x19d: {  	v15 =	vld [tilespmem:$0x1110]  }
0x19e: {  	v16 =	vld [tilespmem:$0xC70]  }
0x19f: {  	v17 =	vld [tilespmem:$0xCC0]  }
0x1a0: {  	v56 =	vld [tilespmem:$0xD10]  }
0x1a1: {  	v18 =	vld [tilespmem:$0xD60]  }
0x1a2: {  	v57 =	vld [tilespmem:$0xDB0]  }
0x1a3: {  	v19 =	vld [tilespmem:$0xE00]  }
0x1a4: {  	v58 =	vld [tilespmem:$0xE50]  }
0x1a5: {  	v20 =	vld [tilespmem:$0xEA0]  }
0x1a6: {  	v59 =	vld [tilespmem:$0xEF0]  }
0x1a7: {  	v21 =	vld [tilespmem:$0xF40]  }
0x1a8: {  	v22 =	vld [tilespmem:$0xFE0]  }
0x1a9: {  	v23 =	vld [tilespmem:$0x1080]  }
0x1aa: {  	v24 =	vld [tilespmem:$0x1120]  }
0x1ab: {  	v60 =	vld [tilespmem:$0xC80]  }
0x1ac: {  	v25 =	vld [tilespmem:$0xCD0]  }
0x1ad: {  	v61 =	vld [tilespmem:$0xD20]  }
0x1ae: {  	v26 =	vld [tilespmem:$0xD70]  }
0x1af: {  	v62 =	vld [tilespmem:$0xDC0]  }
0x1b0: {  	v27 =	vld [tilespmem:$0xE10]  }
0x1b1: {  	v63 =	vld [tilespmem:$0xE60]  }
0x1b2: {  	v28 =	vld [tilespmem:$0xEB0]  }
0x1b3: {  	v31 =	vld [tilespmem:$0xF50]  }
0x1b4: {  	v38 =	vld [tilespmem:$0xFA0]  }
0x1b5: {  	v39 =	vld [tilespmem:$0xFF0];
	v0 =	vadd.f32 v1, v0  }
0x1b6: {  	v41 =	vld [tilespmem:$0x1040]  }
0x1b7: {  	v42 =	vld [tilespmem:$0x1090];
	v0 =	vadd.f32 v2, v0  }
0x1b8: {  	v46 =	vld [tilespmem:$0xC90]  }
0x1b9: {  	v48 =	vld [tilespmem:$0xCE0];
	v0 =	vadd.f32 v3, v0  }
0x1ba: {  	v49 =	vld [tilespmem:$0xD30];
	v16 =	vadd.f32 v17, v16  }
0x1bb: {  	v50 =	vld [tilespmem:$0xCA0];
	v0 =	vadd.f32 v4, v0  }
0x1bc: {  	v51 =	vld [tilespmem:$0xCF0];
	v1 =	vadd.f32 v56, v16  }
0x1bd: {  	v52 =	vld [tilespmem:$0xD80];
	v0 =	vadd.f32 v5, v0  }
0x1be: {  	v34 =	vld [tilespmem:$0x10E0];
	v2 =	vadd.f32 v48, v46;
	v1 =	vadd.f32 v18, v1  }
0x1bf: {  	v53 =	vld [tilespmem:$0xD40];
	v0 =	vadd.f32 v6, v0  }
0x1c0: {  	v29 =	vimm.s32 $0x76543210;
	v54 =	vld [tilespmem:$0xDD0];
	v2 =	vadd.f32 v49, v2;
	v1 =	vadd.f32 v57, v1  }
0x1c1: {  	v30 =	vimm.s32 $0xFEDCBA98;
	v43 =	vld [tilespmem:$0x1130];
	v56 =	vadd.f32 v51, v50;
	v0 =	vadd.f32 v7, v0  }
0x1c2: {  	v32 =	vimm.s32 $0xBA98FEDC;
	v55 =	vld [tilespmem:$0xD90];
	v2 =	vadd.f32 v52, v2;
	v19 =	vadd.f32 v19, v1  }
0x1c3: {  	v33 =	vimm.s32 $0x32107654;
	v18 =	vld [tilespmem:$0xED0];
	v0 =	vadd.f32 v8, v0;
	v8 =	vadd.f32 v25, v60  }
0x1c4: {  	vm0 =	vmmov $0x1;
	v57 =	vld [tilespmem:$0xE20];
	v4 =	vadd.f32 v53, v56;
	v3 =	vadd.f32 v58, v19  }
0x1c5: {  	vm9 =	vcmask $0x1308;
	v5 =	vld [tilespmem:$0xF90];
	v2 =	vadd.f32 v54, v2;
	v8 =	vadd.f32 v61, v8  }
0x1c6: {  	vm1 =	vcmask $0x300;
	v58 =	vld [tilespmem:$0xDE0];
	v3 =	vadd.f32 v20, v3;
	v0 =	vadd.f32 v9, v0  }
0x1c7: {  	v36 =	vunpack.c.l.s4.s8 v29;
	v4 =	vadd.f32 v55, v4;
	v6 =	vld [tilespmem:$0x1030];
	v8 =	vadd.f32 v26, v8  }
0x1c8: {  	v37 =	vunpack.c.l.s4.s8 v30;
	v3 =	vadd.f32 v59, v3;
	v59 =	vld [tilespmem:$0xE70];
	v0 =	vadd.f32 v10, v0  }
0x1c9: {  	v32 =	vunpack.c.l.s4.s8 v32;
	v2 =	vadd.f32 v57, v2;
	v60 =	vld [tilespmem:$0xE30];
	v8 =	vadd.f32 v62, v8  }
0x1ca: {  	v33 =	vunpack.c.l.s4.s8 v33;
	v3 =	vadd.f32 v21, v3;
	v61 =	vld [tilespmem:$0xEC0];
	v0 =	vadd.f32 v11, v0  }
0x1cb: {  	v40 =	vunpack.c.0.s8.s32 v37;
	v4 =	vadd.f32 v58, v4;
	v62 =	vld [tilespmem:$0xE80];
	v8 =	vadd.f32 v27, v8  }
0x1cc: {  	v44 =	vunpack.c.0.s8.s32 v32;
	v3 =	vadd.f32 v5, v3;
	v0 =	vadd.f32 v12, v0;
	v12 =	vld [tilespmem:$0xF00]  }
0x1cd: {  	v45 =	vunpack.c.0.s8.s32 v33;
	v19 =	vld [tilespmem:$0xF60];
	v2 =	vadd.f32 v59, v2;
	v8 =	vadd.f32 v63, v8  }
0x1ce: {  	v33 =	vimm.s32 $0xEFCDAB89;
	v4 =	vadd.f32 v60, v4;
	v3 =	vadd.f32 v22, v3;
	v63 =	vld [tilespmem:$0xF10]  }
0x1cf: {  	v20 =	vld [tilespmem:$0xF20];
	v26 =	vimm.s32 $0x54761032;
	v2 =	vadd.f32 v61, v2;
	v8 =	vadd.f32 v28, v8  }
0x1d0: {  	v7 =	vld [tilespmem:$0x10D0];
	v3 =	vadd.f32 v6, v3;
	v6 =	vunpack.c.l.s4.s8 v33;
	v4 =	vadd.f32 v62, v4  }
0x1d1: {  	v22 =	vld [tilespmem:$0xF70];
	v0 =	vadd.f32 v13, v0;
	v13 =	vunpack.c.0.s8.s32 v36;
	v8 =	vadd.f32 v12, v8  }
0x1d2: {  	v21 =	vld [tilespmem:$0xFB0];
	v3 =	vadd.f32 v23, v3;
	v23 =	vimm.s32 $0xDCFE98BA;
	v4 =	vadd.f32 v18, v4  }
0x1d3: {  	v27 =	vld [tilespmem:$0xFC0];
	v36 =	vimm.s32 $0x67452301;
	v2 =	vadd.f32 v63, v2;
	v8 =	vadd.f32 v31, v8  }
0x1d4: {  	v25 =	vld [tilespmem:$0x1000];
	v6 =	vunpack.c.0.s8.s32 v6;
	v0 =	vadd.f32 v14, v0;
	v4 =	vadd.f32 v20, v4  }
0x1d5: {  	v29 =	vld [tilespmem:$0x1010];
	v14 =	vand.u32 $0xF, v40;
	v2 =	vadd.f32 v19, v2;
	v8 =	vadd.f32 v38, v8  }
0x1d6: {  	v3 =	vadd.f32 v7, v3;
	v7 =	vunpack.c.l.s4.s8 v23;
	v28 =	vld [tilespmem:$0x1050];
	v4 =	vadd.f32 v22, v4  }
0x1d7: {  	v40 =	vunpack.c.l.s4.s8 v36;
	v31 =	vld [tilespmem:$0x1060];
	v2 =	vadd.f32 v21, v2;
	v8 =	vadd.f32 v39, v8  }
0x1d8: {  	v30 =	vld [tilespmem:$0x10A0];
	v15 =	vadd.f32 v15, v0;
	v0 =	vcombine.low v14, v13;
	v4 =	vadd.f32 v27, v4  }
0x1d9: {  	v35 =	vld [tilespmem:$0x10B0];
	v14 =	vcombine.low v45, v44;
	v2 =	vadd.f32 v25, v2;
	v8 =	vadd.f32 v41, v8  }
0x1da: {  	v32 =	vld [tilespmem:$0x10F0];
	v12 =	vunpack.c.l.s4.s8 v26;
	v3 =	vadd.f32 v24, v3;
	v4 =	vadd.f32 v29, v4  }
0x1db: {  	v37 =	vld [tilespmem:$0x1140];
	v7 =	vunpack.c.0.s8.s32 v7;
	v2 =	vadd.f32 v28, v2;
	v8 =	vadd.f32 v42, v8  }
0x1dc: {  	v11 =	vunpack.c.0.s8.s32 v40;
	v47 =	vperm.xlane v15, v0;
	v39 =	vld [tilespmem:$0x1100];
	v4 =	vadd.f32 v31, v4  }
0x1dd: {  	v12 =	vunpack.c.0.s8.s32 v12;
	v2 =	vadd.f32 v30, v2;
	v8 =	vadd.f32 v34, v8  }
0x1de: {  	v15 =	vadd.f32 v47, v15;
	v38 =	vperm.xlane v3, v0;
	v41 =	vld [tilespmem:$0x1150];
	v4 =	vadd.f32 v35, v4  }
0x1df: {  	v1 =	vand.u32 $0xF, v14;
	v2 =	vadd.f32 v32, v2;
	v8 =	vadd.f32 v43, v8  }
0x1e0: {  	v7 =	vcombine.low v12, v7;
	v14 =	vperm.xlane v15, v1;
	v3 =	vadd.f32 v38, v3  }
0x1e1: {  	v4 =	vadd.f32 v39, v4;
	v2 =	vadd.f32 v37, v2;
	v42 =	vperm.xlane v8, v0  }
0x1e2: {  	v7 =	vand.u32 $0xF, v7;
	v14 =	vadd.f32 v14, v15;
	v44 =	vperm.xlane v3, v1  }
0x1e3: {  	v4 =	vadd.f32 v41, v4;
	v45 =	vperm.xlane v2, v0;
	v8 =	vadd.f32 v42, v8  }
0x1e4: {  	v6 =	vcombine.low v11, v6;
	v3 =	vadd.f32 v44, v3;
	v43 =	vperm.xlane v14, v7  }
0x1e5: {  	v50 =	vperm.xlane v4, v0;
	v2 =	vadd.f32 v45, v2;
	v46 =	vperm.xlane v8, v1  }
0x1e6: {  	v6 =	vand.u32 $0xF, v6;
	v48 =	vperm.xlane v3, v7;
	v5 =	vadd.f32 v43, v14  }
0x1e7: {  	v4 =	vadd.f32 v50, v4;
	v51 =	vperm.xlane v2, v1;
	v8 =	vadd.f32 v46, v8  }
0x1e8: {  	vm10 =	vcmask $0x130C;
	v3 =	vadd.f32 v48, v3;
	v47 =	vperm.xlane v5, v6  }
0x1e9: {  	v49 =	vld [tilespmem:$0x1160];
	v54 =	vperm.xlane v4, v1;
	v2 =	vadd.f32 v51, v2;
	v52 =	vperm.xlane v8, v7  }
0x1ea: {  	vm2 =	vcmask $0x700;
	v53 =	vperm.xlane v3, v6;
	v5 =	vadd.f32 v47, v5  }
0x1eb: {  	v4 =	vadd.f32 v54, v4;
	v55 =	vperm.xlane v2, v7;
	v8 =	vadd.f32 v52, v8  }
0x1ec: {  	v3 =	vadd.f32 v53, v3;
	v5 =	vnsel vm0, $0x0, v5;
	vm0 =	vmor vm1, vm9  }
0x1ed: {  	v57 =	vperm.xlane v4, v7;
	v2 =	vadd.f32 v55, v2;
	v56 =	vperm.xlane v8, v6  }
0x1ee: {  	vm12 =	vcmask $0x1310;
	v5 =	vadd.f32 v5, v49;
	v3 =	vsel vm0, $0x0, v3  }
0x1ef: {  	v4 =	vadd.f32 v57, v4;
	v58 =	vperm.xlane v2, v6;
	v8 =	vadd.f32 v56, v8  }
0x1f0: {  	vm13 =	vcmask $0xB00;
	vm11 =	vmor vm2, vm10;
	v3 =	vadd.f32 v3, v5  }
0x1f1: {  	v60 =	vperm.xlane v4, v6;
	v2 =	vadd.f32 v58, v2;
	v59 =	vsel vm11, $0x0, v8  }
0x1f2: {  	vm0 =	vmor vm13, vm12;
	v3 =	vadd.f32 v59, v3  }
0x1f3: {  	v4 =	vadd.f32 v60, v4;
	v2 =	vsel vm0, $0x0, v2  }
0x1f4: {  	vm14 =	vmmov $0xf;
	v2 =	vadd.f32 v2, v3  }
0x1f5: {  	v61 =	vsel vm14, $0x0, v4  }
0x1f6: {  	v2 =	vadd.f32 v61, v2  }
0x1f7: {  	vm15 =	vmmov $0x1f  }
0x1f8: {  	v2 =	vnsel vm15, $0xF149F2CA, v2  }
0x1f9: {  	v62 =	vperm.xlane v2, v0;
	_ =	sdelay $0x1  }
0x1fa: {  	v3 =	vmax.f32 v2, v62  }
0x1fb: {  	v63 =	vperm.xlane v3, v1;
	_ =	sdelay $0x1  }
0x1fc: {  	v3 =	vmax.f32 v3, v63  }
0x1fd: {  	v4 =	vperm.xlane v3, v7;
	_ =	sdelay $0x1  }
0x1fe: {  	v3 =	vmax.f32 v3, v4  }
0x1ff: {  	v4 =	vperm.xlane v3, v6;
	_ =	sdelay $0x1  }
0x200: {  	v3 =	vmax.f32 v3, v4  }
0x201: {  	v2 =	vsub.f32 v2, v3;
	_ =	sdelay $0x1  }
0x202: {  	v2 =	vmul.f32 $1.442695020e+00, v2;
	_ =	sdelay $0x1  }
0x203: {  	(erf) = vpow2.f32 v2;
	_ =	sdelay $0x8  }
0x204: {  	v2 =	vpop (erf)  }
0x205: {  	v2 =	vnsel vm15, $0x0, v2  }
0x206: {  	v0 =	vperm.xlane v2, v0;
	_ =	sdelay $0x1  }
0x207: {  	v0 =	vadd.f32 v2, v0;
	_ =	sdelay $0x1  }
0x208: {  	v1 =	vperm.xlane v0, v1;
	_ =	sdelay $0x1  }
0x209: {  	v0 =	vadd.f32 v0, v1;
	_ =	sdelay $0x1  }
0x20a: {  	v1 =	vperm.xlane v0, v7;
	_ =	sdelay $0x1  }
0x20b: {  	v0 =	vadd.f32 v0, v1;
	_ =	sdelay $0x1  }
0x20c: {  	v1 =	vperm.xlane v0, v6;
	_ =	sdelay $0x1  }
0x20d: {  	v0 =	vadd.f32 v0, v1;
	_ =	sdelay $0x1  }
0x20e: {  	(erf) = vrcp.f32 v0;
	_ =	sdelay $0x8  }
0x20f: {  	v0 =	vpop (erf)  }
0x210: {  	v0 =	vmul.f32 v0, v2;
	_ =	sdelay $0x1  }
0x211: {  	s2 =	sadd.s32 $0x1800, s2;
	s31 =	simm.s32 $0x1170;
	[tilespmem:$0x1170] =	vst v0  }
0x212: {  	[hbm4b:s2+s29] =	stream.linear.scatter [tilespmem:s31], [sflag:$0x2], $0x10, $0x38;
	[tilespmem:$0x11D0] =	vst v63  }
0x213: {  	_ =	swait.ge [sflag:s5], $0x10  }
0x214: {  	[sflag:s5] =	ssyncset.done $0x0  }
0x215: {  	[sflag:s5] =	ssyncadd.s32 $0xFFFFFFF0  }
.LBB2_6:
0x216: {  	_ =	sfence.sel $0x180000  }
0x217: {  	[bflag:$0x0] =	sbarrier.arrive $0xFFFF  }
0x218: {  	p0 =	sne.s32 s1, $0x0;
	_ =	strace $0x90000047  }
0x219: {  	s0 =	sadd.s32 @!p0 $0x100000, s0;
	[bflag:$0x2] =	sbarrier.arrive $0xFFFF  }
0x21a: {  	[sflag:s0] =	ssyncadd.tile.s32 @!p0 $0x1;
	_ =	shalt  }
.Lfunc_end2:
_tile_overlayer_lowered:
.L_overlay_start_2:
0x21b: {  	(tag) =	ssettag $0x2  }
0x21c: {  	s0 =	rddreg [dreg:$0x0];
	s2 =	stileid.u32  }
0x21d: {  	s1 =	rddreg [dreg:$0x1];
	p0 =	sne.s32 s2, $0x0  }
0x21e: {  	s3 =	rddreg [dreg:$0x2];
	[bflag:$0x3] =	sbarrier.arrive $0xFFFF;
	s2 =	simm.s32 @!p0 $0x1C02  }
0x21f: {  	[timem:s3], [sflag:s2] =	dma.local @!p0 [hbm:s0], s1  }
0x220: {  	s0 =	simm.s32 @!p0 $0x2  }
0x221: {  	_ =	swait.ge @!p0 [sflag:s0], s1  }
0x222: {  	s1 =	ssub.s32 @!p0 $0x0, s1;
	[sflag:s0] =	ssyncset.done @!p0 $0x0  }
0x223: {  	[sflag:s0] =	ssyncadd.s32 @!p0 s1  }
0x224: {  	[bflag:$0x3] =	sbarrier.arrive $0xFFFF  }
0x225: {  	_ =	shalt  }

</sc_bundles>
